<compile_context>
chip_gen: v7x
topology: tpu7x:2x2x1
jax: 0.10.2.dev20260603
libtpu: 0.0.44.dev20260713+nightly
codegen_flags: <defaults>
</compile_context>

<pallas_src>
import functools

import jax
import jax.numpy as jnp
from jax import lax
from jax.experimental import pallas as pl
from jax.experimental.pallas import tpu as pltpu
from jax.experimental.pallas import tpu_sc as plsc

N = 10000
D = 128
C = 40
NP = 10112
RPT = NP // 16
NSC = 2
NTPC = 16
NTILES = NSC * NTPC
CH = 128
NCH = 80
EPT = CH * NCH
EP = EPT * NTILES

_f32 = jnp.float32


def _mesh():
    return plsc.VectorSubcoreMesh(
        core_axis_name="c", subcore_axis_name="s",
        num_cores=NSC, num_subcores=NTPC)



def _sc_degree(col_flat):
    @functools.partial(
        pl.kernel,
        out_type=jax.ShapeDtypeStruct((NTILES, NP), _f32),
        mesh=_mesh(),
        compiler_params=pltpu.CompilerParams(needs_layout_passes=False),
        scratch_types=[
            pltpu.VMEM((EPT,), jnp.int32),
            pltpu.VMEM((NP,), _f32),
        ],
    )
    def k(col_hbm, out_hbm, col_v, cnt_v):
        c = lax.axis_index("c")
        s = lax.axis_index("s")
        g = c * NTPC + s
        pltpu.sync_copy(col_hbm.at[g], col_v)
        zeros16 = jnp.zeros((16,), _f32)

        def zbody(i, carry):
            cnt_v[pl.ds(i * 16, 16)] = zeros16
            return carry
        lax.fori_loop(0, NP // 16, zbody, 0)

        ones16 = jnp.ones((16,), _f32)

        def hbody(i, carry):
            idx = col_v[pl.ds(i * 16, 16)]
            plsc.addupdate_scatter(cnt_v, [idx], ones16)
            return carry
        lax.fori_loop(0, EPT // 16, hbody, 0)
        pltpu.sync_copy(cnt_v, out_hbm.at[g])

    return k(col_flat)


FAST_C = 0
NCH_FAST = 112
NCH_SLOW = 48
TOTCH = NTPC * (NCH_FAST + NCH_SLOW)


def _sc_scatter(hs, idx3, zrows):
    @functools.partial(
        pl.kernel,
        out_type=jax.ShapeDtypeStruct((NSC, NP, D), _f32),
        mesh=_mesh(),
        compiler_params=pltpu.CompilerParams(needs_layout_passes=False),
        scratch_types=[
            pltpu.VMEM((NCH_FAST // 2, 2, CH), jnp.int32),
            pltpu.VMEM((2 * CH, D), _f32),
            pltpu.VMEM_SHARED((NP, D), _f32),
            [pltpu.SemaphoreType.DMA] * 4,
            pltpu.SemaphoreType.DMA,
        ],
    )
    def k(hs_hbm, idx_hbm, z_hbm, out_hbm, idx_v, buf, acc, sems, zsem):
        c = lax.axis_index("c")
        s = lax.axis_index("s")
        zcp = pltpu.async_copy(z_hbm, acc.at[pl.ds(s * RPT, RPT)], zsem)

        HB = CH // 2

        def gsub(j, half_sel, slot):
            return pltpu.async_copy(
                hs_hbm.at[idx_v.at[j, 1, pl.ds(half_sel * HB, HB)]],
                buf.at[pl.ds(slot * HB, HB)], sems[slot])

        def gwait(j, half_sel, slot):
            pltpu.make_async_copy(
                hs_hbm.at[idx_v.at[j, 1, pl.ds(half_sel * HB, HB)]],
                buf.at[pl.ds(slot * HB, HB)], sems[slot]).wait()

        def run(nch, base):
            half = nch // 2
            for h in (0, 1):
                pltpu.sync_copy(idx_hbm.at[pl.ds(base + h * half, half)],
                                idx_v.at[pl.ds(0, half)])
                gsub(0, 0, 0)
                gsub(0, 1, 1)
                if h == 0:
                    zcp.wait()
                    plsc.subcore_barrier()

                @pl.loop(0, half, step=2)
                def _(p0):
                    for pb in (0, 1):
                        p = p0 + pb
                        s0 = 2 * pb
                        n0 = 2 * (1 - pb)

                        @pl.when(p + 1 < half)
                        def _():
                            gsub(p + 1, 0, n0)
                            gsub(p + 1, 1, n0 + 1)

                        gwait(p, 0, s0)
                        gwait(p, 1, s0 + 1)
                        pltpu.sync_copy(buf.at[pl.ds(s0 * HB, CH)],
                                        acc.at[idx_v.at[p, 0]], add=True)

        @pl.when(c == FAST_C)
        def _():
            run(NCH_FAST, s * NCH_FAST)

        @pl.when(c != FAST_C)
        def _():
            run(NCH_SLOW, NTPC * NCH_FAST + s * NCH_SLOW)

        plsc.subcore_barrier()
        pltpu.sync_copy(acc.at[pl.ds(s * RPT, RPT)],
                        out_hbm.at[c, pl.ds(s * RPT, RPT)])

    return k(hs, idx3, zrows)



def _gelu(x):
    return 0.5 * x * (1.0 + lax.erf(x * (2.0 ** -0.5)))


def _tc_prep(cnt, xp, w1):
    def f(cnt_ref, x_ref, w_ref, dis_ref, hs_ref):
        total = jnp.sum(cnt_ref[...], axis=0, keepdims=True)
        disr = lax.rsqrt(total + 1.0)
        mask = lax.broadcasted_iota(jnp.int32, (1, NP), 1) < N
        dis = jnp.where(mask, disr, 0.0).reshape(NP, 1)
        dis_ref[...] = dis
        hs_ref[...] = jnp.dot(x_ref[...], w_ref[...],
                              preferred_element_type=_f32) * dis

    return pl.pallas_call(
        f,
        out_shape=[jax.ShapeDtypeStruct((NP, 1), _f32),
                   jax.ShapeDtypeStruct((NP, D), _f32)],
    )(cnt, xp, w1)


def _bn_gelu(acc_ref, hs_ref, dis_ref, b_ref, g_ref, be_ref):
    pre = (acc_ref[0] + acc_ref[1] + hs_ref[...]) * dis_ref[...] + b_ref[...]
    pre_n = pre[:N]
    mean = jnp.mean(pre_n, axis=0, keepdims=True)
    var = jnp.mean(jnp.square(pre_n - mean), axis=0, keepdims=True)
    bn = g_ref[...] * (pre - mean) * lax.rsqrt(var + 1e-5) + be_ref[...]
    return _gelu(bn)


def _tc_layer(acc, hs, dis, b, g, be, w_next):
    def f(acc_ref, hs_ref, dis_ref, b_ref, g_ref, be_ref, w_ref, out_ref):
        act = _bn_gelu(acc_ref, hs_ref, dis_ref, b_ref, g_ref, be_ref)
        out_ref[...] = jnp.dot(act, w_ref[...],
                               preferred_element_type=_f32) * dis_ref[...]

    return pl.pallas_call(
        f, out_shape=jax.ShapeDtypeStruct((NP, D), _f32),
    )(acc, hs, dis, b, g, be, w_next)


def _tc_final(acc, hs, dis, b, g, be, wf, bf):
    def f(acc_ref, hs_ref, dis_ref, b_ref, g_ref, be_ref, w_ref, bf_ref, out_ref):
        act = _bn_gelu(acc_ref, hs_ref, dis_ref, b_ref, g_ref, be_ref)
        out_ref[...] = jnp.dot(act, w_ref[...],
                               preferred_element_type=_f32) + bf_ref[...]

    return pl.pallas_call(
        f, out_shape=jax.ShapeDtypeStruct((NP, D), _f32),
    )(acc, hs, dis, b, g, be, wf, bf)



def kernel(x, edge_index, W1, b1, W2, b2, W3, b3,
           g1, be1, g2, be2, g3, be3, Wf, bf):
    E = edge_index.shape[1]
    row = edge_index[0]
    col = edge_index[1]
    pad = jnp.full((EP - E,), N, jnp.int32)
    pad_col = (N + 1) + (jnp.arange(EP - E, dtype=jnp.int32) % (NP - N - 1))
    rowp = jnp.concatenate([row, pad])
    colp = jnp.concatenate([col, pad_col])
    idx3 = jnp.stack([colp.reshape(TOTCH, CH), rowp.reshape(TOTCH, CH)], axis=1)
    col_flat = colp.reshape(NTILES, EPT)
    xp = jnp.concatenate([x, jnp.zeros((NP - N, D), _f32)], axis=0)
    zrows = jnp.zeros((RPT, D), _f32)
    b1r, b2r, b3r = b1.reshape(1, D), b2.reshape(1, D), b3.reshape(1, D)
    g1r, g2r, g3r = g1.reshape(1, D), g2.reshape(1, D), g3.reshape(1, D)
    be1r, be2r, be3r = be1.reshape(1, D), be2.reshape(1, D), be3.reshape(1, D)
    wf_p = jnp.pad(Wf, ((0, 0), (0, D - C)))
    bf_p = jnp.pad(bf, (0, D - C)).reshape(1, D)

    cnt = _sc_degree(col_flat)
    dis, hs1 = _tc_prep(cnt, xp, W1)
    acc1 = _sc_scatter(hs1, idx3, zrows)
    hs2 = _tc_layer(acc1, hs1, dis, b1r, g1r, be1r, W2)
    acc2 = _sc_scatter(hs2, idx3, zrows)
    hs3 = _tc_layer(acc2, hs2, dis, b2r, g2r, be2r, W3)
    acc3 = _sc_scatter(hs3, idx3, zrows)
    outp = _tc_final(acc3, hs3, dis, b3r, g3r, be3r, wf_p, bf_p)
    return outp[:N, :C]

# --- scband reference (transcript-rebuilt; emitter-appended) ---
"""Pipeline reference for scband-gcn-3l-gelu-37787122270456 (READ-ONLY COPY).

The authoritative reference and input builder live on the scoring server;
editing this copy changes nothing except your own understanding.
"""

import jax, jax.numpy as jnp
import numpy as np

N = 10000
E = 320000
D = 128
C = 40


def setup_inputs(seed: int = 0) -> dict:
    key = jax.random.key(seed)
    ks = jax.random.split(key, 16)
    inp = {}
    inp["x"] = jax.random.normal(ks[0], (N, D), dtype=jnp.float32)
    inp["edge_index"] = jax.random.randint(ks[1], (2, E), 0, N, dtype=jnp.int32)
    # GCNConv weights (lin: D->D) and biases for 3 layers
    inp["W1"] = jax.random.normal(ks[2], (D, D), dtype=jnp.float32) * 0.05
    inp["b1"] = jnp.zeros((D,), dtype=jnp.float32)
    inp["W2"] = jax.random.normal(ks[3], (D, D), dtype=jnp.float32) * 0.05
    inp["b2"] = jnp.zeros((D,), dtype=jnp.float32)
    inp["W3"] = jax.random.normal(ks[4], (D, D), dtype=jnp.float32) * 0.05
    inp["b3"] = jnp.zeros((D,), dtype=jnp.float32)
    # BatchNorm affine params for 3 layers
    inp["g1"] = jnp.ones((D,), dtype=jnp.float32)
    inp["be1"] = jnp.zeros((D,), dtype=jnp.float32)
    inp["g2"] = jnp.ones((D,), dtype=jnp.float32)
    inp["be2"] = jnp.zeros((D,), dtype=jnp.float32)
    inp["g3"] = jnp.ones((D,), dtype=jnp.float32)
    inp["be3"] = jnp.zeros((D,), dtype=jnp.float32)
    # final ffn linear D -> C
    inp["Wf"] = jax.random.normal(ks[5], (D, C), dtype=jnp.float32) * 0.05
    inp["bf"] = jnp.zeros((C,), dtype=jnp.float32)
    return inp


def _gcn_conv(x, edge_index, W, b):
    n = x.shape[0]
    # add self-loops (fill_value = 1.0)
    loops = jnp.arange(n, dtype=edge_index.dtype)
    row = jnp.concatenate([edge_index[0], loops])
    col = jnp.concatenate([edge_index[1], loops])
    ew = jnp.ones(row.shape[0], dtype=x.dtype)
    # symmetric gcn normalization: deg computed on dst (col)
    deg = jnp.zeros((n,), dtype=x.dtype).at[col].add(ew)
    dis = jnp.where(deg > 0, 1.0 / jnp.sqrt(deg), 0.0)
    norm = dis[row] * ew * dis[col]
    h = x @ W
    msg = h[row] * norm[:, None]
    out = jnp.zeros_like(h).at[col].add(msg)
    return out + b


def _bn(x, g, b):
    # training-mode batch norm over node dimension, eps=1e-5, biased variance
    mean = jnp.mean(x, axis=0)
    var = jnp.mean((x - mean) ** 2, axis=0)
    return g * (x - mean) / jnp.sqrt(var + 1e-5) + b


def reference(x, edge_index, W1, b1, W2, b2, W3, b3, g1, be1, g2, be2, g3, be3, Wf, bf):
    h = jax.nn.gelu(_bn(_gcn_conv(x, edge_index, W1, b1), g1, be1), approximate=False)
    h = jax.nn.gelu(_bn(_gcn_conv(h, edge_index, W2, b2), g2, be2), approximate=False)
    h = jax.nn.gelu(_bn(_gcn_conv(h, edge_index, W3, b3), g3, be3), approximate=False)
    # readout = IdenticalPool (identity); Dropout treated as identity (eval)
    out = h @ Wf + bf
    return out

if __name__ == "__main__":
    import jax
    _d = setup_inputs()
    print(jax.jit(kernel)(*tuple(_d.values())))

</pallas_src>

<mosaic_0001>
#map = affine_map<(d0, d1) -> (0, 0)>
module attributes {stable_mosaic.version = 14 : i64} {
  func.func @k(%arg0: i32, %arg1: i32, %arg2: memref<32x10240xi32, #tpu.memory_space<hbm>>, %arg3: memref<32x10112xf32, #tpu.memory_space<hbm>>, %arg4: memref<10240xi32, #tpu.memory_space<vmem>>, %arg5: memref<10112xf32, #tpu.memory_space<vmem>>) attributes {dimension_semantics = [#tpu.dimension_semantics<core_parallel>, #tpu.dimension_semantics<subcore_parallel>], iteration_bounds = array<i64: 2, 16>, scalar_prefetch = 0 : i64, scratch_operands = 2 : i64, tpu.core_type = #tpu.core_type<sc_vector_subcore>, window_params = [{transform_indices = #map}, {transform_indices = #map}]} {
    %mul3A = arith.constant 16 : i32
    %mul3A_0 = arith.muli %arg0, %mul3A : i32
    %add3A = arith.addi %mul3A_0, %arg1 : i32
    "tpu.region"() ({
      %run_scoped3A = tpu.sem_alloc : memref<!tpu.dma_semaphore, #tpu.memory_space<semaphore_mem>>
      %dma_start3A = arith.constant 0 : i32
      %dma_start3A_15 = tpu.memref_slice %arg2[%add3A, %dma_start3A] : memref<32x10240xi32, #tpu.memory_space<hbm>> -> memref<1x10240xi32, #tpu.memory_space<hbm>>
      %dma_start3A_16 = tpu.memref_squeeze %dma_start3A_15 : memref<1x10240xi32, #tpu.memory_space<hbm>> -> memref<10240xi32, #tpu.memory_space<hbm>>
      %dma_start3A_17 = arith.constant 0 : i32
      %dma_start3A_18 = tpu.memref_slice %arg2[%add3A, %dma_start3A_17] : memref<32x10240xi32, #tpu.memory_space<hbm>> -> memref<1x10240xi32, #tpu.memory_space<hbm>>
      %dma_start3A_19 = tpu.memref_squeeze %dma_start3A_18 : memref<1x10240xi32, #tpu.memory_space<hbm>> -> memref<10240xi32, #tpu.memory_space<hbm>>
      tpu.enqueue_dma source(%dma_start3A_19 : memref<10240xi32, #tpu.memory_space<hbm>>) target(%arg4 : memref<10240xi32, #tpu.memory_space<vmem>>) target_semaphore(%run_scoped3A : memref<!tpu.dma_semaphore, #tpu.memory_space<semaphore_mem>>)
      %dma_wait3A = arith.constant 0 : i32
      %dma_wait3A_20 = tpu.memref_slice %arg2[%add3A, %dma_wait3A] : memref<32x10240xi32, #tpu.memory_space<hbm>> -> memref<1x10240xi32, #tpu.memory_space<hbm>>
      %dma_wait3A_21 = tpu.memref_squeeze %dma_wait3A_20 : memref<1x10240xi32, #tpu.memory_space<hbm>> -> memref<10240xi32, #tpu.memory_space<hbm>>
      %dma_wait3A_22 = arith.constant 0 : i32
      %dma_wait3A_23 = tpu.memref_slice %arg2[%add3A, %dma_wait3A_22] : memref<32x10240xi32, #tpu.memory_space<hbm>> -> memref<1x10240xi32, #tpu.memory_space<hbm>>
      %dma_wait3A_24 = tpu.memref_squeeze %dma_wait3A_23 : memref<1x10240xi32, #tpu.memory_space<hbm>> -> memref<10240xi32, #tpu.memory_space<hbm>>
      tpu.wait_dma2 semaphore(%run_scoped3A : memref<!tpu.dma_semaphore, #tpu.memory_space<semaphore_mem>>) src(%dma_wait3A_24 : memref<10240xi32, #tpu.memory_space<hbm>>) dst(%arg4 : memref<10240xi32, #tpu.memory_space<vmem>>)
      tpu.yield
    }) : () -> ()
    %broadcast_in_dim3A = arith.constant 0.000000e+00 : f32
    %broadcast_in_dim3A_1 = vector.broadcast %broadcast_in_dim3A : f32 to vector<16xf32>
    %scan3A = arith.constant 0 : i32
    %scan3A_2 = arith.constant 0 : i32
    %scan3A_3 = arith.constant 632 : i32
    %scan3A_4 = arith.addi %scan3A_2, %scan3A_3 : i32
    %scan3A_5 = arith.constant 1 : i32
    scf.for %scan3A_15 = %scan3A_2 to %scan3A_4 step %scan3A_5  : i32 {
      %mul3A_16 = arith.constant 16 : i32
      %mul3A_17 = arith.muli %scan3A_15, %mul3A_16 : i32
      %swap3A = arith.index_cast %mul3A_17 : i32 to index
      %swap3A_18 = tpu.vector_load %arg5[%swap3A] {strides = array<i32>} : memref<10112xf32, #tpu.memory_space<vmem>>, vector<16xf32>,
      tpu.vector_store %arg5[%swap3A], %broadcast_in_dim3A_1 {strides = array<i32>} : memref<10112xf32, #tpu.memory_space<vmem>>, vector<16xf32>,
    }
    %scan3A_6 = arith.constant 632 : i32
    %broadcast_in_dim3A_7 = arith.constant 1.000000e+00 : f32
    %broadcast_in_dim3A_8 = vector.broadcast %broadcast_in_dim3A_7 : f32 to vector<16xf32>
    %scan3A_9 = arith.constant 0 : i32
    %scan3A_10 = arith.constant 0 : i32
    %scan3A_11 = arith.constant 640 : i32
    %scan3A_12 = arith.addi %scan3A_10, %scan3A_11 : i32
    %scan3A_13 = arith.constant 1 : i32
    scf.for %scan3A_15 = %scan3A_10 to %scan3A_12 step %scan3A_13  : i32 {
      %mul3A_16 = arith.constant 16 : i32
      %mul3A_17 = arith.muli %scan3A_15, %mul3A_16 : i32
      %get3A = arith.index_cast %mul3A_17 : i32 to index
      %get3A_18 = tpu.vector_load %arg4[%get3A] {strides = array<i32>} : memref<10240xi32, #tpu.memory_space<vmem>>, vector<16xi32>,
      tpu.vector_store_idx %arg5[%get3A_18], %broadcast_in_dim3A_8 {add = true} : memref<10112xf32, #tpu.memory_space<vmem>>[vector<16xi32>], vector<16xf32>,
    }
    %scan3A_14 = arith.constant 640 : i32
    "tpu.region"() ({
      %run_scoped3A = tpu.sem_alloc : memref<!tpu.dma_semaphore, #tpu.memory_space<semaphore_mem>>
      %dma_start3A = arith.constant 0 : i32
      %dma_start3A_15 = tpu.memref_slice %arg3[%add3A, %dma_start3A] : memref<32x10112xf32, #tpu.memory_space<hbm>> -> memref<1x10112xf32, #tpu.memory_space<hbm>>
      %dma_start3A_16 = tpu.memref_squeeze %dma_start3A_15 : memref<1x10112xf32, #tpu.memory_space<hbm>> -> memref<10112xf32, #tpu.memory_space<hbm>>
      %dma_start3A_17 = arith.constant 0 : i32
      %dma_start3A_18 = tpu.memref_slice %arg3[%add3A, %dma_start3A_17] : memref<32x10112xf32, #tpu.memory_space<hbm>> -> memref<1x10112xf32, #tpu.memory_space<hbm>>
      %dma_start3A_19 = tpu.memref_squeeze %dma_start3A_18 : memref<1x10112xf32, #tpu.memory_space<hbm>> -> memref<10112xf32, #tpu.memory_space<hbm>>
      tpu.enqueue_dma source(%arg5 : memref<10112xf32, #tpu.memory_space<vmem>>) target(%dma_start3A_19 : memref<10112xf32, #tpu.memory_space<hbm>>) target_semaphore(%run_scoped3A : memref<!tpu.dma_semaphore, #tpu.memory_space<semaphore_mem>>)
      %dma_wait3A = arith.constant 0 : i32
      %dma_wait3A_20 = tpu.memref_slice %arg3[%add3A, %dma_wait3A] : memref<32x10112xf32, #tpu.memory_space<hbm>> -> memref<1x10112xf32, #tpu.memory_space<hbm>>
      %dma_wait3A_21 = tpu.memref_squeeze %dma_wait3A_20 : memref<1x10112xf32, #tpu.memory_space<hbm>> -> memref<10112xf32, #tpu.memory_space<hbm>>
      %dma_wait3A_22 = arith.constant 0 : i32
      %dma_wait3A_23 = tpu.memref_slice %arg3[%add3A, %dma_wait3A_22] : memref<32x10112xf32, #tpu.memory_space<hbm>> -> memref<1x10112xf32, #tpu.memory_space<hbm>>
      %dma_wait3A_24 = tpu.memref_squeeze %dma_wait3A_23 : memref<1x10112xf32, #tpu.memory_space<hbm>> -> memref<10112xf32, #tpu.memory_space<hbm>>
      tpu.wait_dma2 semaphore(%run_scoped3A : memref<!tpu.dma_semaphore, #tpu.memory_space<semaphore_mem>>) src(%arg5 : memref<10112xf32, #tpu.memory_space<vmem>>) dst(%dma_wait3A_24 : memref<10112xf32, #tpu.memory_space<hbm>>)
      tpu.yield
    }) : () -> ()
    return
  }
}

#map = affine_map<(d0, d1) -> (0, 0)>
#map1 = affine_map<(d0, d1) -> (0, 0, 0)>
module attributes {stable_mosaic.version = 14 : i64} {
  func.func @k(%arg0: i32, %arg1: i32, %arg2: memref<10112x128xf32, #tpu.memory_space<hbm>>, %arg3: memref<2560x2x128xi32, #tpu.memory_space<hbm>>, %arg4: memref<632x128xf32, #tpu.memory_space<hbm>>, %arg5: memref<2x10112x128xf32, #tpu.memory_space<hbm>>, %arg6: memref<56x2x128xi32, #tpu.memory_space<vmem>>, %arg7: memref<256x128xf32, #tpu.memory_space<vmem>>, %arg8: memref<10112x128xf32, #tpu.memory_space<vmem_shared>>, %arg9: memref<!tpu.dma_semaphore, #tpu.memory_space<semaphore_mem>>, %arg10: memref<!tpu.dma_semaphore, #tpu.memory_space<semaphore_mem>>, %arg11: memref<!tpu.dma_semaphore, #tpu.memory_space<semaphore_mem>>, %arg12: memref<!tpu.dma_semaphore, #tpu.memory_space<semaphore_mem>>, %arg13: memref<!tpu.dma_semaphore, #tpu.memory_space<semaphore_mem>>) attributes {dimension_semantics = [#tpu.dimension_semantics<core_parallel>, #tpu.dimension_semantics<subcore_parallel>], iteration_bounds = array<i64: 2, 16>, scalar_prefetch = 0 : i64, scratch_operands = 8 : i64, tpu.core_type = #tpu.core_type<sc_vector_subcore>, window_params = [{transform_indices = #map}, {transform_indices = #map1}, {transform_indices = #map}, {transform_indices = #map1}]} {
    %mul3A = arith.constant 632 : i32
    %mul3A_0 = arith.muli %arg1, %mul3A : i32
    %dma_start3A = arith.constant 0 : i32
    %dma_start3A_1 = tpu.memref_slice %arg8[%mul3A_0, %dma_start3A] : memref<10112x128xf32, #tpu.memory_space<vmem_shared>> -> memref<632x128xf32, #tpu.memory_space<vmem_shared>>
    tpu.enqueue_dma source(%arg4 : memref<632x128xf32, #tpu.memory_space<hbm>>) target(%dma_start3A_1 : memref<632x128xf32, #tpu.memory_space<vmem_shared>>) target_semaphore(%arg13 : memref<!tpu.dma_semaphore, #tpu.memory_space<semaphore_mem>>)
    %eq3A = arith.constant 0 : i32
    %eq3A_2 = arith.cmpi eq, %arg0, %eq3A : i32
    %convert_element_type3A = arith.extui %eq3A_2 : i1 to i32
    %cond3A = arith.constant 0 : i32
    %cond3A_3 = arith.cmpi ne, %convert_element_type3A, %cond3A : i32
    scf.if %cond3A_3 {
      %mul3A_12 = arith.constant 112 : i32
      %mul3A_13 = arith.muli %arg1, %mul3A_12 : i32
      %add3A = arith.constant 0 : i32
      %add3A_14 = arith.addi %mul3A_13, %add3A : i32
      "tpu.region"() ({
        %run_scoped3A = tpu.sem_alloc : memref<!tpu.dma_semaphore, #tpu.memory_space<semaphore_mem>>
        %dma_start3A_72 = arith.constant 0 : i32
        %dma_start3A_73 = arith.constant 0 : i32
        %dma_start3A_74 = arith.constant 0 : i32
        %dma_start3A_75 = tpu.memref_slice %arg6[%dma_start3A_72, %dma_start3A_73, %dma_start3A_74] : memref<56x2x128xi32, #tpu.memory_space<vmem>> -> memref<56x2x128xi32, #tpu.memory_space<vmem>>
        %dma_start3A_76 = arith.constant 0 : i32
        %dma_start3A_77 = arith.constant 0 : i32
        %dma_start3A_78 = tpu.memref_slice %arg3[%add3A_14, %dma_start3A_76, %dma_start3A_77] : memref<2560x2x128xi32, #tpu.memory_space<hbm>> -> memref<56x2x128xi32, #tpu.memory_space<hbm>>
        %dma_start3A_79 = arith.constant 0 : i32
        %dma_start3A_80 = arith.constant 0 : i32
        %dma_start3A_81 = arith.constant 0 : i32
        %dma_start3A_82 = tpu.memref_slice %arg6[%dma_start3A_79, %dma_start3A_80, %dma_start3A_81] : memref<56x2x128xi32, #tpu.memory_space<vmem>> -> memref<56x2x128xi32, #tpu.memory_space<vmem>>
        %dma_start3A_83 = arith.constant 0 : i32
        %dma_start3A_84 = arith.constant 0 : i32
        %dma_start3A_85 = tpu.memref_slice %arg3[%add3A_14, %dma_start3A_83, %dma_start3A_84] : memref<2560x2x128xi32, #tpu.memory_space<hbm>> -> memref<56x2x128xi32, #tpu.memory_space<hbm>>
        tpu.enqueue_dma source(%dma_start3A_85 : memref<56x2x128xi32, #tpu.memory_space<hbm>>) target(%dma_start3A_82 : memref<56x2x128xi32, #tpu.memory_space<vmem>>) target_semaphore(%run_scoped3A : memref<!tpu.dma_semaphore, #tpu.memory_space<semaphore_mem>>)
        %dma_wait3A_86 = arith.constant 0 : i32
        %dma_wait3A_87 = arith.constant 0 : i32
        %dma_wait3A_88 = arith.constant 0 : i32
        %dma_wait3A_89 = tpu.memref_slice %arg6[%dma_wait3A_86, %dma_wait3A_87, %dma_wait3A_88] : memref<56x2x128xi32, #tpu.memory_space<vmem>> -> memref<56x2x128xi32, #tpu.memory_space<vmem>>
        %dma_wait3A_90 = arith.constant 0 : i32
        %dma_wait3A_91 = arith.constant 0 : i32
        %dma_wait3A_92 = tpu.memref_slice %arg3[%add3A_14, %dma_wait3A_90, %dma_wait3A_91] : memref<2560x2x128xi32, #tpu.memory_space<hbm>> -> memref<56x2x128xi32, #tpu.memory_space<hbm>>
        %dma_wait3A_93 = arith.constant 0 : i32
        %dma_wait3A_94 = arith.constant 0 : i32
        %dma_wait3A_95 = arith.constant 0 : i32
        %dma_wait3A_96 = tpu.memref_slice %arg6[%dma_wait3A_93, %dma_wait3A_94, %dma_wait3A_95] : memref<56x2x128xi32, #tpu.memory_space<vmem>> -> memref<56x2x128xi32, #tpu.memory_space<vmem>>
        %dma_wait3A_97 = arith.constant 0 : i32
        %dma_wait3A_98 = arith.constant 0 : i32
        %dma_wait3A_99 = tpu.memref_slice %arg3[%add3A_14, %dma_wait3A_97, %dma_wait3A_98] : memref<2560x2x128xi32, #tpu.memory_space<hbm>> -> memref<56x2x128xi32, #tpu.memory_space<hbm>>
        tpu.wait_dma2 semaphore(%run_scoped3A : memref<!tpu.dma_semaphore, #tpu.memory_space<semaphore_mem>>) src(%dma_wait3A_99 : memref<56x2x128xi32, #tpu.memory_space<hbm>>) dst(%dma_wait3A_96 : memref<56x2x128xi32, #tpu.memory_space<vmem>>)
        tpu.yield
      }) : () -> ()
      %dma_start3A_15 = arith.constant 0 : i32
      %dma_start3A_16 = arith.constant 1 : i32
      %dma_start3A_17 = arith.constant 0 : i32
      %dma_start3A_18 = arith.constant 0 : i32
      %dma_start3A_19 = tpu.memref_slice %arg7[%dma_start3A_17, %dma_start3A_18] : memref<256x128xf32, #tpu.memory_space<vmem>> -> memref<64x128xf32, #tpu.memory_space<vmem>>
      %dma_start3A_20 = arith.constant 0 : i32
      %dma_start3A_21 = tpu.memref_slice %arg6[%dma_start3A_15, %dma_start3A_16, %dma_start3A_20] : memref<56x2x128xi32, #tpu.memory_space<vmem>> -> memref<1x1x64xi32, #tpu.memory_space<vmem>>
      %dma_start3A_22 = tpu.memref_squeeze %dma_start3A_21 : memref<1x1x64xi32, #tpu.memory_space<vmem>> -> memref<64xi32, #tpu.memory_space<vmem>>
      %dma_start3A_23 = arith.constant 0 : i32
      %dma_start3A_24 = arith.constant 0 : i32
      %dma_start3A_25 = tpu.memref_slice %arg2[%dma_start3A_23, %dma_start3A_24] : memref<10112x128xf32, #tpu.memory_space<hbm>> -> memref<10112x128xf32, #tpu.memory_space<hbm>>
      tpu.enqueue_indirect_dma source(%dma_start3A_25 : memref<10112x128xf32, #tpu.memory_space<hbm>>) target(%dma_start3A_19 : memref<64x128xf32, #tpu.memory_space<vmem>>) offsets(%dma_start3A_22 : memref<64xi32, #tpu.memory_space<vmem>>) semaphore(%arg9 : memref<!tpu.dma_semaphore, #tpu.memory_space<semaphore_mem>>)
      %dma_start3A_26 = arith.constant 0 : i32
      %dma_start3A_27 = arith.constant 1 : i32
      %dma_start3A_28 = arith.constant 64 : i32
      %dma_start3A_29 = arith.constant 0 : i32
      %dma_start3A_30 = tpu.memref_slice %arg7[%dma_start3A_28, %dma_start3A_29] : memref<256x128xf32, #tpu.memory_space<vmem>> -> memref<64x128xf32, #tpu.memory_space<vmem>>
      %dma_start3A_31 = arith.constant 64 : i32
      %dma_start3A_32 = tpu.memref_slice %arg6[%dma_start3A_26, %dma_start3A_27, %dma_start3A_31] : memref<56x2x128xi32, #tpu.memory_space<vmem>> -> memref<1x1x64xi32, #tpu.memory_space<vmem>>
      %dma_start3A_33 = tpu.memref_squeeze %dma_start3A_32 : memref<1x1x64xi32, #tpu.memory_space<vmem>> -> memref<64xi32, #tpu.memory_space<vmem>>
      %dma_start3A_34 = arith.constant 0 : i32
      %dma_start3A_35 = arith.constant 0 : i32
      %dma_start3A_36 = tpu.memref_slice %arg2[%dma_start3A_34, %dma_start3A_35] : memref<10112x128xf32, #tpu.memory_space<hbm>> -> memref<10112x128xf32, #tpu.memory_space<hbm>>
      tpu.enqueue_indirect_dma source(%dma_start3A_36 : memref<10112x128xf32, #tpu.memory_space<hbm>>) target(%dma_start3A_30 : memref<64x128xf32, #tpu.memory_space<vmem>>) offsets(%dma_start3A_33 : memref<64xi32, #tpu.memory_space<vmem>>) semaphore(%arg10 : memref<!tpu.dma_semaphore, #tpu.memory_space<semaphore_mem>>)
      %dma_wait3A = arith.constant 0 : i32
      %dma_wait3A_37 = tpu.memref_slice %arg8[%mul3A_0, %dma_wait3A] : memref<10112x128xf32, #tpu.memory_space<vmem_shared>> -> memref<632x128xf32, #tpu.memory_space<vmem_shared>>
      tpu.wait_dma2 semaphore(%arg13 : memref<!tpu.dma_semaphore, #tpu.memory_space<semaphore_mem>>) src(%arg4 : memref<632x128xf32, #tpu.memory_space<hbm>>) dst(%dma_wait3A_37 : memref<632x128xf32, #tpu.memory_space<vmem_shared>>)
      %barrier3A_38 = arith.constant 0 : index
      tpu.barrier barrier_id(%barrier3A_38)
      %scan3A = arith.constant 0 : i32
      %scan3A_39 = arith.constant 28 : i32
      %scan3A_40 = arith.addi %scan3A, %scan3A_39 : i32
      %scan3A_41 = arith.constant 1 : i32
      scf.for %scan3A_72 = %scan3A to %scan3A_40 step %scan3A_41  : i32 {
        %mul3A_73 = arith.constant 2 : i32
        %mul3A_74 = arith.muli %scan3A_72, %mul3A_73 : i32
        %add3A_75 = arith.constant 0 : i32
        %add3A_76 = arith.addi %add3A_75, %mul3A_74 : i32
        %add3A_77 = arith.constant 0 : i32
        %add3A_78 = arith.addi %add3A_76, %add3A_77 : i32
        %add3A_79 = arith.constant 1 : i32
        %add3A_80 = arith.addi %add3A_78, %add3A_79 : i32
        %lt3A = arith.constant 56 : i32
        %lt3A_81 = arith.cmpi slt, %add3A_80, %lt3A : i32
        %convert_element_type3A_82 = arith.extui %lt3A_81 : i1 to i32
        %cond3A_83 = arith.constant 0 : i32
        %cond3A_84 = arith.cmpi ne, %convert_element_type3A_82, %cond3A_83 : i32
        scf.if %cond3A_84 {
          %add3A_135 = arith.constant 1 : i32
          %add3A_136 = arith.addi %add3A_78, %add3A_135 : i32
          %dma_start3A_137 = arith.constant 1 : i32
          %dma_start3A_138 = arith.constant 128 : i32
          %dma_start3A_139 = arith.constant 0 : i32
          %dma_start3A_140 = tpu.memref_slice %arg7[%dma_start3A_138, %dma_start3A_139] : memref<256x128xf32, #tpu.memory_space<vmem>> -> memref<64x128xf32, #tpu.memory_space<vmem>>
          %dma_start3A_141 = arith.constant 0 : i32
          %dma_start3A_142 = tpu.memref_slice %arg6[%add3A_136, %dma_start3A_137, %dma_start3A_141] : memref<56x2x128xi32, #tpu.memory_space<vmem>> -> memref<1x1x64xi32, #tpu.memory_space<vmem>>
          %dma_start3A_143 = tpu.memref_squeeze %dma_start3A_142 : memref<1x1x64xi32, #tpu.memory_space<vmem>> -> memref<64xi32, #tpu.memory_space<vmem>>
          %dma_start3A_144 = arith.constant 0 : i32
          %dma_start3A_145 = arith.constant 0 : i32
          %dma_start3A_146 = tpu.memref_slice %arg2[%dma_start3A_144, %dma_start3A_145] : memref<10112x128xf32, #tpu.memory_space<hbm>> -> memref<10112x128xf32, #tpu.memory_space<hbm>>
          tpu.enqueue_indirect_dma source(%dma_start3A_146 : memref<10112x128xf32, #tpu.memory_space<hbm>>) target(%dma_start3A_140 : memref<64x128xf32, #tpu.memory_space<vmem>>) offsets(%dma_start3A_143 : memref<64xi32, #tpu.memory_space<vmem>>) semaphore(%arg11 : memref<!tpu.dma_semaphore, #tpu.memory_space<semaphore_mem>>)
          %add3A_147 = arith.constant 1 : i32
          %add3A_148 = arith.addi %add3A_78, %add3A_147 : i32
          %dma_start3A_149 = arith.constant 1 : i32
          %dma_start3A_150 = arith.constant 192 : i32
          %dma_start3A_151 = arith.constant 0 : i32
          %dma_start3A_152 = tpu.memref_slice %arg7[%dma_start3A_150, %dma_start3A_151] : memref<256x128xf32, #tpu.memory_space<vmem>> -> memref<64x128xf32, #tpu.memory_space<vmem>>
          %dma_start3A_153 = arith.constant 64 : i32
          %dma_start3A_154 = tpu.memref_slice %arg6[%add3A_148, %dma_start3A_149, %dma_start3A_153] : memref<56x2x128xi32, #tpu.memory_space<vmem>> -> memref<1x1x64xi32, #tpu.memory_space<vmem>>
          %dma_start3A_155 = tpu.memref_squeeze %dma_start3A_154 : memref<1x1x64xi32, #tpu.memory_space<vmem>> -> memref<64xi32, #tpu.memory_space<vmem>>
          %dma_start3A_156 = arith.constant 0 : i32
          %dma_start3A_157 = arith.constant 0 : i32
          %dma_start3A_158 = tpu.memref_slice %arg2[%dma_start3A_156, %dma_start3A_157] : memref<10112x128xf32, #tpu.memory_space<hbm>> -> memref<10112x128xf32, #tpu.memory_space<hbm>>
          tpu.enqueue_indirect_dma source(%dma_start3A_158 : memref<10112x128xf32, #tpu.memory_space<hbm>>) target(%dma_start3A_152 : memref<64x128xf32, #tpu.memory_space<vmem>>) offsets(%dma_start3A_155 : memref<64xi32, #tpu.memory_space<vmem>>) semaphore(%arg12 : memref<!tpu.dma_semaphore, #tpu.memory_space<semaphore_mem>>)
        } else {
        }
        %dma_wait3A_85 = arith.constant 1 : i32
        %dma_wait3A_86 = arith.constant 0 : i32
        %dma_wait3A_87 = arith.constant 0 : i32
        %dma_wait3A_88 = tpu.memref_slice %arg7[%dma_wait3A_86, %dma_wait3A_87] : memref<256x128xf32, #tpu.memory_space<vmem>> -> memref<64x128xf32, #tpu.memory_space<vmem>>
        %dma_wait3A_89 = arith.constant 0 : i32
        %dma_wait3A_90 = tpu.memref_slice %arg6[%add3A_78, %dma_wait3A_85, %dma_wait3A_89] : memref<56x2x128xi32, #tpu.memory_space<vmem>> -> memref<1x1x64xi32, #tpu.memory_space<vmem>>
        %dma_wait3A_91 = tpu.memref_squeeze %dma_wait3A_90 : memref<1x1x64xi32, #tpu.memory_space<vmem>> -> memref<64xi32, #tpu.memory_space<vmem>>
        %dma_wait3A_92 = arith.constant 0 : i32
        %dma_wait3A_93 = arith.constant 0 : i32
        %dma_wait3A_94 = tpu.memref_slice %arg2[%dma_wait3A_92, %dma_wait3A_93] : memref<10112x128xf32, #tpu.memory_space<hbm>> -> memref<10112x128xf32, #tpu.memory_space<hbm>>
        tpu.wait_indirect_dma semaphore(%arg9 : memref<!tpu.dma_semaphore, #tpu.memory_space<semaphore_mem>>) src(%dma_wait3A_94 : memref<10112x128xf32, #tpu.memory_space<hbm>>) dst(%dma_wait3A_88 : memref<64x128xf32, #tpu.memory_space<vmem>>)
        %dma_wait3A_95 = arith.constant 1 : i32
        %dma_wait3A_96 = arith.constant 64 : i32
        %dma_wait3A_97 = arith.constant 0 : i32
        %dma_wait3A_98 = tpu.memref_slice %arg7[%dma_wait3A_96, %dma_wait3A_97] : memref<256x128xf32, #tpu.memory_space<vmem>> -> memref<64x128xf32, #tpu.memory_space<vmem>>
        %dma_wait3A_99 = arith.constant 64 : i32
        %dma_wait3A_100 = tpu.memref_slice %arg6[%add3A_78, %dma_wait3A_95, %dma_wait3A_99] : memref<56x2x128xi32, #tpu.memory_space<vmem>> -> memref<1x1x64xi32, #tpu.memory_space<vmem>>
        %dma_wait3A_101 = tpu.memref_squeeze %dma_wait3A_100 : memref<1x1x64xi32, #tpu.memory_space<vmem>> -> memref<64xi32, #tpu.memory_space<vmem>>
        %dma_wait3A_102 = arith.constant 0 : i32
        %dma_wait3A_103 = arith.constant 0 : i32
        %dma_wait3A_104 = tpu.memref_slice %arg2[%dma_wait3A_102, %dma_wait3A_103] : memref<10112x128xf32, #tpu.memory_space<hbm>> -> memref<10112x128xf32, #tpu.memory_space<hbm>>
        tpu.wait_indirect_dma semaphore(%arg10 : memref<!tpu.dma_semaphore, #tpu.memory_space<semaphore_mem>>) src(%dma_wait3A_104 : memref<10112x128xf32, #tpu.memory_space<hbm>>) dst(%dma_wait3A_98 : memref<64x128xf32, #tpu.memory_space<vmem>>)
        %run_scoped3A = arith.constant 0 : i32
        "tpu.region"() ({
          %run_scoped3A_135 = tpu.sem_alloc : memref<!tpu.dma_semaphore, #tpu.memory_space<semaphore_mem>>
          %dma_start3A_136 = arith.constant 0 : i32
          %dma_start3A_137 = arith.constant 0 : i32
          %dma_start3A_138 = tpu.memref_slice %arg7[%dma_start3A_136, %dma_start3A_137] : memref<256x128xf32, #tpu.memory_space<vmem>> -> memref<128x128xf32, #tpu.memory_space<vmem>>
          %dma_start3A_139 = arith.constant 0 : i32
          %dma_start3A_140 = tpu.memref_slice %arg6[%add3A_78, %run_scoped3A, %dma_start3A_139] : memref<56x2x128xi32, #tpu.memory_space<vmem>> -> memref<1x1x128xi32, #tpu.memory_space<vmem>>
          %dma_start3A_141 = tpu.memref_squeeze %dma_start3A_140 : memref<1x1x128xi32, #tpu.memory_space<vmem>> -> memref<128xi32, #tpu.memory_space<vmem>>
          %dma_start3A_142 = arith.constant 0 : i32
          %dma_start3A_143 = arith.constant 0 : i32
          %dma_start3A_144 = tpu.memref_slice %arg8[%dma_start3A_142, %dma_start3A_143] : memref<10112x128xf32, #tpu.memory_space<vmem_shared>> -> memref<10112x128xf32, #tpu.memory_space<vmem_shared>>
          tpu.enqueue_indirect_dma source(%dma_start3A_138 : memref<128x128xf32, #tpu.memory_space<vmem>>) target(%dma_start3A_144 : memref<10112x128xf32, #tpu.memory_space<vmem_shared>>) offsets(%dma_start3A_141 : memref<128xi32, #tpu.memory_space<vmem>>) semaphore(%run_scoped3A_135 : memref<!tpu.dma_semaphore, #tpu.memory_space<semaphore_mem>>) {add = true}
          %dma_wait3A_145 = arith.constant 0 : i32
          %dma_wait3A_146 = arith.constant 0 : i32
          %dma_wait3A_147 = tpu.memref_slice %arg7[%dma_wait3A_145, %dma_wait3A_146] : memref<256x128xf32, #tpu.memory_space<vmem>> -> memref<128x128xf32, #tpu.memory_space<vmem>>
          %dma_wait3A_148 = arith.constant 0 : i32
          %dma_wait3A_149 = tpu.memref_slice %arg6[%add3A_78, %run_scoped3A, %dma_wait3A_148] : memref<56x2x128xi32, #tpu.memory_space<vmem>> -> memref<1x1x128xi32, #tpu.memory_space<vmem>>
          %dma_wait3A_150 = tpu.memref_squeeze %dma_wait3A_149 : memref<1x1x128xi32, #tpu.memory_space<vmem>> -> memref<128xi32, #tpu.memory_space<vmem>>
          %dma_wait3A_151 = arith.constant 0 : i32
          %dma_wait3A_152 = arith.constant 0 : i32
          %dma_wait3A_153 = tpu.memref_slice %arg8[%dma_wait3A_151, %dma_wait3A_152] : memref<10112x128xf32, #tpu.memory_space<vmem_shared>> -> memref<10112x128xf32, #tpu.memory_space<vmem_shared>>
          tpu.wait_indirect_dma semaphore(%run_scoped3A_135 : memref<!tpu.dma_semaphore, #tpu.memory_space<semaphore_mem>>) src(%dma_wait3A_147 : memref<128x128xf32, #tpu.memory_space<vmem>>) dst(%dma_wait3A_153 : memref<10112x128xf32, #tpu.memory_space<vmem_shared>>)
          tpu.yield
        }) : () -> ()
        %add3A_105 = arith.constant 1 : i32
        %add3A_106 = arith.addi %add3A_76, %add3A_105 : i32
        %add3A_107 = arith.constant 1 : i32
        %add3A_108 = arith.addi %add3A_106, %add3A_107 : i32
        %lt3A_109 = arith.constant 56 : i32
        %lt3A_110 = arith.cmpi slt, %add3A_108, %lt3A_109 : i32
        %convert_element_type3A_111 = arith.extui %lt3A_110 : i1 to i32
        %cond3A_112 = arith.constant 0 : i32
        %cond3A_113 = arith.cmpi ne, %convert_element_type3A_111, %cond3A_112 : i32
        scf.if %cond3A_113 {
          %add3A_135 = arith.constant 1 : i32
          %add3A_136 = arith.addi %add3A_106, %add3A_135 : i32
          %dma_start3A_137 = arith.constant 1 : i32
          %dma_start3A_138 = arith.constant 0 : i32
          %dma_start3A_139 = arith.constant 0 : i32
          %dma_start3A_140 = tpu.memref_slice %arg7[%dma_start3A_138, %dma_start3A_139] : memref<256x128xf32, #tpu.memory_space<vmem>> -> memref<64x128xf32, #tpu.memory_space<vmem>>
          %dma_start3A_141 = arith.constant 0 : i32
          %dma_start3A_142 = tpu.memref_slice %arg6[%add3A_136, %dma_start3A_137, %dma_start3A_141] : memref<56x2x128xi32, #tpu.memory_space<vmem>> -> memref<1x1x64xi32, #tpu.memory_space<vmem>>
          %dma_start3A_143 = tpu.memref_squeeze %dma_start3A_142 : memref<1x1x64xi32, #tpu.memory_space<vmem>> -> memref<64xi32, #tpu.memory_space<vmem>>
          %dma_start3A_144 = arith.constant 0 : i32
          %dma_start3A_145 = arith.constant 0 : i32
          %dma_start3A_146 = tpu.memref_slice %arg2[%dma_start3A_144, %dma_start3A_145] : memref<10112x128xf32, #tpu.memory_space<hbm>> -> memref<10112x128xf32, #tpu.memory_space<hbm>>
          tpu.enqueue_indirect_dma source(%dma_start3A_146 : memref<10112x128xf32, #tpu.memory_space<hbm>>) target(%dma_start3A_140 : memref<64x128xf32, #tpu.memory_space<vmem>>) offsets(%dma_start3A_143 : memref<64xi32, #tpu.memory_space<vmem>>) semaphore(%arg9 : memref<!tpu.dma_semaphore, #tpu.memory_space<semaphore_mem>>)
          %add3A_147 = arith.constant 1 : i32
          %add3A_148 = arith.addi %add3A_106, %add3A_147 : i32
          %dma_start3A_149 = arith.constant 1 : i32
          %dma_start3A_150 = arith.constant 64 : i32
          %dma_start3A_151 = arith.constant 0 : i32
          %dma_start3A_152 = tpu.memref_slice %arg7[%dma_start3A_150, %dma_start3A_151] : memref<256x128xf32, #tpu.memory_space<vmem>> -> memref<64x128xf32, #tpu.memory_space<vmem>>
          %dma_start3A_153 = arith.constant 64 : i32
          %dma_start3A_154 = tpu.memref_slice %arg6[%add3A_148, %dma_start3A_149, %dma_start3A_153] : memref<56x2x128xi32, #tpu.memory_space<vmem>> -> memref<1x1x64xi32, #tpu.memory_space<vmem>>
          %dma_start3A_155 = tpu.memref_squeeze %dma_start3A_154 : memref<1x1x64xi32, #tpu.memory_space<vmem>> -> memref<64xi32, #tpu.memory_space<vmem>>
          %dma_start3A_156 = arith.constant 0 : i32
          %dma_start3A_157 = arith.constant 0 : i32
          %dma_start3A_158 = tpu.memref_slice %arg2[%dma_start3A_156, %dma_start3A_157] : memref<10112x128xf32, #tpu.memory_space<hbm>> -> memref<10112x128xf32, #tpu.memory_space<hbm>>
          tpu.enqueue_indirect_dma source(%dma_start3A_158 : memref<10112x128xf32, #tpu.memory_space<hbm>>) target(%dma_start3A_152 : memref<64x128xf32, #tpu.memory_space<vmem>>) offsets(%dma_start3A_155 : memref<64xi32, #tpu.memory_space<vmem>>) semaphore(%arg10 : memref<!tpu.dma_semaphore, #tpu.memory_space<semaphore_mem>>)
        } else {
        }
        %dma_wait3A_114 = arith.constant 1 : i32
        %dma_wait3A_115 = arith.constant 128 : i32
        %dma_wait3A_116 = arith.constant 0 : i32
        %dma_wait3A_117 = tpu.memref_slice %arg7[%dma_wait3A_115, %dma_wait3A_116] : memref<256x128xf32, #tpu.memory_space<vmem>> -> memref<64x128xf32, #tpu.memory_space<vmem>>
        %dma_wait3A_118 = arith.constant 0 : i32
        %dma_wait3A_119 = tpu.memref_slice %arg6[%add3A_106, %dma_wait3A_114, %dma_wait3A_118] : memref<56x2x128xi32, #tpu.memory_space<vmem>> -> memref<1x1x64xi32, #tpu.memory_space<vmem>>
        %dma_wait3A_120 = tpu.memref_squeeze %dma_wait3A_119 : memref<1x1x64xi32, #tpu.memory_space<vmem>> -> memref<64xi32, #tpu.memory_space<vmem>>
        %dma_wait3A_121 = arith.constant 0 : i32
        %dma_wait3A_122 = arith.constant 0 : i32
        %dma_wait3A_123 = tpu.memref_slice %arg2[%dma_wait3A_121, %dma_wait3A_122] : memref<10112x128xf32, #tpu.memory_space<hbm>> -> memref<10112x128xf32, #tpu.memory_space<hbm>>
        tpu.wait_indirect_dma semaphore(%arg11 : memref<!tpu.dma_semaphore, #tpu.memory_space<semaphore_mem>>) src(%dma_wait3A_123 : memref<10112x128xf32, #tpu.memory_space<hbm>>) dst(%dma_wait3A_117 : memref<64x128xf32, #tpu.memory_space<vmem>>)
        %dma_wait3A_124 = arith.constant 1 : i32
        %dma_wait3A_125 = arith.constant 192 : i32
        %dma_wait3A_126 = arith.constant 0 : i32
        %dma_wait3A_127 = tpu.memref_slice %arg7[%dma_wait3A_125, %dma_wait3A_126] : memref<256x128xf32, #tpu.memory_space<vmem>> -> memref<64x128xf32, #tpu.memory_space<vmem>>
        %dma_wait3A_128 = arith.constant 64 : i32
        %dma_wait3A_129 = tpu.memref_slice %arg6[%add3A_106, %dma_wait3A_124, %dma_wait3A_128] : memref<56x2x128xi32, #tpu.memory_space<vmem>> -> memref<1x1x64xi32, #tpu.memory_space<vmem>>
        %dma_wait3A_130 = tpu.memref_squeeze %dma_wait3A_129 : memref<1x1x64xi32, #tpu.memory_space<vmem>> -> memref<64xi32, #tpu.memory_space<vmem>>
        %dma_wait3A_131 = arith.constant 0 : i32
        %dma_wait3A_132 = arith.constant 0 : i32
        %dma_wait3A_133 = tpu.memref_slice %arg2[%dma_wait3A_131, %dma_wait3A_132] : memref<10112x128xf32, #tpu.memory_space<hbm>> -> memref<10112x128xf32, #tpu.memory_space<hbm>>
        tpu.wait_indirect_dma semaphore(%arg12 : memref<!tpu.dma_semaphore, #tpu.memory_space<semaphore_mem>>) src(%dma_wait3A_133 : memref<10112x128xf32, #tpu.memory_space<hbm>>) dst(%dma_wait3A_127 : memref<64x128xf32, #tpu.memory_space<vmem>>)
        %run_scoped3A_134 = arith.constant 0 : i32
        "tpu.region"() ({
          %run_scoped3A_135 = tpu.sem_alloc : memref<!tpu.dma_semaphore, #tpu.memory_space<semaphore_mem>>
          %dma_start3A_136 = arith.constant 128 : i32
          %dma_start3A_137 = arith.constant 0 : i32
          %dma_start3A_138 = tpu.memref_slice %arg7[%dma_start3A_136, %dma_start3A_137] : memref<256x128xf32, #tpu.memory_space<vmem>> -> memref<128x128xf32, #tpu.memory_space<vmem>>
          %dma_start3A_139 = arith.constant 0 : i32
          %dma_start3A_140 = tpu.memref_slice %arg6[%add3A_106, %run_scoped3A_134, %dma_start3A_139] : memref<56x2x128xi32, #tpu.memory_space<vmem>> -> memref<1x1x128xi32, #tpu.memory_space<vmem>>
          %dma_start3A_141 = tpu.memref_squeeze %dma_start3A_140 : memref<1x1x128xi32, #tpu.memory_space<vmem>> -> memref<128xi32, #tpu.memory_space<vmem>>
          %dma_start3A_142 = arith.constant 0 : i32
          %dma_start3A_143 = arith.constant 0 : i32
          %dma_start3A_144 = tpu.memref_slice %arg8[%dma_start3A_142, %dma_start3A_143] : memref<10112x128xf32, #tpu.memory_space<vmem_shared>> -> memref<10112x128xf32, #tpu.memory_space<vmem_shared>>
          tpu.enqueue_indirect_dma source(%dma_start3A_138 : memref<128x128xf32, #tpu.memory_space<vmem>>) target(%dma_start3A_144 : memref<10112x128xf32, #tpu.memory_space<vmem_shared>>) offsets(%dma_start3A_141 : memref<128xi32, #tpu.memory_space<vmem>>) semaphore(%run_scoped3A_135 : memref<!tpu.dma_semaphore, #tpu.memory_space<semaphore_mem>>) {add = true}
          %dma_wait3A_145 = arith.constant 128 : i32
          %dma_wait3A_146 = arith.constant 0 : i32
          %dma_wait3A_147 = tpu.memref_slice %arg7[%dma_wait3A_145, %dma_wait3A_146] : memref<256x128xf32, #tpu.memory_space<vmem>> -> memref<128x128xf32, #tpu.memory_space<vmem>>
          %dma_wait3A_148 = arith.constant 0 : i32
          %dma_wait3A_149 = tpu.memref_slice %arg6[%add3A_106, %run_scoped3A_134, %dma_wait3A_148] : memref<56x2x128xi32, #tpu.memory_space<vmem>> -> memref<1x1x128xi32, #tpu.memory_space<vmem>>
          %dma_wait3A_150 = tpu.memref_squeeze %dma_wait3A_149 : memref<1x1x128xi32, #tpu.memory_space<vmem>> -> memref<128xi32, #tpu.memory_space<vmem>>
          %dma_wait3A_151 = arith.constant 0 : i32
          %dma_wait3A_152 = arith.constant 0 : i32
          %dma_wait3A_153 = tpu.memref_slice %arg8[%dma_wait3A_151, %dma_wait3A_152] : memref<10112x128xf32, #tpu.memory_space<vmem_shared>> -> memref<10112x128xf32, #tpu.memory_space<vmem_shared>>
          tpu.wait_indirect_dma semaphore(%run_scoped3A_135 : memref<!tpu.dma_semaphore, #tpu.memory_space<semaphore_mem>>) src(%dma_wait3A_147 : memref<128x128xf32, #tpu.memory_space<vmem>>) dst(%dma_wait3A_153 : memref<10112x128xf32, #tpu.memory_space<vmem_shared>>)
          tpu.yield
        }) : () -> ()
      }
      %scan3A_42 = arith.constant 28 : i32
      %add3A_43 = arith.constant 56 : i32
      %add3A_44 = arith.addi %mul3A_13, %add3A_43 : i32
      "tpu.region"() ({
        %run_scoped3A = tpu.sem_alloc : memref<!tpu.dma_semaphore, #tpu.memory_space<semaphore_mem>>
        %dma_start3A_72 = arith.constant 0 : i32
        %dma_start3A_73 = arith.constant 0 : i32
        %dma_start3A_74 = arith.constant 0 : i32
        %dma_start3A_75 = tpu.memref_slice %arg6[%dma_start3A_72, %dma_start3A_73, %dma_start3A_74] : memref<56x2x128xi32, #tpu.memory_space<vmem>> -> memref<56x2x128xi32, #tpu.memory_space<vmem>>
        %dma_start3A_76 = arith.constant 0 : i32
        %dma_start3A_77 = arith.constant 0 : i32
        %dma_start3A_78 = tpu.memref_slice %arg3[%add3A_44, %dma_start3A_76, %dma_start3A_77] : memref<2560x2x128xi32, #tpu.memory_space<hbm>> -> memref<56x2x128xi32, #tpu.memory_space<hbm>>
        %dma_start3A_79 = arith.constant 0 : i32
        %dma_start3A_80 = arith.constant 0 : i32
        %dma_start3A_81 = arith.constant 0 : i32
        %dma_start3A_82 = tpu.memref_slice %arg6[%dma_start3A_79, %dma_start3A_80, %dma_start3A_81] : memref<56x2x128xi32, #tpu.memory_space<vmem>> -> memref<56x2x128xi32, #tpu.memory_space<vmem>>
        %dma_start3A_83 = arith.constant 0 : i32
        %dma_start3A_84 = arith.constant 0 : i32
        %dma_start3A_85 = tpu.memref_slice %arg3[%add3A_44, %dma_start3A_83, %dma_start3A_84] : memref<2560x2x128xi32, #tpu.memory_space<hbm>> -> memref<56x2x128xi32, #tpu.memory_space<hbm>>
        tpu.enqueue_dma source(%dma_start3A_85 : memref<56x2x128xi32, #tpu.memory_space<hbm>>) target(%dma_start3A_82 : memref<56x2x128xi32, #tpu.memory_space<vmem>>) target_semaphore(%run_scoped3A : memref<!tpu.dma_semaphore, #tpu.memory_space<semaphore_mem>>)
        %dma_wait3A_86 = arith.constant 0 : i32
        %dma_wait3A_87 = arith.constant 0 : i32
        %dma_wait3A_88 = arith.constant 0 : i32
        %dma_wait3A_89 = tpu.memref_slice %arg6[%dma_wait3A_86, %dma_wait3A_87, %dma_wait3A_88] : memref<56x2x128xi32, #tpu.memory_space<vmem>> -> memref<56x2x128xi32, #tpu.memory_space<vmem>>
        %dma_wait3A_90 = arith.constant 0 : i32
        %dma_wait3A_91 = arith.constant 0 : i32
        %dma_wait3A_92 = tpu.memref_slice %arg3[%add3A_44, %dma_wait3A_90, %dma_wait3A_91] : memref<2560x2x128xi32, #tpu.memory_space<hbm>> -> memref<56x2x128xi32, #tpu.memory_space<hbm>>
        %dma_wait3A_93 = arith.constant 0 : i32
        %dma_wait3A_94 = arith.constant 0 : i32
        %dma_wait3A_95 = arith.constant 0 : i32
        %dma_wait3A_96 = tpu.memref_slice %arg6[%dma_wait3A_93, %dma_wait3A_94, %dma_wait3A_95] : memref<56x2x128xi32, #tpu.memory_space<vmem>> -> memref<56x2x128xi32, #tpu.memory_space<vmem>>
        %dma_wait3A_97 = arith.constant 0 : i32
        %dma_wait3A_98 = arith.constant 0 : i32
        %dma_wait3A_99 = tpu.memref_slice %arg3[%add3A_44, %dma_wait3A_97, %dma_wait3A_98] : memref<2560x2x128xi32, #tpu.memory_space<hbm>> -> memref<56x2x128xi32, #tpu.memory_space<hbm>>
        tpu.wait_dma2 semaphore(%run_scoped3A : memref<!tpu.dma_semaphore, #tpu.memory_space<semaphore_mem>>) src(%dma_wait3A_99 : memref<56x2x128xi32, #tpu.memory_space<hbm>>) dst(%dma_wait3A_96 : memref<56x2x128xi32, #tpu.memory_space<vmem>>)
        tpu.yield
      }) : () -> ()
      %dma_start3A_45 = arith.constant 0 : i32
      %dma_start3A_46 = arith.constant 1 : i32
      %dma_start3A_47 = arith.constant 0 : i32
      %dma_start3A_48 = arith.constant 0 : i32
      %dma_start3A_49 = tpu.memref_slice %arg7[%dma_start3A_47, %dma_start3A_48] : memref<256x128xf32, #tpu.memory_space<vmem>> -> memref<64x128xf32, #tpu.memory_space<vmem>>
      %dma_start3A_50 = arith.constant 0 : i32
      %dma_start3A_51 = tpu.memref_slice %arg6[%dma_start3A_45, %dma_start3A_46, %dma_start3A_50] : memref<56x2x128xi32, #tpu.memory_space<vmem>> -> memref<1x1x64xi32, #tpu.memory_space<vmem>>
      %dma_start3A_52 = tpu.memref_squeeze %dma_start3A_51 : memref<1x1x64xi32, #tpu.memory_space<vmem>> -> memref<64xi32, #tpu.memory_space<vmem>>
      %dma_start3A_53 = arith.constant 0 : i32
      %dma_start3A_54 = arith.constant 0 : i32
      %dma_start3A_55 = tpu.memref_slice %arg2[%dma_start3A_53, %dma_start3A_54] : memref<10112x128xf32, #tpu.memory_space<hbm>> -> memref<10112x128xf32, #tpu.memory_space<hbm>>
      tpu.enqueue_indirect_dma source(%dma_start3A_55 : memref<10112x128xf32, #tpu.memory_space<hbm>>) target(%dma_start3A_49 : memref<64x128xf32, #tpu.memory_space<vmem>>) offsets(%dma_start3A_52 : memref<64xi32, #tpu.memory_space<vmem>>) semaphore(%arg9 : memref<!tpu.dma_semaphore, #tpu.memory_space<semaphore_mem>>)
      %dma_start3A_56 = arith.constant 0 : i32
      %dma_start3A_57 = arith.constant 1 : i32
      %dma_start3A_58 = arith.constant 64 : i32
      %dma_start3A_59 = arith.constant 0 : i32
      %dma_start3A_60 = tpu.memref_slice %arg7[%dma_start3A_58, %dma_start3A_59] : memref<256x128xf32, #tpu.memory_space<vmem>> -> memref<64x128xf32, #tpu.memory_space<vmem>>
      %dma_start3A_61 = arith.constant 64 : i32
      %dma_start3A_62 = tpu.memref_slice %arg6[%dma_start3A_56, %dma_start3A_57, %dma_start3A_61] : memref<56x2x128xi32, #tpu.memory_space<vmem>> -> memref<1x1x64xi32, #tpu.memory_space<vmem>>
      %dma_start3A_63 = tpu.memref_squeeze %dma_start3A_62 : memref<1x1x64xi32, #tpu.memory_space<vmem>> -> memref<64xi32, #tpu.memory_space<vmem>>
      %dma_start3A_64 = arith.constant 0 : i32
      %dma_start3A_65 = arith.constant 0 : i32
      %dma_start3A_66 = tpu.memref_slice %arg2[%dma_start3A_64, %dma_start3A_65] : memref<10112x128xf32, #tpu.memory_space<hbm>> -> memref<10112x128xf32, #tpu.memory_space<hbm>>
      tpu.enqueue_indirect_dma source(%dma_start3A_66 : memref<10112x128xf32, #tpu.memory_space<hbm>>) target(%dma_start3A_60 : memref<64x128xf32, #tpu.memory_space<vmem>>) offsets(%dma_start3A_63 : memref<64xi32, #tpu.memory_space<vmem>>) semaphore(%arg10 : memref<!tpu.dma_semaphore, #tpu.memory_space<semaphore_mem>>)
      %scan3A_67 = arith.constant 0 : i32
      %scan3A_68 = arith.constant 28 : i32
      %scan3A_69 = arith.addi %scan3A_67, %scan3A_68 : i32
      %scan3A_70 = arith.constant 1 : i32
      scf.for %scan3A_72 = %scan3A_67 to %scan3A_69 step %scan3A_70  : i32 {
        %mul3A_73 = arith.constant 2 : i32
        %mul3A_74 = arith.muli %scan3A_72, %mul3A_73 : i32
        %add3A_75 = arith.constant 0 : i32
        %add3A_76 = arith.addi %add3A_75, %mul3A_74 : i32
        %add3A_77 = arith.constant 0 : i32
        %add3A_78 = arith.addi %add3A_76, %add3A_77 : i32
        %add3A_79 = arith.constant 1 : i32
        %add3A_80 = arith.addi %add3A_78, %add3A_79 : i32
        %lt3A = arith.constant 56 : i32
        %lt3A_81 = arith.cmpi slt, %add3A_80, %lt3A : i32
        %convert_element_type3A_82 = arith.extui %lt3A_81 : i1 to i32
        %cond3A_83 = arith.constant 0 : i32
        %cond3A_84 = arith.cmpi ne, %convert_element_type3A_82, %cond3A_83 : i32
        scf.if %cond3A_84 {
          %add3A_135 = arith.constant 1 : i32
          %add3A_136 = arith.addi %add3A_78, %add3A_135 : i32
          %dma_start3A_137 = arith.constant 1 : i32
          %dma_start3A_138 = arith.constant 128 : i32
          %dma_start3A_139 = arith.constant 0 : i32
          %dma_start3A_140 = tpu.memref_slice %arg7[%dma_start3A_138, %dma_start3A_139] : memref<256x128xf32, #tpu.memory_space<vmem>> -> memref<64x128xf32, #tpu.memory_space<vmem>>
          %dma_start3A_141 = arith.constant 0 : i32
          %dma_start3A_142 = tpu.memref_slice %arg6[%add3A_136, %dma_start3A_137, %dma_start3A_141] : memref<56x2x128xi32, #tpu.memory_space<vmem>> -> memref<1x1x64xi32, #tpu.memory_space<vmem>>
          %dma_start3A_143 = tpu.memref_squeeze %dma_start3A_142 : memref<1x1x64xi32, #tpu.memory_space<vmem>> -> memref<64xi32, #tpu.memory_space<vmem>>
          %dma_start3A_144 = arith.constant 0 : i32
          %dma_start3A_145 = arith.constant 0 : i32
          %dma_start3A_146 = tpu.memref_slice %arg2[%dma_start3A_144, %dma_start3A_145] : memref<10112x128xf32, #tpu.memory_space<hbm>> -> memref<10112x128xf32, #tpu.memory_space<hbm>>
          tpu.enqueue_indirect_dma source(%dma_start3A_146 : memref<10112x128xf32, #tpu.memory_space<hbm>>) target(%dma_start3A_140 : memref<64x128xf32, #tpu.memory_space<vmem>>) offsets(%dma_start3A_143 : memref<64xi32, #tpu.memory_space<vmem>>) semaphore(%arg11 : memref<!tpu.dma_semaphore, #tpu.memory_space<semaphore_mem>>)
          %add3A_147 = arith.constant 1 : i32
          %add3A_148 = arith.addi %add3A_78, %add3A_147 : i32
          %dma_start3A_149 = arith.constant 1 : i32
          %dma_start3A_150 = arith.constant 192 : i32
          %dma_start3A_151 = arith.constant 0 : i32
          %dma_start3A_152 = tpu.memref_slice %arg7[%dma_start3A_150, %dma_start3A_151] : memref<256x128xf32, #tpu.memory_space<vmem>> -> memref<64x128xf32, #tpu.memory_space<vmem>>
          %dma_start3A_153 = arith.constant 64 : i32
          %dma_start3A_154 = tpu.memref_slice %arg6[%add3A_148, %dma_start3A_149, %dma_start3A_153] : memref<56x2x128xi32, #tpu.memory_space<vmem>> -> memref<1x1x64xi32, #tpu.memory_space<vmem>>
          %dma_start3A_155 = tpu.memref_squeeze %dma_start3A_154 : memref<1x1x64xi32, #tpu.memory_space<vmem>> -> memref<64xi32, #tpu.memory_space<vmem>>
          %dma_start3A_156 = arith.constant 0 : i32
          %dma_start3A_157 = arith.constant 0 : i32
          %dma_start3A_158 = tpu.memref_slice %arg2[%dma_start3A_156, %dma_start3A_157] : memref<10112x128xf32, #tpu.memory_space<hbm>> -> memref<10112x128xf32, #tpu.memory_space<hbm>>
          tpu.enqueue_indirect_dma source(%dma_start3A_158 : memref<10112x128xf32, #tpu.memory_space<hbm>>) target(%dma_start3A_152 : memref<64x128xf32, #tpu.memory_space<vmem>>) offsets(%dma_start3A_155 : memref<64xi32, #tpu.memory_space<vmem>>) semaphore(%arg12 : memref<!tpu.dma_semaphore, #tpu.memory_space<semaphore_mem>>)
        } else {
        }
        %dma_wait3A_85 = arith.constant 1 : i32
        %dma_wait3A_86 = arith.constant 0 : i32
        %dma_wait3A_87 = arith.constant 0 : i32
        %dma_wait3A_88 = tpu.memref_slice %arg7[%dma_wait3A_86, %dma_wait3A_87] : memref<256x128xf32, #tpu.memory_space<vmem>> -> memref<64x128xf32, #tpu.memory_space<vmem>>
        %dma_wait3A_89 = arith.constant 0 : i32
        %dma_wait3A_90 = tpu.memref_slice %arg6[%add3A_78, %dma_wait3A_85, %dma_wait3A_89] : memref<56x2x128xi32, #tpu.memory_space<vmem>> -> memref<1x1x64xi32, #tpu.memory_space<vmem>>
        %dma_wait3A_91 = tpu.memref_squeeze %dma_wait3A_90 : memref<1x1x64xi32, #tpu.memory_space<vmem>> -> memref<64xi32, #tpu.memory_space<vmem>>
        %dma_wait3A_92 = arith.constant 0 : i32
        %dma_wait3A_93 = arith.constant 0 : i32
        %dma_wait3A_94 = tpu.memref_slice %arg2[%dma_wait3A_92, %dma_wait3A_93] : memref<10112x128xf32, #tpu.memory_space<hbm>> -> memref<10112x128xf32, #tpu.memory_space<hbm>>
        tpu.wait_indirect_dma semaphore(%arg9 : memref<!tpu.dma_semaphore, #tpu.memory_space<semaphore_mem>>) src(%dma_wait3A_94 : memref<10112x128xf32, #tpu.memory_space<hbm>>) dst(%dma_wait3A_88 : memref<64x128xf32, #tpu.memory_space<vmem>>)
        %dma_wait3A_95 = arith.constant 1 : i32
        %dma_wait3A_96 = arith.constant 64 : i32
        %dma_wait3A_97 = arith.constant 0 : i32
        %dma_wait3A_98 = tpu.memref_slice %arg7[%dma_wait3A_96, %dma_wait3A_97] : memref<256x128xf32, #tpu.memory_space<vmem>> -> memref<64x128xf32, #tpu.memory_space<vmem>>
        %dma_wait3A_99 = arith.constant 64 : i32
        %dma_wait3A_100 = tpu.memref_slice %arg6[%add3A_78, %dma_wait3A_95, %dma_wait3A_99] : memref<56x2x128xi32, #tpu.memory_space<vmem>> -> memref<1x1x64xi32, #tpu.memory_space<vmem>>
        %dma_wait3A_101 = tpu.memref_squeeze %dma_wait3A_100 : memref<1x1x64xi32, #tpu.memory_space<vmem>> -> memref<64xi32, #tpu.memory_space<vmem>>
        %dma_wait3A_102 = arith.constant 0 : i32
        %dma_wait3A_103 = arith.constant 0 : i32
        %dma_wait3A_104 = tpu.memref_slice %arg2[%dma_wait3A_102, %dma_wait3A_103] : memref<10112x128xf32, #tpu.memory_space<hbm>> -> memref<10112x128xf32, #tpu.memory_space<hbm>>
        tpu.wait_indirect_dma semaphore(%arg10 : memref<!tpu.dma_semaphore, #tpu.memory_space<semaphore_mem>>) src(%dma_wait3A_104 : memref<10112x128xf32, #tpu.memory_space<hbm>>) dst(%dma_wait3A_98 : memref<64x128xf32, #tpu.memory_space<vmem>>)
        %run_scoped3A = arith.constant 0 : i32
        "tpu.region"() ({
          %run_scoped3A_135 = tpu.sem_alloc : memref<!tpu.dma_semaphore, #tpu.memory_space<semaphore_mem>>
          %dma_start3A_136 = arith.constant 0 : i32
          %dma_start3A_137 = arith.constant 0 : i32
          %dma_start3A_138 = tpu.memref_slice %arg7[%dma_start3A_136, %dma_start3A_137] : memref<256x128xf32, #tpu.memory_space<vmem>> -> memref<128x128xf32, #tpu.memory_space<vmem>>
          %dma_start3A_139 = arith.constant 0 : i32
          %dma_start3A_140 = tpu.memref_slice %arg6[%add3A_78, %run_scoped3A, %dma_start3A_139] : memref<56x2x128xi32, #tpu.memory_space<vmem>> -> memref<1x1x128xi32, #tpu.memory_space<vmem>>
          %dma_start3A_141 = tpu.memref_squeeze %dma_start3A_140 : memref<1x1x128xi32, #tpu.memory_space<vmem>> -> memref<128xi32, #tpu.memory_space<vmem>>
          %dma_start3A_142 = arith.constant 0 : i32
          %dma_start3A_143 = arith.constant 0 : i32
          %dma_start3A_144 = tpu.memref_slice %arg8[%dma_start3A_142, %dma_start3A_143] : memref<10112x128xf32, #tpu.memory_space<vmem_shared>> -> memref<10112x128xf32, #tpu.memory_space<vmem_shared>>
          tpu.enqueue_indirect_dma source(%dma_start3A_138 : memref<128x128xf32, #tpu.memory_space<vmem>>) target(%dma_start3A_144 : memref<10112x128xf32, #tpu.memory_space<vmem_shared>>) offsets(%dma_start3A_141 : memref<128xi32, #tpu.memory_space<vmem>>) semaphore(%run_scoped3A_135 : memref<!tpu.dma_semaphore, #tpu.memory_space<semaphore_mem>>) {add = true}
          %dma_wait3A_145 = arith.constant 0 : i32
          %dma_wait3A_146 = arith.constant 0 : i32
          %dma_wait3A_147 = tpu.memref_slice %arg7[%dma_wait3A_145, %dma_wait3A_146] : memref<256x128xf32, #tpu.memory_space<vmem>> -> memref<128x128xf32, #tpu.memory_space<vmem>>
          %dma_wait3A_148 = arith.constant 0 : i32
          %dma_wait3A_149 = tpu.memref_slice %arg6[%add3A_78, %run_scoped3A, %dma_wait3A_148] : memref<56x2x128xi32, #tpu.memory_space<vmem>> -> memref<1x1x128xi32, #tpu.memory_space<vmem>>
          %dma_wait3A_150 = tpu.memref_squeeze %dma_wait3A_149 : memref<1x1x128xi32, #tpu.memory_space<vmem>> -> memref<128xi32, #tpu.memory_space<vmem>>
          %dma_wait3A_151 = arith.constant 0 : i32
          %dma_wait3A_152 = arith.constant 0 : i32
          %dma_wait3A_153 = tpu.memref_slice %arg8[%dma_wait3A_151, %dma_wait3A_152] : memref<10112x128xf32, #tpu.memory_space<vmem_shared>> -> memref<10112x128xf32, #tpu.memory_space<vmem_shared>>
          tpu.wait_indirect_dma semaphore(%run_scoped3A_135 : memref<!tpu.dma_semaphore, #tpu.memory_space<semaphore_mem>>) src(%dma_wait3A_147 : memref<128x128xf32, #tpu.memory_space<vmem>>) dst(%dma_wait3A_153 : memref<10112x128xf32, #tpu.memory_space<vmem_shared>>)
          tpu.yield
        }) : () -> ()
        %add3A_105 = arith.constant 1 : i32
        %add3A_106 = arith.addi %add3A_76, %add3A_105 : i32
        %add3A_107 = arith.constant 1 : i32
        %add3A_108 = arith.addi %add3A_106, %add3A_107 : i32
        %lt3A_109 = arith.constant 56 : i32
        %lt3A_110 = arith.cmpi slt, %add3A_108, %lt3A_109 : i32
        %convert_element_type3A_111 = arith.extui %lt3A_110 : i1 to i32
        %cond3A_112 = arith.constant 0 : i32
        %cond3A_113 = arith.cmpi ne, %convert_element_type3A_111, %cond3A_112 : i32
        scf.if %cond3A_113 {
          %add3A_135 = arith.constant 1 : i32
          %add3A_136 = arith.addi %add3A_106, %add3A_135 : i32
          %dma_start3A_137 = arith.constant 1 : i32
          %dma_start3A_138 = arith.constant 0 : i32
          %dma_start3A_139 = arith.constant 0 : i32
          %dma_start3A_140 = tpu.memref_slice %arg7[%dma_start3A_138, %dma_start3A_139] : memref<256x128xf32, #tpu.memory_space<vmem>> -> memref<64x128xf32, #tpu.memory_space<vmem>>
          %dma_start3A_141 = arith.constant 0 : i32
          %dma_start3A_142 = tpu.memref_slice %arg6[%add3A_136, %dma_start3A_137, %dma_start3A_141] : memref<56x2x128xi32, #tpu.memory_space<vmem>> -> memref<1x1x64xi32, #tpu.memory_space<vmem>>
          %dma_start3A_143 = tpu.memref_squeeze %dma_start3A_142 : memref<1x1x64xi32, #tpu.memory_space<vmem>> -> memref<64xi32, #tpu.memory_space<vmem>>
          %dma_start3A_144 = arith.constant 0 : i32
          %dma_start3A_145 = arith.constant 0 : i32
          %dma_start3A_146 = tpu.memref_slice %arg2[%dma_start3A_144, %dma_start3A_145] : memref<10112x128xf32, #tpu.memory_space<hbm>> -> memref<10112x128xf32, #tpu.memory_space<hbm>>
          tpu.enqueue_indirect_dma source(%dma_start3A_146 : memref<10112x128xf32, #tpu.memory_space<hbm>>) target(%dma_start3A_140 : memref<64x128xf32, #tpu.memory_space<vmem>>) offsets(%dma_start3A_143 : memref<64xi32, #tpu.memory_space<vmem>>) semaphore(%arg9 : memref<!tpu.dma_semaphore, #tpu.memory_space<semaphore_mem>>)
          %add3A_147 = arith.constant 1 : i32
          %add3A_148 = arith.addi %add3A_106, %add3A_147 : i32
          %dma_start3A_149 = arith.constant 1 : i32
          %dma_start3A_150 = arith.constant 64 : i32
          %dma_start3A_151 = arith.constant 0 : i32
          %dma_start3A_152 = tpu.memref_slice %arg7[%dma_start3A_150, %dma_start3A_151] : memref<256x128xf32, #tpu.memory_space<vmem>> -> memref<64x128xf32, #tpu.memory_space<vmem>>
          %dma_start3A_153 = arith.constant 64 : i32
          %dma_start3A_154 = tpu.memref_slice %arg6[%add3A_148, %dma_start3A_149, %dma_start3A_153] : memref<56x2x128xi32, #tpu.memory_space<vmem>> -> memref<1x1x64xi32, #tpu.memory_space<vmem>>
          %dma_start3A_155 = tpu.memref_squeeze %dma_start3A_154 : memref<1x1x64xi32, #tpu.memory_space<vmem>> -> memref<64xi32, #tpu.memory_space<vmem>>
          %dma_start3A_156 = arith.constant 0 : i32
          %dma_start3A_157 = arith.constant 0 : i32
          %dma_start3A_158 = tpu.memref_slice %arg2[%dma_start3A_156, %dma_start3A_157] : memref<10112x128xf32, #tpu.memory_space<hbm>> -> memref<10112x128xf32, #tpu.memory_space<hbm>>
          tpu.enqueue_indirect_dma source(%dma_start3A_158 : memref<10112x128xf32, #tpu.memory_space<hbm>>) target(%dma_start3A_152 : memref<64x128xf32, #tpu.memory_space<vmem>>) offsets(%dma_start3A_155 : memref<64xi32, #tpu.memory_space<vmem>>) semaphore(%arg10 : memref<!tpu.dma_semaphore, #tpu.memory_space<semaphore_mem>>)
        } else {
        }
        %dma_wait3A_114 = arith.constant 1 : i32
        %dma_wait3A_115 = arith.constant 128 : i32
        %dma_wait3A_116 = arith.constant 0 : i32
        %dma_wait3A_117 = tpu.memref_slice %arg7[%dma_wait3A_115, %dma_wait3A_116] : memref<256x128xf32, #tpu.memory_space<vmem>> -> memref<64x128xf32, #tpu.memory_space<vmem>>
        %dma_wait3A_118 = arith.constant 0 : i32
        %dma_wait3A_119 = tpu.memref_slice %arg6[%add3A_106, %dma_wait3A_114, %dma_wait3A_118] : memref<56x2x128xi32, #tpu.memory_space<vmem>> -> memref<1x1x64xi32, #tpu.memory_space<vmem>>
        %dma_wait3A_120 = tpu.memref_squeeze %dma_wait3A_119 : memref<1x1x64xi32, #tpu.memory_space<vmem>> -> memref<64xi32, #tpu.memory_space<vmem>>
        %dma_wait3A_121 = arith.constant 0 : i32
        %dma_wait3A_122 = arith.constant 0 : i32
        %dma_wait3A_123 = tpu.memref_slice %arg2[%dma_wait3A_121, %dma_wait3A_122] : memref<10112x128xf32, #tpu.memory_space<hbm>> -> memref<10112x128xf32, #tpu.memory_space<hbm>>
        tpu.wait_indirect_dma semaphore(%arg11 : memref<!tpu.dma_semaphore, #tpu.memory_space<semaphore_mem>>) src(%dma_wait3A_123 : memref<10112x128xf32, #tpu.memory_space<hbm>>) dst(%dma_wait3A_117 : memref<64x128xf32, #tpu.memory_space<vmem>>)
        %dma_wait3A_124 = arith.constant 1 : i32
        %dma_wait3A_125 = arith.constant 192 : i32
        %dma_wait3A_126 = arith.constant 0 : i32
        %dma_wait3A_127 = tpu.memref_slice %arg7[%dma_wait3A_125, %dma_wait3A_126] : memref<256x128xf32, #tpu.memory_space<vmem>> -> memref<64x128xf32, #tpu.memory_space<vmem>>
        %dma_wait3A_128 = arith.constant 64 : i32
        %dma_wait3A_129 = tpu.memref_slice %arg6[%add3A_106, %dma_wait3A_124, %dma_wait3A_128] : memref<56x2x128xi32, #tpu.memory_space<vmem>> -> memref<1x1x64xi32, #tpu.memory_space<vmem>>
        %dma_wait3A_130 = tpu.memref_squeeze %dma_wait3A_129 : memref<1x1x64xi32, #tpu.memory_space<vmem>> -> memref<64xi32, #tpu.memory_space<vmem>>
        %dma_wait3A_131 = arith.constant 0 : i32
        %dma_wait3A_132 = arith.constant 0 : i32
        %dma_wait3A_133 = tpu.memref_slice %arg2[%dma_wait3A_131, %dma_wait3A_132] : memref<10112x128xf32, #tpu.memory_space<hbm>> -> memref<10112x128xf32, #tpu.memory_space<hbm>>
        tpu.wait_indirect_dma semaphore(%arg12 : memref<!tpu.dma_semaphore, #tpu.memory_space<semaphore_mem>>) src(%dma_wait3A_133 : memref<10112x128xf32, #tpu.memory_space<hbm>>) dst(%dma_wait3A_127 : memref<64x128xf32, #tpu.memory_space<vmem>>)
        %run_scoped3A_134 = arith.constant 0 : i32
        "tpu.region"() ({
          %run_scoped3A_135 = tpu.sem_alloc : memref<!tpu.dma_semaphore, #tpu.memory_space<semaphore_mem>>
          %dma_start3A_136 = arith.constant 128 : i32
          %dma_start3A_137 = arith.constant 0 : i32
          %dma_start3A_138 = tpu.memref_slice %arg7[%dma_start3A_136, %dma_start3A_137] : memref<256x128xf32, #tpu.memory_space<vmem>> -> memref<128x128xf32, #tpu.memory_space<vmem>>
          %dma_start3A_139 = arith.constant 0 : i32
          %dma_start3A_140 = tpu.memref_slice %arg6[%add3A_106, %run_scoped3A_134, %dma_start3A_139] : memref<56x2x128xi32, #tpu.memory_space<vmem>> -> memref<1x1x128xi32, #tpu.memory_space<vmem>>
          %dma_start3A_141 = tpu.memref_squeeze %dma_start3A_140 : memref<1x1x128xi32, #tpu.memory_space<vmem>> -> memref<128xi32, #tpu.memory_space<vmem>>
          %dma_start3A_142 = arith.constant 0 : i32
          %dma_start3A_143 = arith.constant 0 : i32
          %dma_start3A_144 = tpu.memref_slice %arg8[%dma_start3A_142, %dma_start3A_143] : memref<10112x128xf32, #tpu.memory_space<vmem_shared>> -> memref<10112x128xf32, #tpu.memory_space<vmem_shared>>
          tpu.enqueue_indirect_dma source(%dma_start3A_138 : memref<128x128xf32, #tpu.memory_space<vmem>>) target(%dma_start3A_144 : memref<10112x128xf32, #tpu.memory_space<vmem_shared>>) offsets(%dma_start3A_141 : memref<128xi32, #tpu.memory_space<vmem>>) semaphore(%run_scoped3A_135 : memref<!tpu.dma_semaphore, #tpu.memory_space<semaphore_mem>>) {add = true}
          %dma_wait3A_145 = arith.constant 128 : i32
          %dma_wait3A_146 = arith.constant 0 : i32
          %dma_wait3A_147 = tpu.memref_slice %arg7[%dma_wait3A_145, %dma_wait3A_146] : memref<256x128xf32, #tpu.memory_space<vmem>> -> memref<128x128xf32, #tpu.memory_space<vmem>>
          %dma_wait3A_148 = arith.constant 0 : i32
          %dma_wait3A_149 = tpu.memref_slice %arg6[%add3A_106, %run_scoped3A_134, %dma_wait3A_148] : memref<56x2x128xi32, #tpu.memory_space<vmem>> -> memref<1x1x128xi32, #tpu.memory_space<vmem>>
          %dma_wait3A_150 = tpu.memref_squeeze %dma_wait3A_149 : memref<1x1x128xi32, #tpu.memory_space<vmem>> -> memref<128xi32, #tpu.memory_space<vmem>>
          %dma_wait3A_151 = arith.constant 0 : i32
          %dma_wait3A_152 = arith.constant 0 : i32
          %dma_wait3A_153 = tpu.memref_slice %arg8[%dma_wait3A_151, %dma_wait3A_152] : memref<10112x128xf32, #tpu.memory_space<vmem_shared>> -> memref<10112x128xf32, #tpu.memory_space<vmem_shared>>
          tpu.wait_indirect_dma semaphore(%run_scoped3A_135 : memref<!tpu.dma_semaphore, #tpu.memory_space<semaphore_mem>>) src(%dma_wait3A_147 : memref<128x128xf32, #tpu.memory_space<vmem>>) dst(%dma_wait3A_153 : memref<10112x128xf32, #tpu.memory_space<vmem_shared>>)
          tpu.yield
        }) : () -> ()
      }
      %scan3A_71 = arith.constant 28 : i32
    } else {
    }
    %ne3A = arith.constant 0 : i32
    %ne3A_4 = arith.cmpi ne, %arg0, %ne3A : i32
    %convert_element_type3A_5 = arith.extui %ne3A_4 : i1 to i32
    %cond3A_6 = arith.constant 0 : i32
    %cond3A_7 = arith.cmpi ne, %convert_element_type3A_5, %cond3A_6 : i32
    scf.if %cond3A_7 {
      %mul3A_12 = arith.constant 48 : i32
      %mul3A_13 = arith.muli %arg1, %mul3A_12 : i32
      %add3A = arith.constant 1792 : i32
      %add3A_14 = arith.addi %add3A, %mul3A_13 : i32
      %add3A_15 = arith.constant 0 : i32
      %add3A_16 = arith.addi %add3A_14, %add3A_15 : i32
      "tpu.region"() ({
        %run_scoped3A = tpu.sem_alloc : memref<!tpu.dma_semaphore, #tpu.memory_space<semaphore_mem>>
        %dma_start3A_74 = arith.constant 0 : i32
        %dma_start3A_75 = arith.constant 0 : i32
        %dma_start3A_76 = arith.constant 0 : i32
        %dma_start3A_77 = tpu.memref_slice %arg6[%dma_start3A_74, %dma_start3A_75, %dma_start3A_76] : memref<56x2x128xi32, #tpu.memory_space<vmem>> -> memref<24x2x128xi32, #tpu.memory_space<vmem>>
        %dma_start3A_78 = arith.constant 0 : i32
        %dma_start3A_79 = arith.constant 0 : i32
        %dma_start3A_80 = tpu.memref_slice %arg3[%add3A_16, %dma_start3A_78, %dma_start3A_79] : memref<2560x2x128xi32, #tpu.memory_space<hbm>> -> memref<24x2x128xi32, #tpu.memory_space<hbm>>
        %dma_start3A_81 = arith.constant 0 : i32
        %dma_start3A_82 = arith.constant 0 : i32
        %dma_start3A_83 = arith.constant 0 : i32
        %dma_start3A_84 = tpu.memref_slice %arg6[%dma_start3A_81, %dma_start3A_82, %dma_start3A_83] : memref<56x2x128xi32, #tpu.memory_space<vmem>> -> memref<24x2x128xi32, #tpu.memory_space<vmem>>
        %dma_start3A_85 = arith.constant 0 : i32
        %dma_start3A_86 = arith.constant 0 : i32
        %dma_start3A_87 = tpu.memref_slice %arg3[%add3A_16, %dma_start3A_85, %dma_start3A_86] : memref<2560x2x128xi32, #tpu.memory_space<hbm>> -> memref<24x2x128xi32, #tpu.memory_space<hbm>>
        tpu.enqueue_dma source(%dma_start3A_87 : memref<24x2x128xi32, #tpu.memory_space<hbm>>) target(%dma_start3A_84 : memref<24x2x128xi32, #tpu.memory_space<vmem>>) target_semaphore(%run_scoped3A : memref<!tpu.dma_semaphore, #tpu.memory_space<semaphore_mem>>)
        %dma_wait3A_88 = arith.constant 0 : i32
        %dma_wait3A_89 = arith.constant 0 : i32
        %dma_wait3A_90 = arith.constant 0 : i32
        %dma_wait3A_91 = tpu.memref_slice %arg6[%dma_wait3A_88, %dma_wait3A_89, %dma_wait3A_90] : memref<56x2x128xi32, #tpu.memory_space<vmem>> -> memref<24x2x128xi32, #tpu.memory_space<vmem>>
        %dma_wait3A_92 = arith.constant 0 : i32
        %dma_wait3A_93 = arith.constant 0 : i32
        %dma_wait3A_94 = tpu.memref_slice %arg3[%add3A_16, %dma_wait3A_92, %dma_wait3A_93] : memref<2560x2x128xi32, #tpu.memory_space<hbm>> -> memref<24x2x128xi32, #tpu.memory_space<hbm>>
        %dma_wait3A_95 = arith.constant 0 : i32
        %dma_wait3A_96 = arith.constant 0 : i32
        %dma_wait3A_97 = arith.constant 0 : i32
        %dma_wait3A_98 = tpu.memref_slice %arg6[%dma_wait3A_95, %dma_wait3A_96, %dma_wait3A_97] : memref<56x2x128xi32, #tpu.memory_space<vmem>> -> memref<24x2x128xi32, #tpu.memory_space<vmem>>
        %dma_wait3A_99 = arith.constant 0 : i32
        %dma_wait3A_100 = arith.constant 0 : i32
        %dma_wait3A_101 = tpu.memref_slice %arg3[%add3A_16, %dma_wait3A_99, %dma_wait3A_100] : memref<2560x2x128xi32, #tpu.memory_space<hbm>> -> memref<24x2x128xi32, #tpu.memory_space<hbm>>
        tpu.wait_dma2 semaphore(%run_scoped3A : memref<!tpu.dma_semaphore, #tpu.memory_space<semaphore_mem>>) src(%dma_wait3A_101 : memref<24x2x128xi32, #tpu.memory_space<hbm>>) dst(%dma_wait3A_98 : memref<24x2x128xi32, #tpu.memory_space<vmem>>)
        tpu.yield
      }) : () -> ()
      %dma_start3A_17 = arith.constant 0 : i32
      %dma_start3A_18 = arith.constant 1 : i32
      %dma_start3A_19 = arith.constant 0 : i32
      %dma_start3A_20 = arith.constant 0 : i32
      %dma_start3A_21 = tpu.memref_slice %arg7[%dma_start3A_19, %dma_start3A_20] : memref<256x128xf32, #tpu.memory_space<vmem>> -> memref<64x128xf32, #tpu.memory_space<vmem>>
      %dma_start3A_22 = arith.constant 0 : i32
      %dma_start3A_23 = tpu.memref_slice %arg6[%dma_start3A_17, %dma_start3A_18, %dma_start3A_22] : memref<56x2x128xi32, #tpu.memory_space<vmem>> -> memref<1x1x64xi32, #tpu.memory_space<vmem>>
      %dma_start3A_24 = tpu.memref_squeeze %dma_start3A_23 : memref<1x1x64xi32, #tpu.memory_space<vmem>> -> memref<64xi32, #tpu.memory_space<vmem>>
      %dma_start3A_25 = arith.constant 0 : i32
      %dma_start3A_26 = arith.constant 0 : i32
      %dma_start3A_27 = tpu.memref_slice %arg2[%dma_start3A_25, %dma_start3A_26] : memref<10112x128xf32, #tpu.memory_space<hbm>> -> memref<10112x128xf32, #tpu.memory_space<hbm>>
      tpu.enqueue_indirect_dma source(%dma_start3A_27 : memref<10112x128xf32, #tpu.memory_space<hbm>>) target(%dma_start3A_21 : memref<64x128xf32, #tpu.memory_space<vmem>>) offsets(%dma_start3A_24 : memref<64xi32, #tpu.memory_space<vmem>>) semaphore(%arg9 : memref<!tpu.dma_semaphore, #tpu.memory_space<semaphore_mem>>)
      %dma_start3A_28 = arith.constant 0 : i32
      %dma_start3A_29 = arith.constant 1 : i32
      %dma_start3A_30 = arith.constant 64 : i32
      %dma_start3A_31 = arith.constant 0 : i32
      %dma_start3A_32 = tpu.memref_slice %arg7[%dma_start3A_30, %dma_start3A_31] : memref<256x128xf32, #tpu.memory_space<vmem>> -> memref<64x128xf32, #tpu.memory_space<vmem>>
      %dma_start3A_33 = arith.constant 64 : i32
      %dma_start3A_34 = tpu.memref_slice %arg6[%dma_start3A_28, %dma_start3A_29, %dma_start3A_33] : memref<56x2x128xi32, #tpu.memory_space<vmem>> -> memref<1x1x64xi32, #tpu.memory_space<vmem>>
      %dma_start3A_35 = tpu.memref_squeeze %dma_start3A_34 : memref<1x1x64xi32, #tpu.memory_space<vmem>> -> memref<64xi32, #tpu.memory_space<vmem>>
      %dma_start3A_36 = arith.constant 0 : i32
      %dma_start3A_37 = arith.constant 0 : i32
      %dma_start3A_38 = tpu.memref_slice %arg2[%dma_start3A_36, %dma_start3A_37] : memref<10112x128xf32, #tpu.memory_space<hbm>> -> memref<10112x128xf32, #tpu.memory_space<hbm>>
      tpu.enqueue_indirect_dma source(%dma_start3A_38 : memref<10112x128xf32, #tpu.memory_space<hbm>>) target(%dma_start3A_32 : memref<64x128xf32, #tpu.memory_space<vmem>>) offsets(%dma_start3A_35 : memref<64xi32, #tpu.memory_space<vmem>>) semaphore(%arg10 : memref<!tpu.dma_semaphore, #tpu.memory_space<semaphore_mem>>)
      %dma_wait3A = arith.constant 0 : i32
      %dma_wait3A_39 = tpu.memref_slice %arg8[%mul3A_0, %dma_wait3A] : memref<10112x128xf32, #tpu.memory_space<vmem_shared>> -> memref<632x128xf32, #tpu.memory_space<vmem_shared>>
      tpu.wait_dma2 semaphore(%arg13 : memref<!tpu.dma_semaphore, #tpu.memory_space<semaphore_mem>>) src(%arg4 : memref<632x128xf32, #tpu.memory_space<hbm>>) dst(%dma_wait3A_39 : memref<632x128xf32, #tpu.memory_space<vmem_shared>>)
      %barrier3A_40 = arith.constant 0 : index
      tpu.barrier barrier_id(%barrier3A_40)
      %scan3A = arith.constant 0 : i32
      %scan3A_41 = arith.constant 12 : i32
      %scan3A_42 = arith.addi %scan3A, %scan3A_41 : i32
      %scan3A_43 = arith.constant 1 : i32
      scf.for %scan3A_74 = %scan3A to %scan3A_42 step %scan3A_43  : i32 {
        %mul3A_75 = arith.constant 2 : i32
        %mul3A_76 = arith.muli %scan3A_74, %mul3A_75 : i32
        %add3A_77 = arith.constant 0 : i32
        %add3A_78 = arith.addi %add3A_77, %mul3A_76 : i32
        %add3A_79 = arith.constant 0 : i32
        %add3A_80 = arith.addi %add3A_78, %add3A_79 : i32
        %add3A_81 = arith.constant 1 : i32
        %add3A_82 = arith.addi %add3A_80, %add3A_81 : i32
        %lt3A = arith.constant 24 : i32
        %lt3A_83 = arith.cmpi slt, %add3A_82, %lt3A : i32
        %convert_element_type3A_84 = arith.extui %lt3A_83 : i1 to i32
        %cond3A_85 = arith.constant 0 : i32
        %cond3A_86 = arith.cmpi ne, %convert_element_type3A_84, %cond3A_85 : i32
        scf.if %cond3A_86 {
          %add3A_137 = arith.constant 1 : i32
          %add3A_138 = arith.addi %add3A_80, %add3A_137 : i32
          %dma_start3A_139 = arith.constant 1 : i32
          %dma_start3A_140 = arith.constant 128 : i32
          %dma_start3A_141 = arith.constant 0 : i32
          %dma_start3A_142 = tpu.memref_slice %arg7[%dma_start3A_140, %dma_start3A_141] : memref<256x128xf32, #tpu.memory_space<vmem>> -> memref<64x128xf32, #tpu.memory_space<vmem>>
          %dma_start3A_143 = arith.constant 0 : i32
          %dma_start3A_144 = tpu.memref_slice %arg6[%add3A_138, %dma_start3A_139, %dma_start3A_143] : memref<56x2x128xi32, #tpu.memory_space<vmem>> -> memref<1x1x64xi32, #tpu.memory_space<vmem>>
          %dma_start3A_145 = tpu.memref_squeeze %dma_start3A_144 : memref<1x1x64xi32, #tpu.memory_space<vmem>> -> memref<64xi32, #tpu.memory_space<vmem>>
          %dma_start3A_146 = arith.constant 0 : i32
          %dma_start3A_147 = arith.constant 0 : i32
          %dma_start3A_148 = tpu.memref_slice %arg2[%dma_start3A_146, %dma_start3A_147] : memref<10112x128xf32, #tpu.memory_space<hbm>> -> memref<10112x128xf32, #tpu.memory_space<hbm>>
          tpu.enqueue_indirect_dma source(%dma_start3A_148 : memref<10112x128xf32, #tpu.memory_space<hbm>>) target(%dma_start3A_142 : memref<64x128xf32, #tpu.memory_space<vmem>>) offsets(%dma_start3A_145 : memref<64xi32, #tpu.memory_space<vmem>>) semaphore(%arg11 : memref<!tpu.dma_semaphore, #tpu.memory_space<semaphore_mem>>)
          %add3A_149 = arith.constant 1 : i32
          %add3A_150 = arith.addi %add3A_80, %add3A_149 : i32
          %dma_start3A_151 = arith.constant 1 : i32
          %dma_start3A_152 = arith.constant 192 : i32
          %dma_start3A_153 = arith.constant 0 : i32
          %dma_start3A_154 = tpu.memref_slice %arg7[%dma_start3A_152, %dma_start3A_153] : memref<256x128xf32, #tpu.memory_space<vmem>> -> memref<64x128xf32, #tpu.memory_space<vmem>>
          %dma_start3A_155 = arith.constant 64 : i32
          %dma_start3A_156 = tpu.memref_slice %arg6[%add3A_150, %dma_start3A_151, %dma_start3A_155] : memref<56x2x128xi32, #tpu.memory_space<vmem>> -> memref<1x1x64xi32, #tpu.memory_space<vmem>>
          %dma_start3A_157 = tpu.memref_squeeze %dma_start3A_156 : memref<1x1x64xi32, #tpu.memory_space<vmem>> -> memref<64xi32, #tpu.memory_space<vmem>>
          %dma_start3A_158 = arith.constant 0 : i32
          %dma_start3A_159 = arith.constant 0 : i32
          %dma_start3A_160 = tpu.memref_slice %arg2[%dma_start3A_158, %dma_start3A_159] : memref<10112x128xf32, #tpu.memory_space<hbm>> -> memref<10112x128xf32, #tpu.memory_space<hbm>>
          tpu.enqueue_indirect_dma source(%dma_start3A_160 : memref<10112x128xf32, #tpu.memory_space<hbm>>) target(%dma_start3A_154 : memref<64x128xf32, #tpu.memory_space<vmem>>) offsets(%dma_start3A_157 : memref<64xi32, #tpu.memory_space<vmem>>) semaphore(%arg12 : memref<!tpu.dma_semaphore, #tpu.memory_space<semaphore_mem>>)
        } else {
        }
        %dma_wait3A_87 = arith.constant 1 : i32
        %dma_wait3A_88 = arith.constant 0 : i32
        %dma_wait3A_89 = arith.constant 0 : i32
        %dma_wait3A_90 = tpu.memref_slice %arg7[%dma_wait3A_88, %dma_wait3A_89] : memref<256x128xf32, #tpu.memory_space<vmem>> -> memref<64x128xf32, #tpu.memory_space<vmem>>
        %dma_wait3A_91 = arith.constant 0 : i32
        %dma_wait3A_92 = tpu.memref_slice %arg6[%add3A_80, %dma_wait3A_87, %dma_wait3A_91] : memref<56x2x128xi32, #tpu.memory_space<vmem>> -> memref<1x1x64xi32, #tpu.memory_space<vmem>>
        %dma_wait3A_93 = tpu.memref_squeeze %dma_wait3A_92 : memref<1x1x64xi32, #tpu.memory_space<vmem>> -> memref<64xi32, #tpu.memory_space<vmem>>
        %dma_wait3A_94 = arith.constant 0 : i32
        %dma_wait3A_95 = arith.constant 0 : i32
        %dma_wait3A_96 = tpu.memref_slice %arg2[%dma_wait3A_94, %dma_wait3A_95] : memref<10112x128xf32, #tpu.memory_space<hbm>> -> memref<10112x128xf32, #tpu.memory_space<hbm>>
        tpu.wait_indirect_dma semaphore(%arg9 : memref<!tpu.dma_semaphore, #tpu.memory_space<semaphore_mem>>) src(%dma_wait3A_96 : memref<10112x128xf32, #tpu.memory_space<hbm>>) dst(%dma_wait3A_90 : memref<64x128xf32, #tpu.memory_space<vmem>>)
        %dma_wait3A_97 = arith.constant 1 : i32
        %dma_wait3A_98 = arith.constant 64 : i32
        %dma_wait3A_99 = arith.constant 0 : i32
        %dma_wait3A_100 = tpu.memref_slice %arg7[%dma_wait3A_98, %dma_wait3A_99] : memref<256x128xf32, #tpu.memory_space<vmem>> -> memref<64x128xf32, #tpu.memory_space<vmem>>
        %dma_wait3A_101 = arith.constant 64 : i32
        %dma_wait3A_102 = tpu.memref_slice %arg6[%add3A_80, %dma_wait3A_97, %dma_wait3A_101] : memref<56x2x128xi32, #tpu.memory_space<vmem>> -> memref<1x1x64xi32, #tpu.memory_space<vmem>>
        %dma_wait3A_103 = tpu.memref_squeeze %dma_wait3A_102 : memref<1x1x64xi32, #tpu.memory_space<vmem>> -> memref<64xi32, #tpu.memory_space<vmem>>
        %dma_wait3A_104 = arith.constant 0 : i32
        %dma_wait3A_105 = arith.constant 0 : i32
        %dma_wait3A_106 = tpu.memref_slice %arg2[%dma_wait3A_104, %dma_wait3A_105] : memref<10112x128xf32, #tpu.memory_space<hbm>> -> memref<10112x128xf32, #tpu.memory_space<hbm>>
        tpu.wait_indirect_dma semaphore(%arg10 : memref<!tpu.dma_semaphore, #tpu.memory_space<semaphore_mem>>) src(%dma_wait3A_106 : memref<10112x128xf32, #tpu.memory_space<hbm>>) dst(%dma_wait3A_100 : memref<64x128xf32, #tpu.memory_space<vmem>>)
        %run_scoped3A = arith.constant 0 : i32
        "tpu.region"() ({
          %run_scoped3A_137 = tpu.sem_alloc : memref<!tpu.dma_semaphore, #tpu.memory_space<semaphore_mem>>
          %dma_start3A_138 = arith.constant 0 : i32
          %dma_start3A_139 = arith.constant 0 : i32
          %dma_start3A_140 = tpu.memref_slice %arg7[%dma_start3A_138, %dma_start3A_139] : memref<256x128xf32, #tpu.memory_space<vmem>> -> memref<128x128xf32, #tpu.memory_space<vmem>>
          %dma_start3A_141 = arith.constant 0 : i32
          %dma_start3A_142 = tpu.memref_slice %arg6[%add3A_80, %run_scoped3A, %dma_start3A_141] : memref<56x2x128xi32, #tpu.memory_space<vmem>> -> memref<1x1x128xi32, #tpu.memory_space<vmem>>
          %dma_start3A_143 = tpu.memref_squeeze %dma_start3A_142 : memref<1x1x128xi32, #tpu.memory_space<vmem>> -> memref<128xi32, #tpu.memory_space<vmem>>
          %dma_start3A_144 = arith.constant 0 : i32
          %dma_start3A_145 = arith.constant 0 : i32
          %dma_start3A_146 = tpu.memref_slice %arg8[%dma_start3A_144, %dma_start3A_145] : memref<10112x128xf32, #tpu.memory_space<vmem_shared>> -> memref<10112x128xf32, #tpu.memory_space<vmem_shared>>
          tpu.enqueue_indirect_dma source(%dma_start3A_140 : memref<128x128xf32, #tpu.memory_space<vmem>>) target(%dma_start3A_146 : memref<10112x128xf32, #tpu.memory_space<vmem_shared>>) offsets(%dma_start3A_143 : memref<128xi32, #tpu.memory_space<vmem>>) semaphore(%run_scoped3A_137 : memref<!tpu.dma_semaphore, #tpu.memory_space<semaphore_mem>>) {add = true}
          %dma_wait3A_147 = arith.constant 0 : i32
          %dma_wait3A_148 = arith.constant 0 : i32
          %dma_wait3A_149 = tpu.memref_slice %arg7[%dma_wait3A_147, %dma_wait3A_148] : memref<256x128xf32, #tpu.memory_space<vmem>> -> memref<128x128xf32, #tpu.memory_space<vmem>>
          %dma_wait3A_150 = arith.constant 0 : i32
          %dma_wait3A_151 = tpu.memref_slice %arg6[%add3A_80, %run_scoped3A, %dma_wait3A_150] : memref<56x2x128xi32, #tpu.memory_space<vmem>> -> memref<1x1x128xi32, #tpu.memory_space<vmem>>
          %dma_wait3A_152 = tpu.memref_squeeze %dma_wait3A_151 : memref<1x1x128xi32, #tpu.memory_space<vmem>> -> memref<128xi32, #tpu.memory_space<vmem>>
          %dma_wait3A_153 = arith.constant 0 : i32
          %dma_wait3A_154 = arith.constant 0 : i32
          %dma_wait3A_155 = tpu.memref_slice %arg8[%dma_wait3A_153, %dma_wait3A_154] : memref<10112x128xf32, #tpu.memory_space<vmem_shared>> -> memref<10112x128xf32, #tpu.memory_space<vmem_shared>>
          tpu.wait_indirect_dma semaphore(%run_scoped3A_137 : memref<!tpu.dma_semaphore, #tpu.memory_space<semaphore_mem>>) src(%dma_wait3A_149 : memref<128x128xf32, #tpu.memory_space<vmem>>) dst(%dma_wait3A_155 : memref<10112x128xf32, #tpu.memory_space<vmem_shared>>)
          tpu.yield
        }) : () -> ()
        %add3A_107 = arith.constant 1 : i32
        %add3A_108 = arith.addi %add3A_78, %add3A_107 : i32
        %add3A_109 = arith.constant 1 : i32
        %add3A_110 = arith.addi %add3A_108, %add3A_109 : i32
        %lt3A_111 = arith.constant 24 : i32
        %lt3A_112 = arith.cmpi slt, %add3A_110, %lt3A_111 : i32
        %convert_element_type3A_113 = arith.extui %lt3A_112 : i1 to i32
        %cond3A_114 = arith.constant 0 : i32
        %cond3A_115 = arith.cmpi ne, %convert_element_type3A_113, %cond3A_114 : i32
        scf.if %cond3A_115 {
          %add3A_137 = arith.constant 1 : i32
          %add3A_138 = arith.addi %add3A_108, %add3A_137 : i32
          %dma_start3A_139 = arith.constant 1 : i32
          %dma_start3A_140 = arith.constant 0 : i32
          %dma_start3A_141 = arith.constant 0 : i32
          %dma_start3A_142 = tpu.memref_slice %arg7[%dma_start3A_140, %dma_start3A_141] : memref<256x128xf32, #tpu.memory_space<vmem>> -> memref<64x128xf32, #tpu.memory_space<vmem>>
          %dma_start3A_143 = arith.constant 0 : i32
          %dma_start3A_144 = tpu.memref_slice %arg6[%add3A_138, %dma_start3A_139, %dma_start3A_143] : memref<56x2x128xi32, #tpu.memory_space<vmem>> -> memref<1x1x64xi32, #tpu.memory_space<vmem>>
          %dma_start3A_145 = tpu.memref_squeeze %dma_start3A_144 : memref<1x1x64xi32, #tpu.memory_space<vmem>> -> memref<64xi32, #tpu.memory_space<vmem>>
          %dma_start3A_146 = arith.constant 0 : i32
          %dma_start3A_147 = arith.constant 0 : i32
          %dma_start3A_148 = tpu.memref_slice %arg2[%dma_start3A_146, %dma_start3A_147] : memref<10112x128xf32, #tpu.memory_space<hbm>> -> memref<10112x128xf32, #tpu.memory_space<hbm>>
          tpu.enqueue_indirect_dma source(%dma_start3A_148 : memref<10112x128xf32, #tpu.memory_space<hbm>>) target(%dma_start3A_142 : memref<64x128xf32, #tpu.memory_space<vmem>>) offsets(%dma_start3A_145 : memref<64xi32, #tpu.memory_space<vmem>>) semaphore(%arg9 : memref<!tpu.dma_semaphore, #tpu.memory_space<semaphore_mem>>)
          %add3A_149 = arith.constant 1 : i32
          %add3A_150 = arith.addi %add3A_108, %add3A_149 : i32
          %dma_start3A_151 = arith.constant 1 : i32
          %dma_start3A_152 = arith.constant 64 : i32
          %dma_start3A_153 = arith.constant 0 : i32
          %dma_start3A_154 = tpu.memref_slice %arg7[%dma_start3A_152, %dma_start3A_153] : memref<256x128xf32, #tpu.memory_space<vmem>> -> memref<64x128xf32, #tpu.memory_space<vmem>>
          %dma_start3A_155 = arith.constant 64 : i32
          %dma_start3A_156 = tpu.memref_slice %arg6[%add3A_150, %dma_start3A_151, %dma_start3A_155] : memref<56x2x128xi32, #tpu.memory_space<vmem>> -> memref<1x1x64xi32, #tpu.memory_space<vmem>>
          %dma_start3A_157 = tpu.memref_squeeze %dma_start3A_156 : memref<1x1x64xi32, #tpu.memory_space<vmem>> -> memref<64xi32, #tpu.memory_space<vmem>>
          %dma_start3A_158 = arith.constant 0 : i32
          %dma_start3A_159 = arith.constant 0 : i32
          %dma_start3A_160 = tpu.memref_slice %arg2[%dma_start3A_158, %dma_start3A_159] : memref<10112x128xf32, #tpu.memory_space<hbm>> -> memref<10112x128xf32, #tpu.memory_space<hbm>>
          tpu.enqueue_indirect_dma source(%dma_start3A_160 : memref<10112x128xf32, #tpu.memory_space<hbm>>) target(%dma_start3A_154 : memref<64x128xf32, #tpu.memory_space<vmem>>) offsets(%dma_start3A_157 : memref<64xi32, #tpu.memory_space<vmem>>) semaphore(%arg10 : memref<!tpu.dma_semaphore, #tpu.memory_space<semaphore_mem>>)
        } else {
        }
        %dma_wait3A_116 = arith.constant 1 : i32
        %dma_wait3A_117 = arith.constant 128 : i32
        %dma_wait3A_118 = arith.constant 0 : i32
        %dma_wait3A_119 = tpu.memref_slice %arg7[%dma_wait3A_117, %dma_wait3A_118] : memref<256x128xf32, #tpu.memory_space<vmem>> -> memref<64x128xf32, #tpu.memory_space<vmem>>
        %dma_wait3A_120 = arith.constant 0 : i32
        %dma_wait3A_121 = tpu.memref_slice %arg6[%add3A_108, %dma_wait3A_116, %dma_wait3A_120] : memref<56x2x128xi32, #tpu.memory_space<vmem>> -> memref<1x1x64xi32, #tpu.memory_space<vmem>>
        %dma_wait3A_122 = tpu.memref_squeeze %dma_wait3A_121 : memref<1x1x64xi32, #tpu.memory_space<vmem>> -> memref<64xi32, #tpu.memory_space<vmem>>
        %dma_wait3A_123 = arith.constant 0 : i32
        %dma_wait3A_124 = arith.constant 0 : i32
        %dma_wait3A_125 = tpu.memref_slice %arg2[%dma_wait3A_123, %dma_wait3A_124] : memref<10112x128xf32, #tpu.memory_space<hbm>> -> memref<10112x128xf32, #tpu.memory_space<hbm>>
        tpu.wait_indirect_dma semaphore(%arg11 : memref<!tpu.dma_semaphore, #tpu.memory_space<semaphore_mem>>) src(%dma_wait3A_125 : memref<10112x128xf32, #tpu.memory_space<hbm>>) dst(%dma_wait3A_119 : memref<64x128xf32, #tpu.memory_space<vmem>>)
        %dma_wait3A_126 = arith.constant 1 : i32
        %dma_wait3A_127 = arith.constant 192 : i32
        %dma_wait3A_128 = arith.constant 0 : i32
        %dma_wait3A_129 = tpu.memref_slice %arg7[%dma_wait3A_127, %dma_wait3A_128] : memref<256x128xf32, #tpu.memory_space<vmem>> -> memref<64x128xf32, #tpu.memory_space<vmem>>
        %dma_wait3A_130 = arith.constant 64 : i32
        %dma_wait3A_131 = tpu.memref_slice %arg6[%add3A_108, %dma_wait3A_126, %dma_wait3A_130] : memref<56x2x128xi32, #tpu.memory_space<vmem>> -> memref<1x1x64xi32, #tpu.memory_space<vmem>>
        %dma_wait3A_132 = tpu.memref_squeeze %dma_wait3A_131 : memref<1x1x64xi32, #tpu.memory_space<vmem>> -> memref<64xi32, #tpu.memory_space<vmem>>
        %dma_wait3A_133 = arith.constant 0 : i32
        %dma_wait3A_134 = arith.constant 0 : i32
        %dma_wait3A_135 = tpu.memref_slice %arg2[%dma_wait3A_133, %dma_wait3A_134] : memref<10112x128xf32, #tpu.memory_space<hbm>> -> memref<10112x128xf32, #tpu.memory_space<hbm>>
        tpu.wait_indirect_dma semaphore(%arg12 : memref<!tpu.dma_semaphore, #tpu.memory_space<semaphore_mem>>) src(%dma_wait3A_135 : memref<10112x128xf32, #tpu.memory_space<hbm>>) dst(%dma_wait3A_129 : memref<64x128xf32, #tpu.memory_space<vmem>>)
        %run_scoped3A_136 = arith.constant 0 : i32
        "tpu.region"() ({
          %run_scoped3A_137 = tpu.sem_alloc : memref<!tpu.dma_semaphore, #tpu.memory_space<semaphore_mem>>
          %dma_start3A_138 = arith.constant 128 : i32
          %dma_start3A_139 = arith.constant 0 : i32
          %dma_start3A_140 = tpu.memref_slice %arg7[%dma_start3A_138, %dma_start3A_139] : memref<256x128xf32, #tpu.memory_space<vmem>> -> memref<128x128xf32, #tpu.memory_space<vmem>>
          %dma_start3A_141 = arith.constant 0 : i32
          %dma_start3A_142 = tpu.memref_slice %arg6[%add3A_108, %run_scoped3A_136, %dma_start3A_141] : memref<56x2x128xi32, #tpu.memory_space<vmem>> -> memref<1x1x128xi32, #tpu.memory_space<vmem>>
          %dma_start3A_143 = tpu.memref_squeeze %dma_start3A_142 : memref<1x1x128xi32, #tpu.memory_space<vmem>> -> memref<128xi32, #tpu.memory_space<vmem>>
          %dma_start3A_144 = arith.constant 0 : i32
          %dma_start3A_145 = arith.constant 0 : i32
          %dma_start3A_146 = tpu.memref_slice %arg8[%dma_start3A_144, %dma_start3A_145] : memref<10112x128xf32, #tpu.memory_space<vmem_shared>> -> memref<10112x128xf32, #tpu.memory_space<vmem_shared>>
          tpu.enqueue_indirect_dma source(%dma_start3A_140 : memref<128x128xf32, #tpu.memory_space<vmem>>) target(%dma_start3A_146 : memref<10112x128xf32, #tpu.memory_space<vmem_shared>>) offsets(%dma_start3A_143 : memref<128xi32, #tpu.memory_space<vmem>>) semaphore(%run_scoped3A_137 : memref<!tpu.dma_semaphore, #tpu.memory_space<semaphore_mem>>) {add = true}
          %dma_wait3A_147 = arith.constant 128 : i32
          %dma_wait3A_148 = arith.constant 0 : i32
          %dma_wait3A_149 = tpu.memref_slice %arg7[%dma_wait3A_147, %dma_wait3A_148] : memref<256x128xf32, #tpu.memory_space<vmem>> -> memref<128x128xf32, #tpu.memory_space<vmem>>
          %dma_wait3A_150 = arith.constant 0 : i32
          %dma_wait3A_151 = tpu.memref_slice %arg6[%add3A_108, %run_scoped3A_136, %dma_wait3A_150] : memref<56x2x128xi32, #tpu.memory_space<vmem>> -> memref<1x1x128xi32, #tpu.memory_space<vmem>>
          %dma_wait3A_152 = tpu.memref_squeeze %dma_wait3A_151 : memref<1x1x128xi32, #tpu.memory_space<vmem>> -> memref<128xi32, #tpu.memory_space<vmem>>
          %dma_wait3A_153 = arith.constant 0 : i32
          %dma_wait3A_154 = arith.constant 0 : i32
          %dma_wait3A_155 = tpu.memref_slice %arg8[%dma_wait3A_153, %dma_wait3A_154] : memref<10112x128xf32, #tpu.memory_space<vmem_shared>> -> memref<10112x128xf32, #tpu.memory_space<vmem_shared>>
          tpu.wait_indirect_dma semaphore(%run_scoped3A_137 : memref<!tpu.dma_semaphore, #tpu.memory_space<semaphore_mem>>) src(%dma_wait3A_149 : memref<128x128xf32, #tpu.memory_space<vmem>>) dst(%dma_wait3A_155 : memref<10112x128xf32, #tpu.memory_space<vmem_shared>>)
          tpu.yield
        }) : () -> ()
      }
      %scan3A_44 = arith.constant 12 : i32
      %add3A_45 = arith.constant 24 : i32
      %add3A_46 = arith.addi %add3A_14, %add3A_45 : i32
      "tpu.region"() ({
        %run_scoped3A = tpu.sem_alloc : memref<!tpu.dma_semaphore, #tpu.memory_space<semaphore_mem>>
        %dma_start3A_74 = arith.constant 0 : i32
        %dma_start3A_75 = arith.constant 0 : i32
        %dma_start3A_76 = arith.constant 0 : i32
        %dma_start3A_77 = tpu.memref_slice %arg6[%dma_start3A_74, %dma_start3A_75, %dma_start3A_76] : memref<56x2x128xi32, #tpu.memory_space<vmem>> -> memref<24x2x128xi32, #tpu.memory_space<vmem>>
        %dma_start3A_78 = arith.constant 0 : i32
        %dma_start3A_79 = arith.constant 0 : i32
        %dma_start3A_80 = tpu.memref_slice %arg3[%add3A_46, %dma_start3A_78, %dma_start3A_79] : memref<2560x2x128xi32, #tpu.memory_space<hbm>> -> memref<24x2x128xi32, #tpu.memory_space<hbm>>
        %dma_start3A_81 = arith.constant 0 : i32
        %dma_start3A_82 = arith.constant 0 : i32
        %dma_start3A_83 = arith.constant 0 : i32
        %dma_start3A_84 = tpu.memref_slice %arg6[%dma_start3A_81, %dma_start3A_82, %dma_start3A_83] : memref<56x2x128xi32, #tpu.memory_space<vmem>> -> memref<24x2x128xi32, #tpu.memory_space<vmem>>
        %dma_start3A_85 = arith.constant 0 : i32
        %dma_start3A_86 = arith.constant 0 : i32
        %dma_start3A_87 = tpu.memref_slice %arg3[%add3A_46, %dma_start3A_85, %dma_start3A_86] : memref<2560x2x128xi32, #tpu.memory_space<hbm>> -> memref<24x2x128xi32, #tpu.memory_space<hbm>>
        tpu.enqueue_dma source(%dma_start3A_87 : memref<24x2x128xi32, #tpu.memory_space<hbm>>) target(%dma_start3A_84 : memref<24x2x128xi32, #tpu.memory_space<vmem>>) target_semaphore(%run_scoped3A : memref<!tpu.dma_semaphore, #tpu.memory_space<semaphore_mem>>)
        %dma_wait3A_88 = arith.constant 0 : i32
        %dma_wait3A_89 = arith.constant 0 : i32
        %dma_wait3A_90 = arith.constant 0 : i32
        %dma_wait3A_91 = tpu.memref_slice %arg6[%dma_wait3A_88, %dma_wait3A_89, %dma_wait3A_90] : memref<56x2x128xi32, #tpu.memory_space<vmem>> -> memref<24x2x128xi32, #tpu.memory_space<vmem>>
        %dma_wait3A_92 = arith.constant 0 : i32
        %dma_wait3A_93 = arith.constant 0 : i32
        %dma_wait3A_94 = tpu.memref_slice %arg3[%add3A_46, %dma_wait3A_92, %dma_wait3A_93] : memref<2560x2x128xi32, #tpu.memory_space<hbm>> -> memref<24x2x128xi32, #tpu.memory_space<hbm>>
        %dma_wait3A_95 = arith.constant 0 : i32
        %dma_wait3A_96 = arith.constant 0 : i32
        %dma_wait3A_97 = arith.constant 0 : i32
        %dma_wait3A_98 = tpu.memref_slice %arg6[%dma_wait3A_95, %dma_wait3A_96, %dma_wait3A_97] : memref<56x2x128xi32, #tpu.memory_space<vmem>> -> memref<24x2x128xi32, #tpu.memory_space<vmem>>
        %dma_wait3A_99 = arith.constant 0 : i32
        %dma_wait3A_100 = arith.constant 0 : i32
        %dma_wait3A_101 = tpu.memref_slice %arg3[%add3A_46, %dma_wait3A_99, %dma_wait3A_100] : memref<2560x2x128xi32, #tpu.memory_space<hbm>> -> memref<24x2x128xi32, #tpu.memory_space<hbm>>
        tpu.wait_dma2 semaphore(%run_scoped3A : memref<!tpu.dma_semaphore, #tpu.memory_space<semaphore_mem>>) src(%dma_wait3A_101 : memref<24x2x128xi32, #tpu.memory_space<hbm>>) dst(%dma_wait3A_98 : memref<24x2x128xi32, #tpu.memory_space<vmem>>)
        tpu.yield
      }) : () -> ()
      %dma_start3A_47 = arith.constant 0 : i32
      %dma_start3A_48 = arith.constant 1 : i32
      %dma_start3A_49 = arith.constant 0 : i32
      %dma_start3A_50 = arith.constant 0 : i32
      %dma_start3A_51 = tpu.memref_slice %arg7[%dma_start3A_49, %dma_start3A_50] : memref<256x128xf32, #tpu.memory_space<vmem>> -> memref<64x128xf32, #tpu.memory_space<vmem>>
      %dma_start3A_52 = arith.constant 0 : i32
      %dma_start3A_53 = tpu.memref_slice %arg6[%dma_start3A_47, %dma_start3A_48, %dma_start3A_52] : memref<56x2x128xi32, #tpu.memory_space<vmem>> -> memref<1x1x64xi32, #tpu.memory_space<vmem>>
      %dma_start3A_54 = tpu.memref_squeeze %dma_start3A_53 : memref<1x1x64xi32, #tpu.memory_space<vmem>> -> memref<64xi32, #tpu.memory_space<vmem>>
      %dma_start3A_55 = arith.constant 0 : i32
      %dma_start3A_56 = arith.constant 0 : i32
      %dma_start3A_57 = tpu.memref_slice %arg2[%dma_start3A_55, %dma_start3A_56] : memref<10112x128xf32, #tpu.memory_space<hbm>> -> memref<10112x128xf32, #tpu.memory_space<hbm>>
      tpu.enqueue_indirect_dma source(%dma_start3A_57 : memref<10112x128xf32, #tpu.memory_space<hbm>>) target(%dma_start3A_51 : memref<64x128xf32, #tpu.memory_space<vmem>>) offsets(%dma_start3A_54 : memref<64xi32, #tpu.memory_space<vmem>>) semaphore(%arg9 : memref<!tpu.dma_semaphore, #tpu.memory_space<semaphore_mem>>)
      %dma_start3A_58 = arith.constant 0 : i32
      %dma_start3A_59 = arith.constant 1 : i32
      %dma_start3A_60 = arith.constant 64 : i32
      %dma_start3A_61 = arith.constant 0 : i32
      %dma_start3A_62 = tpu.memref_slice %arg7[%dma_start3A_60, %dma_start3A_61] : memref<256x128xf32, #tpu.memory_space<vmem>> -> memref<64x128xf32, #tpu.memory_space<vmem>>
      %dma_start3A_63 = arith.constant 64 : i32
      %dma_start3A_64 = tpu.memref_slice %arg6[%dma_start3A_58, %dma_start3A_59, %dma_start3A_63] : memref<56x2x128xi32, #tpu.memory_space<vmem>> -> memref<1x1x64xi32, #tpu.memory_space<vmem>>
      %dma_start3A_65 = tpu.memref_squeeze %dma_start3A_64 : memref<1x1x64xi32, #tpu.memory_space<vmem>> -> memref<64xi32, #tpu.memory_space<vmem>>
      %dma_start3A_66 = arith.constant 0 : i32
      %dma_start3A_67 = arith.constant 0 : i32
      %dma_start3A_68 = tpu.memref_slice %arg2[%dma_start3A_66, %dma_start3A_67] : memref<10112x128xf32, #tpu.memory_space<hbm>> -> memref<10112x128xf32, #tpu.memory_space<hbm>>
      tpu.enqueue_indirect_dma source(%dma_start3A_68 : memref<10112x128xf32, #tpu.memory_space<hbm>>) target(%dma_start3A_62 : memref<64x128xf32, #tpu.memory_space<vmem>>) offsets(%dma_start3A_65 : memref<64xi32, #tpu.memory_space<vmem>>) semaphore(%arg10 : memref<!tpu.dma_semaphore, #tpu.memory_space<semaphore_mem>>)
      %scan3A_69 = arith.constant 0 : i32
      %scan3A_70 = arith.constant 12 : i32
      %scan3A_71 = arith.addi %scan3A_69, %scan3A_70 : i32
      %scan3A_72 = arith.constant 1 : i32
      scf.for %scan3A_74 = %scan3A_69 to %scan3A_71 step %scan3A_72  : i32 {
        %mul3A_75 = arith.constant 2 : i32
        %mul3A_76 = arith.muli %scan3A_74, %mul3A_75 : i32
        %add3A_77 = arith.constant 0 : i32
        %add3A_78 = arith.addi %add3A_77, %mul3A_76 : i32
        %add3A_79 = arith.constant 0 : i32
        %add3A_80 = arith.addi %add3A_78, %add3A_79 : i32
        %add3A_81 = arith.constant 1 : i32
        %add3A_82 = arith.addi %add3A_80, %add3A_81 : i32
        %lt3A = arith.constant 24 : i32
        %lt3A_83 = arith.cmpi slt, %add3A_82, %lt3A : i32
        %convert_element_type3A_84 = arith.extui %lt3A_83 : i1 to i32
        %cond3A_85 = arith.constant 0 : i32
        %cond3A_86 = arith.cmpi ne, %convert_element_type3A_84, %cond3A_85 : i32
        scf.if %cond3A_86 {
          %add3A_137 = arith.constant 1 : i32
          %add3A_138 = arith.addi %add3A_80, %add3A_137 : i32
          %dma_start3A_139 = arith.constant 1 : i32
          %dma_start3A_140 = arith.constant 128 : i32
          %dma_start3A_141 = arith.constant 0 : i32
          %dma_start3A_142 = tpu.memref_slice %arg7[%dma_start3A_140, %dma_start3A_141] : memref<256x128xf32, #tpu.memory_space<vmem>> -> memref<64x128xf32, #tpu.memory_space<vmem>>
          %dma_start3A_143 = arith.constant 0 : i32
          %dma_start3A_144 = tpu.memref_slice %arg6[%add3A_138, %dma_start3A_139, %dma_start3A_143] : memref<56x2x128xi32, #tpu.memory_space<vmem>> -> memref<1x1x64xi32, #tpu.memory_space<vmem>>
          %dma_start3A_145 = tpu.memref_squeeze %dma_start3A_144 : memref<1x1x64xi32, #tpu.memory_space<vmem>> -> memref<64xi32, #tpu.memory_space<vmem>>
          %dma_start3A_146 = arith.constant 0 : i32
          %dma_start3A_147 = arith.constant 0 : i32
          %dma_start3A_148 = tpu.memref_slice %arg2[%dma_start3A_146, %dma_start3A_147] : memref<10112x128xf32, #tpu.memory_space<hbm>> -> memref<10112x128xf32, #tpu.memory_space<hbm>>
          tpu.enqueue_indirect_dma source(%dma_start3A_148 : memref<10112x128xf32, #tpu.memory_space<hbm>>) target(%dma_start3A_142 : memref<64x128xf32, #tpu.memory_space<vmem>>) offsets(%dma_start3A_145 : memref<64xi32, #tpu.memory_space<vmem>>) semaphore(%arg11 : memref<!tpu.dma_semaphore, #tpu.memory_space<semaphore_mem>>)
          %add3A_149 = arith.constant 1 : i32
          %add3A_150 = arith.addi %add3A_80, %add3A_149 : i32
          %dma_start3A_151 = arith.constant 1 : i32
          %dma_start3A_152 = arith.constant 192 : i32
          %dma_start3A_153 = arith.constant 0 : i32
          %dma_start3A_154 = tpu.memref_slice %arg7[%dma_start3A_152, %dma_start3A_153] : memref<256x128xf32, #tpu.memory_space<vmem>> -> memref<64x128xf32, #tpu.memory_space<vmem>>
          %dma_start3A_155 = arith.constant 64 : i32
          %dma_start3A_156 = tpu.memref_slice %arg6[%add3A_150, %dma_start3A_151, %dma_start3A_155] : memref<56x2x128xi32, #tpu.memory_space<vmem>> -> memref<1x1x64xi32, #tpu.memory_space<vmem>>
          %dma_start3A_157 = tpu.memref_squeeze %dma_start3A_156 : memref<1x1x64xi32, #tpu.memory_space<vmem>> -> memref<64xi32, #tpu.memory_space<vmem>>
          %dma_start3A_158 = arith.constant 0 : i32
          %dma_start3A_159 = arith.constant 0 : i32
          %dma_start3A_160 = tpu.memref_slice %arg2[%dma_start3A_158, %dma_start3A_159] : memref<10112x128xf32, #tpu.memory_space<hbm>> -> memref<10112x128xf32, #tpu.memory_space<hbm>>
          tpu.enqueue_indirect_dma source(%dma_start3A_160 : memref<10112x128xf32, #tpu.memory_space<hbm>>) target(%dma_start3A_154 : memref<64x128xf32, #tpu.memory_space<vmem>>) offsets(%dma_start3A_157 : memref<64xi32, #tpu.memory_space<vmem>>) semaphore(%arg12 : memref<!tpu.dma_semaphore, #tpu.memory_space<semaphore_mem>>)
        } else {
        }
        %dma_wait3A_87 = arith.constant 1 : i32
        %dma_wait3A_88 = arith.constant 0 : i32
        %dma_wait3A_89 = arith.constant 0 : i32
        %dma_wait3A_90 = tpu.memref_slice %arg7[%dma_wait3A_88, %dma_wait3A_89] : memref<256x128xf32, #tpu.memory_space<vmem>> -> memref<64x128xf32, #tpu.memory_space<vmem>>
        %dma_wait3A_91 = arith.constant 0 : i32
        %dma_wait3A_92 = tpu.memref_slice %arg6[%add3A_80, %dma_wait3A_87, %dma_wait3A_91] : memref<56x2x128xi32, #tpu.memory_space<vmem>> -> memref<1x1x64xi32, #tpu.memory_space<vmem>>
        %dma_wait3A_93 = tpu.memref_squeeze %dma_wait3A_92 : memref<1x1x64xi32, #tpu.memory_space<vmem>> -> memref<64xi32, #tpu.memory_space<vmem>>
        %dma_wait3A_94 = arith.constant 0 : i32
        %dma_wait3A_95 = arith.constant 0 : i32
        %dma_wait3A_96 = tpu.memref_slice %arg2[%dma_wait3A_94, %dma_wait3A_95] : memref<10112x128xf32, #tpu.memory_space<hbm>> -> memref<10112x128xf32, #tpu.memory_space<hbm>>
        tpu.wait_indirect_dma semaphore(%arg9 : memref<!tpu.dma_semaphore, #tpu.memory_space<semaphore_mem>>) src(%dma_wait3A_96 : memref<10112x128xf32, #tpu.memory_space<hbm>>) dst(%dma_wait3A_90 : memref<64x128xf32, #tpu.memory_space<vmem>>)
        %dma_wait3A_97 = arith.constant 1 : i32
        %dma_wait3A_98 = arith.constant 64 : i32
        %dma_wait3A_99 = arith.constant 0 : i32
        %dma_wait3A_100 = tpu.memref_slice %arg7[%dma_wait3A_98, %dma_wait3A_99] : memref<256x128xf32, #tpu.memory_space<vmem>> -> memref<64x128xf32, #tpu.memory_space<vmem>>
        %dma_wait3A_101 = arith.constant 64 : i32
        %dma_wait3A_102 = tpu.memref_slice %arg6[%add3A_80, %dma_wait3A_97, %dma_wait3A_101] : memref<56x2x128xi32, #tpu.memory_space<vmem>> -> memref<1x1x64xi32, #tpu.memory_space<vmem>>
        %dma_wait3A_103 = tpu.memref_squeeze %dma_wait3A_102 : memref<1x1x64xi32, #tpu.memory_space<vmem>> -> memref<64xi32, #tpu.memory_space<vmem>>
        %dma_wait3A_104 = arith.constant 0 : i32
        %dma_wait3A_105 = arith.constant 0 : i32
        %dma_wait3A_106 = tpu.memref_slice %arg2[%dma_wait3A_104, %dma_wait3A_105] : memref<10112x128xf32, #tpu.memory_space<hbm>> -> memref<10112x128xf32, #tpu.memory_space<hbm>>
        tpu.wait_indirect_dma semaphore(%arg10 : memref<!tpu.dma_semaphore, #tpu.memory_space<semaphore_mem>>) src(%dma_wait3A_106 : memref<10112x128xf32, #tpu.memory_space<hbm>>) dst(%dma_wait3A_100 : memref<64x128xf32, #tpu.memory_space<vmem>>)
        %run_scoped3A = arith.constant 0 : i32
        "tpu.region"() ({
          %run_scoped3A_137 = tpu.sem_alloc : memref<!tpu.dma_semaphore, #tpu.memory_space<semaphore_mem>>
          %dma_start3A_138 = arith.constant 0 : i32
          %dma_start3A_139 = arith.constant 0 : i32
          %dma_start3A_140 = tpu.memref_slice %arg7[%dma_start3A_138, %dma_start3A_139] : memref<256x128xf32, #tpu.memory_space<vmem>> -> memref<128x128xf32, #tpu.memory_space<vmem>>
          %dma_start3A_141 = arith.constant 0 : i32
          %dma_start3A_142 = tpu.memref_slice %arg6[%add3A_80, %run_scoped3A, %dma_start3A_141] : memref<56x2x128xi32, #tpu.memory_space<vmem>> -> memref<1x1x128xi32, #tpu.memory_space<vmem>>
          %dma_start3A_143 = tpu.memref_squeeze %dma_start3A_142 : memref<1x1x128xi32, #tpu.memory_space<vmem>> -> memref<128xi32, #tpu.memory_space<vmem>>
          %dma_start3A_144 = arith.constant 0 : i32
          %dma_start3A_145 = arith.constant 0 : i32
          %dma_start3A_146 = tpu.memref_slice %arg8[%dma_start3A_144, %dma_start3A_145] : memref<10112x128xf32, #tpu.memory_space<vmem_shared>> -> memref<10112x128xf32, #tpu.memory_space<vmem_shared>>
          tpu.enqueue_indirect_dma source(%dma_start3A_140 : memref<128x128xf32, #tpu.memory_space<vmem>>) target(%dma_start3A_146 : memref<10112x128xf32, #tpu.memory_space<vmem_shared>>) offsets(%dma_start3A_143 : memref<128xi32, #tpu.memory_space<vmem>>) semaphore(%run_scoped3A_137 : memref<!tpu.dma_semaphore, #tpu.memory_space<semaphore_mem>>) {add = true}
          %dma_wait3A_147 = arith.constant 0 : i32
          %dma_wait3A_148 = arith.constant 0 : i32
          %dma_wait3A_149 = tpu.memref_slice %arg7[%dma_wait3A_147, %dma_wait3A_148] : memref<256x128xf32, #tpu.memory_space<vmem>> -> memref<128x128xf32, #tpu.memory_space<vmem>>
          %dma_wait3A_150 = arith.constant 0 : i32
          %dma_wait3A_151 = tpu.memref_slice %arg6[%add3A_80, %run_scoped3A, %dma_wait3A_150] : memref<56x2x128xi32, #tpu.memory_space<vmem>> -> memref<1x1x128xi32, #tpu.memory_space<vmem>>
          %dma_wait3A_152 = tpu.memref_squeeze %dma_wait3A_151 : memref<1x1x128xi32, #tpu.memory_space<vmem>> -> memref<128xi32, #tpu.memory_space<vmem>>
          %dma_wait3A_153 = arith.constant 0 : i32
          %dma_wait3A_154 = arith.constant 0 : i32
          %dma_wait3A_155 = tpu.memref_slice %arg8[%dma_wait3A_153, %dma_wait3A_154] : memref<10112x128xf32, #tpu.memory_space<vmem_shared>> -> memref<10112x128xf32, #tpu.memory_space<vmem_shared>>
          tpu.wait_indirect_dma semaphore(%run_scoped3A_137 : memref<!tpu.dma_semaphore, #tpu.memory_space<semaphore_mem>>) src(%dma_wait3A_149 : memref<128x128xf32, #tpu.memory_space<vmem>>) dst(%dma_wait3A_155 : memref<10112x128xf32, #tpu.memory_space<vmem_shared>>)
          tpu.yield
        }) : () -> ()
        %add3A_107 = arith.constant 1 : i32
        %add3A_108 = arith.addi %add3A_78, %add3A_107 : i32
        %add3A_109 = arith.constant 1 : i32
        %add3A_110 = arith.addi %add3A_108, %add3A_109 : i32
        %lt3A_111 = arith.constant 24 : i32
        %lt3A_112 = arith.cmpi slt, %add3A_110, %lt3A_111 : i32
        %convert_element_type3A_113 = arith.extui %lt3A_112 : i1 to i32
        %cond3A_114 = arith.constant 0 : i32
        %cond3A_115 = arith.cmpi ne, %convert_element_type3A_113, %cond3A_114 : i32
        scf.if %cond3A_115 {
          %add3A_137 = arith.constant 1 : i32
          %add3A_138 = arith.addi %add3A_108, %add3A_137 : i32
          %dma_start3A_139 = arith.constant 1 : i32
          %dma_start3A_140 = arith.constant 0 : i32
          %dma_start3A_141 = arith.constant 0 : i32
          %dma_start3A_142 = tpu.memref_slice %arg7[%dma_start3A_140, %dma_start3A_141] : memref<256x128xf32, #tpu.memory_space<vmem>> -> memref<64x128xf32, #tpu.memory_space<vmem>>
          %dma_start3A_143 = arith.constant 0 : i32
          %dma_start3A_144 = tpu.memref_slice %arg6[%add3A_138, %dma_start3A_139, %dma_start3A_143] : memref<56x2x128xi32, #tpu.memory_space<vmem>> -> memref<1x1x64xi32, #tpu.memory_space<vmem>>
          %dma_start3A_145 = tpu.memref_squeeze %dma_start3A_144 : memref<1x1x64xi32, #tpu.memory_space<vmem>> -> memref<64xi32, #tpu.memory_space<vmem>>
          %dma_start3A_146 = arith.constant 0 : i32
          %dma_start3A_147 = arith.constant 0 : i32
          %dma_start3A_148 = tpu.memref_slice %arg2[%dma_start3A_146, %dma_start3A_147] : memref<10112x128xf32, #tpu.memory_space<hbm>> -> memref<10112x128xf32, #tpu.memory_space<hbm>>
          tpu.enqueue_indirect_dma source(%dma_start3A_148 : memref<10112x128xf32, #tpu.memory_space<hbm>>) target(%dma_start3A_142 : memref<64x128xf32, #tpu.memory_space<vmem>>) offsets(%dma_start3A_145 : memref<64xi32, #tpu.memory_space<vmem>>) semaphore(%arg9 : memref<!tpu.dma_semaphore, #tpu.memory_space<semaphore_mem>>)
          %add3A_149 = arith.constant 1 : i32
          %add3A_150 = arith.addi %add3A_108, %add3A_149 : i32
          %dma_start3A_151 = arith.constant 1 : i32
          %dma_start3A_152 = arith.constant 64 : i32
          %dma_start3A_153 = arith.constant 0 : i32
          %dma_start3A_154 = tpu.memref_slice %arg7[%dma_start3A_152, %dma_start3A_153] : memref<256x128xf32, #tpu.memory_space<vmem>> -> memref<64x128xf32, #tpu.memory_space<vmem>>
          %dma_start3A_155 = arith.constant 64 : i32
          %dma_start3A_156 = tpu.memref_slice %arg6[%add3A_150, %dma_start3A_151, %dma_start3A_155] : memref<56x2x128xi32, #tpu.memory_space<vmem>> -> memref<1x1x64xi32, #tpu.memory_space<vmem>>
          %dma_start3A_157 = tpu.memref_squeeze %dma_start3A_156 : memref<1x1x64xi32, #tpu.memory_space<vmem>> -> memref<64xi32, #tpu.memory_space<vmem>>
          %dma_start3A_158 = arith.constant 0 : i32
          %dma_start3A_159 = arith.constant 0 : i32
          %dma_start3A_160 = tpu.memref_slice %arg2[%dma_start3A_158, %dma_start3A_159] : memref<10112x128xf32, #tpu.memory_space<hbm>> -> memref<10112x128xf32, #tpu.memory_space<hbm>>
          tpu.enqueue_indirect_dma source(%dma_start3A_160 : memref<10112x128xf32, #tpu.memory_space<hbm>>) target(%dma_start3A_154 : memref<64x128xf32, #tpu.memory_space<vmem>>) offsets(%dma_start3A_157 : memref<64xi32, #tpu.memory_space<vmem>>) semaphore(%arg10 : memref<!tpu.dma_semaphore, #tpu.memory_space<semaphore_mem>>)
        } else {
        }
        %dma_wait3A_116 = arith.constant 1 : i32
        %dma_wait3A_117 = arith.constant 128 : i32
        %dma_wait3A_118 = arith.constant 0 : i32
        %dma_wait3A_119 = tpu.memref_slice %arg7[%dma_wait3A_117, %dma_wait3A_118] : memref<256x128xf32, #tpu.memory_space<vmem>> -> memref<64x128xf32, #tpu.memory_space<vmem>>
        %dma_wait3A_120 = arith.constant 0 : i32
        %dma_wait3A_121 = tpu.memref_slice %arg6[%add3A_108, %dma_wait3A_116, %dma_wait3A_120] : memref<56x2x128xi32, #tpu.memory_space<vmem>> -> memref<1x1x64xi32, #tpu.memory_space<vmem>>
        %dma_wait3A_122 = tpu.memref_squeeze %dma_wait3A_121 : memref<1x1x64xi32, #tpu.memory_space<vmem>> -> memref<64xi32, #tpu.memory_space<vmem>>
        %dma_wait3A_123 = arith.constant 0 : i32
        %dma_wait3A_124 = arith.constant 0 : i32
        %dma_wait3A_125 = tpu.memref_slice %arg2[%dma_wait3A_123, %dma_wait3A_124] : memref<10112x128xf32, #tpu.memory_space<hbm>> -> memref<10112x128xf32, #tpu.memory_space<hbm>>
        tpu.wait_indirect_dma semaphore(%arg11 : memref<!tpu.dma_semaphore, #tpu.memory_space<semaphore_mem>>) src(%dma_wait3A_125 : memref<10112x128xf32, #tpu.memory_space<hbm>>) dst(%dma_wait3A_119 : memref<64x128xf32, #tpu.memory_space<vmem>>)
        %dma_wait3A_126 = arith.constant 1 : i32
        %dma_wait3A_127 = arith.constant 192 : i32
        %dma_wait3A_128 = arith.constant 0 : i32
        %dma_wait3A_129 = tpu.memref_slice %arg7[%dma_wait3A_127, %dma_wait3A_128] : memref<256x128xf32, #tpu.memory_space<vmem>> -> memref<64x128xf32, #tpu.memory_space<vmem>>
        %dma_wait3A_130 = arith.constant 64 : i32
        %dma_wait3A_131 = tpu.memref_slice %arg6[%add3A_108, %dma_wait3A_126, %dma_wait3A_130] : memref<56x2x128xi32, #tpu.memory_space<vmem>> -> memref<1x1x64xi32, #tpu.memory_space<vmem>>
        %dma_wait3A_132 = tpu.memref_squeeze %dma_wait3A_131 : memref<1x1x64xi32, #tpu.memory_space<vmem>> -> memref<64xi32, #tpu.memory_space<vmem>>
        %dma_wait3A_133 = arith.constant 0 : i32
        %dma_wait3A_134 = arith.constant 0 : i32
        %dma_wait3A_135 = tpu.memref_slice %arg2[%dma_wait3A_133, %dma_wait3A_134] : memref<10112x128xf32, #tpu.memory_space<hbm>> -> memref<10112x128xf32, #tpu.memory_space<hbm>>
        tpu.wait_indirect_dma semaphore(%arg12 : memref<!tpu.dma_semaphore, #tpu.memory_space<semaphore_mem>>) src(%dma_wait3A_135 : memref<10112x128xf32, #tpu.memory_space<hbm>>) dst(%dma_wait3A_129 : memref<64x128xf32, #tpu.memory_space<vmem>>)
        %run_scoped3A_136 = arith.constant 0 : i32
        "tpu.region"() ({
          %run_scoped3A_137 = tpu.sem_alloc : memref<!tpu.dma_semaphore, #tpu.memory_space<semaphore_mem>>
          %dma_start3A_138 = arith.constant 128 : i32
          %dma_start3A_139 = arith.constant 0 : i32
          %dma_start3A_140 = tpu.memref_slice %arg7[%dma_start3A_138, %dma_start3A_139] : memref<256x128xf32, #tpu.memory_space<vmem>> -> memref<128x128xf32, #tpu.memory_space<vmem>>
          %dma_start3A_141 = arith.constant 0 : i32
          %dma_start3A_142 = tpu.memref_slice %arg6[%add3A_108, %run_scoped3A_136, %dma_start3A_141] : memref<56x2x128xi32, #tpu.memory_space<vmem>> -> memref<1x1x128xi32, #tpu.memory_space<vmem>>
          %dma_start3A_143 = tpu.memref_squeeze %dma_start3A_142 : memref<1x1x128xi32, #tpu.memory_space<vmem>> -> memref<128xi32, #tpu.memory_space<vmem>>
          %dma_start3A_144 = arith.constant 0 : i32
          %dma_start3A_145 = arith.constant 0 : i32
          %dma_start3A_146 = tpu.memref_slice %arg8[%dma_start3A_144, %dma_start3A_145] : memref<10112x128xf32, #tpu.memory_space<vmem_shared>> -> memref<10112x128xf32, #tpu.memory_space<vmem_shared>>
          tpu.enqueue_indirect_dma source(%dma_start3A_140 : memref<128x128xf32, #tpu.memory_space<vmem>>) target(%dma_start3A_146 : memref<10112x128xf32, #tpu.memory_space<vmem_shared>>) offsets(%dma_start3A_143 : memref<128xi32, #tpu.memory_space<vmem>>) semaphore(%run_scoped3A_137 : memref<!tpu.dma_semaphore, #tpu.memory_space<semaphore_mem>>) {add = true}
          %dma_wait3A_147 = arith.constant 128 : i32
          %dma_wait3A_148 = arith.constant 0 : i32
          %dma_wait3A_149 = tpu.memref_slice %arg7[%dma_wait3A_147, %dma_wait3A_148] : memref<256x128xf32, #tpu.memory_space<vmem>> -> memref<128x128xf32, #tpu.memory_space<vmem>>
          %dma_wait3A_150 = arith.constant 0 : i32
          %dma_wait3A_151 = tpu.memref_slice %arg6[%add3A_108, %run_scoped3A_136, %dma_wait3A_150] : memref<56x2x128xi32, #tpu.memory_space<vmem>> -> memref<1x1x128xi32, #tpu.memory_space<vmem>>
          %dma_wait3A_152 = tpu.memref_squeeze %dma_wait3A_151 : memref<1x1x128xi32, #tpu.memory_space<vmem>> -> memref<128xi32, #tpu.memory_space<vmem>>
          %dma_wait3A_153 = arith.constant 0 : i32
          %dma_wait3A_154 = arith.constant 0 : i32
          %dma_wait3A_155 = tpu.memref_slice %arg8[%dma_wait3A_153, %dma_wait3A_154] : memref<10112x128xf32, #tpu.memory_space<vmem_shared>> -> memref<10112x128xf32, #tpu.memory_space<vmem_shared>>
          tpu.wait_indirect_dma semaphore(%run_scoped3A_137 : memref<!tpu.dma_semaphore, #tpu.memory_space<semaphore_mem>>) src(%dma_wait3A_149 : memref<128x128xf32, #tpu.memory_space<vmem>>) dst(%dma_wait3A_155 : memref<10112x128xf32, #tpu.memory_space<vmem_shared>>)
          tpu.yield
        }) : () -> ()
      }
      %scan3A_73 = arith.constant 12 : i32
    } else {
    }
    %barrier3A = arith.constant 0 : index
    tpu.barrier barrier_id(%barrier3A)
    %mul3A_8 = arith.constant 632 : i32
    %mul3A_9 = arith.muli %arg1, %mul3A_8 : i32
    %mul3A_10 = arith.constant 632 : i32
    %mul3A_11 = arith.muli %arg1, %mul3A_10 : i32
    "tpu.region"() ({
      %run_scoped3A = tpu.sem_alloc : memref<!tpu.dma_semaphore, #tpu.memory_space<semaphore_mem>>
      %dma_start3A_12 = arith.constant 0 : i32
      %dma_start3A_13 = tpu.memref_slice %arg5[%arg0, %mul3A_11, %dma_start3A_12] : memref<2x10112x128xf32, #tpu.memory_space<hbm>> -> memref<1x632x128xf32, #tpu.memory_space<hbm>>
      %dma_start3A_14 = tpu.memref_squeeze %dma_start3A_13 : memref<1x632x128xf32, #tpu.memory_space<hbm>> -> memref<632x128xf32, #tpu.memory_space<hbm>>
      %dma_start3A_15 = arith.constant 0 : i32
      %dma_start3A_16 = tpu.memref_slice %arg8[%mul3A_9, %dma_start3A_15] : memref<10112x128xf32, #tpu.memory_space<vmem_shared>> -> memref<632x128xf32, #tpu.memory_space<vmem_shared>>
      tpu.enqueue_dma source(%dma_start3A_16 : memref<632x128xf32, #tpu.memory_space<vmem_shared>>) target(%dma_start3A_14 : memref<632x128xf32, #tpu.memory_space<hbm>>) target_semaphore(%run_scoped3A : memref<!tpu.dma_semaphore, #tpu.memory_space<semaphore_mem>>)
      %dma_wait3A = arith.constant 0 : i32
      %dma_wait3A_17 = tpu.memref_slice %arg5[%arg0, %mul3A_11, %dma_wait3A] : memref<2x10112x128xf32, #tpu.memory_space<hbm>> -> memref<1x632x128xf32, #tpu.memory_space<hbm>>
      %dma_wait3A_18 = tpu.memref_squeeze %dma_wait3A_17 : memref<1x632x128xf32, #tpu.memory_space<hbm>> -> memref<632x128xf32, #tpu.memory_space<hbm>>
      %dma_wait3A_19 = arith.constant 0 : i32
      %dma_wait3A_20 = tpu.memref_slice %arg8[%mul3A_9, %dma_wait3A_19] : memref<10112x128xf32, #tpu.memory_space<vmem_shared>> -> memref<632x128xf32, #tpu.memory_space<vmem_shared>>
      tpu.wait_dma2 semaphore(%run_scoped3A : memref<!tpu.dma_semaphore, #tpu.memory_space<semaphore_mem>>) src(%dma_wait3A_20 : memref<632x128xf32, #tpu.memory_space<vmem_shared>>) dst(%dma_wait3A_18 : memref<632x128xf32, #tpu.memory_space<hbm>>)
      tpu.yield
    }) : () -> ()
    return
  }
}

#map = affine_map<(d0, d1) -> (0, 0)>
#map1 = affine_map<(d0, d1) -> (0, 0, 0)>
module attributes {stable_mosaic.version = 14 : i64} {
  func.func @k(%arg0: i32, %arg1: i32, %arg2: memref<10112x128xf32, #tpu.memory_space<hbm>>, %arg3: memref<2560x2x128xi32, #tpu.memory_space<hbm>>, %arg4: memref<632x128xf32, #tpu.memory_space<hbm>>, %arg5: memref<2x10112x128xf32, #tpu.memory_space<hbm>>, %arg6: memref<56x2x128xi32, #tpu.memory_space<vmem>>, %arg7: memref<256x128xf32, #tpu.memory_space<vmem>>, %arg8: memref<10112x128xf32, #tpu.memory_space<vmem_shared>>, %arg9: memref<!tpu.dma_semaphore, #tpu.memory_space<semaphore_mem>>, %arg10: memref<!tpu.dma_semaphore, #tpu.memory_space<semaphore_mem>>, %arg11: memref<!tpu.dma_semaphore, #tpu.memory_space<semaphore_mem>>, %arg12: memref<!tpu.dma_semaphore, #tpu.memory_space<semaphore_mem>>, %arg13: memref<!tpu.dma_semaphore, #tpu.memory_space<semaphore_mem>>) attributes {dimension_semantics = [#tpu.dimension_semantics<core_parallel>, #tpu.dimension_semantics<subcore_parallel>], iteration_bounds = array<i64: 2, 16>, scalar_prefetch = 0 : i64, scratch_operands = 8 : i64, tpu.core_type = #tpu.core_type<sc_vector_subcore>, window_params = [{transform_indices = #map}, {transform_indices = #map1}, {transform_indices = #map}, {transform_indices = #map1}]} {
    %mul3A = arith.constant 632 : i32
    %mul3A_0 = arith.muli %arg1, %mul3A : i32
    %dma_start3A = arith.constant 0 : i32
    %dma_start3A_1 = tpu.memref_slice %arg8[%mul3A_0, %dma_start3A] : memref<10112x128xf32, #tpu.memory_space<vmem_shared>> -> memref<632x128xf32, #tpu.memory_space<vmem_shared>>
    tpu.enqueue_dma source(%arg4 : memref<632x128xf32, #tpu.memory_space<hbm>>) target(%dma_start3A_1 : memref<632x128xf32, #tpu.memory_space<vmem_shared>>) target_semaphore(%arg13 : memref<!tpu.dma_semaphore, #tpu.memory_space<semaphore_mem>>)
    %eq3A = arith.constant 0 : i32
    %eq3A_2 = arith.cmpi eq, %arg0, %eq3A : i32
    %convert_element_type3A = arith.extui %eq3A_2 : i1 to i32
    %cond3A = arith.constant 0 : i32
    %cond3A_3 = arith.cmpi ne, %convert_element_type3A, %cond3A : i32
    scf.if %cond3A_3 {
      %mul3A_12 = arith.constant 112 : i32
      %mul3A_13 = arith.muli %arg1, %mul3A_12 : i32
      %add3A = arith.constant 0 : i32
      %add3A_14 = arith.addi %mul3A_13, %add3A : i32
      "tpu.region"() ({
        %run_scoped3A = tpu.sem_alloc : memref<!tpu.dma_semaphore, #tpu.memory_space<semaphore_mem>>
        %dma_start3A_72 = arith.constant 0 : i32
        %dma_start3A_73 = arith.constant 0 : i32
        %dma_start3A_74 = arith.constant 0 : i32
        %dma_start3A_75 = tpu.memref_slice %arg6[%dma_start3A_72, %dma_start3A_73, %dma_start3A_74] : memref<56x2x128xi32, #tpu.memory_space<vmem>> -> memref<56x2x128xi32, #tpu.memory_space<vmem>>
        %dma_start3A_76 = arith.constant 0 : i32
        %dma_start3A_77 = arith.constant 0 : i32
        %dma_start3A_78 = tpu.memref_slice %arg3[%add3A_14, %dma_start3A_76, %dma_start3A_77] : memref<2560x2x128xi32, #tpu.memory_space<hbm>> -> memref<56x2x128xi32, #tpu.memory_space<hbm>>
        %dma_start3A_79 = arith.constant 0 : i32
        %dma_start3A_80 = arith.constant 0 : i32
        %dma_start3A_81 = arith.constant 0 : i32
        %dma_start3A_82 = tpu.memref_slice %arg6[%dma_start3A_79, %dma_start3A_80, %dma_start3A_81] : memref<56x2x128xi32, #tpu.memory_space<vmem>> -> memref<56x2x128xi32, #tpu.memory_space<vmem>>
        %dma_start3A_83 = arith.constant 0 : i32
        %dma_start3A_84 = arith.constant 0 : i32
        %dma_start3A_85 = tpu.memref_slice %arg3[%add3A_14, %dma_start3A_83, %dma_start3A_84] : memref<2560x2x128xi32, #tpu.memory_space<hbm>> -> memref<56x2x128xi32, #tpu.memory_space<hbm>>
        tpu.enqueue_dma source(%dma_start3A_85 : memref<56x2x128xi32, #tpu.memory_space<hbm>>) target(%dma_start3A_82 : memref<56x2x128xi32, #tpu.memory_space<vmem>>) target_semaphore(%run_scoped3A : memref<!tpu.dma_semaphore, #tpu.memory_space<semaphore_mem>>)
        %dma_wait3A_86 = arith.constant 0 : i32
        %dma_wait3A_87 = arith.constant 0 : i32
        %dma_wait3A_88 = arith.constant 0 : i32
        %dma_wait3A_89 = tpu.memref_slice %arg6[%dma_wait3A_86, %dma_wait3A_87, %dma_wait3A_88] : memref<56x2x128xi32, #tpu.memory_space<vmem>> -> memref<56x2x128xi32, #tpu.memory_space<vmem>>
        %dma_wait3A_90 = arith.constant 0 : i32
        %dma_wait3A_91 = arith.constant 0 : i32
        %dma_wait3A_92 = tpu.memref_slice %arg3[%add3A_14, %dma_wait3A_90, %dma_wait3A_91] : memref<2560x2x128xi32, #tpu.memory_space<hbm>> -> memref<56x2x128xi32, #tpu.memory_space<hbm>>
        %dma_wait3A_93 = arith.constant 0 : i32
        %dma_wait3A_94 = arith.constant 0 : i32
        %dma_wait3A_95 = arith.constant 0 : i32
        %dma_wait3A_96 = tpu.memref_slice %arg6[%dma_wait3A_93, %dma_wait3A_94, %dma_wait3A_95] : memref<56x2x128xi32, #tpu.memory_space<vmem>> -> memref<56x2x128xi32, #tpu.memory_space<vmem>>
        %dma_wait3A_97 = arith.constant 0 : i32
        %dma_wait3A_98 = arith.constant 0 : i32
        %dma_wait3A_99 = tpu.memref_slice %arg3[%add3A_14, %dma_wait3A_97, %dma_wait3A_98] : memref<2560x2x128xi32, #tpu.memory_space<hbm>> -> memref<56x2x128xi32, #tpu.memory_space<hbm>>
        tpu.wait_dma2 semaphore(%run_scoped3A : memref<!tpu.dma_semaphore, #tpu.memory_space<semaphore_mem>>) src(%dma_wait3A_99 : memref<56x2x128xi32, #tpu.memory_space<hbm>>) dst(%dma_wait3A_96 : memref<56x2x128xi32, #tpu.memory_space<vmem>>)
        tpu.yield
      }) : () -> ()
      %dma_start3A_15 = arith.constant 0 : i32
      %dma_start3A_16 = arith.constant 1 : i32
      %dma_start3A_17 = arith.constant 0 : i32
      %dma_start3A_18 = arith.constant 0 : i32
      %dma_start3A_19 = tpu.memref_slice %arg7[%dma_start3A_17, %dma_start3A_18] : memref<256x128xf32, #tpu.memory_space<vmem>> -> memref<64x128xf32, #tpu.memory_space<vmem>>
      %dma_start3A_20 = arith.constant 0 : i32
      %dma_start3A_21 = tpu.memref_slice %arg6[%dma_start3A_15, %dma_start3A_16, %dma_start3A_20] : memref<56x2x128xi32, #tpu.memory_space<vmem>> -> memref<1x1x64xi32, #tpu.memory_space<vmem>>
      %dma_start3A_22 = tpu.memref_squeeze %dma_start3A_21 : memref<1x1x64xi32, #tpu.memory_space<vmem>> -> memref<64xi32, #tpu.memory_space<vmem>>
      %dma_start3A_23 = arith.constant 0 : i32
      %dma_start3A_24 = arith.constant 0 : i32
      %dma_start3A_25 = tpu.memref_slice %arg2[%dma_start3A_23, %dma_start3A_24] : memref<10112x128xf32, #tpu.memory_space<hbm>> -> memref<10112x128xf32, #tpu.memory_space<hbm>>
      tpu.enqueue_indirect_dma source(%dma_start3A_25 : memref<10112x128xf32, #tpu.memory_space<hbm>>) target(%dma_start3A_19 : memref<64x128xf32, #tpu.memory_space<vmem>>) offsets(%dma_start3A_22 : memref<64xi32, #tpu.memory_space<vmem>>) semaphore(%arg9 : memref<!tpu.dma_semaphore, #tpu.memory_space<semaphore_mem>>)
      %dma_start3A_26 = arith.constant 0 : i32
      %dma_start3A_27 = arith.constant 1 : i32
      %dma_start3A_28 = arith.constant 64 : i32
      %dma_start3A_29 = arith.constant 0 : i32
      %dma_start3A_30 = tpu.memref_slice %arg7[%dma_start3A_28, %dma_start3A_29] : memref<256x128xf32, #tpu.memory_space<vmem>> -> memref<64x128xf32, #tpu.memory_space<vmem>>
      %dma_start3A_31 = arith.constant 64 : i32
      %dma_start3A_32 = tpu.memref_slice %arg6[%dma_start3A_26, %dma_start3A_27, %dma_start3A_31] : memref<56x2x128xi32, #tpu.memory_space<vmem>> -> memref<1x1x64xi32, #tpu.memory_space<vmem>>
      %dma_start3A_33 = tpu.memref_squeeze %dma_start3A_32 : memref<1x1x64xi32, #tpu.memory_space<vmem>> -> memref<64xi32, #tpu.memory_space<vmem>>
      %dma_start3A_34 = arith.constant 0 : i32
      %dma_start3A_35 = arith.constant 0 : i32
      %dma_start3A_36 = tpu.memref_slice %arg2[%dma_start3A_34, %dma_start3A_35] : memref<10112x128xf32, #tpu.memory_space<hbm>> -> memref<10112x128xf32, #tpu.memory_space<hbm>>
      tpu.enqueue_indirect_dma source(%dma_start3A_36 : memref<10112x128xf32, #tpu.memory_space<hbm>>) target(%dma_start3A_30 : memref<64x128xf32, #tpu.memory_space<vmem>>) offsets(%dma_start3A_33 : memref<64xi32, #tpu.memory_space<vmem>>) semaphore(%arg10 : memref<!tpu.dma_semaphore, #tpu.memory_space<semaphore_mem>>)
      %dma_wait3A = arith.constant 0 : i32
      %dma_wait3A_37 = tpu.memref_slice %arg8[%mul3A_0, %dma_wait3A] : memref<10112x128xf32, #tpu.memory_space<vmem_shared>> -> memref<632x128xf32, #tpu.memory_space<vmem_shared>>
      tpu.wait_dma2 semaphore(%arg13 : memref<!tpu.dma_semaphore, #tpu.memory_space<semaphore_mem>>) src(%arg4 : memref<632x128xf32, #tpu.memory_space<hbm>>) dst(%dma_wait3A_37 : memref<632x128xf32, #tpu.memory_space<vmem_shared>>)
      %barrier3A_38 = arith.constant 0 : index
      tpu.barrier barrier_id(%barrier3A_38)
      %scan3A = arith.constant 0 : i32
      %scan3A_39 = arith.constant 28 : i32
      %scan3A_40 = arith.addi %scan3A, %scan3A_39 : i32
      %scan3A_41 = arith.constant 1 : i32
      scf.for %scan3A_72 = %scan3A to %scan3A_40 step %scan3A_41  : i32 {
        %mul3A_73 = arith.constant 2 : i32
        %mul3A_74 = arith.muli %scan3A_72, %mul3A_73 : i32
        %add3A_75 = arith.constant 0 : i32
        %add3A_76 = arith.addi %add3A_75, %mul3A_74 : i32
        %add3A_77 = arith.constant 0 : i32
        %add3A_78 = arith.addi %add3A_76, %add3A_77 : i32
        %add3A_79 = arith.constant 1 : i32
        %add3A_80 = arith.addi %add3A_78, %add3A_79 : i32
        %lt3A = arith.constant 56 : i32
        %lt3A_81 = arith.cmpi slt, %add3A_80, %lt3A : i32
        %convert_element_type3A_82 = arith.extui %lt3A_81 : i1 to i32
        %cond3A_83 = arith.constant 0 : i32
        %cond3A_84 = arith.cmpi ne, %convert_element_type3A_82, %cond3A_83 : i32
        scf.if %cond3A_84 {
          %add3A_135 = arith.constant 1 : i32
          %add3A_136 = arith.addi %add3A_78, %add3A_135 : i32
          %dma_start3A_137 = arith.constant 1 : i32
          %dma_start3A_138 = arith.constant 128 : i32
          %dma_start3A_139 = arith.constant 0 : i32
          %dma_start3A_140 = tpu.memref_slice %arg7[%dma_start3A_138, %dma_start3A_139] : memref<256x128xf32, #tpu.memory_space<vmem>> -> memref<64x128xf32, #tpu.memory_space<vmem>>
          %dma_start3A_141 = arith.constant 0 : i32
          %dma_start3A_142 = tpu.memref_slice %arg6[%add3A_136, %dma_start3A_137, %dma_start3A_141] : memref<56x2x128xi32, #tpu.memory_space<vmem>> -> memref<1x1x64xi32, #tpu.memory_space<vmem>>
          %dma_start3A_143 = tpu.memref_squeeze %dma_start3A_142 : memref<1x1x64xi32, #tpu.memory_space<vmem>> -> memref<64xi32, #tpu.memory_space<vmem>>
          %dma_start3A_144 = arith.constant 0 : i32
          %dma_start3A_145 = arith.constant 0 : i32
          %dma_start3A_146 = tpu.memref_slice %arg2[%dma_start3A_144, %dma_start3A_145] : memref<10112x128xf32, #tpu.memory_space<hbm>> -> memref<10112x128xf32, #tpu.memory_space<hbm>>
          tpu.enqueue_indirect_dma source(%dma_start3A_146 : memref<10112x128xf32, #tpu.memory_space<hbm>>) target(%dma_start3A_140 : memref<64x128xf32, #tpu.memory_space<vmem>>) offsets(%dma_start3A_143 : memref<64xi32, #tpu.memory_space<vmem>>) semaphore(%arg11 : memref<!tpu.dma_semaphore, #tpu.memory_space<semaphore_mem>>)
          %add3A_147 = arith.constant 1 : i32
          %add3A_148 = arith.addi %add3A_78, %add3A_147 : i32
          %dma_start3A_149 = arith.constant 1 : i32
          %dma_start3A_150 = arith.constant 192 : i32
          %dma_start3A_151 = arith.constant 0 : i32
          %dma_start3A_152 = tpu.memref_slice %arg7[%dma_start3A_150, %dma_start3A_151] : memref<256x128xf32, #tpu.memory_space<vmem>> -> memref<64x128xf32, #tpu.memory_space<vmem>>
          %dma_start3A_153 = arith.constant 64 : i32
          %dma_start3A_154 = tpu.memref_slice %arg6[%add3A_148, %dma_start3A_149, %dma_start3A_153] : memref<56x2x128xi32, #tpu.memory_space<vmem>> -> memref<1x1x64xi32, #tpu.memory_space<vmem>>
          %dma_start3A_155 = tpu.memref_squeeze %dma_start3A_154 : memref<1x1x64xi32, #tpu.memory_space<vmem>> -> memref<64xi32, #tpu.memory_space<vmem>>
          %dma_start3A_156 = arith.constant 0 : i32
          %dma_start3A_157 = arith.constant 0 : i32
          %dma_start3A_158 = tpu.memref_slice %arg2[%dma_start3A_156, %dma_start3A_157] : memref<10112x128xf32, #tpu.memory_space<hbm>> -> memref<10112x128xf32, #tpu.memory_space<hbm>>
          tpu.enqueue_indirect_dma source(%dma_start3A_158 : memref<10112x128xf32, #tpu.memory_space<hbm>>) target(%dma_start3A_152 : memref<64x128xf32, #tpu.memory_space<vmem>>) offsets(%dma_start3A_155 : memref<64xi32, #tpu.memory_space<vmem>>) semaphore(%arg12 : memref<!tpu.dma_semaphore, #tpu.memory_space<semaphore_mem>>)
        } else {
        }
        %dma_wait3A_85 = arith.constant 1 : i32
        %dma_wait3A_86 = arith.constant 0 : i32
        %dma_wait3A_87 = arith.constant 0 : i32
        %dma_wait3A_88 = tpu.memref_slice %arg7[%dma_wait3A_86, %dma_wait3A_87] : memref<256x128xf32, #tpu.memory_space<vmem>> -> memref<64x128xf32, #tpu.memory_space<vmem>>
        %dma_wait3A_89 = arith.constant 0 : i32
        %dma_wait3A_90 = tpu.memref_slice %arg6[%add3A_78, %dma_wait3A_85, %dma_wait3A_89] : memref<56x2x128xi32, #tpu.memory_space<vmem>> -> memref<1x1x64xi32, #tpu.memory_space<vmem>>
        %dma_wait3A_91 = tpu.memref_squeeze %dma_wait3A_90 : memref<1x1x64xi32, #tpu.memory_space<vmem>> -> memref<64xi32, #tpu.memory_space<vmem>>
        %dma_wait3A_92 = arith.constant 0 : i32
        %dma_wait3A_93 = arith.constant 0 : i32
        %dma_wait3A_94 = tpu.memref_slice %arg2[%dma_wait3A_92, %dma_wait3A_93] : memref<10112x128xf32, #tpu.memory_space<hbm>> -> memref<10112x128xf32, #tpu.memory_space<hbm>>
        tpu.wait_indirect_dma semaphore(%arg9 : memref<!tpu.dma_semaphore, #tpu.memory_space<semaphore_mem>>) src(%dma_wait3A_94 : memref<10112x128xf32, #tpu.memory_space<hbm>>) dst(%dma_wait3A_88 : memref<64x128xf32, #tpu.memory_space<vmem>>)
        %dma_wait3A_95 = arith.constant 1 : i32
        %dma_wait3A_96 = arith.constant 64 : i32
        %dma_wait3A_97 = arith.constant 0 : i32
        %dma_wait3A_98 = tpu.memref_slice %arg7[%dma_wait3A_96, %dma_wait3A_97] : memref<256x128xf32, #tpu.memory_space<vmem>> -> memref<64x128xf32, #tpu.memory_space<vmem>>
        %dma_wait3A_99 = arith.constant 64 : i32
        %dma_wait3A_100 = tpu.memref_slice %arg6[%add3A_78, %dma_wait3A_95, %dma_wait3A_99] : memref<56x2x128xi32, #tpu.memory_space<vmem>> -> memref<1x1x64xi32, #tpu.memory_space<vmem>>
        %dma_wait3A_101 = tpu.memref_squeeze %dma_wait3A_100 : memref<1x1x64xi32, #tpu.memory_space<vmem>> -> memref<64xi32, #tpu.memory_space<vmem>>
        %dma_wait3A_102 = arith.constant 0 : i32
        %dma_wait3A_103 = arith.constant 0 : i32
        %dma_wait3A_104 = tpu.memref_slice %arg2[%dma_wait3A_102, %dma_wait3A_103] : memref<10112x128xf32, #tpu.memory_space<hbm>> -> memref<10112x128xf32, #tpu.memory_space<hbm>>
        tpu.wait_indirect_dma semaphore(%arg10 : memref<!tpu.dma_semaphore, #tpu.memory_space<semaphore_mem>>) src(%dma_wait3A_104 : memref<10112x128xf32, #tpu.memory_space<hbm>>) dst(%dma_wait3A_98 : memref<64x128xf32, #tpu.memory_space<vmem>>)
        %run_scoped3A = arith.constant 0 : i32
        "tpu.region"() ({
          %run_scoped3A_135 = tpu.sem_alloc : memref<!tpu.dma_semaphore, #tpu.memory_space<semaphore_mem>>
          %dma_start3A_136 = arith.constant 0 : i32
          %dma_start3A_137 = arith.constant 0 : i32
          %dma_start3A_138 = tpu.memref_slice %arg7[%dma_start3A_136, %dma_start3A_137] : memref<256x128xf32, #tpu.memory_space<vmem>> -> memref<128x128xf32, #tpu.memory_space<vmem>>
          %dma_start3A_139 = arith.constant 0 : i32
          %dma_start3A_140 = tpu.memref_slice %arg6[%add3A_78, %run_scoped3A, %dma_start3A_139] : memref<56x2x128xi32, #tpu.memory_space<vmem>> -> memref<1x1x128xi32, #tpu.memory_space<vmem>>
          %dma_start3A_141 = tpu.memref_squeeze %dma_start3A_140 : memref<1x1x128xi32, #tpu.memory_space<vmem>> -> memref<128xi32, #tpu.memory_space<vmem>>
          %dma_start3A_142 = arith.constant 0 : i32
          %dma_start3A_143 = arith.constant 0 : i32
          %dma_start3A_144 = tpu.memref_slice %arg8[%dma_start3A_142, %dma_start3A_143] : memref<10112x128xf32, #tpu.memory_space<vmem_shared>> -> memref<10112x128xf32, #tpu.memory_space<vmem_shared>>
          tpu.enqueue_indirect_dma source(%dma_start3A_138 : memref<128x128xf32, #tpu.memory_space<vmem>>) target(%dma_start3A_144 : memref<10112x128xf32, #tpu.memory_space<vmem_shared>>) offsets(%dma_start3A_141 : memref<128xi32, #tpu.memory_space<vmem>>) semaphore(%run_scoped3A_135 : memref<!tpu.dma_semaphore, #tpu.memory_space<semaphore_mem>>) {add = true}
          %dma_wait3A_145 = arith.constant 0 : i32
          %dma_wait3A_146 = arith.constant 0 : i32
          %dma_wait3A_147 = tpu.memref_slice %arg7[%dma_wait3A_145, %dma_wait3A_146] : memref<256x128xf32, #tpu.memory_space<vmem>> -> memref<128x128xf32, #tpu.memory_space<vmem>>
          %dma_wait3A_148 = arith.constant 0 : i32
          %dma_wait3A_149 = tpu.memref_slice %arg6[%add3A_78, %run_scoped3A, %dma_wait3A_148] : memref<56x2x128xi32, #tpu.memory_space<vmem>> -> memref<1x1x128xi32, #tpu.memory_space<vmem>>
          %dma_wait3A_150 = tpu.memref_squeeze %dma_wait3A_149 : memref<1x1x128xi32, #tpu.memory_space<vmem>> -> memref<128xi32, #tpu.memory_space<vmem>>
          %dma_wait3A_151 = arith.constant 0 : i32
          %dma_wait3A_152 = arith.constant 0 : i32
          %dma_wait3A_153 = tpu.memref_slice %arg8[%dma_wait3A_151, %dma_wait3A_152] : memref<10112x128xf32, #tpu.memory_space<vmem_shared>> -> memref<10112x128xf32, #tpu.memory_space<vmem_shared>>
          tpu.wait_indirect_dma semaphore(%run_scoped3A_135 : memref<!tpu.dma_semaphore, #tpu.memory_space<semaphore_mem>>) src(%dma_wait3A_147 : memref<128x128xf32, #tpu.memory_space<vmem>>) dst(%dma_wait3A_153 : memref<10112x128xf32, #tpu.memory_space<vmem_shared>>)
          tpu.yield
        }) : () -> ()
        %add3A_105 = arith.constant 1 : i32
        %add3A_106 = arith.addi %add3A_76, %add3A_105 : i32
        %add3A_107 = arith.constant 1 : i32
        %add3A_108 = arith.addi %add3A_106, %add3A_107 : i32
        %lt3A_109 = arith.constant 56 : i32
        %lt3A_110 = arith.cmpi slt, %add3A_108, %lt3A_109 : i32
        %convert_element_type3A_111 = arith.extui %lt3A_110 : i1 to i32
        %cond3A_112 = arith.constant 0 : i32
        %cond3A_113 = arith.cmpi ne, %convert_element_type3A_111, %cond3A_112 : i32
        scf.if %cond3A_113 {
          %add3A_135 = arith.constant 1 : i32
          %add3A_136 = arith.addi %add3A_106, %add3A_135 : i32
          %dma_start3A_137 = arith.constant 1 : i32
          %dma_start3A_138 = arith.constant 0 : i32
          %dma_start3A_139 = arith.constant 0 : i32
          %dma_start3A_140 = tpu.memref_slice %arg7[%dma_start3A_138, %dma_start3A_139] : memref<256x128xf32, #tpu.memory_space<vmem>> -> memref<64x128xf32, #tpu.memory_space<vmem>>
          %dma_start3A_141 = arith.constant 0 : i32
          %dma_start3A_142 = tpu.memref_slice %arg6[%add3A_136, %dma_start3A_137, %dma_start3A_141] : memref<56x2x128xi32, #tpu.memory_space<vmem>> -> memref<1x1x64xi32, #tpu.memory_space<vmem>>
          %dma_start3A_143 = tpu.memref_squeeze %dma_start3A_142 : memref<1x1x64xi32, #tpu.memory_space<vmem>> -> memref<64xi32, #tpu.memory_space<vmem>>
          %dma_start3A_144 = arith.constant 0 : i32
          %dma_start3A_145 = arith.constant 0 : i32
          %dma_start3A_146 = tpu.memref_slice %arg2[%dma_start3A_144, %dma_start3A_145] : memref<10112x128xf32, #tpu.memory_space<hbm>> -> memref<10112x128xf32, #tpu.memory_space<hbm>>
          tpu.enqueue_indirect_dma source(%dma_start3A_146 : memref<10112x128xf32, #tpu.memory_space<hbm>>) target(%dma_start3A_140 : memref<64x128xf32, #tpu.memory_space<vmem>>) offsets(%dma_start3A_143 : memref<64xi32, #tpu.memory_space<vmem>>) semaphore(%arg9 : memref<!tpu.dma_semaphore, #tpu.memory_space<semaphore_mem>>)
          %add3A_147 = arith.constant 1 : i32
          %add3A_148 = arith.addi %add3A_106, %add3A_147 : i32
          %dma_start3A_149 = arith.constant 1 : i32
          %dma_start3A_150 = arith.constant 64 : i32
          %dma_start3A_151 = arith.constant 0 : i32
          %dma_start3A_152 = tpu.memref_slice %arg7[%dma_start3A_150, %dma_start3A_151] : memref<256x128xf32, #tpu.memory_space<vmem>> -> memref<64x128xf32, #tpu.memory_space<vmem>>
          %dma_start3A_153 = arith.constant 64 : i32
          %dma_start3A_154 = tpu.memref_slice %arg6[%add3A_148, %dma_start3A_149, %dma_start3A_153] : memref<56x2x128xi32, #tpu.memory_space<vmem>> -> memref<1x1x64xi32, #tpu.memory_space<vmem>>
          %dma_start3A_155 = tpu.memref_squeeze %dma_start3A_154 : memref<1x1x64xi32, #tpu.memory_space<vmem>> -> memref<64xi32, #tpu.memory_space<vmem>>
          %dma_start3A_156 = arith.constant 0 : i32
          %dma_start3A_157 = arith.constant 0 : i32
          %dma_start3A_158 = tpu.memref_slice %arg2[%dma_start3A_156, %dma_start3A_157] : memref<10112x128xf32, #tpu.memory_space<hbm>> -> memref<10112x128xf32, #tpu.memory_space<hbm>>
          tpu.enqueue_indirect_dma source(%dma_start3A_158 : memref<10112x128xf32, #tpu.memory_space<hbm>>) target(%dma_start3A_152 : memref<64x128xf32, #tpu.memory_space<vmem>>) offsets(%dma_start3A_155 : memref<64xi32, #tpu.memory_space<vmem>>) semaphore(%arg10 : memref<!tpu.dma_semaphore, #tpu.memory_space<semaphore_mem>>)
        } else {
        }
        %dma_wait3A_114 = arith.constant 1 : i32
        %dma_wait3A_115 = arith.constant 128 : i32
        %dma_wait3A_116 = arith.constant 0 : i32
        %dma_wait3A_117 = tpu.memref_slice %arg7[%dma_wait3A_115, %dma_wait3A_116] : memref<256x128xf32, #tpu.memory_space<vmem>> -> memref<64x128xf32, #tpu.memory_space<vmem>>
        %dma_wait3A_118 = arith.constant 0 : i32
        %dma_wait3A_119 = tpu.memref_slice %arg6[%add3A_106, %dma_wait3A_114, %dma_wait3A_118] : memref<56x2x128xi32, #tpu.memory_space<vmem>> -> memref<1x1x64xi32, #tpu.memory_space<vmem>>
        %dma_wait3A_120 = tpu.memref_squeeze %dma_wait3A_119 : memref<1x1x64xi32, #tpu.memory_space<vmem>> -> memref<64xi32, #tpu.memory_space<vmem>>
        %dma_wait3A_121 = arith.constant 0 : i32
        %dma_wait3A_122 = arith.constant 0 : i32
        %dma_wait3A_123 = tpu.memref_slice %arg2[%dma_wait3A_121, %dma_wait3A_122] : memref<10112x128xf32, #tpu.memory_space<hbm>> -> memref<10112x128xf32, #tpu.memory_space<hbm>>
        tpu.wait_indirect_dma semaphore(%arg11 : memref<!tpu.dma_semaphore, #tpu.memory_space<semaphore_mem>>) src(%dma_wait3A_123 : memref<10112x128xf32, #tpu.memory_space<hbm>>) dst(%dma_wait3A_117 : memref<64x128xf32, #tpu.memory_space<vmem>>)
        %dma_wait3A_124 = arith.constant 1 : i32
        %dma_wait3A_125 = arith.constant 192 : i32
        %dma_wait3A_126 = arith.constant 0 : i32
        %dma_wait3A_127 = tpu.memref_slice %arg7[%dma_wait3A_125, %dma_wait3A_126] : memref<256x128xf32, #tpu.memory_space<vmem>> -> memref<64x128xf32, #tpu.memory_space<vmem>>
        %dma_wait3A_128 = arith.constant 64 : i32
        %dma_wait3A_129 = tpu.memref_slice %arg6[%add3A_106, %dma_wait3A_124, %dma_wait3A_128] : memref<56x2x128xi32, #tpu.memory_space<vmem>> -> memref<1x1x64xi32, #tpu.memory_space<vmem>>
        %dma_wait3A_130 = tpu.memref_squeeze %dma_wait3A_129 : memref<1x1x64xi32, #tpu.memory_space<vmem>> -> memref<64xi32, #tpu.memory_space<vmem>>
        %dma_wait3A_131 = arith.constant 0 : i32
        %dma_wait3A_132 = arith.constant 0 : i32
        %dma_wait3A_133 = tpu.memref_slice %arg2[%dma_wait3A_131, %dma_wait3A_132] : memref<10112x128xf32, #tpu.memory_space<hbm>> -> memref<10112x128xf32, #tpu.memory_space<hbm>>
        tpu.wait_indirect_dma semaphore(%arg12 : memref<!tpu.dma_semaphore, #tpu.memory_space<semaphore_mem>>) src(%dma_wait3A_133 : memref<10112x128xf32, #tpu.memory_space<hbm>>) dst(%dma_wait3A_127 : memref<64x128xf32, #tpu.memory_space<vmem>>)
        %run_scoped3A_134 = arith.constant 0 : i32
        "tpu.region"() ({
          %run_scoped3A_135 = tpu.sem_alloc : memref<!tpu.dma_semaphore, #tpu.memory_space<semaphore_mem>>
          %dma_start3A_136 = arith.constant 128 : i32
          %dma_start3A_137 = arith.constant 0 : i32
          %dma_start3A_138 = tpu.memref_slice %arg7[%dma_start3A_136, %dma_start3A_137] : memref<256x128xf32, #tpu.memory_space<vmem>> -> memref<128x128xf32, #tpu.memory_space<vmem>>
          %dma_start3A_139 = arith.constant 0 : i32
          %dma_start3A_140 = tpu.memref_slice %arg6[%add3A_106, %run_scoped3A_134, %dma_start3A_139] : memref<56x2x128xi32, #tpu.memory_space<vmem>> -> memref<1x1x128xi32, #tpu.memory_space<vmem>>
          %dma_start3A_141 = tpu.memref_squeeze %dma_start3A_140 : memref<1x1x128xi32, #tpu.memory_space<vmem>> -> memref<128xi32, #tpu.memory_space<vmem>>
          %dma_start3A_142 = arith.constant 0 : i32
          %dma_start3A_143 = arith.constant 0 : i32
          %dma_start3A_144 = tpu.memref_slice %arg8[%dma_start3A_142, %dma_start3A_143] : memref<10112x128xf32, #tpu.memory_space<vmem_shared>> -> memref<10112x128xf32, #tpu.memory_space<vmem_shared>>
          tpu.enqueue_indirect_dma source(%dma_start3A_138 : memref<128x128xf32, #tpu.memory_space<vmem>>) target(%dma_start3A_144 : memref<10112x128xf32, #tpu.memory_space<vmem_shared>>) offsets(%dma_start3A_141 : memref<128xi32, #tpu.memory_space<vmem>>) semaphore(%run_scoped3A_135 : memref<!tpu.dma_semaphore, #tpu.memory_space<semaphore_mem>>) {add = true}
          %dma_wait3A_145 = arith.constant 128 : i32
          %dma_wait3A_146 = arith.constant 0 : i32
          %dma_wait3A_147 = tpu.memref_slice %arg7[%dma_wait3A_145, %dma_wait3A_146] : memref<256x128xf32, #tpu.memory_space<vmem>> -> memref<128x128xf32, #tpu.memory_space<vmem>>
          %dma_wait3A_148 = arith.constant 0 : i32
          %dma_wait3A_149 = tpu.memref_slice %arg6[%add3A_106, %run_scoped3A_134, %dma_wait3A_148] : memref<56x2x128xi32, #tpu.memory_space<vmem>> -> memref<1x1x128xi32, #tpu.memory_space<vmem>>
          %dma_wait3A_150 = tpu.memref_squeeze %dma_wait3A_149 : memref<1x1x128xi32, #tpu.memory_space<vmem>> -> memref<128xi32, #tpu.memory_space<vmem>>
          %dma_wait3A_151 = arith.constant 0 : i32
          %dma_wait3A_152 = arith.constant 0 : i32
          %dma_wait3A_153 = tpu.memref_slice %arg8[%dma_wait3A_151, %dma_wait3A_152] : memref<10112x128xf32, #tpu.memory_space<vmem_shared>> -> memref<10112x128xf32, #tpu.memory_space<vmem_shared>>
          tpu.wait_indirect_dma semaphore(%run_scoped3A_135 : memref<!tpu.dma_semaphore, #tpu.memory_space<semaphore_mem>>) src(%dma_wait3A_147 : memref<128x128xf32, #tpu.memory_space<vmem>>) dst(%dma_wait3A_153 : memref<10112x128xf32, #tpu.memory_space<vmem_shared>>)
          tpu.yield
        }) : () -> ()
      }
      %scan3A_42 = arith.constant 28 : i32
      %add3A_43 = arith.constant 56 : i32
      %add3A_44 = arith.addi %mul3A_13, %add3A_43 : i32
      "tpu.region"() ({
        %run_scoped3A = tpu.sem_alloc : memref<!tpu.dma_semaphore, #tpu.memory_space<semaphore_mem>>
        %dma_start3A_72 = arith.constant 0 : i32
        %dma_start3A_73 = arith.constant 0 : i32
        %dma_start3A_74 = arith.constant 0 : i32
        %dma_start3A_75 = tpu.memref_slice %arg6[%dma_start3A_72, %dma_start3A_73, %dma_start3A_74] : memref<56x2x128xi32, #tpu.memory_space<vmem>> -> memref<56x2x128xi32, #tpu.memory_space<vmem>>
        %dma_start3A_76 = arith.constant 0 : i32
        %dma_start3A_77 = arith.constant 0 : i32
        %dma_start3A_78 = tpu.memref_slice %arg3[%add3A_44, %dma_start3A_76, %dma_start3A_77] : memref<2560x2x128xi32, #tpu.memory_space<hbm>> -> memref<56x2x128xi32, #tpu.memory_space<hbm>>
        %dma_start3A_79 = arith.constant 0 : i32
        %dma_start3A_80 = arith.constant 0 : i32
        %dma_start3A_81 = arith.constant 0 : i32
        %dma_start3A_82 = tpu.memref_slice %arg6[%dma_start3A_79, %dma_start3A_80, %dma_start3A_81] : memref<56x2x128xi32, #tpu.memory_space<vmem>> -> memref<56x2x128xi32, #tpu.memory_space<vmem>>
        %dma_start3A_83 = arith.constant 0 : i32
        %dma_start3A_84 = arith.constant 0 : i32
        %dma_start3A_85 = tpu.memref_slice %arg3[%add3A_44, %dma_start3A_83, %dma_start3A_84] : memref<2560x2x128xi32, #tpu.memory_space<hbm>> -> memref<56x2x128xi32, #tpu.memory_space<hbm>>
        tpu.enqueue_dma source(%dma_start3A_85 : memref<56x2x128xi32, #tpu.memory_space<hbm>>) target(%dma_start3A_82 : memref<56x2x128xi32, #tpu.memory_space<vmem>>) target_semaphore(%run_scoped3A : memref<!tpu.dma_semaphore, #tpu.memory_space<semaphore_mem>>)
        %dma_wait3A_86 = arith.constant 0 : i32
        %dma_wait3A_87 = arith.constant 0 : i32
        %dma_wait3A_88 = arith.constant 0 : i32
        %dma_wait3A_89 = tpu.memref_slice %arg6[%dma_wait3A_86, %dma_wait3A_87, %dma_wait3A_88] : memref<56x2x128xi32, #tpu.memory_space<vmem>> -> memref<56x2x128xi32, #tpu.memory_space<vmem>>
        %dma_wait3A_90 = arith.constant 0 : i32
        %dma_wait3A_91 = arith.constant 0 : i32
        %dma_wait3A_92 = tpu.memref_slice %arg3[%add3A_44, %dma_wait3A_90, %dma_wait3A_91] : memref<2560x2x128xi32, #tpu.memory_space<hbm>> -> memref<56x2x128xi32, #tpu.memory_space<hbm>>
        %dma_wait3A_93 = arith.constant 0 : i32
        %dma_wait3A_94 = arith.constant 0 : i32
        %dma_wait3A_95 = arith.constant 0 : i32
        %dma_wait3A_96 = tpu.memref_slice %arg6[%dma_wait3A_93, %dma_wait3A_94, %dma_wait3A_95] : memref<56x2x128xi32, #tpu.memory_space<vmem>> -> memref<56x2x128xi32, #tpu.memory_space<vmem>>
        %dma_wait3A_97 = arith.constant 0 : i32
        %dma_wait3A_98 = arith.constant 0 : i32
        %dma_wait3A_99 = tpu.memref_slice %arg3[%add3A_44, %dma_wait3A_97, %dma_wait3A_98] : memref<2560x2x128xi32, #tpu.memory_space<hbm>> -> memref<56x2x128xi32, #tpu.memory_space<hbm>>
        tpu.wait_dma2 semaphore(%run_scoped3A : memref<!tpu.dma_semaphore, #tpu.memory_space<semaphore_mem>>) src(%dma_wait3A_99 : memref<56x2x128xi32, #tpu.memory_space<hbm>>) dst(%dma_wait3A_96 : memref<56x2x128xi32, #tpu.memory_space<vmem>>)
        tpu.yield
      }) : () -> ()
      %dma_start3A_45 = arith.constant 0 : i32
      %dma_start3A_46 = arith.constant 1 : i32
      %dma_start3A_47 = arith.constant 0 : i32
      %dma_start3A_48 = arith.constant 0 : i32
      %dma_start3A_49 = tpu.memref_slice %arg7[%dma_start3A_47, %dma_start3A_48] : memref<256x128xf32, #tpu.memory_space<vmem>> -> memref<64x128xf32, #tpu.memory_space<vmem>>
      %dma_start3A_50 = arith.constant 0 : i32
      %dma_start3A_51 = tpu.memref_slice %arg6[%dma_start3A_45, %dma_start3A_46, %dma_start3A_50] : memref<56x2x128xi32, #tpu.memory_space<vmem>> -> memref<1x1x64xi32, #tpu.memory_space<vmem>>
      %dma_start3A_52 = tpu.memref_squeeze %dma_start3A_51 : memref<1x1x64xi32, #tpu.memory_space<vmem>> -> memref<64xi32, #tpu.memory_space<vmem>>
      %dma_start3A_53 = arith.constant 0 : i32
      %dma_start3A_54 = arith.constant 0 : i32
      %dma_start3A_55 = tpu.memref_slice %arg2[%dma_start3A_53, %dma_start3A_54] : memref<10112x128xf32, #tpu.memory_space<hbm>> -> memref<10112x128xf32, #tpu.memory_space<hbm>>
      tpu.enqueue_indirect_dma source(%dma_start3A_55 : memref<10112x128xf32, #tpu.memory_space<hbm>>) target(%dma_start3A_49 : memref<64x128xf32, #tpu.memory_space<vmem>>) offsets(%dma_start3A_52 : memref<64xi32, #tpu.memory_space<vmem>>) semaphore(%arg9 : memref<!tpu.dma_semaphore, #tpu.memory_space<semaphore_mem>>)
      %dma_start3A_56 = arith.constant 0 : i32
      %dma_start3A_57 = arith.constant 1 : i32
      %dma_start3A_58 = arith.constant 64 : i32
      %dma_start3A_59 = arith.constant 0 : i32
      %dma_start3A_60 = tpu.memref_slice %arg7[%dma_start3A_58, %dma_start3A_59] : memref<256x128xf32, #tpu.memory_space<vmem>> -> memref<64x128xf32, #tpu.memory_space<vmem>>
      %dma_start3A_61 = arith.constant 64 : i32
      %dma_start3A_62 = tpu.memref_slice %arg6[%dma_start3A_56, %dma_start3A_57, %dma_start3A_61] : memref<56x2x128xi32, #tpu.memory_space<vmem>> -> memref<1x1x64xi32, #tpu.memory_space<vmem>>
      %dma_start3A_63 = tpu.memref_squeeze %dma_start3A_62 : memref<1x1x64xi32, #tpu.memory_space<vmem>> -> memref<64xi32, #tpu.memory_space<vmem>>
      %dma_start3A_64 = arith.constant 0 : i32
      %dma_start3A_65 = arith.constant 0 : i32
      %dma_start3A_66 = tpu.memref_slice %arg2[%dma_start3A_64, %dma_start3A_65] : memref<10112x128xf32, #tpu.memory_space<hbm>> -> memref<10112x128xf32, #tpu.memory_space<hbm>>
      tpu.enqueue_indirect_dma source(%dma_start3A_66 : memref<10112x128xf32, #tpu.memory_space<hbm>>) target(%dma_start3A_60 : memref<64x128xf32, #tpu.memory_space<vmem>>) offsets(%dma_start3A_63 : memref<64xi32, #tpu.memory_space<vmem>>) semaphore(%arg10 : memref<!tpu.dma_semaphore, #tpu.memory_space<semaphore_mem>>)
      %scan3A_67 = arith.constant 0 : i32
      %scan3A_68 = arith.constant 28 : i32
      %scan3A_69 = arith.addi %scan3A_67, %scan3A_68 : i32
      %scan3A_70 = arith.constant 1 : i32
      scf.for %scan3A_72 = %scan3A_67 to %scan3A_69 step %scan3A_70  : i32 {
        %mul3A_73 = arith.constant 2 : i32
        %mul3A_74 = arith.muli %scan3A_72, %mul3A_73 : i32
        %add3A_75 = arith.constant 0 : i32
        %add3A_76 = arith.addi %add3A_75, %mul3A_74 : i32
        %add3A_77 = arith.constant 0 : i32
        %add3A_78 = arith.addi %add3A_76, %add3A_77 : i32
        %add3A_79 = arith.constant 1 : i32
        %add3A_80 = arith.addi %add3A_78, %add3A_79 : i32
        %lt3A = arith.constant 56 : i32
        %lt3A_81 = arith.cmpi slt, %add3A_80, %lt3A : i32
        %convert_element_type3A_82 = arith.extui %lt3A_81 : i1 to i32
        %cond3A_83 = arith.constant 0 : i32
        %cond3A_84 = arith.cmpi ne, %convert_element_type3A_82, %cond3A_83 : i32
        scf.if %cond3A_84 {
          %add3A_135 = arith.constant 1 : i32
          %add3A_136 = arith.addi %add3A_78, %add3A_135 : i32
          %dma_start3A_137 = arith.constant 1 : i32
          %dma_start3A_138 = arith.constant 128 : i32
          %dma_start3A_139 = arith.constant 0 : i32
          %dma_start3A_140 = tpu.memref_slice %arg7[%dma_start3A_138, %dma_start3A_139] : memref<256x128xf32, #tpu.memory_space<vmem>> -> memref<64x128xf32, #tpu.memory_space<vmem>>
          %dma_start3A_141 = arith.constant 0 : i32
          %dma_start3A_142 = tpu.memref_slice %arg6[%add3A_136, %dma_start3A_137, %dma_start3A_141] : memref<56x2x128xi32, #tpu.memory_space<vmem>> -> memref<1x1x64xi32, #tpu.memory_space<vmem>>
          %dma_start3A_143 = tpu.memref_squeeze %dma_start3A_142 : memref<1x1x64xi32, #tpu.memory_space<vmem>> -> memref<64xi32, #tpu.memory_space<vmem>>
          %dma_start3A_144 = arith.constant 0 : i32
          %dma_start3A_145 = arith.constant 0 : i32
          %dma_start3A_146 = tpu.memref_slice %arg2[%dma_start3A_144, %dma_start3A_145] : memref<10112x128xf32, #tpu.memory_space<hbm>> -> memref<10112x128xf32, #tpu.memory_space<hbm>>
          tpu.enqueue_indirect_dma source(%dma_start3A_146 : memref<10112x128xf32, #tpu.memory_space<hbm>>) target(%dma_start3A_140 : memref<64x128xf32, #tpu.memory_space<vmem>>) offsets(%dma_start3A_143 : memref<64xi32, #tpu.memory_space<vmem>>) semaphore(%arg11 : memref<!tpu.dma_semaphore, #tpu.memory_space<semaphore_mem>>)
          %add3A_147 = arith.constant 1 : i32
          %add3A_148 = arith.addi %add3A_78, %add3A_147 : i32
          %dma_start3A_149 = arith.constant 1 : i32
          %dma_start3A_150 = arith.constant 192 : i32
          %dma_start3A_151 = arith.constant 0 : i32
          %dma_start3A_152 = tpu.memref_slice %arg7[%dma_start3A_150, %dma_start3A_151] : memref<256x128xf32, #tpu.memory_space<vmem>> -> memref<64x128xf32, #tpu.memory_space<vmem>>
          %dma_start3A_153 = arith.constant 64 : i32
          %dma_start3A_154 = tpu.memref_slice %arg6[%add3A_148, %dma_start3A_149, %dma_start3A_153] : memref<56x2x128xi32, #tpu.memory_space<vmem>> -> memref<1x1x64xi32, #tpu.memory_space<vmem>>
          %dma_start3A_155 = tpu.memref_squeeze %dma_start3A_154 : memref<1x1x64xi32, #tpu.memory_space<vmem>> -> memref<64xi32, #tpu.memory_space<vmem>>
          %dma_start3A_156 = arith.constant 0 : i32
          %dma_start3A_157 = arith.constant 0 : i32
          %dma_start3A_158 = tpu.memref_slice %arg2[%dma_start3A_156, %dma_start3A_157] : memref<10112x128xf32, #tpu.memory_space<hbm>> -> memref<10112x128xf32, #tpu.memory_space<hbm>>
          tpu.enqueue_indirect_dma source(%dma_start3A_158 : memref<10112x128xf32, #tpu.memory_space<hbm>>) target(%dma_start3A_152 : memref<64x128xf32, #tpu.memory_space<vmem>>) offsets(%dma_start3A_155 : memref<64xi32, #tpu.memory_space<vmem>>) semaphore(%arg12 : memref<!tpu.dma_semaphore, #tpu.memory_space<semaphore_mem>>)
        } else {
        }
        %dma_wait3A_85 = arith.constant 1 : i32
        %dma_wait3A_86 = arith.constant 0 : i32
        %dma_wait3A_87 = arith.constant 0 : i32
        %dma_wait3A_88 = tpu.memref_slice %arg7[%dma_wait3A_86, %dma_wait3A_87] : memref<256x128xf32, #tpu.memory_space<vmem>> -> memref<64x128xf32, #tpu.memory_space<vmem>>
        %dma_wait3A_89 = arith.constant 0 : i32
        %dma_wait3A_90 = tpu.memref_slice %arg6[%add3A_78, %dma_wait3A_85, %dma_wait3A_89] : memref<56x2x128xi32, #tpu.memory_space<vmem>> -> memref<1x1x64xi32, #tpu.memory_space<vmem>>
        %dma_wait3A_91 = tpu.memref_squeeze %dma_wait3A_90 : memref<1x1x64xi32, #tpu.memory_space<vmem>> -> memref<64xi32, #tpu.memory_space<vmem>>
        %dma_wait3A_92 = arith.constant 0 : i32
        %dma_wait3A_93 = arith.constant 0 : i32
        %dma_wait3A_94 = tpu.memref_slice %arg2[%dma_wait3A_92, %dma_wait3A_93] : memref<10112x128xf32, #tpu.memory_space<hbm>> -> memref<10112x128xf32, #tpu.memory_space<hbm>>
        tpu.wait_indirect_dma semaphore(%arg9 : memref<!tpu.dma_semaphore, #tpu.memory_space<semaphore_mem>>) src(%dma_wait3A_94 : memref<10112x128xf32, #tpu.memory_space<hbm>>) dst(%dma_wait3A_88 : memref<64x128xf32, #tpu.memory_space<vmem>>)
        %dma_wait3A_95 = arith.constant 1 : i32
        %dma_wait3A_96 = arith.constant 64 : i32
        %dma_wait3A_97 = arith.constant 0 : i32
        %dma_wait3A_98 = tpu.memref_slice %arg7[%dma_wait3A_96, %dma_wait3A_97] : memref<256x128xf32, #tpu.memory_space<vmem>> -> memref<64x128xf32, #tpu.memory_space<vmem>>
        %dma_wait3A_99 = arith.constant 64 : i32
        %dma_wait3A_100 = tpu.memref_slice %arg6[%add3A_78, %dma_wait3A_95, %dma_wait3A_99] : memref<56x2x128xi32, #tpu.memory_space<vmem>> -> memref<1x1x64xi32, #tpu.memory_space<vmem>>
        %dma_wait3A_101 = tpu.memref_squeeze %dma_wait3A_100 : memref<1x1x64xi32, #tpu.memory_space<vmem>> -> memref<64xi32, #tpu.memory_space<vmem>>
        %dma_wait3A_102 = arith.constant 0 : i32
        %dma_wait3A_103 = arith.constant 0 : i32
        %dma_wait3A_104 = tpu.memref_slice %arg2[%dma_wait3A_102, %dma_wait3A_103] : memref<10112x128xf32, #tpu.memory_space<hbm>> -> memref<10112x128xf32, #tpu.memory_space<hbm>>
        tpu.wait_indirect_dma semaphore(%arg10 : memref<!tpu.dma_semaphore, #tpu.memory_space<semaphore_mem>>) src(%dma_wait3A_104 : memref<10112x128xf32, #tpu.memory_space<hbm>>) dst(%dma_wait3A_98 : memref<64x128xf32, #tpu.memory_space<vmem>>)
        %run_scoped3A = arith.constant 0 : i32
        "tpu.region"() ({
          %run_scoped3A_135 = tpu.sem_alloc : memref<!tpu.dma_semaphore, #tpu.memory_space<semaphore_mem>>
          %dma_start3A_136 = arith.constant 0 : i32
          %dma_start3A_137 = arith.constant 0 : i32
          %dma_start3A_138 = tpu.memref_slice %arg7[%dma_start3A_136, %dma_start3A_137] : memref<256x128xf32, #tpu.memory_space<vmem>> -> memref<128x128xf32, #tpu.memory_space<vmem>>
          %dma_start3A_139 = arith.constant 0 : i32
          %dma_start3A_140 = tpu.memref_slice %arg6[%add3A_78, %run_scoped3A, %dma_start3A_139] : memref<56x2x128xi32, #tpu.memory_space<vmem>> -> memref<1x1x128xi32, #tpu.memory_space<vmem>>
          %dma_start3A_141 = tpu.memref_squeeze %dma_start3A_140 : memref<1x1x128xi32, #tpu.memory_space<vmem>> -> memref<128xi32, #tpu.memory_space<vmem>>
          %dma_start3A_142 = arith.constant 0 : i32
          %dma_start3A_143 = arith.constant 0 : i32
          %dma_start3A_144 = tpu.memref_slice %arg8[%dma_start3A_142, %dma_start3A_143] : memref<10112x128xf32, #tpu.memory_space<vmem_shared>> -> memref<10112x128xf32, #tpu.memory_space<vmem_shared>>
          tpu.enqueue_indirect_dma source(%dma_start3A_138 : memref<128x128xf32, #tpu.memory_space<vmem>>) target(%dma_start3A_144 : memref<10112x128xf32, #tpu.memory_space<vmem_shared>>) offsets(%dma_start3A_141 : memref<128xi32, #tpu.memory_space<vmem>>) semaphore(%run_scoped3A_135 : memref<!tpu.dma_semaphore, #tpu.memory_space<semaphore_mem>>) {add = true}
          %dma_wait3A_145 = arith.constant 0 : i32
          %dma_wait3A_146 = arith.constant 0 : i32
          %dma_wait3A_147 = tpu.memref_slice %arg7[%dma_wait3A_145, %dma_wait3A_146] : memref<256x128xf32, #tpu.memory_space<vmem>> -> memref<128x128xf32, #tpu.memory_space<vmem>>
          %dma_wait3A_148 = arith.constant 0 : i32
          %dma_wait3A_149 = tpu.memref_slice %arg6[%add3A_78, %run_scoped3A, %dma_wait3A_148] : memref<56x2x128xi32, #tpu.memory_space<vmem>> -> memref<1x1x128xi32, #tpu.memory_space<vmem>>
          %dma_wait3A_150 = tpu.memref_squeeze %dma_wait3A_149 : memref<1x1x128xi32, #tpu.memory_space<vmem>> -> memref<128xi32, #tpu.memory_space<vmem>>
          %dma_wait3A_151 = arith.constant 0 : i32
          %dma_wait3A_152 = arith.constant 0 : i32
          %dma_wait3A_153 = tpu.memref_slice %arg8[%dma_wait3A_151, %dma_wait3A_152] : memref<10112x128xf32, #tpu.memory_space<vmem_shared>> -> memref<10112x128xf32, #tpu.memory_space<vmem_shared>>
          tpu.wait_indirect_dma semaphore(%run_scoped3A_135 : memref<!tpu.dma_semaphore, #tpu.memory_space<semaphore_mem>>) src(%dma_wait3A_147 : memref<128x128xf32, #tpu.memory_space<vmem>>) dst(%dma_wait3A_153 : memref<10112x128xf32, #tpu.memory_space<vmem_shared>>)
          tpu.yield
        }) : () -> ()
        %add3A_105 = arith.constant 1 : i32
        %add3A_106 = arith.addi %add3A_76, %add3A_105 : i32
        %add3A_107 = arith.constant 1 : i32
        %add3A_108 = arith.addi %add3A_106, %add3A_107 : i32
        %lt3A_109 = arith.constant 56 : i32
        %lt3A_110 = arith.cmpi slt, %add3A_108, %lt3A_109 : i32
        %convert_element_type3A_111 = arith.extui %lt3A_110 : i1 to i32
        %cond3A_112 = arith.constant 0 : i32
        %cond3A_113 = arith.cmpi ne, %convert_element_type3A_111, %cond3A_112 : i32
        scf.if %cond3A_113 {
          %add3A_135 = arith.constant 1 : i32
          %add3A_136 = arith.addi %add3A_106, %add3A_135 : i32
          %dma_start3A_137 = arith.constant 1 : i32
          %dma_start3A_138 = arith.constant 0 : i32
          %dma_start3A_139 = arith.constant 0 : i32
          %dma_start3A_140 = tpu.memref_slice %arg7[%dma_start3A_138, %dma_start3A_139] : memref<256x128xf32, #tpu.memory_space<vmem>> -> memref<64x128xf32, #tpu.memory_space<vmem>>
          %dma_start3A_141 = arith.constant 0 : i32
          %dma_start3A_142 = tpu.memref_slice %arg6[%add3A_136, %dma_start3A_137, %dma_start3A_141] : memref<56x2x128xi32, #tpu.memory_space<vmem>> -> memref<1x1x64xi32, #tpu.memory_space<vmem>>
          %dma_start3A_143 = tpu.memref_squeeze %dma_start3A_142 : memref<1x1x64xi32, #tpu.memory_space<vmem>> -> memref<64xi32, #tpu.memory_space<vmem>>
          %dma_start3A_144 = arith.constant 0 : i32
          %dma_start3A_145 = arith.constant 0 : i32
          %dma_start3A_146 = tpu.memref_slice %arg2[%dma_start3A_144, %dma_start3A_145] : memref<10112x128xf32, #tpu.memory_space<hbm>> -> memref<10112x128xf32, #tpu.memory_space<hbm>>
          tpu.enqueue_indirect_dma source(%dma_start3A_146 : memref<10112x128xf32, #tpu.memory_space<hbm>>) target(%dma_start3A_140 : memref<64x128xf32, #tpu.memory_space<vmem>>) offsets(%dma_start3A_143 : memref<64xi32, #tpu.memory_space<vmem>>) semaphore(%arg9 : memref<!tpu.dma_semaphore, #tpu.memory_space<semaphore_mem>>)
          %add3A_147 = arith.constant 1 : i32
          %add3A_148 = arith.addi %add3A_106, %add3A_147 : i32
          %dma_start3A_149 = arith.constant 1 : i32
          %dma_start3A_150 = arith.constant 64 : i32
          %dma_start3A_151 = arith.constant 0 : i32
          %dma_start3A_152 = tpu.memref_slice %arg7[%dma_start3A_150, %dma_start3A_151] : memref<256x128xf32, #tpu.memory_space<vmem>> -> memref<64x128xf32, #tpu.memory_space<vmem>>
          %dma_start3A_153 = arith.constant 64 : i32
          %dma_start3A_154 = tpu.memref_slice %arg6[%add3A_148, %dma_start3A_149, %dma_start3A_153] : memref<56x2x128xi32, #tpu.memory_space<vmem>> -> memref<1x1x64xi32, #tpu.memory_space<vmem>>
          %dma_start3A_155 = tpu.memref_squeeze %dma_start3A_154 : memref<1x1x64xi32, #tpu.memory_space<vmem>> -> memref<64xi32, #tpu.memory_space<vmem>>
          %dma_start3A_156 = arith.constant 0 : i32
          %dma_start3A_157 = arith.constant 0 : i32
          %dma_start3A_158 = tpu.memref_slice %arg2[%dma_start3A_156, %dma_start3A_157] : memref<10112x128xf32, #tpu.memory_space<hbm>> -> memref<10112x128xf32, #tpu.memory_space<hbm>>
          tpu.enqueue_indirect_dma source(%dma_start3A_158 : memref<10112x128xf32, #tpu.memory_space<hbm>>) target(%dma_start3A_152 : memref<64x128xf32, #tpu.memory_space<vmem>>) offsets(%dma_start3A_155 : memref<64xi32, #tpu.memory_space<vmem>>) semaphore(%arg10 : memref<!tpu.dma_semaphore, #tpu.memory_space<semaphore_mem>>)
        } else {
        }
        %dma_wait3A_114 = arith.constant 1 : i32
        %dma_wait3A_115 = arith.constant 128 : i32
        %dma_wait3A_116 = arith.constant 0 : i32
        %dma_wait3A_117 = tpu.memref_slice %arg7[%dma_wait3A_115, %dma_wait3A_116] : memref<256x128xf32, #tpu.memory_space<vmem>> -> memref<64x128xf32, #tpu.memory_space<vmem>>
        %dma_wait3A_118 = arith.constant 0 : i32
        %dma_wait3A_119 = tpu.memref_slice %arg6[%add3A_106, %dma_wait3A_114, %dma_wait3A_118] : memref<56x2x128xi32, #tpu.memory_space<vmem>> -> memref<1x1x64xi32, #tpu.memory_space<vmem>>
        %dma_wait3A_120 = tpu.memref_squeeze %dma_wait3A_119 : memref<1x1x64xi32, #tpu.memory_space<vmem>> -> memref<64xi32, #tpu.memory_space<vmem>>
        %dma_wait3A_121 = arith.constant 0 : i32
        %dma_wait3A_122 = arith.constant 0 : i32
        %dma_wait3A_123 = tpu.memref_slice %arg2[%dma_wait3A_121, %dma_wait3A_122] : memref<10112x128xf32, #tpu.memory_space<hbm>> -> memref<10112x128xf32, #tpu.memory_space<hbm>>
        tpu.wait_indirect_dma semaphore(%arg11 : memref<!tpu.dma_semaphore, #tpu.memory_space<semaphore_mem>>) src(%dma_wait3A_123 : memref<10112x128xf32, #tpu.memory_space<hbm>>) dst(%dma_wait3A_117 : memref<64x128xf32, #tpu.memory_space<vmem>>)
        %dma_wait3A_124 = arith.constant 1 : i32
        %dma_wait3A_125 = arith.constant 192 : i32
        %dma_wait3A_126 = arith.constant 0 : i32
        %dma_wait3A_127 = tpu.memref_slice %arg7[%dma_wait3A_125, %dma_wait3A_126] : memref<256x128xf32, #tpu.memory_space<vmem>> -> memref<64x128xf32, #tpu.memory_space<vmem>>
        %dma_wait3A_128 = arith.constant 64 : i32
        %dma_wait3A_129 = tpu.memref_slice %arg6[%add3A_106, %dma_wait3A_124, %dma_wait3A_128] : memref<56x2x128xi32, #tpu.memory_space<vmem>> -> memref<1x1x64xi32, #tpu.memory_space<vmem>>
        %dma_wait3A_130 = tpu.memref_squeeze %dma_wait3A_129 : memref<1x1x64xi32, #tpu.memory_space<vmem>> -> memref<64xi32, #tpu.memory_space<vmem>>
        %dma_wait3A_131 = arith.constant 0 : i32
        %dma_wait3A_132 = arith.constant 0 : i32
        %dma_wait3A_133 = tpu.memref_slice %arg2[%dma_wait3A_131, %dma_wait3A_132] : memref<10112x128xf32, #tpu.memory_space<hbm>> -> memref<10112x128xf32, #tpu.memory_space<hbm>>
        tpu.wait_indirect_dma semaphore(%arg12 : memref<!tpu.dma_semaphore, #tpu.memory_space<semaphore_mem>>) src(%dma_wait3A_133 : memref<10112x128xf32, #tpu.memory_space<hbm>>) dst(%dma_wait3A_127 : memref<64x128xf32, #tpu.memory_space<vmem>>)
        %run_scoped3A_134 = arith.constant 0 : i32
        "tpu.region"() ({
          %run_scoped3A_135 = tpu.sem_alloc : memref<!tpu.dma_semaphore, #tpu.memory_space<semaphore_mem>>
          %dma_start3A_136 = arith.constant 128 : i32
          %dma_start3A_137 = arith.constant 0 : i32
          %dma_start3A_138 = tpu.memref_slice %arg7[%dma_start3A_136, %dma_start3A_137] : memref<256x128xf32, #tpu.memory_space<vmem>> -> memref<128x128xf32, #tpu.memory_space<vmem>>
          %dma_start3A_139 = arith.constant 0 : i32
          %dma_start3A_140 = tpu.memref_slice %arg6[%add3A_106, %run_scoped3A_134, %dma_start3A_139] : memref<56x2x128xi32, #tpu.memory_space<vmem>> -> memref<1x1x128xi32, #tpu.memory_space<vmem>>
          %dma_start3A_141 = tpu.memref_squeeze %dma_start3A_140 : memref<1x1x128xi32, #tpu.memory_space<vmem>> -> memref<128xi32, #tpu.memory_space<vmem>>
          %dma_start3A_142 = arith.constant 0 : i32
          %dma_start3A_143 = arith.constant 0 : i32
          %dma_start3A_144 = tpu.memref_slice %arg8[%dma_start3A_142, %dma_start3A_143] : memref<10112x128xf32, #tpu.memory_space<vmem_shared>> -> memref<10112x128xf32, #tpu.memory_space<vmem_shared>>
          tpu.enqueue_indirect_dma source(%dma_start3A_138 : memref<128x128xf32, #tpu.memory_space<vmem>>) target(%dma_start3A_144 : memref<10112x128xf32, #tpu.memory_space<vmem_shared>>) offsets(%dma_start3A_141 : memref<128xi32, #tpu.memory_space<vmem>>) semaphore(%run_scoped3A_135 : memref<!tpu.dma_semaphore, #tpu.memory_space<semaphore_mem>>) {add = true}
          %dma_wait3A_145 = arith.constant 128 : i32
          %dma_wait3A_146 = arith.constant 0 : i32
          %dma_wait3A_147 = tpu.memref_slice %arg7[%dma_wait3A_145, %dma_wait3A_146] : memref<256x128xf32, #tpu.memory_space<vmem>> -> memref<128x128xf32, #tpu.memory_space<vmem>>
          %dma_wait3A_148 = arith.constant 0 : i32
          %dma_wait3A_149 = tpu.memref_slice %arg6[%add3A_106, %run_scoped3A_134, %dma_wait3A_148] : memref<56x2x128xi32, #tpu.memory_space<vmem>> -> memref<1x1x128xi32, #tpu.memory_space<vmem>>
          %dma_wait3A_150 = tpu.memref_squeeze %dma_wait3A_149 : memref<1x1x128xi32, #tpu.memory_space<vmem>> -> memref<128xi32, #tpu.memory_space<vmem>>
          %dma_wait3A_151 = arith.constant 0 : i32
          %dma_wait3A_152 = arith.constant 0 : i32
          %dma_wait3A_153 = tpu.memref_slice %arg8[%dma_wait3A_151, %dma_wait3A_152] : memref<10112x128xf32, #tpu.memory_space<vmem_shared>> -> memref<10112x128xf32, #tpu.memory_space<vmem_shared>>
          tpu.wait_indirect_dma semaphore(%run_scoped3A_135 : memref<!tpu.dma_semaphore, #tpu.memory_space<semaphore_mem>>) src(%dma_wait3A_147 : memref<128x128xf32, #tpu.memory_space<vmem>>) dst(%dma_wait3A_153 : memref<10112x128xf32, #tpu.memory_space<vmem_shared>>)
          tpu.yield
        }) : () -> ()
      }
      %scan3A_71 = arith.constant 28 : i32
    } else {
    }
    %ne3A = arith.constant 0 : i32
    %ne3A_4 = arith.cmpi ne, %arg0, %ne3A : i32
    %convert_element_type3A_5 = arith.extui %ne3A_4 : i1 to i32
    %cond3A_6 = arith.constant 0 : i32
    %cond3A_7 = arith.cmpi ne, %convert_element_type3A_5, %cond3A_6 : i32
    scf.if %cond3A_7 {
      %mul3A_12 = arith.constant 48 : i32
      %mul3A_13 = arith.muli %arg1, %mul3A_12 : i32
      %add3A = arith.constant 1792 : i32
      %add3A_14 = arith.addi %add3A, %mul3A_13 : i32
      %add3A_15 = arith.constant 0 : i32
      %add3A_16 = arith.addi %add3A_14, %add3A_15 : i32
      "tpu.region"() ({
        %run_scoped3A = tpu.sem_alloc : memref<!tpu.dma_semaphore, #tpu.memory_space<semaphore_mem>>
        %dma_start3A_74 = arith.constant 0 : i32
        %dma_start3A_75 = arith.constant 0 : i32
        %dma_start3A_76 = arith.constant 0 : i32
        %dma_start3A_77 = tpu.memref_slice %arg6[%dma_start3A_74, %dma_start3A_75, %dma_start3A_76] : memref<56x2x128xi32, #tpu.memory_space<vmem>> -> memref<24x2x128xi32, #tpu.memory_space<vmem>>
        %dma_start3A_78 = arith.constant 0 : i32
        %dma_start3A_79 = arith.constant 0 : i32
        %dma_start3A_80 = tpu.memref_slice %arg3[%add3A_16, %dma_start3A_78, %dma_start3A_79] : memref<2560x2x128xi32, #tpu.memory_space<hbm>> -> memref<24x2x128xi32, #tpu.memory_space<hbm>>
        %dma_start3A_81 = arith.constant 0 : i32
        %dma_start3A_82 = arith.constant 0 : i32
        %dma_start3A_83 = arith.constant 0 : i32
        %dma_start3A_84 = tpu.memref_slice %arg6[%dma_start3A_81, %dma_start3A_82, %dma_start3A_83] : memref<56x2x128xi32, #tpu.memory_space<vmem>> -> memref<24x2x128xi32, #tpu.memory_space<vmem>>
        %dma_start3A_85 = arith.constant 0 : i32
        %dma_start3A_86 = arith.constant 0 : i32
        %dma_start3A_87 = tpu.memref_slice %arg3[%add3A_16, %dma_start3A_85, %dma_start3A_86] : memref<2560x2x128xi32, #tpu.memory_space<hbm>> -> memref<24x2x128xi32, #tpu.memory_space<hbm>>
        tpu.enqueue_dma source(%dma_start3A_87 : memref<24x2x128xi32, #tpu.memory_space<hbm>>) target(%dma_start3A_84 : memref<24x2x128xi32, #tpu.memory_space<vmem>>) target_semaphore(%run_scoped3A : memref<!tpu.dma_semaphore, #tpu.memory_space<semaphore_mem>>)
        %dma_wait3A_88 = arith.constant 0 : i32
        %dma_wait3A_89 = arith.constant 0 : i32
        %dma_wait3A_90 = arith.constant 0 : i32
        %dma_wait3A_91 = tpu.memref_slice %arg6[%dma_wait3A_88, %dma_wait3A_89, %dma_wait3A_90] : memref<56x2x128xi32, #tpu.memory_space<vmem>> -> memref<24x2x128xi32, #tpu.memory_space<vmem>>
        %dma_wait3A_92 = arith.constant 0 : i32
        %dma_wait3A_93 = arith.constant 0 : i32
        %dma_wait3A_94 = tpu.memref_slice %arg3[%add3A_16, %dma_wait3A_92, %dma_wait3A_93] : memref<2560x2x128xi32, #tpu.memory_space<hbm>> -> memref<24x2x128xi32, #tpu.memory_space<hbm>>
        %dma_wait3A_95 = arith.constant 0 : i32
        %dma_wait3A_96 = arith.constant 0 : i32
        %dma_wait3A_97 = arith.constant 0 : i32
        %dma_wait3A_98 = tpu.memref_slice %arg6[%dma_wait3A_95, %dma_wait3A_96, %dma_wait3A_97] : memref<56x2x128xi32, #tpu.memory_space<vmem>> -> memref<24x2x128xi32, #tpu.memory_space<vmem>>
        %dma_wait3A_99 = arith.constant 0 : i32
        %dma_wait3A_100 = arith.constant 0 : i32
        %dma_wait3A_101 = tpu.memref_slice %arg3[%add3A_16, %dma_wait3A_99, %dma_wait3A_100] : memref<2560x2x128xi32, #tpu.memory_space<hbm>> -> memref<24x2x128xi32, #tpu.memory_space<hbm>>
        tpu.wait_dma2 semaphore(%run_scoped3A : memref<!tpu.dma_semaphore, #tpu.memory_space<semaphore_mem>>) src(%dma_wait3A_101 : memref<24x2x128xi32, #tpu.memory_space<hbm>>) dst(%dma_wait3A_98 : memref<24x2x128xi32, #tpu.memory_space<vmem>>)
        tpu.yield
      }) : () -> ()
      %dma_start3A_17 = arith.constant 0 : i32
      %dma_start3A_18 = arith.constant 1 : i32
      %dma_start3A_19 = arith.constant 0 : i32
      %dma_start3A_20 = arith.constant 0 : i32
      %dma_start3A_21 = tpu.memref_slice %arg7[%dma_start3A_19, %dma_start3A_20] : memref<256x128xf32, #tpu.memory_space<vmem>> -> memref<64x128xf32, #tpu.memory_space<vmem>>
      %dma_start3A_22 = arith.constant 0 : i32
      %dma_start3A_23 = tpu.memref_slice %arg6[%dma_start3A_17, %dma_start3A_18, %dma_start3A_22] : memref<56x2x128xi32, #tpu.memory_space<vmem>> -> memref<1x1x64xi32, #tpu.memory_space<vmem>>
      %dma_start3A_24 = tpu.memref_squeeze %dma_start3A_23 : memref<1x1x64xi32, #tpu.memory_space<vmem>> -> memref<64xi32, #tpu.memory_space<vmem>>
      %dma_start3A_25 = arith.constant 0 : i32
      %dma_start3A_26 = arith.constant 0 : i32
      %dma_start3A_27 = tpu.memref_slice %arg2[%dma_start3A_25, %dma_start3A_26] : memref<10112x128xf32, #tpu.memory_space<hbm>> -> memref<10112x128xf32, #tpu.memory_space<hbm>>
      tpu.enqueue_indirect_dma source(%dma_start3A_27 : memref<10112x128xf32, #tpu.memory_space<hbm>>) target(%dma_start3A_21 : memref<64x128xf32, #tpu.memory_space<vmem>>) offsets(%dma_start3A_24 : memref<64xi32, #tpu.memory_space<vmem>>) semaphore(%arg9 : memref<!tpu.dma_semaphore, #tpu.memory_space<semaphore_mem>>)
      %dma_start3A_28 = arith.constant 0 : i32
      %dma_start3A_29 = arith.constant 1 : i32
      %dma_start3A_30 = arith.constant 64 : i32
      %dma_start3A_31 = arith.constant 0 : i32
      %dma_start3A_32 = tpu.memref_slice %arg7[%dma_start3A_30, %dma_start3A_31] : memref<256x128xf32, #tpu.memory_space<vmem>> -> memref<64x128xf32, #tpu.memory_space<vmem>>
      %dma_start3A_33 = arith.constant 64 : i32
      %dma_start3A_34 = tpu.memref_slice %arg6[%dma_start3A_28, %dma_start3A_29, %dma_start3A_33] : memref<56x2x128xi32, #tpu.memory_space<vmem>> -> memref<1x1x64xi32, #tpu.memory_space<vmem>>
      %dma_start3A_35 = tpu.memref_squeeze %dma_start3A_34 : memref<1x1x64xi32, #tpu.memory_space<vmem>> -> memref<64xi32, #tpu.memory_space<vmem>>
      %dma_start3A_36 = arith.constant 0 : i32
      %dma_start3A_37 = arith.constant 0 : i32
      %dma_start3A_38 = tpu.memref_slice %arg2[%dma_start3A_36, %dma_start3A_37] : memref<10112x128xf32, #tpu.memory_space<hbm>> -> memref<10112x128xf32, #tpu.memory_space<hbm>>
      tpu.enqueue_indirect_dma source(%dma_start3A_38 : memref<10112x128xf32, #tpu.memory_space<hbm>>) target(%dma_start3A_32 : memref<64x128xf32, #tpu.memory_space<vmem>>) offsets(%dma_start3A_35 : memref<64xi32, #tpu.memory_space<vmem>>) semaphore(%arg10 : memref<!tpu.dma_semaphore, #tpu.memory_space<semaphore_mem>>)
      %dma_wait3A = arith.constant 0 : i32
      %dma_wait3A_39 = tpu.memref_slice %arg8[%mul3A_0, %dma_wait3A] : memref<10112x128xf32, #tpu.memory_space<vmem_shared>> -> memref<632x128xf32, #tpu.memory_space<vmem_shared>>
      tpu.wait_dma2 semaphore(%arg13 : memref<!tpu.dma_semaphore, #tpu.memory_space<semaphore_mem>>) src(%arg4 : memref<632x128xf32, #tpu.memory_space<hbm>>) dst(%dma_wait3A_39 : memref<632x128xf32, #tpu.memory_space<vmem_shared>>)
      %barrier3A_40 = arith.constant 0 : index
      tpu.barrier barrier_id(%barrier3A_40)
      %scan3A = arith.constant 0 : i32
      %scan3A_41 = arith.constant 12 : i32
      %scan3A_42 = arith.addi %scan3A, %scan3A_41 : i32
      %scan3A_43 = arith.constant 1 : i32
      scf.for %scan3A_74 = %scan3A to %scan3A_42 step %scan3A_43  : i32 {
        %mul3A_75 = arith.constant 2 : i32
        %mul3A_76 = arith.muli %scan3A_74, %mul3A_75 : i32
        %add3A_77 = arith.constant 0 : i32
        %add3A_78 = arith.addi %add3A_77, %mul3A_76 : i32
        %add3A_79 = arith.constant 0 : i32
        %add3A_80 = arith.addi %add3A_78, %add3A_79 : i32
        %add3A_81 = arith.constant 1 : i32
        %add3A_82 = arith.addi %add3A_80, %add3A_81 : i32
        %lt3A = arith.constant 24 : i32
        %lt3A_83 = arith.cmpi slt, %add3A_82, %lt3A : i32
        %convert_element_type3A_84 = arith.extui %lt3A_83 : i1 to i32
        %cond3A_85 = arith.constant 0 : i32
        %cond3A_86 = arith.cmpi ne, %convert_element_type3A_84, %cond3A_85 : i32
        scf.if %cond3A_86 {
          %add3A_137 = arith.constant 1 : i32
          %add3A_138 = arith.addi %add3A_80, %add3A_137 : i32
          %dma_start3A_139 = arith.constant 1 : i32
          %dma_start3A_140 = arith.constant 128 : i32
          %dma_start3A_141 = arith.constant 0 : i32
          %dma_start3A_142 = tpu.memref_slice %arg7[%dma_start3A_140, %dma_start3A_141] : memref<256x128xf32, #tpu.memory_space<vmem>> -> memref<64x128xf32, #tpu.memory_space<vmem>>
          %dma_start3A_143 = arith.constant 0 : i32
          %dma_start3A_144 = tpu.memref_slice %arg6[%add3A_138, %dma_start3A_139, %dma_start3A_143] : memref<56x2x128xi32, #tpu.memory_space<vmem>> -> memref<1x1x64xi32, #tpu.memory_space<vmem>>
          %dma_start3A_145 = tpu.memref_squeeze %dma_start3A_144 : memref<1x1x64xi32, #tpu.memory_space<vmem>> -> memref<64xi32, #tpu.memory_space<vmem>>
          %dma_start3A_146 = arith.constant 0 : i32
          %dma_start3A_147 = arith.constant 0 : i32
          %dma_start3A_148 = tpu.memref_slice %arg2[%dma_start3A_146, %dma_start3A_147] : memref<10112x128xf32, #tpu.memory_space<hbm>> -> memref<10112x128xf32, #tpu.memory_space<hbm>>
          tpu.enqueue_indirect_dma source(%dma_start3A_148 : memref<10112x128xf32, #tpu.memory_space<hbm>>) target(%dma_start3A_142 : memref<64x128xf32, #tpu.memory_space<vmem>>) offsets(%dma_start3A_145 : memref<64xi32, #tpu.memory_space<vmem>>) semaphore(%arg11 : memref<!tpu.dma_semaphore, #tpu.memory_space<semaphore_mem>>)
          %add3A_149 = arith.constant 1 : i32
          %add3A_150 = arith.addi %add3A_80, %add3A_149 : i32
          %dma_start3A_151 = arith.constant 1 : i32
          %dma_start3A_152 = arith.constant 192 : i32
          %dma_start3A_153 = arith.constant 0 : i32
          %dma_start3A_154 = tpu.memref_slice %arg7[%dma_start3A_152, %dma_start3A_153] : memref<256x128xf32, #tpu.memory_space<vmem>> -> memref<64x128xf32, #tpu.memory_space<vmem>>
          %dma_start3A_155 = arith.constant 64 : i32
          %dma_start3A_156 = tpu.memref_slice %arg6[%add3A_150, %dma_start3A_151, %dma_start3A_155] : memref<56x2x128xi32, #tpu.memory_space<vmem>> -> memref<1x1x64xi32, #tpu.memory_space<vmem>>
          %dma_start3A_157 = tpu.memref_squeeze %dma_start3A_156 : memref<1x1x64xi32, #tpu.memory_space<vmem>> -> memref<64xi32, #tpu.memory_space<vmem>>
          %dma_start3A_158 = arith.constant 0 : i32
          %dma_start3A_159 = arith.constant 0 : i32
          %dma_start3A_160 = tpu.memref_slice %arg2[%dma_start3A_158, %dma_start3A_159] : memref<10112x128xf32, #tpu.memory_space<hbm>> -> memref<10112x128xf32, #tpu.memory_space<hbm>>
          tpu.enqueue_indirect_dma source(%dma_start3A_160 : memref<10112x128xf32, #tpu.memory_space<hbm>>) target(%dma_start3A_154 : memref<64x128xf32, #tpu.memory_space<vmem>>) offsets(%dma_start3A_157 : memref<64xi32, #tpu.memory_space<vmem>>) semaphore(%arg12 : memref<!tpu.dma_semaphore, #tpu.memory_space<semaphore_mem>>)
        } else {
        }
        %dma_wait3A_87 = arith.constant 1 : i32
        %dma_wait3A_88 = arith.constant 0 : i32
        %dma_wait3A_89 = arith.constant 0 : i32
        %dma_wait3A_90 = tpu.memref_slice %arg7[%dma_wait3A_88, %dma_wait3A_89] : memref<256x128xf32, #tpu.memory_space<vmem>> -> memref<64x128xf32, #tpu.memory_space<vmem>>
        %dma_wait3A_91 = arith.constant 0 : i32
        %dma_wait3A_92 = tpu.memref_slice %arg6[%add3A_80, %dma_wait3A_87, %dma_wait3A_91] : memref<56x2x128xi32, #tpu.memory_space<vmem>> -> memref<1x1x64xi32, #tpu.memory_space<vmem>>
        %dma_wait3A_93 = tpu.memref_squeeze %dma_wait3A_92 : memref<1x1x64xi32, #tpu.memory_space<vmem>> -> memref<64xi32, #tpu.memory_space<vmem>>
        %dma_wait3A_94 = arith.constant 0 : i32
        %dma_wait3A_95 = arith.constant 0 : i32
        %dma_wait3A_96 = tpu.memref_slice %arg2[%dma_wait3A_94, %dma_wait3A_95] : memref<10112x128xf32, #tpu.memory_space<hbm>> -> memref<10112x128xf32, #tpu.memory_space<hbm>>
        tpu.wait_indirect_dma semaphore(%arg9 : memref<!tpu.dma_semaphore, #tpu.memory_space<semaphore_mem>>) src(%dma_wait3A_96 : memref<10112x128xf32, #tpu.memory_space<hbm>>) dst(%dma_wait3A_90 : memref<64x128xf32, #tpu.memory_space<vmem>>)
        %dma_wait3A_97 = arith.constant 1 : i32
        %dma_wait3A_98 = arith.constant 64 : i32
        %dma_wait3A_99 = arith.constant 0 : i32
        %dma_wait3A_100 = tpu.memref_slice %arg7[%dma_wait3A_98, %dma_wait3A_99] : memref<256x128xf32, #tpu.memory_space<vmem>> -> memref<64x128xf32, #tpu.memory_space<vmem>>
        %dma_wait3A_101 = arith.constant 64 : i32
        %dma_wait3A_102 = tpu.memref_slice %arg6[%add3A_80, %dma_wait3A_97, %dma_wait3A_101] : memref<56x2x128xi32, #tpu.memory_space<vmem>> -> memref<1x1x64xi32, #tpu.memory_space<vmem>>
        %dma_wait3A_103 = tpu.memref_squeeze %dma_wait3A_102 : memref<1x1x64xi32, #tpu.memory_space<vmem>> -> memref<64xi32, #tpu.memory_space<vmem>>
        %dma_wait3A_104 = arith.constant 0 : i32
        %dma_wait3A_105 = arith.constant 0 : i32
        %dma_wait3A_106 = tpu.memref_slice %arg2[%dma_wait3A_104, %dma_wait3A_105] : memref<10112x128xf32, #tpu.memory_space<hbm>> -> memref<10112x128xf32, #tpu.memory_space<hbm>>
        tpu.wait_indirect_dma semaphore(%arg10 : memref<!tpu.dma_semaphore, #tpu.memory_space<semaphore_mem>>) src(%dma_wait3A_106 : memref<10112x128xf32, #tpu.memory_space<hbm>>) dst(%dma_wait3A_100 : memref<64x128xf32, #tpu.memory_space<vmem>>)
        %run_scoped3A = arith.constant 0 : i32
        "tpu.region"() ({
          %run_scoped3A_137 = tpu.sem_alloc : memref<!tpu.dma_semaphore, #tpu.memory_space<semaphore_mem>>
          %dma_start3A_138 = arith.constant 0 : i32
          %dma_start3A_139 = arith.constant 0 : i32
          %dma_start3A_140 = tpu.memref_slice %arg7[%dma_start3A_138, %dma_start3A_139] : memref<256x128xf32, #tpu.memory_space<vmem>> -> memref<128x128xf32, #tpu.memory_space<vmem>>
          %dma_start3A_141 = arith.constant 0 : i32
          %dma_start3A_142 = tpu.memref_slice %arg6[%add3A_80, %run_scoped3A, %dma_start3A_141] : memref<56x2x128xi32, #tpu.memory_space<vmem>> -> memref<1x1x128xi32, #tpu.memory_space<vmem>>
          %dma_start3A_143 = tpu.memref_squeeze %dma_start3A_142 : memref<1x1x128xi32, #tpu.memory_space<vmem>> -> memref<128xi32, #tpu.memory_space<vmem>>
          %dma_start3A_144 = arith.constant 0 : i32
          %dma_start3A_145 = arith.constant 0 : i32
          %dma_start3A_146 = tpu.memref_slice %arg8[%dma_start3A_144, %dma_start3A_145] : memref<10112x128xf32, #tpu.memory_space<vmem_shared>> -> memref<10112x128xf32, #tpu.memory_space<vmem_shared>>
          tpu.enqueue_indirect_dma source(%dma_start3A_140 : memref<128x128xf32, #tpu.memory_space<vmem>>) target(%dma_start3A_146 : memref<10112x128xf32, #tpu.memory_space<vmem_shared>>) offsets(%dma_start3A_143 : memref<128xi32, #tpu.memory_space<vmem>>) semaphore(%run_scoped3A_137 : memref<!tpu.dma_semaphore, #tpu.memory_space<semaphore_mem>>) {add = true}
          %dma_wait3A_147 = arith.constant 0 : i32
          %dma_wait3A_148 = arith.constant 0 : i32
          %dma_wait3A_149 = tpu.memref_slice %arg7[%dma_wait3A_147, %dma_wait3A_148] : memref<256x128xf32, #tpu.memory_space<vmem>> -> memref<128x128xf32, #tpu.memory_space<vmem>>
          %dma_wait3A_150 = arith.constant 0 : i32
          %dma_wait3A_151 = tpu.memref_slice %arg6[%add3A_80, %run_scoped3A, %dma_wait3A_150] : memref<56x2x128xi32, #tpu.memory_space<vmem>> -> memref<1x1x128xi32, #tpu.memory_space<vmem>>
          %dma_wait3A_152 = tpu.memref_squeeze %dma_wait3A_151 : memref<1x1x128xi32, #tpu.memory_space<vmem>> -> memref<128xi32, #tpu.memory_space<vmem>>
          %dma_wait3A_153 = arith.constant 0 : i32
          %dma_wait3A_154 = arith.constant 0 : i32
          %dma_wait3A_155 = tpu.memref_slice %arg8[%dma_wait3A_153, %dma_wait3A_154] : memref<10112x128xf32, #tpu.memory_space<vmem_shared>> -> memref<10112x128xf32, #tpu.memory_space<vmem_shared>>
          tpu.wait_indirect_dma semaphore(%run_scoped3A_137 : memref<!tpu.dma_semaphore, #tpu.memory_space<semaphore_mem>>) src(%dma_wait3A_149 : memref<128x128xf32, #tpu.memory_space<vmem>>) dst(%dma_wait3A_155 : memref<10112x128xf32, #tpu.memory_space<vmem_shared>>)
          tpu.yield
        }) : () -> ()
        %add3A_107 = arith.constant 1 : i32
        %add3A_108 = arith.addi %add3A_78, %add3A_107 : i32
        %add3A_109 = arith.constant 1 : i32
        %add3A_110 = arith.addi %add3A_108, %add3A_109 : i32
        %lt3A_111 = arith.constant 24 : i32
        %lt3A_112 = arith.cmpi slt, %add3A_110, %lt3A_111 : i32
        %convert_element_type3A_113 = arith.extui %lt3A_112 : i1 to i32
        %cond3A_114 = arith.constant 0 : i32
        %cond3A_115 = arith.cmpi ne, %convert_element_type3A_113, %cond3A_114 : i32
        scf.if %cond3A_115 {
          %add3A_137 = arith.constant 1 : i32
          %add3A_138 = arith.addi %add3A_108, %add3A_137 : i32
          %dma_start3A_139 = arith.constant 1 : i32
          %dma_start3A_140 = arith.constant 0 : i32
          %dma_start3A_141 = arith.constant 0 : i32
          %dma_start3A_142 = tpu.memref_slice %arg7[%dma_start3A_140, %dma_start3A_141] : memref<256x128xf32, #tpu.memory_space<vmem>> -> memref<64x128xf32, #tpu.memory_space<vmem>>
          %dma_start3A_143 = arith.constant 0 : i32
          %dma_start3A_144 = tpu.memref_slice %arg6[%add3A_138, %dma_start3A_139, %dma_start3A_143] : memref<56x2x128xi32, #tpu.memory_space<vmem>> -> memref<1x1x64xi32, #tpu.memory_space<vmem>>
          %dma_start3A_145 = tpu.memref_squeeze %dma_start3A_144 : memref<1x1x64xi32, #tpu.memory_space<vmem>> -> memref<64xi32, #tpu.memory_space<vmem>>
          %dma_start3A_146 = arith.constant 0 : i32
          %dma_start3A_147 = arith.constant 0 : i32
          %dma_start3A_148 = tpu.memref_slice %arg2[%dma_start3A_146, %dma_start3A_147] : memref<10112x128xf32, #tpu.memory_space<hbm>> -> memref<10112x128xf32, #tpu.memory_space<hbm>>
          tpu.enqueue_indirect_dma source(%dma_start3A_148 : memref<10112x128xf32, #tpu.memory_space<hbm>>) target(%dma_start3A_142 : memref<64x128xf32, #tpu.memory_space<vmem>>) offsets(%dma_start3A_145 : memref<64xi32, #tpu.memory_space<vmem>>) semaphore(%arg9 : memref<!tpu.dma_semaphore, #tpu.memory_space<semaphore_mem>>)
          %add3A_149 = arith.constant 1 : i32
          %add3A_150 = arith.addi %add3A_108, %add3A_149 : i32
          %dma_start3A_151 = arith.constant 1 : i32
          %dma_start3A_152 = arith.constant 64 : i32
          %dma_start3A_153 = arith.constant 0 : i32
          %dma_start3A_154 = tpu.memref_slice %arg7[%dma_start3A_152, %dma_start3A_153] : memref<256x128xf32, #tpu.memory_space<vmem>> -> memref<64x128xf32, #tpu.memory_space<vmem>>
          %dma_start3A_155 = arith.constant 64 : i32
          %dma_start3A_156 = tpu.memref_slice %arg6[%add3A_150, %dma_start3A_151, %dma_start3A_155] : memref<56x2x128xi32, #tpu.memory_space<vmem>> -> memref<1x1x64xi32, #tpu.memory_space<vmem>>
          %dma_start3A_157 = tpu.memref_squeeze %dma_start3A_156 : memref<1x1x64xi32, #tpu.memory_space<vmem>> -> memref<64xi32, #tpu.memory_space<vmem>>
          %dma_start3A_158 = arith.constant 0 : i32
          %dma_start3A_159 = arith.constant 0 : i32
          %dma_start3A_160 = tpu.memref_slice %arg2[%dma_start3A_158, %dma_start3A_159] : memref<10112x128xf32, #tpu.memory_space<hbm>> -> memref<10112x128xf32, #tpu.memory_space<hbm>>
          tpu.enqueue_indirect_dma source(%dma_start3A_160 : memref<10112x128xf32, #tpu.memory_space<hbm>>) target(%dma_start3A_154 : memref<64x128xf32, #tpu.memory_space<vmem>>) offsets(%dma_start3A_157 : memref<64xi32, #tpu.memory_space<vmem>>) semaphore(%arg10 : memref<!tpu.dma_semaphore, #tpu.memory_space<semaphore_mem>>)
        } else {
        }
        %dma_wait3A_116 = arith.constant 1 : i32
        %dma_wait3A_117 = arith.constant 128 : i32
        %dma_wait3A_118 = arith.constant 0 : i32
        %dma_wait3A_119 = tpu.memref_slice %arg7[%dma_wait3A_117, %dma_wait3A_118] : memref<256x128xf32, #tpu.memory_space<vmem>> -> memref<64x128xf32, #tpu.memory_space<vmem>>
        %dma_wait3A_120 = arith.constant 0 : i32
        %dma_wait3A_121 = tpu.memref_slice %arg6[%add3A_108, %dma_wait3A_116, %dma_wait3A_120] : memref<56x2x128xi32, #tpu.memory_space<vmem>> -> memref<1x1x64xi32, #tpu.memory_space<vmem>>
        %dma_wait3A_122 = tpu.memref_squeeze %dma_wait3A_121 : memref<1x1x64xi32, #tpu.memory_space<vmem>> -> memref<64xi32, #tpu.memory_space<vmem>>
        %dma_wait3A_123 = arith.constant 0 : i32
        %dma_wait3A_124 = arith.constant 0 : i32
        %dma_wait3A_125 = tpu.memref_slice %arg2[%dma_wait3A_123, %dma_wait3A_124] : memref<10112x128xf32, #tpu.memory_space<hbm>> -> memref<10112x128xf32, #tpu.memory_space<hbm>>
        tpu.wait_indirect_dma semaphore(%arg11 : memref<!tpu.dma_semaphore, #tpu.memory_space<semaphore_mem>>) src(%dma_wait3A_125 : memref<10112x128xf32, #tpu.memory_space<hbm>>) dst(%dma_wait3A_119 : memref<64x128xf32, #tpu.memory_space<vmem>>)
        %dma_wait3A_126 = arith.constant 1 : i32
        %dma_wait3A_127 = arith.constant 192 : i32
        %dma_wait3A_128 = arith.constant 0 : i32
        %dma_wait3A_129 = tpu.memref_slice %arg7[%dma_wait3A_127, %dma_wait3A_128] : memref<256x128xf32, #tpu.memory_space<vmem>> -> memref<64x128xf32, #tpu.memory_space<vmem>>
        %dma_wait3A_130 = arith.constant 64 : i32
        %dma_wait3A_131 = tpu.memref_slice %arg6[%add3A_108, %dma_wait3A_126, %dma_wait3A_130] : memref<56x2x128xi32, #tpu.memory_space<vmem>> -> memref<1x1x64xi32, #tpu.memory_space<vmem>>
        %dma_wait3A_132 = tpu.memref_squeeze %dma_wait3A_131 : memref<1x1x64xi32, #tpu.memory_space<vmem>> -> memref<64xi32, #tpu.memory_space<vmem>>
        %dma_wait3A_133 = arith.constant 0 : i32
        %dma_wait3A_134 = arith.constant 0 : i32
        %dma_wait3A_135 = tpu.memref_slice %arg2[%dma_wait3A_133, %dma_wait3A_134] : memref<10112x128xf32, #tpu.memory_space<hbm>> -> memref<10112x128xf32, #tpu.memory_space<hbm>>
        tpu.wait_indirect_dma semaphore(%arg12 : memref<!tpu.dma_semaphore, #tpu.memory_space<semaphore_mem>>) src(%dma_wait3A_135 : memref<10112x128xf32, #tpu.memory_space<hbm>>) dst(%dma_wait3A_129 : memref<64x128xf32, #tpu.memory_space<vmem>>)
        %run_scoped3A_136 = arith.constant 0 : i32
        "tpu.region"() ({
          %run_scoped3A_137 = tpu.sem_alloc : memref<!tpu.dma_semaphore, #tpu.memory_space<semaphore_mem>>
          %dma_start3A_138 = arith.constant 128 : i32
          %dma_start3A_139 = arith.constant 0 : i32
          %dma_start3A_140 = tpu.memref_slice %arg7[%dma_start3A_138, %dma_start3A_139] : memref<256x128xf32, #tpu.memory_space<vmem>> -> memref<128x128xf32, #tpu.memory_space<vmem>>
          %dma_start3A_141 = arith.constant 0 : i32
          %dma_start3A_142 = tpu.memref_slice %arg6[%add3A_108, %run_scoped3A_136, %dma_start3A_141] : memref<56x2x128xi32, #tpu.memory_space<vmem>> -> memref<1x1x128xi32, #tpu.memory_space<vmem>>
          %dma_start3A_143 = tpu.memref_squeeze %dma_start3A_142 : memref<1x1x128xi32, #tpu.memory_space<vmem>> -> memref<128xi32, #tpu.memory_space<vmem>>
          %dma_start3A_144 = arith.constant 0 : i32
          %dma_start3A_145 = arith.constant 0 : i32
          %dma_start3A_146 = tpu.memref_slice %arg8[%dma_start3A_144, %dma_start3A_145] : memref<10112x128xf32, #tpu.memory_space<vmem_shared>> -> memref<10112x128xf32, #tpu.memory_space<vmem_shared>>
          tpu.enqueue_indirect_dma source(%dma_start3A_140 : memref<128x128xf32, #tpu.memory_space<vmem>>) target(%dma_start3A_146 : memref<10112x128xf32, #tpu.memory_space<vmem_shared>>) offsets(%dma_start3A_143 : memref<128xi32, #tpu.memory_space<vmem>>) semaphore(%run_scoped3A_137 : memref<!tpu.dma_semaphore, #tpu.memory_space<semaphore_mem>>) {add = true}
          %dma_wait3A_147 = arith.constant 128 : i32
          %dma_wait3A_148 = arith.constant 0 : i32
          %dma_wait3A_149 = tpu.memref_slice %arg7[%dma_wait3A_147, %dma_wait3A_148] : memref<256x128xf32, #tpu.memory_space<vmem>> -> memref<128x128xf32, #tpu.memory_space<vmem>>
          %dma_wait3A_150 = arith.constant 0 : i32
          %dma_wait3A_151 = tpu.memref_slice %arg6[%add3A_108, %run_scoped3A_136, %dma_wait3A_150] : memref<56x2x128xi32, #tpu.memory_space<vmem>> -> memref<1x1x128xi32, #tpu.memory_space<vmem>>
          %dma_wait3A_152 = tpu.memref_squeeze %dma_wait3A_151 : memref<1x1x128xi32, #tpu.memory_space<vmem>> -> memref<128xi32, #tpu.memory_space<vmem>>
          %dma_wait3A_153 = arith.constant 0 : i32
          %dma_wait3A_154 = arith.constant 0 : i32
          %dma_wait3A_155 = tpu.memref_slice %arg8[%dma_wait3A_153, %dma_wait3A_154] : memref<10112x128xf32, #tpu.memory_space<vmem_shared>> -> memref<10112x128xf32, #tpu.memory_space<vmem_shared>>
          tpu.wait_indirect_dma semaphore(%run_scoped3A_137 : memref<!tpu.dma_semaphore, #tpu.memory_space<semaphore_mem>>) src(%dma_wait3A_149 : memref<128x128xf32, #tpu.memory_space<vmem>>) dst(%dma_wait3A_155 : memref<10112x128xf32, #tpu.memory_space<vmem_shared>>)
          tpu.yield
        }) : () -> ()
      }
      %scan3A_44 = arith.constant 12 : i32
      %add3A_45 = arith.constant 24 : i32
      %add3A_46 = arith.addi %add3A_14, %add3A_45 : i32
      "tpu.region"() ({
        %run_scoped3A = tpu.sem_alloc : memref<!tpu.dma_semaphore, #tpu.memory_space<semaphore_mem>>
        %dma_start3A_74 = arith.constant 0 : i32
        %dma_start3A_75 = arith.constant 0 : i32
        %dma_start3A_76 = arith.constant 0 : i32
        %dma_start3A_77 = tpu.memref_slice %arg6[%dma_start3A_74, %dma_start3A_75, %dma_start3A_76] : memref<56x2x128xi32, #tpu.memory_space<vmem>> -> memref<24x2x128xi32, #tpu.memory_space<vmem>>
        %dma_start3A_78 = arith.constant 0 : i32
        %dma_start3A_79 = arith.constant 0 : i32
        %dma_start3A_80 = tpu.memref_slice %arg3[%add3A_46, %dma_start3A_78, %dma_start3A_79] : memref<2560x2x128xi32, #tpu.memory_space<hbm>> -> memref<24x2x128xi32, #tpu.memory_space<hbm>>
        %dma_start3A_81 = arith.constant 0 : i32
        %dma_start3A_82 = arith.constant 0 : i32
        %dma_start3A_83 = arith.constant 0 : i32
        %dma_start3A_84 = tpu.memref_slice %arg6[%dma_start3A_81, %dma_start3A_82, %dma_start3A_83] : memref<56x2x128xi32, #tpu.memory_space<vmem>> -> memref<24x2x128xi32, #tpu.memory_space<vmem>>
        %dma_start3A_85 = arith.constant 0 : i32
        %dma_start3A_86 = arith.constant 0 : i32
        %dma_start3A_87 = tpu.memref_slice %arg3[%add3A_46, %dma_start3A_85, %dma_start3A_86] : memref<2560x2x128xi32, #tpu.memory_space<hbm>> -> memref<24x2x128xi32, #tpu.memory_space<hbm>>
        tpu.enqueue_dma source(%dma_start3A_87 : memref<24x2x128xi32, #tpu.memory_space<hbm>>) target(%dma_start3A_84 : memref<24x2x128xi32, #tpu.memory_space<vmem>>) target_semaphore(%run_scoped3A : memref<!tpu.dma_semaphore, #tpu.memory_space<semaphore_mem>>)
        %dma_wait3A_88 = arith.constant 0 : i32
        %dma_wait3A_89 = arith.constant 0 : i32
        %dma_wait3A_90 = arith.constant 0 : i32
        %dma_wait3A_91 = tpu.memref_slice %arg6[%dma_wait3A_88, %dma_wait3A_89, %dma_wait3A_90] : memref<56x2x128xi32, #tpu.memory_space<vmem>> -> memref<24x2x128xi32, #tpu.memory_space<vmem>>
        %dma_wait3A_92 = arith.constant 0 : i32
        %dma_wait3A_93 = arith.constant 0 : i32
        %dma_wait3A_94 = tpu.memref_slice %arg3[%add3A_46, %dma_wait3A_92, %dma_wait3A_93] : memref<2560x2x128xi32, #tpu.memory_space<hbm>> -> memref<24x2x128xi32, #tpu.memory_space<hbm>>
        %dma_wait3A_95 = arith.constant 0 : i32
        %dma_wait3A_96 = arith.constant 0 : i32
        %dma_wait3A_97 = arith.constant 0 : i32
        %dma_wait3A_98 = tpu.memref_slice %arg6[%dma_wait3A_95, %dma_wait3A_96, %dma_wait3A_97] : memref<56x2x128xi32, #tpu.memory_space<vmem>> -> memref<24x2x128xi32, #tpu.memory_space<vmem>>
        %dma_wait3A_99 = arith.constant 0 : i32
        %dma_wait3A_100 = arith.constant 0 : i32
        %dma_wait3A_101 = tpu.memref_slice %arg3[%add3A_46, %dma_wait3A_99, %dma_wait3A_100] : memref<2560x2x128xi32, #tpu.memory_space<hbm>> -> memref<24x2x128xi32, #tpu.memory_space<hbm>>
        tpu.wait_dma2 semaphore(%run_scoped3A : memref<!tpu.dma_semaphore, #tpu.memory_space<semaphore_mem>>) src(%dma_wait3A_101 : memref<24x2x128xi32, #tpu.memory_space<hbm>>) dst(%dma_wait3A_98 : memref<24x2x128xi32, #tpu.memory_space<vmem>>)
        tpu.yield
      }) : () -> ()
      %dma_start3A_47 = arith.constant 0 : i32
      %dma_start3A_48 = arith.constant 1 : i32
      %dma_start3A_49 = arith.constant 0 : i32
      %dma_start3A_50 = arith.constant 0 : i32
      %dma_start3A_51 = tpu.memref_slice %arg7[%dma_start3A_49, %dma_start3A_50] : memref<256x128xf32, #tpu.memory_space<vmem>> -> memref<64x128xf32, #tpu.memory_space<vmem>>
      %dma_start3A_52 = arith.constant 0 : i32
      %dma_start3A_53 = tpu.memref_slice %arg6[%dma_start3A_47, %dma_start3A_48, %dma_start3A_52] : memref<56x2x128xi32, #tpu.memory_space<vmem>> -> memref<1x1x64xi32, #tpu.memory_space<vmem>>
      %dma_start3A_54 = tpu.memref_squeeze %dma_start3A_53 : memref<1x1x64xi32, #tpu.memory_space<vmem>> -> memref<64xi32, #tpu.memory_space<vmem>>
      %dma_start3A_55 = arith.constant 0 : i32
      %dma_start3A_56 = arith.constant 0 : i32
      %dma_start3A_57 = tpu.memref_slice %arg2[%dma_start3A_55, %dma_start3A_56] : memref<10112x128xf32, #tpu.memory_space<hbm>> -> memref<10112x128xf32, #tpu.memory_space<hbm>>
      tpu.enqueue_indirect_dma source(%dma_start3A_57 : memref<10112x128xf32, #tpu.memory_space<hbm>>) target(%dma_start3A_51 : memref<64x128xf32, #tpu.memory_space<vmem>>) offsets(%dma_start3A_54 : memref<64xi32, #tpu.memory_space<vmem>>) semaphore(%arg9 : memref<!tpu.dma_semaphore, #tpu.memory_space<semaphore_mem>>)
      %dma_start3A_58 = arith.constant 0 : i32
      %dma_start3A_59 = arith.constant 1 : i32
      %dma_start3A_60 = arith.constant 64 : i32
      %dma_start3A_61 = arith.constant 0 : i32
      %dma_start3A_62 = tpu.memref_slice %arg7[%dma_start3A_60, %dma_start3A_61] : memref<256x128xf32, #tpu.memory_space<vmem>> -> memref<64x128xf32, #tpu.memory_space<vmem>>
      %dma_start3A_63 = arith.constant 64 : i32
      %dma_start3A_64 = tpu.memref_slice %arg6[%dma_start3A_58, %dma_start3A_59, %dma_start3A_63] : memref<56x2x128xi32, #tpu.memory_space<vmem>> -> memref<1x1x64xi32, #tpu.memory_space<vmem>>
      %dma_start3A_65 = tpu.memref_squeeze %dma_start3A_64 : memref<1x1x64xi32, #tpu.memory_space<vmem>> -> memref<64xi32, #tpu.memory_space<vmem>>
      %dma_start3A_66 = arith.constant 0 : i32
      %dma_start3A_67 = arith.constant 0 : i32
      %dma_start3A_68 = tpu.memref_slice %arg2[%dma_start3A_66, %dma_start3A_67] : memref<10112x128xf32, #tpu.memory_space<hbm>> -> memref<10112x128xf32, #tpu.memory_space<hbm>>
      tpu.enqueue_indirect_dma source(%dma_start3A_68 : memref<10112x128xf32, #tpu.memory_space<hbm>>) target(%dma_start3A_62 : memref<64x128xf32, #tpu.memory_space<vmem>>) offsets(%dma_start3A_65 : memref<64xi32, #tpu.memory_space<vmem>>) semaphore(%arg10 : memref<!tpu.dma_semaphore, #tpu.memory_space<semaphore_mem>>)
      %scan3A_69 = arith.constant 0 : i32
      %scan3A_70 = arith.constant 12 : i32
      %scan3A_71 = arith.addi %scan3A_69, %scan3A_70 : i32
      %scan3A_72 = arith.constant 1 : i32
      scf.for %scan3A_74 = %scan3A_69 to %scan3A_71 step %scan3A_72  : i32 {
        %mul3A_75 = arith.constant 2 : i32
        %mul3A_76 = arith.muli %scan3A_74, %mul3A_75 : i32
        %add3A_77 = arith.constant 0 : i32
        %add3A_78 = arith.addi %add3A_77, %mul3A_76 : i32
        %add3A_79 = arith.constant 0 : i32
        %add3A_80 = arith.addi %add3A_78, %add3A_79 : i32
        %add3A_81 = arith.constant 1 : i32
        %add3A_82 = arith.addi %add3A_80, %add3A_81 : i32
        %lt3A = arith.constant 24 : i32
        %lt3A_83 = arith.cmpi slt, %add3A_82, %lt3A : i32
        %convert_element_type3A_84 = arith.extui %lt3A_83 : i1 to i32
        %cond3A_85 = arith.constant 0 : i32
        %cond3A_86 = arith.cmpi ne, %convert_element_type3A_84, %cond3A_85 : i32
        scf.if %cond3A_86 {
          %add3A_137 = arith.constant 1 : i32
          %add3A_138 = arith.addi %add3A_80, %add3A_137 : i32
          %dma_start3A_139 = arith.constant 1 : i32
          %dma_start3A_140 = arith.constant 128 : i32
          %dma_start3A_141 = arith.constant 0 : i32
          %dma_start3A_142 = tpu.memref_slice %arg7[%dma_start3A_140, %dma_start3A_141] : memref<256x128xf32, #tpu.memory_space<vmem>> -> memref<64x128xf32, #tpu.memory_space<vmem>>
          %dma_start3A_143 = arith.constant 0 : i32
          %dma_start3A_144 = tpu.memref_slice %arg6[%add3A_138, %dma_start3A_139, %dma_start3A_143] : memref<56x2x128xi32, #tpu.memory_space<vmem>> -> memref<1x1x64xi32, #tpu.memory_space<vmem>>
          %dma_start3A_145 = tpu.memref_squeeze %dma_start3A_144 : memref<1x1x64xi32, #tpu.memory_space<vmem>> -> memref<64xi32, #tpu.memory_space<vmem>>
          %dma_start3A_146 = arith.constant 0 : i32
          %dma_start3A_147 = arith.constant 0 : i32
          %dma_start3A_148 = tpu.memref_slice %arg2[%dma_start3A_146, %dma_start3A_147] : memref<10112x128xf32, #tpu.memory_space<hbm>> -> memref<10112x128xf32, #tpu.memory_space<hbm>>
          tpu.enqueue_indirect_dma source(%dma_start3A_148 : memref<10112x128xf32, #tpu.memory_space<hbm>>) target(%dma_start3A_142 : memref<64x128xf32, #tpu.memory_space<vmem>>) offsets(%dma_start3A_145 : memref<64xi32, #tpu.memory_space<vmem>>) semaphore(%arg11 : memref<!tpu.dma_semaphore, #tpu.memory_space<semaphore_mem>>)
          %add3A_149 = arith.constant 1 : i32
          %add3A_150 = arith.addi %add3A_80, %add3A_149 : i32
          %dma_start3A_151 = arith.constant 1 : i32
          %dma_start3A_152 = arith.constant 192 : i32
          %dma_start3A_153 = arith.constant 0 : i32
          %dma_start3A_154 = tpu.memref_slice %arg7[%dma_start3A_152, %dma_start3A_153] : memref<256x128xf32, #tpu.memory_space<vmem>> -> memref<64x128xf32, #tpu.memory_space<vmem>>
          %dma_start3A_155 = arith.constant 64 : i32
          %dma_start3A_156 = tpu.memref_slice %arg6[%add3A_150, %dma_start3A_151, %dma_start3A_155] : memref<56x2x128xi32, #tpu.memory_space<vmem>> -> memref<1x1x64xi32, #tpu.memory_space<vmem>>
          %dma_start3A_157 = tpu.memref_squeeze %dma_start3A_156 : memref<1x1x64xi32, #tpu.memory_space<vmem>> -> memref<64xi32, #tpu.memory_space<vmem>>
          %dma_start3A_158 = arith.constant 0 : i32
          %dma_start3A_159 = arith.constant 0 : i32
          %dma_start3A_160 = tpu.memref_slice %arg2[%dma_start3A_158, %dma_start3A_159] : memref<10112x128xf32, #tpu.memory_space<hbm>> -> memref<10112x128xf32, #tpu.memory_space<hbm>>
          tpu.enqueue_indirect_dma source(%dma_start3A_160 : memref<10112x128xf32, #tpu.memory_space<hbm>>) target(%dma_start3A_154 : memref<64x128xf32, #tpu.memory_space<vmem>>) offsets(%dma_start3A_157 : memref<64xi32, #tpu.memory_space<vmem>>) semaphore(%arg12 : memref<!tpu.dma_semaphore, #tpu.memory_space<semaphore_mem>>)
        } else {
        }
        %dma_wait3A_87 = arith.constant 1 : i32
        %dma_wait3A_88 = arith.constant 0 : i32
        %dma_wait3A_89 = arith.constant 0 : i32
        %dma_wait3A_90 = tpu.memref_slice %arg7[%dma_wait3A_88, %dma_wait3A_89] : memref<256x128xf32, #tpu.memory_space<vmem>> -> memref<64x128xf32, #tpu.memory_space<vmem>>
        %dma_wait3A_91 = arith.constant 0 : i32
        %dma_wait3A_92 = tpu.memref_slice %arg6[%add3A_80, %dma_wait3A_87, %dma_wait3A_91] : memref<56x2x128xi32, #tpu.memory_space<vmem>> -> memref<1x1x64xi32, #tpu.memory_space<vmem>>
        %dma_wait3A_93 = tpu.memref_squeeze %dma_wait3A_92 : memref<1x1x64xi32, #tpu.memory_space<vmem>> -> memref<64xi32, #tpu.memory_space<vmem>>
        %dma_wait3A_94 = arith.constant 0 : i32
        %dma_wait3A_95 = arith.constant 0 : i32
        %dma_wait3A_96 = tpu.memref_slice %arg2[%dma_wait3A_94, %dma_wait3A_95] : memref<10112x128xf32, #tpu.memory_space<hbm>> -> memref<10112x128xf32, #tpu.memory_space<hbm>>
        tpu.wait_indirect_dma semaphore(%arg9 : memref<!tpu.dma_semaphore, #tpu.memory_space<semaphore_mem>>) src(%dma_wait3A_96 : memref<10112x128xf32, #tpu.memory_space<hbm>>) dst(%dma_wait3A_90 : memref<64x128xf32, #tpu.memory_space<vmem>>)
        %dma_wait3A_97 = arith.constant 1 : i32
        %dma_wait3A_98 = arith.constant 64 : i32
        %dma_wait3A_99 = arith.constant 0 : i32
        %dma_wait3A_100 = tpu.memref_slice %arg7[%dma_wait3A_98, %dma_wait3A_99] : memref<256x128xf32, #tpu.memory_space<vmem>> -> memref<64x128xf32, #tpu.memory_space<vmem>>
        %dma_wait3A_101 = arith.constant 64 : i32
        %dma_wait3A_102 = tpu.memref_slice %arg6[%add3A_80, %dma_wait3A_97, %dma_wait3A_101] : memref<56x2x128xi32, #tpu.memory_space<vmem>> -> memref<1x1x64xi32, #tpu.memory_space<vmem>>
        %dma_wait3A_103 = tpu.memref_squeeze %dma_wait3A_102 : memref<1x1x64xi32, #tpu.memory_space<vmem>> -> memref<64xi32, #tpu.memory_space<vmem>>
        %dma_wait3A_104 = arith.constant 0 : i32
        %dma_wait3A_105 = arith.constant 0 : i32
        %dma_wait3A_106 = tpu.memref_slice %arg2[%dma_wait3A_104, %dma_wait3A_105] : memref<10112x128xf32, #tpu.memory_space<hbm>> -> memref<10112x128xf32, #tpu.memory_space<hbm>>
        tpu.wait_indirect_dma semaphore(%arg10 : memref<!tpu.dma_semaphore, #tpu.memory_space<semaphore_mem>>) src(%dma_wait3A_106 : memref<10112x128xf32, #tpu.memory_space<hbm>>) dst(%dma_wait3A_100 : memref<64x128xf32, #tpu.memory_space<vmem>>)
        %run_scoped3A = arith.constant 0 : i32
        "tpu.region"() ({
          %run_scoped3A_137 = tpu.sem_alloc : memref<!tpu.dma_semaphore, #tpu.memory_space<semaphore_mem>>
          %dma_start3A_138 = arith.constant 0 : i32
          %dma_start3A_139 = arith.constant 0 : i32
          %dma_start3A_140 = tpu.memref_slice %arg7[%dma_start3A_138, %dma_start3A_139] : memref<256x128xf32, #tpu.memory_space<vmem>> -> memref<128x128xf32, #tpu.memory_space<vmem>>
          %dma_start3A_141 = arith.constant 0 : i32
          %dma_start3A_142 = tpu.memref_slice %arg6[%add3A_80, %run_scoped3A, %dma_start3A_141] : memref<56x2x128xi32, #tpu.memory_space<vmem>> -> memref<1x1x128xi32, #tpu.memory_space<vmem>>
          %dma_start3A_143 = tpu.memref_squeeze %dma_start3A_142 : memref<1x1x128xi32, #tpu.memory_space<vmem>> -> memref<128xi32, #tpu.memory_space<vmem>>
          %dma_start3A_144 = arith.constant 0 : i32
          %dma_start3A_145 = arith.constant 0 : i32
          %dma_start3A_146 = tpu.memref_slice %arg8[%dma_start3A_144, %dma_start3A_145] : memref<10112x128xf32, #tpu.memory_space<vmem_shared>> -> memref<10112x128xf32, #tpu.memory_space<vmem_shared>>
          tpu.enqueue_indirect_dma source(%dma_start3A_140 : memref<128x128xf32, #tpu.memory_space<vmem>>) target(%dma_start3A_146 : memref<10112x128xf32, #tpu.memory_space<vmem_shared>>) offsets(%dma_start3A_143 : memref<128xi32, #tpu.memory_space<vmem>>) semaphore(%run_scoped3A_137 : memref<!tpu.dma_semaphore, #tpu.memory_space<semaphore_mem>>) {add = true}
          %dma_wait3A_147 = arith.constant 0 : i32
          %dma_wait3A_148 = arith.constant 0 : i32
          %dma_wait3A_149 = tpu.memref_slice %arg7[%dma_wait3A_147, %dma_wait3A_148] : memref<256x128xf32, #tpu.memory_space<vmem>> -> memref<128x128xf32, #tpu.memory_space<vmem>>
          %dma_wait3A_150 = arith.constant 0 : i32
          %dma_wait3A_151 = tpu.memref_slice %arg6[%add3A_80, %run_scoped3A, %dma_wait3A_150] : memref<56x2x128xi32, #tpu.memory_space<vmem>> -> memref<1x1x128xi32, #tpu.memory_space<vmem>>
          %dma_wait3A_152 = tpu.memref_squeeze %dma_wait3A_151 : memref<1x1x128xi32, #tpu.memory_space<vmem>> -> memref<128xi32, #tpu.memory_space<vmem>>
          %dma_wait3A_153 = arith.constant 0 : i32
          %dma_wait3A_154 = arith.constant 0 : i32
          %dma_wait3A_155 = tpu.memref_slice %arg8[%dma_wait3A_153, %dma_wait3A_154] : memref<10112x128xf32, #tpu.memory_space<vmem_shared>> -> memref<10112x128xf32, #tpu.memory_space<vmem_shared>>
          tpu.wait_indirect_dma semaphore(%run_scoped3A_137 : memref<!tpu.dma_semaphore, #tpu.memory_space<semaphore_mem>>) src(%dma_wait3A_149 : memref<128x128xf32, #tpu.memory_space<vmem>>) dst(%dma_wait3A_155 : memref<10112x128xf32, #tpu.memory_space<vmem_shared>>)
          tpu.yield
        }) : () -> ()
        %add3A_107 = arith.constant 1 : i32
        %add3A_108 = arith.addi %add3A_78, %add3A_107 : i32
        %add3A_109 = arith.constant 1 : i32
        %add3A_110 = arith.addi %add3A_108, %add3A_109 : i32
        %lt3A_111 = arith.constant 24 : i32
        %lt3A_112 = arith.cmpi slt, %add3A_110, %lt3A_111 : i32
        %convert_element_type3A_113 = arith.extui %lt3A_112 : i1 to i32
        %cond3A_114 = arith.constant 0 : i32
        %cond3A_115 = arith.cmpi ne, %convert_element_type3A_113, %cond3A_114 : i32
        scf.if %cond3A_115 {
          %add3A_137 = arith.constant 1 : i32
          %add3A_138 = arith.addi %add3A_108, %add3A_137 : i32
          %dma_start3A_139 = arith.constant 1 : i32
          %dma_start3A_140 = arith.constant 0 : i32
          %dma_start3A_141 = arith.constant 0 : i32
          %dma_start3A_142 = tpu.memref_slice %arg7[%dma_start3A_140, %dma_start3A_141] : memref<256x128xf32, #tpu.memory_space<vmem>> -> memref<64x128xf32, #tpu.memory_space<vmem>>
          %dma_start3A_143 = arith.constant 0 : i32
          %dma_start3A_144 = tpu.memref_slice %arg6[%add3A_138, %dma_start3A_139, %dma_start3A_143] : memref<56x2x128xi32, #tpu.memory_space<vmem>> -> memref<1x1x64xi32, #tpu.memory_space<vmem>>
          %dma_start3A_145 = tpu.memref_squeeze %dma_start3A_144 : memref<1x1x64xi32, #tpu.memory_space<vmem>> -> memref<64xi32, #tpu.memory_space<vmem>>
          %dma_start3A_146 = arith.constant 0 : i32
          %dma_start3A_147 = arith.constant 0 : i32
          %dma_start3A_148 = tpu.memref_slice %arg2[%dma_start3A_146, %dma_start3A_147] : memref<10112x128xf32, #tpu.memory_space<hbm>> -> memref<10112x128xf32, #tpu.memory_space<hbm>>
          tpu.enqueue_indirect_dma source(%dma_start3A_148 : memref<10112x128xf32, #tpu.memory_space<hbm>>) target(%dma_start3A_142 : memref<64x128xf32, #tpu.memory_space<vmem>>) offsets(%dma_start3A_145 : memref<64xi32, #tpu.memory_space<vmem>>) semaphore(%arg9 : memref<!tpu.dma_semaphore, #tpu.memory_space<semaphore_mem>>)
          %add3A_149 = arith.constant 1 : i32
          %add3A_150 = arith.addi %add3A_108, %add3A_149 : i32
          %dma_start3A_151 = arith.constant 1 : i32
          %dma_start3A_152 = arith.constant 64 : i32
          %dma_start3A_153 = arith.constant 0 : i32
          %dma_start3A_154 = tpu.memref_slice %arg7[%dma_start3A_152, %dma_start3A_153] : memref<256x128xf32, #tpu.memory_space<vmem>> -> memref<64x128xf32, #tpu.memory_space<vmem>>
          %dma_start3A_155 = arith.constant 64 : i32
          %dma_start3A_156 = tpu.memref_slice %arg6[%add3A_150, %dma_start3A_151, %dma_start3A_155] : memref<56x2x128xi32, #tpu.memory_space<vmem>> -> memref<1x1x64xi32, #tpu.memory_space<vmem>>
          %dma_start3A_157 = tpu.memref_squeeze %dma_start3A_156 : memref<1x1x64xi32, #tpu.memory_space<vmem>> -> memref<64xi32, #tpu.memory_space<vmem>>
          %dma_start3A_158 = arith.constant 0 : i32
          %dma_start3A_159 = arith.constant 0 : i32
          %dma_start3A_160 = tpu.memref_slice %arg2[%dma_start3A_158, %dma_start3A_159] : memref<10112x128xf32, #tpu.memory_space<hbm>> -> memref<10112x128xf32, #tpu.memory_space<hbm>>
          tpu.enqueue_indirect_dma source(%dma_start3A_160 : memref<10112x128xf32, #tpu.memory_space<hbm>>) target(%dma_start3A_154 : memref<64x128xf32, #tpu.memory_space<vmem>>) offsets(%dma_start3A_157 : memref<64xi32, #tpu.memory_space<vmem>>) semaphore(%arg10 : memref<!tpu.dma_semaphore, #tpu.memory_space<semaphore_mem>>)
        } else {
        }
        %dma_wait3A_116 = arith.constant 1 : i32
        %dma_wait3A_117 = arith.constant 128 : i32
        %dma_wait3A_118 = arith.constant 0 : i32
        %dma_wait3A_119 = tpu.memref_slice %arg7[%dma_wait3A_117, %dma_wait3A_118] : memref<256x128xf32, #tpu.memory_space<vmem>> -> memref<64x128xf32, #tpu.memory_space<vmem>>
        %dma_wait3A_120 = arith.constant 0 : i32
        %dma_wait3A_121 = tpu.memref_slice %arg6[%add3A_108, %dma_wait3A_116, %dma_wait3A_120] : memref<56x2x128xi32, #tpu.memory_space<vmem>> -> memref<1x1x64xi32, #tpu.memory_space<vmem>>
        %dma_wait3A_122 = tpu.memref_squeeze %dma_wait3A_121 : memref<1x1x64xi32, #tpu.memory_space<vmem>> -> memref<64xi32, #tpu.memory_space<vmem>>
        %dma_wait3A_123 = arith.constant 0 : i32
        %dma_wait3A_124 = arith.constant 0 : i32
        %dma_wait3A_125 = tpu.memref_slice %arg2[%dma_wait3A_123, %dma_wait3A_124] : memref<10112x128xf32, #tpu.memory_space<hbm>> -> memref<10112x128xf32, #tpu.memory_space<hbm>>
        tpu.wait_indirect_dma semaphore(%arg11 : memref<!tpu.dma_semaphore, #tpu.memory_space<semaphore_mem>>) src(%dma_wait3A_125 : memref<10112x128xf32, #tpu.memory_space<hbm>>) dst(%dma_wait3A_119 : memref<64x128xf32, #tpu.memory_space<vmem>>)
        %dma_wait3A_126 = arith.constant 1 : i32
        %dma_wait3A_127 = arith.constant 192 : i32
        %dma_wait3A_128 = arith.constant 0 : i32
        %dma_wait3A_129 = tpu.memref_slice %arg7[%dma_wait3A_127, %dma_wait3A_128] : memref<256x128xf32, #tpu.memory_space<vmem>> -> memref<64x128xf32, #tpu.memory_space<vmem>>
        %dma_wait3A_130 = arith.constant 64 : i32
        %dma_wait3A_131 = tpu.memref_slice %arg6[%add3A_108, %dma_wait3A_126, %dma_wait3A_130] : memref<56x2x128xi32, #tpu.memory_space<vmem>> -> memref<1x1x64xi32, #tpu.memory_space<vmem>>
        %dma_wait3A_132 = tpu.memref_squeeze %dma_wait3A_131 : memref<1x1x64xi32, #tpu.memory_space<vmem>> -> memref<64xi32, #tpu.memory_space<vmem>>
        %dma_wait3A_133 = arith.constant 0 : i32
        %dma_wait3A_134 = arith.constant 0 : i32
        %dma_wait3A_135 = tpu.memref_slice %arg2[%dma_wait3A_133, %dma_wait3A_134] : memref<10112x128xf32, #tpu.memory_space<hbm>> -> memref<10112x128xf32, #tpu.memory_space<hbm>>
        tpu.wait_indirect_dma semaphore(%arg12 : memref<!tpu.dma_semaphore, #tpu.memory_space<semaphore_mem>>) src(%dma_wait3A_135 : memref<10112x128xf32, #tpu.memory_space<hbm>>) dst(%dma_wait3A_129 : memref<64x128xf32, #tpu.memory_space<vmem>>)
        %run_scoped3A_136 = arith.constant 0 : i32
        "tpu.region"() ({
          %run_scoped3A_137 = tpu.sem_alloc : memref<!tpu.dma_semaphore, #tpu.memory_space<semaphore_mem>>
          %dma_start3A_138 = arith.constant 128 : i32
          %dma_start3A_139 = arith.constant 0 : i32
          %dma_start3A_140 = tpu.memref_slice %arg7[%dma_start3A_138, %dma_start3A_139] : memref<256x128xf32, #tpu.memory_space<vmem>> -> memref<128x128xf32, #tpu.memory_space<vmem>>
          %dma_start3A_141 = arith.constant 0 : i32
          %dma_start3A_142 = tpu.memref_slice %arg6[%add3A_108, %run_scoped3A_136, %dma_start3A_141] : memref<56x2x128xi32, #tpu.memory_space<vmem>> -> memref<1x1x128xi32, #tpu.memory_space<vmem>>
          %dma_start3A_143 = tpu.memref_squeeze %dma_start3A_142 : memref<1x1x128xi32, #tpu.memory_space<vmem>> -> memref<128xi32, #tpu.memory_space<vmem>>
          %dma_start3A_144 = arith.constant 0 : i32
          %dma_start3A_145 = arith.constant 0 : i32
          %dma_start3A_146 = tpu.memref_slice %arg8[%dma_start3A_144, %dma_start3A_145] : memref<10112x128xf32, #tpu.memory_space<vmem_shared>> -> memref<10112x128xf32, #tpu.memory_space<vmem_shared>>
          tpu.enqueue_indirect_dma source(%dma_start3A_140 : memref<128x128xf32, #tpu.memory_space<vmem>>) target(%dma_start3A_146 : memref<10112x128xf32, #tpu.memory_space<vmem_shared>>) offsets(%dma_start3A_143 : memref<128xi32, #tpu.memory_space<vmem>>) semaphore(%run_scoped3A_137 : memref<!tpu.dma_semaphore, #tpu.memory_space<semaphore_mem>>) {add = true}
          %dma_wait3A_147 = arith.constant 128 : i32
          %dma_wait3A_148 = arith.constant 0 : i32
          %dma_wait3A_149 = tpu.memref_slice %arg7[%dma_wait3A_147, %dma_wait3A_148] : memref<256x128xf32, #tpu.memory_space<vmem>> -> memref<128x128xf32, #tpu.memory_space<vmem>>
          %dma_wait3A_150 = arith.constant 0 : i32
          %dma_wait3A_151 = tpu.memref_slice %arg6[%add3A_108, %run_scoped3A_136, %dma_wait3A_150] : memref<56x2x128xi32, #tpu.memory_space<vmem>> -> memref<1x1x128xi32, #tpu.memory_space<vmem>>
          %dma_wait3A_152 = tpu.memref_squeeze %dma_wait3A_151 : memref<1x1x128xi32, #tpu.memory_space<vmem>> -> memref<128xi32, #tpu.memory_space<vmem>>
          %dma_wait3A_153 = arith.constant 0 : i32
          %dma_wait3A_154 = arith.constant 0 : i32
          %dma_wait3A_155 = tpu.memref_slice %arg8[%dma_wait3A_153, %dma_wait3A_154] : memref<10112x128xf32, #tpu.memory_space<vmem_shared>> -> memref<10112x128xf32, #tpu.memory_space<vmem_shared>>
          tpu.wait_indirect_dma semaphore(%run_scoped3A_137 : memref<!tpu.dma_semaphore, #tpu.memory_space<semaphore_mem>>) src(%dma_wait3A_149 : memref<128x128xf32, #tpu.memory_space<vmem>>) dst(%dma_wait3A_155 : memref<10112x128xf32, #tpu.memory_space<vmem_shared>>)
          tpu.yield
        }) : () -> ()
      }
      %scan3A_73 = arith.constant 12 : i32
    } else {
    }
    %barrier3A = arith.constant 0 : index
    tpu.barrier barrier_id(%barrier3A)
    %mul3A_8 = arith.constant 632 : i32
    %mul3A_9 = arith.muli %arg1, %mul3A_8 : i32
    %mul3A_10 = arith.constant 632 : i32
    %mul3A_11 = arith.muli %arg1, %mul3A_10 : i32
    "tpu.region"() ({
      %run_scoped3A = tpu.sem_alloc : memref<!tpu.dma_semaphore, #tpu.memory_space<semaphore_mem>>
      %dma_start3A_12 = arith.constant 0 : i32
      %dma_start3A_13 = tpu.memref_slice %arg5[%arg0, %mul3A_11, %dma_start3A_12] : memref<2x10112x128xf32, #tpu.memory_space<hbm>> -> memref<1x632x128xf32, #tpu.memory_space<hbm>>
      %dma_start3A_14 = tpu.memref_squeeze %dma_start3A_13 : memref<1x632x128xf32, #tpu.memory_space<hbm>> -> memref<632x128xf32, #tpu.memory_space<hbm>>
      %dma_start3A_15 = arith.constant 0 : i32
      %dma_start3A_16 = tpu.memref_slice %arg8[%mul3A_9, %dma_start3A_15] : memref<10112x128xf32, #tpu.memory_space<vmem_shared>> -> memref<632x128xf32, #tpu.memory_space<vmem_shared>>
      tpu.enqueue_dma source(%dma_start3A_16 : memref<632x128xf32, #tpu.memory_space<vmem_shared>>) target(%dma_start3A_14 : memref<632x128xf32, #tpu.memory_space<hbm>>) target_semaphore(%run_scoped3A : memref<!tpu.dma_semaphore, #tpu.memory_space<semaphore_mem>>)
      %dma_wait3A = arith.constant 0 : i32
      %dma_wait3A_17 = tpu.memref_slice %arg5[%arg0, %mul3A_11, %dma_wait3A] : memref<2x10112x128xf32, #tpu.memory_space<hbm>> -> memref<1x632x128xf32, #tpu.memory_space<hbm>>
      %dma_wait3A_18 = tpu.memref_squeeze %dma_wait3A_17 : memref<1x632x128xf32, #tpu.memory_space<hbm>> -> memref<632x128xf32, #tpu.memory_space<hbm>>
      %dma_wait3A_19 = arith.constant 0 : i32
      %dma_wait3A_20 = tpu.memref_slice %arg8[%mul3A_9, %dma_wait3A_19] : memref<10112x128xf32, #tpu.memory_space<vmem_shared>> -> memref<632x128xf32, #tpu.memory_space<vmem_shared>>
      tpu.wait_dma2 semaphore(%run_scoped3A : memref<!tpu.dma_semaphore, #tpu.memory_space<semaphore_mem>>) src(%dma_wait3A_20 : memref<632x128xf32, #tpu.memory_space<vmem_shared>>) dst(%dma_wait3A_18 : memref<632x128xf32, #tpu.memory_space<hbm>>)
      tpu.yield
    }) : () -> ()
    return
  }
}

#map = affine_map<(d0, d1) -> (0, 0)>
#map1 = affine_map<(d0, d1) -> (0, 0, 0)>
module attributes {stable_mosaic.version = 14 : i64} {
  func.func @k(%arg0: i32, %arg1: i32, %arg2: memref<10112x128xf32, #tpu.memory_space<hbm>>, %arg3: memref<2560x2x128xi32, #tpu.memory_space<hbm>>, %arg4: memref<632x128xf32, #tpu.memory_space<hbm>>, %arg5: memref<2x10112x128xf32, #tpu.memory_space<hbm>>, %arg6: memref<56x2x128xi32, #tpu.memory_space<vmem>>, %arg7: memref<256x128xf32, #tpu.memory_space<vmem>>, %arg8: memref<10112x128xf32, #tpu.memory_space<vmem_shared>>, %arg9: memref<!tpu.dma_semaphore, #tpu.memory_space<semaphore_mem>>, %arg10: memref<!tpu.dma_semaphore, #tpu.memory_space<semaphore_mem>>, %arg11: memref<!tpu.dma_semaphore, #tpu.memory_space<semaphore_mem>>, %arg12: memref<!tpu.dma_semaphore, #tpu.memory_space<semaphore_mem>>, %arg13: memref<!tpu.dma_semaphore, #tpu.memory_space<semaphore_mem>>) attributes {dimension_semantics = [#tpu.dimension_semantics<core_parallel>, #tpu.dimension_semantics<subcore_parallel>], iteration_bounds = array<i64: 2, 16>, scalar_prefetch = 0 : i64, scratch_operands = 8 : i64, tpu.core_type = #tpu.core_type<sc_vector_subcore>, window_params = [{transform_indices = #map}, {transform_indices = #map1}, {transform_indices = #map}, {transform_indices = #map1}]} {
    %mul3A = arith.constant 632 : i32
    %mul3A_0 = arith.muli %arg1, %mul3A : i32
    %dma_start3A = arith.constant 0 : i32
    %dma_start3A_1 = tpu.memref_slice %arg8[%mul3A_0, %dma_start3A] : memref<10112x128xf32, #tpu.memory_space<vmem_shared>> -> memref<632x128xf32, #tpu.memory_space<vmem_shared>>
    tpu.enqueue_dma source(%arg4 : memref<632x128xf32, #tpu.memory_space<hbm>>) target(%dma_start3A_1 : memref<632x128xf32, #tpu.memory_space<vmem_shared>>) target_semaphore(%arg13 : memref<!tpu.dma_semaphore, #tpu.memory_space<semaphore_mem>>)
    %eq3A = arith.constant 0 : i32
    %eq3A_2 = arith.cmpi eq, %arg0, %eq3A : i32
    %convert_element_type3A = arith.extui %eq3A_2 : i1 to i32
    %cond3A = arith.constant 0 : i32
    %cond3A_3 = arith.cmpi ne, %convert_element_type3A, %cond3A : i32
    scf.if %cond3A_3 {
      %mul3A_12 = arith.constant 112 : i32
      %mul3A_13 = arith.muli %arg1, %mul3A_12 : i32
      %add3A = arith.constant 0 : i32
      %add3A_14 = arith.addi %mul3A_13, %add3A : i32
      "tpu.region"() ({
        %run_scoped3A = tpu.sem_alloc : memref<!tpu.dma_semaphore, #tpu.memory_space<semaphore_mem>>
        %dma_start3A_72 = arith.constant 0 : i32
        %dma_start3A_73 = arith.constant 0 : i32
        %dma_start3A_74 = arith.constant 0 : i32
        %dma_start3A_75 = tpu.memref_slice %arg6[%dma_start3A_72, %dma_start3A_73, %dma_start3A_74] : memref<56x2x128xi32, #tpu.memory_space<vmem>> -> memref<56x2x128xi32, #tpu.memory_space<vmem>>
        %dma_start3A_76 = arith.constant 0 : i32
        %dma_start3A_77 = arith.constant 0 : i32
        %dma_start3A_78 = tpu.memref_slice %arg3[%add3A_14, %dma_start3A_76, %dma_start3A_77] : memref<2560x2x128xi32, #tpu.memory_space<hbm>> -> memref<56x2x128xi32, #tpu.memory_space<hbm>>
        %dma_start3A_79 = arith.constant 0 : i32
        %dma_start3A_80 = arith.constant 0 : i32
        %dma_start3A_81 = arith.constant 0 : i32
        %dma_start3A_82 = tpu.memref_slice %arg6[%dma_start3A_79, %dma_start3A_80, %dma_start3A_81] : memref<56x2x128xi32, #tpu.memory_space<vmem>> -> memref<56x2x128xi32, #tpu.memory_space<vmem>>
        %dma_start3A_83 = arith.constant 0 : i32
        %dma_start3A_84 = arith.constant 0 : i32
        %dma_start3A_85 = tpu.memref_slice %arg3[%add3A_14, %dma_start3A_83, %dma_start3A_84] : memref<2560x2x128xi32, #tpu.memory_space<hbm>> -> memref<56x2x128xi32, #tpu.memory_space<hbm>>
        tpu.enqueue_dma source(%dma_start3A_85 : memref<56x2x128xi32, #tpu.memory_space<hbm>>) target(%dma_start3A_82 : memref<56x2x128xi32, #tpu.memory_space<vmem>>) target_semaphore(%run_scoped3A : memref<!tpu.dma_semaphore, #tpu.memory_space<semaphore_mem>>)
        %dma_wait3A_86 = arith.constant 0 : i32
        %dma_wait3A_87 = arith.constant 0 : i32
        %dma_wait3A_88 = arith.constant 0 : i32
        %dma_wait3A_89 = tpu.memref_slice %arg6[%dma_wait3A_86, %dma_wait3A_87, %dma_wait3A_88] : memref<56x2x128xi32, #tpu.memory_space<vmem>> -> memref<56x2x128xi32, #tpu.memory_space<vmem>>
        %dma_wait3A_90 = arith.constant 0 : i32
        %dma_wait3A_91 = arith.constant 0 : i32
        %dma_wait3A_92 = tpu.memref_slice %arg3[%add3A_14, %dma_wait3A_90, %dma_wait3A_91] : memref<2560x2x128xi32, #tpu.memory_space<hbm>> -> memref<56x2x128xi32, #tpu.memory_space<hbm>>
        %dma_wait3A_93 = arith.constant 0 : i32
        %dma_wait3A_94 = arith.constant 0 : i32
        %dma_wait3A_95 = arith.constant 0 : i32
        %dma_wait3A_96 = tpu.memref_slice %arg6[%dma_wait3A_93, %dma_wait3A_94, %dma_wait3A_95] : memref<56x2x128xi32, #tpu.memory_space<vmem>> -> memref<56x2x128xi32, #tpu.memory_space<vmem>>
        %dma_wait3A_97 = arith.constant 0 : i32
        %dma_wait3A_98 = arith.constant 0 : i32
        %dma_wait3A_99 = tpu.memref_slice %arg3[%add3A_14, %dma_wait3A_97, %dma_wait3A_98] : memref<2560x2x128xi32, #tpu.memory_space<hbm>> -> memref<56x2x128xi32, #tpu.memory_space<hbm>>
        tpu.wait_dma2 semaphore(%run_scoped3A : memref<!tpu.dma_semaphore, #tpu.memory_space<semaphore_mem>>) src(%dma_wait3A_99 : memref<56x2x128xi32, #tpu.memory_space<hbm>>) dst(%dma_wait3A_96 : memref<56x2x128xi32, #tpu.memory_space<vmem>>)
        tpu.yield
      }) : () -> ()
      %dma_start3A_15 = arith.constant 0 : i32
      %dma_start3A_16 = arith.constant 1 : i32
      %dma_start3A_17 = arith.constant 0 : i32
      %dma_start3A_18 = arith.constant 0 : i32
      %dma_start3A_19 = tpu.memref_slice %arg7[%dma_start3A_17, %dma_start3A_18] : memref<256x128xf32, #tpu.memory_space<vmem>> -> memref<64x128xf32, #tpu.memory_space<vmem>>
      %dma_start3A_20 = arith.constant 0 : i32
      %dma_start3A_21 = tpu.memref_slice %arg6[%dma_start3A_15, %dma_start3A_16, %dma_start3A_20] : memref<56x2x128xi32, #tpu.memory_space<vmem>> -> memref<1x1x64xi32, #tpu.memory_space<vmem>>
      %dma_start3A_22 = tpu.memref_squeeze %dma_start3A_21 : memref<1x1x64xi32, #tpu.memory_space<vmem>> -> memref<64xi32, #tpu.memory_space<vmem>>
      %dma_start3A_23 = arith.constant 0 : i32
      %dma_start3A_24 = arith.constant 0 : i32
      %dma_start3A_25 = tpu.memref_slice %arg2[%dma_start3A_23, %dma_start3A_24] : memref<10112x128xf32, #tpu.memory_space<hbm>> -> memref<10112x128xf32, #tpu.memory_space<hbm>>
      tpu.enqueue_indirect_dma source(%dma_start3A_25 : memref<10112x128xf32, #tpu.memory_space<hbm>>) target(%dma_start3A_19 : memref<64x128xf32, #tpu.memory_space<vmem>>) offsets(%dma_start3A_22 : memref<64xi32, #tpu.memory_space<vmem>>) semaphore(%arg9 : memref<!tpu.dma_semaphore, #tpu.memory_space<semaphore_mem>>)
      %dma_start3A_26 = arith.constant 0 : i32
      %dma_start3A_27 = arith.constant 1 : i32
      %dma_start3A_28 = arith.constant 64 : i32
      %dma_start3A_29 = arith.constant 0 : i32
      %dma_start3A_30 = tpu.memref_slice %arg7[%dma_start3A_28, %dma_start3A_29] : memref<256x128xf32, #tpu.memory_space<vmem>> -> memref<64x128xf32, #tpu.memory_space<vmem>>
      %dma_start3A_31 = arith.constant 64 : i32
      %dma_start3A_32 = tpu.memref_slice %arg6[%dma_start3A_26, %dma_start3A_27, %dma_start3A_31] : memref<56x2x128xi32, #tpu.memory_space<vmem>> -> memref<1x1x64xi32, #tpu.memory_space<vmem>>
      %dma_start3A_33 = tpu.memref_squeeze %dma_start3A_32 : memref<1x1x64xi32, #tpu.memory_space<vmem>> -> memref<64xi32, #tpu.memory_space<vmem>>
      %dma_start3A_34 = arith.constant 0 : i32
      %dma_start3A_35 = arith.constant 0 : i32
      %dma_start3A_36 = tpu.memref_slice %arg2[%dma_start3A_34, %dma_start3A_35] : memref<10112x128xf32, #tpu.memory_space<hbm>> -> memref<10112x128xf32, #tpu.memory_space<hbm>>
      tpu.enqueue_indirect_dma source(%dma_start3A_36 : memref<10112x128xf32, #tpu.memory_space<hbm>>) target(%dma_start3A_30 : memref<64x128xf32, #tpu.memory_space<vmem>>) offsets(%dma_start3A_33 : memref<64xi32, #tpu.memory_space<vmem>>) semaphore(%arg10 : memref<!tpu.dma_semaphore, #tpu.memory_space<semaphore_mem>>)
      %dma_wait3A = arith.constant 0 : i32
      %dma_wait3A_37 = tpu.memref_slice %arg8[%mul3A_0, %dma_wait3A] : memref<10112x128xf32, #tpu.memory_space<vmem_shared>> -> memref<632x128xf32, #tpu.memory_space<vmem_shared>>
      tpu.wait_dma2 semaphore(%arg13 : memref<!tpu.dma_semaphore, #tpu.memory_space<semaphore_mem>>) src(%arg4 : memref<632x128xf32, #tpu.memory_space<hbm>>) dst(%dma_wait3A_37 : memref<632x128xf32, #tpu.memory_space<vmem_shared>>)
      %barrier3A_38 = arith.constant 0 : index
      tpu.barrier barrier_id(%barrier3A_38)
      %scan3A = arith.constant 0 : i32
      %scan3A_39 = arith.constant 28 : i32
      %scan3A_40 = arith.addi %scan3A, %scan3A_39 : i32
      %scan3A_41 = arith.constant 1 : i32
      scf.for %scan3A_72 = %scan3A to %scan3A_40 step %scan3A_41  : i32 {
        %mul3A_73 = arith.constant 2 : i32
        %mul3A_74 = arith.muli %scan3A_72, %mul3A_73 : i32
        %add3A_75 = arith.constant 0 : i32
        %add3A_76 = arith.addi %add3A_75, %mul3A_74 : i32
        %add3A_77 = arith.constant 0 : i32
        %add3A_78 = arith.addi %add3A_76, %add3A_77 : i32
        %add3A_79 = arith.constant 1 : i32
        %add3A_80 = arith.addi %add3A_78, %add3A_79 : i32
        %lt3A = arith.constant 56 : i32
        %lt3A_81 = arith.cmpi slt, %add3A_80, %lt3A : i32
        %convert_element_type3A_82 = arith.extui %lt3A_81 : i1 to i32
        %cond3A_83 = arith.constant 0 : i32
        %cond3A_84 = arith.cmpi ne, %convert_element_type3A_82, %cond3A_83 : i32
        scf.if %cond3A_84 {
          %add3A_135 = arith.constant 1 : i32
          %add3A_136 = arith.addi %add3A_78, %add3A_135 : i32
          %dma_start3A_137 = arith.constant 1 : i32
          %dma_start3A_138 = arith.constant 128 : i32
          %dma_start3A_139 = arith.constant 0 : i32
          %dma_start3A_140 = tpu.memref_slice %arg7[%dma_start3A_138, %dma_start3A_139] : memref<256x128xf32, #tpu.memory_space<vmem>> -> memref<64x128xf32, #tpu.memory_space<vmem>>
          %dma_start3A_141 = arith.constant 0 : i32
          %dma_start3A_142 = tpu.memref_slice %arg6[%add3A_136, %dma_start3A_137, %dma_start3A_141] : memref<56x2x128xi32, #tpu.memory_space<vmem>> -> memref<1x1x64xi32, #tpu.memory_space<vmem>>
          %dma_start3A_143 = tpu.memref_squeeze %dma_start3A_142 : memref<1x1x64xi32, #tpu.memory_space<vmem>> -> memref<64xi32, #tpu.memory_space<vmem>>
          %dma_start3A_144 = arith.constant 0 : i32
          %dma_start3A_145 = arith.constant 0 : i32
          %dma_start3A_146 = tpu.memref_slice %arg2[%dma_start3A_144, %dma_start3A_145] : memref<10112x128xf32, #tpu.memory_space<hbm>> -> memref<10112x128xf32, #tpu.memory_space<hbm>>
          tpu.enqueue_indirect_dma source(%dma_start3A_146 : memref<10112x128xf32, #tpu.memory_space<hbm>>) target(%dma_start3A_140 : memref<64x128xf32, #tpu.memory_space<vmem>>) offsets(%dma_start3A_143 : memref<64xi32, #tpu.memory_space<vmem>>) semaphore(%arg11 : memref<!tpu.dma_semaphore, #tpu.memory_space<semaphore_mem>>)
          %add3A_147 = arith.constant 1 : i32
          %add3A_148 = arith.addi %add3A_78, %add3A_147 : i32
          %dma_start3A_149 = arith.constant 1 : i32
          %dma_start3A_150 = arith.constant 192 : i32
          %dma_start3A_151 = arith.constant 0 : i32
          %dma_start3A_152 = tpu.memref_slice %arg7[%dma_start3A_150, %dma_start3A_151] : memref<256x128xf32, #tpu.memory_space<vmem>> -> memref<64x128xf32, #tpu.memory_space<vmem>>
          %dma_start3A_153 = arith.constant 64 : i32
          %dma_start3A_154 = tpu.memref_slice %arg6[%add3A_148, %dma_start3A_149, %dma_start3A_153] : memref<56x2x128xi32, #tpu.memory_space<vmem>> -> memref<1x1x64xi32, #tpu.memory_space<vmem>>
          %dma_start3A_155 = tpu.memref_squeeze %dma_start3A_154 : memref<1x1x64xi32, #tpu.memory_space<vmem>> -> memref<64xi32, #tpu.memory_space<vmem>>
          %dma_start3A_156 = arith.constant 0 : i32
          %dma_start3A_157 = arith.constant 0 : i32
          %dma_start3A_158 = tpu.memref_slice %arg2[%dma_start3A_156, %dma_start3A_157] : memref<10112x128xf32, #tpu.memory_space<hbm>> -> memref<10112x128xf32, #tpu.memory_space<hbm>>
          tpu.enqueue_indirect_dma source(%dma_start3A_158 : memref<10112x128xf32, #tpu.memory_space<hbm>>) target(%dma_start3A_152 : memref<64x128xf32, #tpu.memory_space<vmem>>) offsets(%dma_start3A_155 : memref<64xi32, #tpu.memory_space<vmem>>) semaphore(%arg12 : memref<!tpu.dma_semaphore, #tpu.memory_space<semaphore_mem>>)
        } else {
        }
        %dma_wait3A_85 = arith.constant 1 : i32
        %dma_wait3A_86 = arith.constant 0 : i32
        %dma_wait3A_87 = arith.constant 0 : i32
        %dma_wait3A_88 = tpu.memref_slice %arg7[%dma_wait3A_86, %dma_wait3A_87] : memref<256x128xf32, #tpu.memory_space<vmem>> -> memref<64x128xf32, #tpu.memory_space<vmem>>
        %dma_wait3A_89 = arith.constant 0 : i32
        %dma_wait3A_90 = tpu.memref_slice %arg6[%add3A_78, %dma_wait3A_85, %dma_wait3A_89] : memref<56x2x128xi32, #tpu.memory_space<vmem>> -> memref<1x1x64xi32, #tpu.memory_space<vmem>>
        %dma_wait3A_91 = tpu.memref_squeeze %dma_wait3A_90 : memref<1x1x64xi32, #tpu.memory_space<vmem>> -> memref<64xi32, #tpu.memory_space<vmem>>
        %dma_wait3A_92 = arith.constant 0 : i32
        %dma_wait3A_93 = arith.constant 0 : i32
        %dma_wait3A_94 = tpu.memref_slice %arg2[%dma_wait3A_92, %dma_wait3A_93] : memref<10112x128xf32, #tpu.memory_space<hbm>> -> memref<10112x128xf32, #tpu.memory_space<hbm>>
        tpu.wait_indirect_dma semaphore(%arg9 : memref<!tpu.dma_semaphore, #tpu.memory_space<semaphore_mem>>) src(%dma_wait3A_94 : memref<10112x128xf32, #tpu.memory_space<hbm>>) dst(%dma_wait3A_88 : memref<64x128xf32, #tpu.memory_space<vmem>>)
        %dma_wait3A_95 = arith.constant 1 : i32
        %dma_wait3A_96 = arith.constant 64 : i32
        %dma_wait3A_97 = arith.constant 0 : i32
        %dma_wait3A_98 = tpu.memref_slice %arg7[%dma_wait3A_96, %dma_wait3A_97] : memref<256x128xf32, #tpu.memory_space<vmem>> -> memref<64x128xf32, #tpu.memory_space<vmem>>
        %dma_wait3A_99 = arith.constant 64 : i32
        %dma_wait3A_100 = tpu.memref_slice %arg6[%add3A_78, %dma_wait3A_95, %dma_wait3A_99] : memref<56x2x128xi32, #tpu.memory_space<vmem>> -> memref<1x1x64xi32, #tpu.memory_space<vmem>>
        %dma_wait3A_101 = tpu.memref_squeeze %dma_wait3A_100 : memref<1x1x64xi32, #tpu.memory_space<vmem>> -> memref<64xi32, #tpu.memory_space<vmem>>
        %dma_wait3A_102 = arith.constant 0 : i32
        %dma_wait3A_103 = arith.constant 0 : i32
        %dma_wait3A_104 = tpu.memref_slice %arg2[%dma_wait3A_102, %dma_wait3A_103] : memref<10112x128xf32, #tpu.memory_space<hbm>> -> memref<10112x128xf32, #tpu.memory_space<hbm>>
        tpu.wait_indirect_dma semaphore(%arg10 : memref<!tpu.dma_semaphore, #tpu.memory_space<semaphore_mem>>) src(%dma_wait3A_104 : memref<10112x128xf32, #tpu.memory_space<hbm>>) dst(%dma_wait3A_98 : memref<64x128xf32, #tpu.memory_space<vmem>>)
        %run_scoped3A = arith.constant 0 : i32
        "tpu.region"() ({
          %run_scoped3A_135 = tpu.sem_alloc : memref<!tpu.dma_semaphore, #tpu.memory_space<semaphore_mem>>
          %dma_start3A_136 = arith.constant 0 : i32
          %dma_start3A_137 = arith.constant 0 : i32
          %dma_start3A_138 = tpu.memref_slice %arg7[%dma_start3A_136, %dma_start3A_137] : memref<256x128xf32, #tpu.memory_space<vmem>> -> memref<128x128xf32, #tpu.memory_space<vmem>>
          %dma_start3A_139 = arith.constant 0 : i32
          %dma_start3A_140 = tpu.memref_slice %arg6[%add3A_78, %run_scoped3A, %dma_start3A_139] : memref<56x2x128xi32, #tpu.memory_space<vmem>> -> memref<1x1x128xi32, #tpu.memory_space<vmem>>
          %dma_start3A_141 = tpu.memref_squeeze %dma_start3A_140 : memref<1x1x128xi32, #tpu.memory_space<vmem>> -> memref<128xi32, #tpu.memory_space<vmem>>
          %dma_start3A_142 = arith.constant 0 : i32
          %dma_start3A_143 = arith.constant 0 : i32
          %dma_start3A_144 = tpu.memref_slice %arg8[%dma_start3A_142, %dma_start3A_143] : memref<10112x128xf32, #tpu.memory_space<vmem_shared>> -> memref<10112x128xf32, #tpu.memory_space<vmem_shared>>
          tpu.enqueue_indirect_dma source(%dma_start3A_138 : memref<128x128xf32, #tpu.memory_space<vmem>>) target(%dma_start3A_144 : memref<10112x128xf32, #tpu.memory_space<vmem_shared>>) offsets(%dma_start3A_141 : memref<128xi32, #tpu.memory_space<vmem>>) semaphore(%run_scoped3A_135 : memref<!tpu.dma_semaphore, #tpu.memory_space<semaphore_mem>>) {add = true}
          %dma_wait3A_145 = arith.constant 0 : i32
          %dma_wait3A_146 = arith.constant 0 : i32
          %dma_wait3A_147 = tpu.memref_slice %arg7[%dma_wait3A_145, %dma_wait3A_146] : memref<256x128xf32, #tpu.memory_space<vmem>> -> memref<128x128xf32, #tpu.memory_space<vmem>>
          %dma_wait3A_148 = arith.constant 0 : i32
          %dma_wait3A_149 = tpu.memref_slice %arg6[%add3A_78, %run_scoped3A, %dma_wait3A_148] : memref<56x2x128xi32, #tpu.memory_space<vmem>> -> memref<1x1x128xi32, #tpu.memory_space<vmem>>
          %dma_wait3A_150 = tpu.memref_squeeze %dma_wait3A_149 : memref<1x1x128xi32, #tpu.memory_space<vmem>> -> memref<128xi32, #tpu.memory_space<vmem>>
          %dma_wait3A_151 = arith.constant 0 : i32
          %dma_wait3A_152 = arith.constant 0 : i32
          %dma_wait3A_153 = tpu.memref_slice %arg8[%dma_wait3A_151, %dma_wait3A_152] : memref<10112x128xf32, #tpu.memory_space<vmem_shared>> -> memref<10112x128xf32, #tpu.memory_space<vmem_shared>>
          tpu.wait_indirect_dma semaphore(%run_scoped3A_135 : memref<!tpu.dma_semaphore, #tpu.memory_space<semaphore_mem>>) src(%dma_wait3A_147 : memref<128x128xf32, #tpu.memory_space<vmem>>) dst(%dma_wait3A_153 : memref<10112x128xf32, #tpu.memory_space<vmem_shared>>)
          tpu.yield
        }) : () -> ()
        %add3A_105 = arith.constant 1 : i32
        %add3A_106 = arith.addi %add3A_76, %add3A_105 : i32
        %add3A_107 = arith.constant 1 : i32
        %add3A_108 = arith.addi %add3A_106, %add3A_107 : i32
        %lt3A_109 = arith.constant 56 : i32
        %lt3A_110 = arith.cmpi slt, %add3A_108, %lt3A_109 : i32
        %convert_element_type3A_111 = arith.extui %lt3A_110 : i1 to i32
        %cond3A_112 = arith.constant 0 : i32
        %cond3A_113 = arith.cmpi ne, %convert_element_type3A_111, %cond3A_112 : i32
        scf.if %cond3A_113 {
          %add3A_135 = arith.constant 1 : i32
          %add3A_136 = arith.addi %add3A_106, %add3A_135 : i32
          %dma_start3A_137 = arith.constant 1 : i32
          %dma_start3A_138 = arith.constant 0 : i32
          %dma_start3A_139 = arith.constant 0 : i32
          %dma_start3A_140 = tpu.memref_slice %arg7[%dma_start3A_138, %dma_start3A_139] : memref<256x128xf32, #tpu.memory_space<vmem>> -> memref<64x128xf32, #tpu.memory_space<vmem>>
          %dma_start3A_141 = arith.constant 0 : i32
          %dma_start3A_142 = tpu.memref_slice %arg6[%add3A_136, %dma_start3A_137, %dma_start3A_141] : memref<56x2x128xi32, #tpu.memory_space<vmem>> -> memref<1x1x64xi32, #tpu.memory_space<vmem>>
          %dma_start3A_143 = tpu.memref_squeeze %dma_start3A_142 : memref<1x1x64xi32, #tpu.memory_space<vmem>> -> memref<64xi32, #tpu.memory_space<vmem>>
          %dma_start3A_144 = arith.constant 0 : i32
          %dma_start3A_145 = arith.constant 0 : i32
          %dma_start3A_146 = tpu.memref_slice %arg2[%dma_start3A_144, %dma_start3A_145] : memref<10112x128xf32, #tpu.memory_space<hbm>> -> memref<10112x128xf32, #tpu.memory_space<hbm>>
          tpu.enqueue_indirect_dma source(%dma_start3A_146 : memref<10112x128xf32, #tpu.memory_space<hbm>>) target(%dma_start3A_140 : memref<64x128xf32, #tpu.memory_space<vmem>>) offsets(%dma_start3A_143 : memref<64xi32, #tpu.memory_space<vmem>>) semaphore(%arg9 : memref<!tpu.dma_semaphore, #tpu.memory_space<semaphore_mem>>)
          %add3A_147 = arith.constant 1 : i32
          %add3A_148 = arith.addi %add3A_106, %add3A_147 : i32
          %dma_start3A_149 = arith.constant 1 : i32
          %dma_start3A_150 = arith.constant 64 : i32
          %dma_start3A_151 = arith.constant 0 : i32
          %dma_start3A_152 = tpu.memref_slice %arg7[%dma_start3A_150, %dma_start3A_151] : memref<256x128xf32, #tpu.memory_space<vmem>> -> memref<64x128xf32, #tpu.memory_space<vmem>>
          %dma_start3A_153 = arith.constant 64 : i32
          %dma_start3A_154 = tpu.memref_slice %arg6[%add3A_148, %dma_start3A_149, %dma_start3A_153] : memref<56x2x128xi32, #tpu.memory_space<vmem>> -> memref<1x1x64xi32, #tpu.memory_space<vmem>>
          %dma_start3A_155 = tpu.memref_squeeze %dma_start3A_154 : memref<1x1x64xi32, #tpu.memory_space<vmem>> -> memref<64xi32, #tpu.memory_space<vmem>>
          %dma_start3A_156 = arith.constant 0 : i32
          %dma_start3A_157 = arith.constant 0 : i32
          %dma_start3A_158 = tpu.memref_slice %arg2[%dma_start3A_156, %dma_start3A_157] : memref<10112x128xf32, #tpu.memory_space<hbm>> -> memref<10112x128xf32, #tpu.memory_space<hbm>>
          tpu.enqueue_indirect_dma source(%dma_start3A_158 : memref<10112x128xf32, #tpu.memory_space<hbm>>) target(%dma_start3A_152 : memref<64x128xf32, #tpu.memory_space<vmem>>) offsets(%dma_start3A_155 : memref<64xi32, #tpu.memory_space<vmem>>) semaphore(%arg10 : memref<!tpu.dma_semaphore, #tpu.memory_space<semaphore_mem>>)
        } else {
        }
        %dma_wait3A_114 = arith.constant 1 : i32
        %dma_wait3A_115 = arith.constant 128 : i32
        %dma_wait3A_116 = arith.constant 0 : i32
        %dma_wait3A_117 = tpu.memref_slice %arg7[%dma_wait3A_115, %dma_wait3A_116] : memref<256x128xf32, #tpu.memory_space<vmem>> -> memref<64x128xf32, #tpu.memory_space<vmem>>
        %dma_wait3A_118 = arith.constant 0 : i32
        %dma_wait3A_119 = tpu.memref_slice %arg6[%add3A_106, %dma_wait3A_114, %dma_wait3A_118] : memref<56x2x128xi32, #tpu.memory_space<vmem>> -> memref<1x1x64xi32, #tpu.memory_space<vmem>>
        %dma_wait3A_120 = tpu.memref_squeeze %dma_wait3A_119 : memref<1x1x64xi32, #tpu.memory_space<vmem>> -> memref<64xi32, #tpu.memory_space<vmem>>
        %dma_wait3A_121 = arith.constant 0 : i32
        %dma_wait3A_122 = arith.constant 0 : i32
        %dma_wait3A_123 = tpu.memref_slice %arg2[%dma_wait3A_121, %dma_wait3A_122] : memref<10112x128xf32, #tpu.memory_space<hbm>> -> memref<10112x128xf32, #tpu.memory_space<hbm>>
        tpu.wait_indirect_dma semaphore(%arg11 : memref<!tpu.dma_semaphore, #tpu.memory_space<semaphore_mem>>) src(%dma_wait3A_123 : memref<10112x128xf32, #tpu.memory_space<hbm>>) dst(%dma_wait3A_117 : memref<64x128xf32, #tpu.memory_space<vmem>>)
        %dma_wait3A_124 = arith.constant 1 : i32
        %dma_wait3A_125 = arith.constant 192 : i32
        %dma_wait3A_126 = arith.constant 0 : i32
        %dma_wait3A_127 = tpu.memref_slice %arg7[%dma_wait3A_125, %dma_wait3A_126] : memref<256x128xf32, #tpu.memory_space<vmem>> -> memref<64x128xf32, #tpu.memory_space<vmem>>
        %dma_wait3A_128 = arith.constant 64 : i32
        %dma_wait3A_129 = tpu.memref_slice %arg6[%add3A_106, %dma_wait3A_124, %dma_wait3A_128] : memref<56x2x128xi32, #tpu.memory_space<vmem>> -> memref<1x1x64xi32, #tpu.memory_space<vmem>>
        %dma_wait3A_130 = tpu.memref_squeeze %dma_wait3A_129 : memref<1x1x64xi32, #tpu.memory_space<vmem>> -> memref<64xi32, #tpu.memory_space<vmem>>
        %dma_wait3A_131 = arith.constant 0 : i32
        %dma_wait3A_132 = arith.constant 0 : i32
        %dma_wait3A_133 = tpu.memref_slice %arg2[%dma_wait3A_131, %dma_wait3A_132] : memref<10112x128xf32, #tpu.memory_space<hbm>> -> memref<10112x128xf32, #tpu.memory_space<hbm>>
        tpu.wait_indirect_dma semaphore(%arg12 : memref<!tpu.dma_semaphore, #tpu.memory_space<semaphore_mem>>) src(%dma_wait3A_133 : memref<10112x128xf32, #tpu.memory_space<hbm>>) dst(%dma_wait3A_127 : memref<64x128xf32, #tpu.memory_space<vmem>>)
        %run_scoped3A_134 = arith.constant 0 : i32
        "tpu.region"() ({
          %run_scoped3A_135 = tpu.sem_alloc : memref<!tpu.dma_semaphore, #tpu.memory_space<semaphore_mem>>
          %dma_start3A_136 = arith.constant 128 : i32
          %dma_start3A_137 = arith.constant 0 : i32
          %dma_start3A_138 = tpu.memref_slice %arg7[%dma_start3A_136, %dma_start3A_137] : memref<256x128xf32, #tpu.memory_space<vmem>> -> memref<128x128xf32, #tpu.memory_space<vmem>>
          %dma_start3A_139 = arith.constant 0 : i32
          %dma_start3A_140 = tpu.memref_slice %arg6[%add3A_106, %run_scoped3A_134, %dma_start3A_139] : memref<56x2x128xi32, #tpu.memory_space<vmem>> -> memref<1x1x128xi32, #tpu.memory_space<vmem>>
          %dma_start3A_141 = tpu.memref_squeeze %dma_start3A_140 : memref<1x1x128xi32, #tpu.memory_space<vmem>> -> memref<128xi32, #tpu.memory_space<vmem>>
          %dma_start3A_142 = arith.constant 0 : i32
          %dma_start3A_143 = arith.constant 0 : i32
          %dma_start3A_144 = tpu.memref_slice %arg8[%dma_start3A_142, %dma_start3A_143] : memref<10112x128xf32, #tpu.memory_space<vmem_shared>> -> memref<10112x128xf32, #tpu.memory_space<vmem_shared>>
          tpu.enqueue_indirect_dma source(%dma_start3A_138 : memref<128x128xf32, #tpu.memory_space<vmem>>) target(%dma_start3A_144 : memref<10112x128xf32, #tpu.memory_space<vmem_shared>>) offsets(%dma_start3A_141 : memref<128xi32, #tpu.memory_space<vmem>>) semaphore(%run_scoped3A_135 : memref<!tpu.dma_semaphore, #tpu.memory_space<semaphore_mem>>) {add = true}
          %dma_wait3A_145 = arith.constant 128 : i32
          %dma_wait3A_146 = arith.constant 0 : i32
          %dma_wait3A_147 = tpu.memref_slice %arg7[%dma_wait3A_145, %dma_wait3A_146] : memref<256x128xf32, #tpu.memory_space<vmem>> -> memref<128x128xf32, #tpu.memory_space<vmem>>
          %dma_wait3A_148 = arith.constant 0 : i32
          %dma_wait3A_149 = tpu.memref_slice %arg6[%add3A_106, %run_scoped3A_134, %dma_wait3A_148] : memref<56x2x128xi32, #tpu.memory_space<vmem>> -> memref<1x1x128xi32, #tpu.memory_space<vmem>>
          %dma_wait3A_150 = tpu.memref_squeeze %dma_wait3A_149 : memref<1x1x128xi32, #tpu.memory_space<vmem>> -> memref<128xi32, #tpu.memory_space<vmem>>
          %dma_wait3A_151 = arith.constant 0 : i32
          %dma_wait3A_152 = arith.constant 0 : i32
          %dma_wait3A_153 = tpu.memref_slice %arg8[%dma_wait3A_151, %dma_wait3A_152] : memref<10112x128xf32, #tpu.memory_space<vmem_shared>> -> memref<10112x128xf32, #tpu.memory_space<vmem_shared>>
          tpu.wait_indirect_dma semaphore(%run_scoped3A_135 : memref<!tpu.dma_semaphore, #tpu.memory_space<semaphore_mem>>) src(%dma_wait3A_147 : memref<128x128xf32, #tpu.memory_space<vmem>>) dst(%dma_wait3A_153 : memref<10112x128xf32, #tpu.memory_space<vmem_shared>>)
          tpu.yield
        }) : () -> ()
      }
      %scan3A_42 = arith.constant 28 : i32
      %add3A_43 = arith.constant 56 : i32
      %add3A_44 = arith.addi %mul3A_13, %add3A_43 : i32
      "tpu.region"() ({
        %run_scoped3A = tpu.sem_alloc : memref<!tpu.dma_semaphore, #tpu.memory_space<semaphore_mem>>
        %dma_start3A_72 = arith.constant 0 : i32
        %dma_start3A_73 = arith.constant 0 : i32
        %dma_start3A_74 = arith.constant 0 : i32
        %dma_start3A_75 = tpu.memref_slice %arg6[%dma_start3A_72, %dma_start3A_73, %dma_start3A_74] : memref<56x2x128xi32, #tpu.memory_space<vmem>> -> memref<56x2x128xi32, #tpu.memory_space<vmem>>
        %dma_start3A_76 = arith.constant 0 : i32
        %dma_start3A_77 = arith.constant 0 : i32
        %dma_start3A_78 = tpu.memref_slice %arg3[%add3A_44, %dma_start3A_76, %dma_start3A_77] : memref<2560x2x128xi32, #tpu.memory_space<hbm>> -> memref<56x2x128xi32, #tpu.memory_space<hbm>>
        %dma_start3A_79 = arith.constant 0 : i32
        %dma_start3A_80 = arith.constant 0 : i32
        %dma_start3A_81 = arith.constant 0 : i32
        %dma_start3A_82 = tpu.memref_slice %arg6[%dma_start3A_79, %dma_start3A_80, %dma_start3A_81] : memref<56x2x128xi32, #tpu.memory_space<vmem>> -> memref<56x2x128xi32, #tpu.memory_space<vmem>>
        %dma_start3A_83 = arith.constant 0 : i32
        %dma_start3A_84 = arith.constant 0 : i32
        %dma_start3A_85 = tpu.memref_slice %arg3[%add3A_44, %dma_start3A_83, %dma_start3A_84] : memref<2560x2x128xi32, #tpu.memory_space<hbm>> -> memref<56x2x128xi32, #tpu.memory_space<hbm>>
        tpu.enqueue_dma source(%dma_start3A_85 : memref<56x2x128xi32, #tpu.memory_space<hbm>>) target(%dma_start3A_82 : memref<56x2x128xi32, #tpu.memory_space<vmem>>) target_semaphore(%run_scoped3A : memref<!tpu.dma_semaphore, #tpu.memory_space<semaphore_mem>>)
        %dma_wait3A_86 = arith.constant 0 : i32
        %dma_wait3A_87 = arith.constant 0 : i32
        %dma_wait3A_88 = arith.constant 0 : i32
        %dma_wait3A_89 = tpu.memref_slice %arg6[%dma_wait3A_86, %dma_wait3A_87, %dma_wait3A_88] : memref<56x2x128xi32, #tpu.memory_space<vmem>> -> memref<56x2x128xi32, #tpu.memory_space<vmem>>
        %dma_wait3A_90 = arith.constant 0 : i32
        %dma_wait3A_91 = arith.constant 0 : i32
        %dma_wait3A_92 = tpu.memref_slice %arg3[%add3A_44, %dma_wait3A_90, %dma_wait3A_91] : memref<2560x2x128xi32, #tpu.memory_space<hbm>> -> memref<56x2x128xi32, #tpu.memory_space<hbm>>
        %dma_wait3A_93 = arith.constant 0 : i32
        %dma_wait3A_94 = arith.constant 0 : i32
        %dma_wait3A_95 = arith.constant 0 : i32
        %dma_wait3A_96 = tpu.memref_slice %arg6[%dma_wait3A_93, %dma_wait3A_94, %dma_wait3A_95] : memref<56x2x128xi32, #tpu.memory_space<vmem>> -> memref<56x2x128xi32, #tpu.memory_space<vmem>>
        %dma_wait3A_97 = arith.constant 0 : i32
        %dma_wait3A_98 = arith.constant 0 : i32
        %dma_wait3A_99 = tpu.memref_slice %arg3[%add3A_44, %dma_wait3A_97, %dma_wait3A_98] : memref<2560x2x128xi32, #tpu.memory_space<hbm>> -> memref<56x2x128xi32, #tpu.memory_space<hbm>>
        tpu.wait_dma2 semaphore(%run_scoped3A : memref<!tpu.dma_semaphore, #tpu.memory_space<semaphore_mem>>) src(%dma_wait3A_99 : memref<56x2x128xi32, #tpu.memory_space<hbm>>) dst(%dma_wait3A_96 : memref<56x2x128xi32, #tpu.memory_space<vmem>>)
        tpu.yield
      }) : () -> ()
      %dma_start3A_45 = arith.constant 0 : i32
      %dma_start3A_46 = arith.constant 1 : i32
      %dma_start3A_47 = arith.constant 0 : i32
      %dma_start3A_48 = arith.constant 0 : i32
      %dma_start3A_49 = tpu.memref_slice %arg7[%dma_start3A_47, %dma_start3A_48] : memref<256x128xf32, #tpu.memory_space<vmem>> -> memref<64x128xf32, #tpu.memory_space<vmem>>
      %dma_start3A_50 = arith.constant 0 : i32
      %dma_start3A_51 = tpu.memref_slice %arg6[%dma_start3A_45, %dma_start3A_46, %dma_start3A_50] : memref<56x2x128xi32, #tpu.memory_space<vmem>> -> memref<1x1x64xi32, #tpu.memory_space<vmem>>
      %dma_start3A_52 = tpu.memref_squeeze %dma_start3A_51 : memref<1x1x64xi32, #tpu.memory_space<vmem>> -> memref<64xi32, #tpu.memory_space<vmem>>
      %dma_start3A_53 = arith.constant 0 : i32
      %dma_start3A_54 = arith.constant 0 : i32
      %dma_start3A_55 = tpu.memref_slice %arg2[%dma_start3A_53, %dma_start3A_54] : memref<10112x128xf32, #tpu.memory_space<hbm>> -> memref<10112x128xf32, #tpu.memory_space<hbm>>
      tpu.enqueue_indirect_dma source(%dma_start3A_55 : memref<10112x128xf32, #tpu.memory_space<hbm>>) target(%dma_start3A_49 : memref<64x128xf32, #tpu.memory_space<vmem>>) offsets(%dma_start3A_52 : memref<64xi32, #tpu.memory_space<vmem>>) semaphore(%arg9 : memref<!tpu.dma_semaphore, #tpu.memory_space<semaphore_mem>>)
      %dma_start3A_56 = arith.constant 0 : i32
      %dma_start3A_57 = arith.constant 1 : i32
      %dma_start3A_58 = arith.constant 64 : i32
      %dma_start3A_59 = arith.constant 0 : i32
      %dma_start3A_60 = tpu.memref_slice %arg7[%dma_start3A_58, %dma_start3A_59] : memref<256x128xf32, #tpu.memory_space<vmem>> -> memref<64x128xf32, #tpu.memory_space<vmem>>
      %dma_start3A_61 = arith.constant 64 : i32
      %dma_start3A_62 = tpu.memref_slice %arg6[%dma_start3A_56, %dma_start3A_57, %dma_start3A_61] : memref<56x2x128xi32, #tpu.memory_space<vmem>> -> memref<1x1x64xi32, #tpu.memory_space<vmem>>
      %dma_start3A_63 = tpu.memref_squeeze %dma_start3A_62 : memref<1x1x64xi32, #tpu.memory_space<vmem>> -> memref<64xi32, #tpu.memory_space<vmem>>
      %dma_start3A_64 = arith.constant 0 : i32
      %dma_start3A_65 = arith.constant 0 : i32
      %dma_start3A_66 = tpu.memref_slice %arg2[%dma_start3A_64, %dma_start3A_65] : memref<10112x128xf32, #tpu.memory_space<hbm>> -> memref<10112x128xf32, #tpu.memory_space<hbm>>
      tpu.enqueue_indirect_dma source(%dma_start3A_66 : memref<10112x128xf32, #tpu.memory_space<hbm>>) target(%dma_start3A_60 : memref<64x128xf32, #tpu.memory_space<vmem>>) offsets(%dma_start3A_63 : memref<64xi32, #tpu.memory_space<vmem>>) semaphore(%arg10 : memref<!tpu.dma_semaphore, #tpu.memory_space<semaphore_mem>>)
      %scan3A_67 = arith.constant 0 : i32
      %scan3A_68 = arith.constant 28 : i32
      %scan3A_69 = arith.addi %scan3A_67, %scan3A_68 : i32
      %scan3A_70 = arith.constant 1 : i32
      scf.for %scan3A_72 = %scan3A_67 to %scan3A_69 step %scan3A_70  : i32 {
        %mul3A_73 = arith.constant 2 : i32
        %mul3A_74 = arith.muli %scan3A_72, %mul3A_73 : i32
        %add3A_75 = arith.constant 0 : i32
        %add3A_76 = arith.addi %add3A_75, %mul3A_74 : i32
        %add3A_77 = arith.constant 0 : i32
        %add3A_78 = arith.addi %add3A_76, %add3A_77 : i32
        %add3A_79 = arith.constant 1 : i32
        %add3A_80 = arith.addi %add3A_78, %add3A_79 : i32
        %lt3A = arith.constant 56 : i32
        %lt3A_81 = arith.cmpi slt, %add3A_80, %lt3A : i32
        %convert_element_type3A_82 = arith.extui %lt3A_81 : i1 to i32
        %cond3A_83 = arith.constant 0 : i32
        %cond3A_84 = arith.cmpi ne, %convert_element_type3A_82, %cond3A_83 : i32
        scf.if %cond3A_84 {
          %add3A_135 = arith.constant 1 : i32
          %add3A_136 = arith.addi %add3A_78, %add3A_135 : i32
          %dma_start3A_137 = arith.constant 1 : i32
          %dma_start3A_138 = arith.constant 128 : i32
          %dma_start3A_139 = arith.constant 0 : i32
          %dma_start3A_140 = tpu.memref_slice %arg7[%dma_start3A_138, %dma_start3A_139] : memref<256x128xf32, #tpu.memory_space<vmem>> -> memref<64x128xf32, #tpu.memory_space<vmem>>
          %dma_start3A_141 = arith.constant 0 : i32
          %dma_start3A_142 = tpu.memref_slice %arg6[%add3A_136, %dma_start3A_137, %dma_start3A_141] : memref<56x2x128xi32, #tpu.memory_space<vmem>> -> memref<1x1x64xi32, #tpu.memory_space<vmem>>
          %dma_start3A_143 = tpu.memref_squeeze %dma_start3A_142 : memref<1x1x64xi32, #tpu.memory_space<vmem>> -> memref<64xi32, #tpu.memory_space<vmem>>
          %dma_start3A_144 = arith.constant 0 : i32
          %dma_start3A_145 = arith.constant 0 : i32
          %dma_start3A_146 = tpu.memref_slice %arg2[%dma_start3A_144, %dma_start3A_145] : memref<10112x128xf32, #tpu.memory_space<hbm>> -> memref<10112x128xf32, #tpu.memory_space<hbm>>
          tpu.enqueue_indirect_dma source(%dma_start3A_146 : memref<10112x128xf32, #tpu.memory_space<hbm>>) target(%dma_start3A_140 : memref<64x128xf32, #tpu.memory_space<vmem>>) offsets(%dma_start3A_143 : memref<64xi32, #tpu.memory_space<vmem>>) semaphore(%arg11 : memref<!tpu.dma_semaphore, #tpu.memory_space<semaphore_mem>>)
          %add3A_147 = arith.constant 1 : i32
          %add3A_148 = arith.addi %add3A_78, %add3A_147 : i32
          %dma_start3A_149 = arith.constant 1 : i32
          %dma_start3A_150 = arith.constant 192 : i32
          %dma_start3A_151 = arith.constant 0 : i32
          %dma_start3A_152 = tpu.memref_slice %arg7[%dma_start3A_150, %dma_start3A_151] : memref<256x128xf32, #tpu.memory_space<vmem>> -> memref<64x128xf32, #tpu.memory_space<vmem>>
          %dma_start3A_153 = arith.constant 64 : i32
          %dma_start3A_154 = tpu.memref_slice %arg6[%add3A_148, %dma_start3A_149, %dma_start3A_153] : memref<56x2x128xi32, #tpu.memory_space<vmem>> -> memref<1x1x64xi32, #tpu.memory_space<vmem>>
          %dma_start3A_155 = tpu.memref_squeeze %dma_start3A_154 : memref<1x1x64xi32, #tpu.memory_space<vmem>> -> memref<64xi32, #tpu.memory_space<vmem>>
          %dma_start3A_156 = arith.constant 0 : i32
          %dma_start3A_157 = arith.constant 0 : i32
          %dma_start3A_158 = tpu.memref_slice %arg2[%dma_start3A_156, %dma_start3A_157] : memref<10112x128xf32, #tpu.memory_space<hbm>> -> memref<10112x128xf32, #tpu.memory_space<hbm>>
          tpu.enqueue_indirect_dma source(%dma_start3A_158 : memref<10112x128xf32, #tpu.memory_space<hbm>>) target(%dma_start3A_152 : memref<64x128xf32, #tpu.memory_space<vmem>>) offsets(%dma_start3A_155 : memref<64xi32, #tpu.memory_space<vmem>>) semaphore(%arg12 : memref<!tpu.dma_semaphore, #tpu.memory_space<semaphore_mem>>)
        } else {
        }
        %dma_wait3A_85 = arith.constant 1 : i32
        %dma_wait3A_86 = arith.constant 0 : i32
        %dma_wait3A_87 = arith.constant 0 : i32
        %dma_wait3A_88 = tpu.memref_slice %arg7[%dma_wait3A_86, %dma_wait3A_87] : memref<256x128xf32, #tpu.memory_space<vmem>> -> memref<64x128xf32, #tpu.memory_space<vmem>>
        %dma_wait3A_89 = arith.constant 0 : i32
        %dma_wait3A_90 = tpu.memref_slice %arg6[%add3A_78, %dma_wait3A_85, %dma_wait3A_89] : memref<56x2x128xi32, #tpu.memory_space<vmem>> -> memref<1x1x64xi32, #tpu.memory_space<vmem>>
        %dma_wait3A_91 = tpu.memref_squeeze %dma_wait3A_90 : memref<1x1x64xi32, #tpu.memory_space<vmem>> -> memref<64xi32, #tpu.memory_space<vmem>>
        %dma_wait3A_92 = arith.constant 0 : i32
        %dma_wait3A_93 = arith.constant 0 : i32
        %dma_wait3A_94 = tpu.memref_slice %arg2[%dma_wait3A_92, %dma_wait3A_93] : memref<10112x128xf32, #tpu.memory_space<hbm>> -> memref<10112x128xf32, #tpu.memory_space<hbm>>
        tpu.wait_indirect_dma semaphore(%arg9 : memref<!tpu.dma_semaphore, #tpu.memory_space<semaphore_mem>>) src(%dma_wait3A_94 : memref<10112x128xf32, #tpu.memory_space<hbm>>) dst(%dma_wait3A_88 : memref<64x128xf32, #tpu.memory_space<vmem>>)
        %dma_wait3A_95 = arith.constant 1 : i32
        %dma_wait3A_96 = arith.constant 64 : i32
        %dma_wait3A_97 = arith.constant 0 : i32
        %dma_wait3A_98 = tpu.memref_slice %arg7[%dma_wait3A_96, %dma_wait3A_97] : memref<256x128xf32, #tpu.memory_space<vmem>> -> memref<64x128xf32, #tpu.memory_space<vmem>>
        %dma_wait3A_99 = arith.constant 64 : i32
        %dma_wait3A_100 = tpu.memref_slice %arg6[%add3A_78, %dma_wait3A_95, %dma_wait3A_99] : memref<56x2x128xi32, #tpu.memory_space<vmem>> -> memref<1x1x64xi32, #tpu.memory_space<vmem>>
        %dma_wait3A_101 = tpu.memref_squeeze %dma_wait3A_100 : memref<1x1x64xi32, #tpu.memory_space<vmem>> -> memref<64xi32, #tpu.memory_space<vmem>>
        %dma_wait3A_102 = arith.constant 0 : i32
        %dma_wait3A_103 = arith.constant 0 : i32
        %dma_wait3A_104 = tpu.memref_slice %arg2[%dma_wait3A_102, %dma_wait3A_103] : memref<10112x128xf32, #tpu.memory_space<hbm>> -> memref<10112x128xf32, #tpu.memory_space<hbm>>
        tpu.wait_indirect_dma semaphore(%arg10 : memref<!tpu.dma_semaphore, #tpu.memory_space<semaphore_mem>>) src(%dma_wait3A_104 : memref<10112x128xf32, #tpu.memory_space<hbm>>) dst(%dma_wait3A_98 : memref<64x128xf32, #tpu.memory_space<vmem>>)
        %run_scoped3A = arith.constant 0 : i32
        "tpu.region"() ({
          %run_scoped3A_135 = tpu.sem_alloc : memref<!tpu.dma_semaphore, #tpu.memory_space<semaphore_mem>>
          %dma_start3A_136 = arith.constant 0 : i32
          %dma_start3A_137 = arith.constant 0 : i32
          %dma_start3A_138 = tpu.memref_slice %arg7[%dma_start3A_136, %dma_start3A_137] : memref<256x128xf32, #tpu.memory_space<vmem>> -> memref<128x128xf32, #tpu.memory_space<vmem>>
          %dma_start3A_139 = arith.constant 0 : i32
          %dma_start3A_140 = tpu.memref_slice %arg6[%add3A_78, %run_scoped3A, %dma_start3A_139] : memref<56x2x128xi32, #tpu.memory_space<vmem>> -> memref<1x1x128xi32, #tpu.memory_space<vmem>>
          %dma_start3A_141 = tpu.memref_squeeze %dma_start3A_140 : memref<1x1x128xi32, #tpu.memory_space<vmem>> -> memref<128xi32, #tpu.memory_space<vmem>>
          %dma_start3A_142 = arith.constant 0 : i32
          %dma_start3A_143 = arith.constant 0 : i32
          %dma_start3A_144 = tpu.memref_slice %arg8[%dma_start3A_142, %dma_start3A_143] : memref<10112x128xf32, #tpu.memory_space<vmem_shared>> -> memref<10112x128xf32, #tpu.memory_space<vmem_shared>>
          tpu.enqueue_indirect_dma source(%dma_start3A_138 : memref<128x128xf32, #tpu.memory_space<vmem>>) target(%dma_start3A_144 : memref<10112x128xf32, #tpu.memory_space<vmem_shared>>) offsets(%dma_start3A_141 : memref<128xi32, #tpu.memory_space<vmem>>) semaphore(%run_scoped3A_135 : memref<!tpu.dma_semaphore, #tpu.memory_space<semaphore_mem>>) {add = true}
          %dma_wait3A_145 = arith.constant 0 : i32
          %dma_wait3A_146 = arith.constant 0 : i32
          %dma_wait3A_147 = tpu.memref_slice %arg7[%dma_wait3A_145, %dma_wait3A_146] : memref<256x128xf32, #tpu.memory_space<vmem>> -> memref<128x128xf32, #tpu.memory_space<vmem>>
          %dma_wait3A_148 = arith.constant 0 : i32
          %dma_wait3A_149 = tpu.memref_slice %arg6[%add3A_78, %run_scoped3A, %dma_wait3A_148] : memref<56x2x128xi32, #tpu.memory_space<vmem>> -> memref<1x1x128xi32, #tpu.memory_space<vmem>>
          %dma_wait3A_150 = tpu.memref_squeeze %dma_wait3A_149 : memref<1x1x128xi32, #tpu.memory_space<vmem>> -> memref<128xi32, #tpu.memory_space<vmem>>
          %dma_wait3A_151 = arith.constant 0 : i32
          %dma_wait3A_152 = arith.constant 0 : i32
          %dma_wait3A_153 = tpu.memref_slice %arg8[%dma_wait3A_151, %dma_wait3A_152] : memref<10112x128xf32, #tpu.memory_space<vmem_shared>> -> memref<10112x128xf32, #tpu.memory_space<vmem_shared>>
          tpu.wait_indirect_dma semaphore(%run_scoped3A_135 : memref<!tpu.dma_semaphore, #tpu.memory_space<semaphore_mem>>) src(%dma_wait3A_147 : memref<128x128xf32, #tpu.memory_space<vmem>>) dst(%dma_wait3A_153 : memref<10112x128xf32, #tpu.memory_space<vmem_shared>>)
          tpu.yield
        }) : () -> ()
        %add3A_105 = arith.constant 1 : i32
        %add3A_106 = arith.addi %add3A_76, %add3A_105 : i32
        %add3A_107 = arith.constant 1 : i32
        %add3A_108 = arith.addi %add3A_106, %add3A_107 : i32
        %lt3A_109 = arith.constant 56 : i32
        %lt3A_110 = arith.cmpi slt, %add3A_108, %lt3A_109 : i32
        %convert_element_type3A_111 = arith.extui %lt3A_110 : i1 to i32
        %cond3A_112 = arith.constant 0 : i32
        %cond3A_113 = arith.cmpi ne, %convert_element_type3A_111, %cond3A_112 : i32
        scf.if %cond3A_113 {
          %add3A_135 = arith.constant 1 : i32
          %add3A_136 = arith.addi %add3A_106, %add3A_135 : i32
          %dma_start3A_137 = arith.constant 1 : i32
          %dma_start3A_138 = arith.constant 0 : i32
          %dma_start3A_139 = arith.constant 0 : i32
          %dma_start3A_140 = tpu.memref_slice %arg7[%dma_start3A_138, %dma_start3A_139] : memref<256x128xf32, #tpu.memory_space<vmem>> -> memref<64x128xf32, #tpu.memory_space<vmem>>
          %dma_start3A_141 = arith.constant 0 : i32
          %dma_start3A_142 = tpu.memref_slice %arg6[%add3A_136, %dma_start3A_137, %dma_start3A_141] : memref<56x2x128xi32, #tpu.memory_space<vmem>> -> memref<1x1x64xi32, #tpu.memory_space<vmem>>
          %dma_start3A_143 = tpu.memref_squeeze %dma_start3A_142 : memref<1x1x64xi32, #tpu.memory_space<vmem>> -> memref<64xi32, #tpu.memory_space<vmem>>
          %dma_start3A_144 = arith.constant 0 : i32
          %dma_start3A_145 = arith.constant 0 : i32
          %dma_start3A_146 = tpu.memref_slice %arg2[%dma_start3A_144, %dma_start3A_145] : memref<10112x128xf32, #tpu.memory_space<hbm>> -> memref<10112x128xf32, #tpu.memory_space<hbm>>
          tpu.enqueue_indirect_dma source(%dma_start3A_146 : memref<10112x128xf32, #tpu.memory_space<hbm>>) target(%dma_start3A_140 : memref<64x128xf32, #tpu.memory_space<vmem>>) offsets(%dma_start3A_143 : memref<64xi32, #tpu.memory_space<vmem>>) semaphore(%arg9 : memref<!tpu.dma_semaphore, #tpu.memory_space<semaphore_mem>>)
          %add3A_147 = arith.constant 1 : i32
          %add3A_148 = arith.addi %add3A_106, %add3A_147 : i32
          %dma_start3A_149 = arith.constant 1 : i32
          %dma_start3A_150 = arith.constant 64 : i32
          %dma_start3A_151 = arith.constant 0 : i32
          %dma_start3A_152 = tpu.memref_slice %arg7[%dma_start3A_150, %dma_start3A_151] : memref<256x128xf32, #tpu.memory_space<vmem>> -> memref<64x128xf32, #tpu.memory_space<vmem>>
          %dma_start3A_153 = arith.constant 64 : i32
          %dma_start3A_154 = tpu.memref_slice %arg6[%add3A_148, %dma_start3A_149, %dma_start3A_153] : memref<56x2x128xi32, #tpu.memory_space<vmem>> -> memref<1x1x64xi32, #tpu.memory_space<vmem>>
          %dma_start3A_155 = tpu.memref_squeeze %dma_start3A_154 : memref<1x1x64xi32, #tpu.memory_space<vmem>> -> memref<64xi32, #tpu.memory_space<vmem>>
          %dma_start3A_156 = arith.constant 0 : i32
          %dma_start3A_157 = arith.constant 0 : i32
          %dma_start3A_158 = tpu.memref_slice %arg2[%dma_start3A_156, %dma_start3A_157] : memref<10112x128xf32, #tpu.memory_space<hbm>> -> memref<10112x128xf32, #tpu.memory_space<hbm>>
          tpu.enqueue_indirect_dma source(%dma_start3A_158 : memref<10112x128xf32, #tpu.memory_space<hbm>>) target(%dma_start3A_152 : memref<64x128xf32, #tpu.memory_space<vmem>>) offsets(%dma_start3A_155 : memref<64xi32, #tpu.memory_space<vmem>>) semaphore(%arg10 : memref<!tpu.dma_semaphore, #tpu.memory_space<semaphore_mem>>)
        } else {
        }
        %dma_wait3A_114 = arith.constant 1 : i32
        %dma_wait3A_115 = arith.constant 128 : i32
        %dma_wait3A_116 = arith.constant 0 : i32
        %dma_wait3A_117 = tpu.memref_slice %arg7[%dma_wait3A_115, %dma_wait3A_116] : memref<256x128xf32, #tpu.memory_space<vmem>> -> memref<64x128xf32, #tpu.memory_space<vmem>>
        %dma_wait3A_118 = arith.constant 0 : i32
        %dma_wait3A_119 = tpu.memref_slice %arg6[%add3A_106, %dma_wait3A_114, %dma_wait3A_118] : memref<56x2x128xi32, #tpu.memory_space<vmem>> -> memref<1x1x64xi32, #tpu.memory_space<vmem>>
        %dma_wait3A_120 = tpu.memref_squeeze %dma_wait3A_119 : memref<1x1x64xi32, #tpu.memory_space<vmem>> -> memref<64xi32, #tpu.memory_space<vmem>>
        %dma_wait3A_121 = arith.constant 0 : i32
        %dma_wait3A_122 = arith.constant 0 : i32
        %dma_wait3A_123 = tpu.memref_slice %arg2[%dma_wait3A_121, %dma_wait3A_122] : memref<10112x128xf32, #tpu.memory_space<hbm>> -> memref<10112x128xf32, #tpu.memory_space<hbm>>
        tpu.wait_indirect_dma semaphore(%arg11 : memref<!tpu.dma_semaphore, #tpu.memory_space<semaphore_mem>>) src(%dma_wait3A_123 : memref<10112x128xf32, #tpu.memory_space<hbm>>) dst(%dma_wait3A_117 : memref<64x128xf32, #tpu.memory_space<vmem>>)
        %dma_wait3A_124 = arith.constant 1 : i32
        %dma_wait3A_125 = arith.constant 192 : i32
        %dma_wait3A_126 = arith.constant 0 : i32
        %dma_wait3A_127 = tpu.memref_slice %arg7[%dma_wait3A_125, %dma_wait3A_126] : memref<256x128xf32, #tpu.memory_space<vmem>> -> memref<64x128xf32, #tpu.memory_space<vmem>>
        %dma_wait3A_128 = arith.constant 64 : i32
        %dma_wait3A_129 = tpu.memref_slice %arg6[%add3A_106, %dma_wait3A_124, %dma_wait3A_128] : memref<56x2x128xi32, #tpu.memory_space<vmem>> -> memref<1x1x64xi32, #tpu.memory_space<vmem>>
        %dma_wait3A_130 = tpu.memref_squeeze %dma_wait3A_129 : memref<1x1x64xi32, #tpu.memory_space<vmem>> -> memref<64xi32, #tpu.memory_space<vmem>>
        %dma_wait3A_131 = arith.constant 0 : i32
        %dma_wait3A_132 = arith.constant 0 : i32
        %dma_wait3A_133 = tpu.memref_slice %arg2[%dma_wait3A_131, %dma_wait3A_132] : memref<10112x128xf32, #tpu.memory_space<hbm>> -> memref<10112x128xf32, #tpu.memory_space<hbm>>
        tpu.wait_indirect_dma semaphore(%arg12 : memref<!tpu.dma_semaphore, #tpu.memory_space<semaphore_mem>>) src(%dma_wait3A_133 : memref<10112x128xf32, #tpu.memory_space<hbm>>) dst(%dma_wait3A_127 : memref<64x128xf32, #tpu.memory_space<vmem>>)
        %run_scoped3A_134 = arith.constant 0 : i32
        "tpu.region"() ({
          %run_scoped3A_135 = tpu.sem_alloc : memref<!tpu.dma_semaphore, #tpu.memory_space<semaphore_mem>>
          %dma_start3A_136 = arith.constant 128 : i32
          %dma_start3A_137 = arith.constant 0 : i32
          %dma_start3A_138 = tpu.memref_slice %arg7[%dma_start3A_136, %dma_start3A_137] : memref<256x128xf32, #tpu.memory_space<vmem>> -> memref<128x128xf32, #tpu.memory_space<vmem>>
          %dma_start3A_139 = arith.constant 0 : i32
          %dma_start3A_140 = tpu.memref_slice %arg6[%add3A_106, %run_scoped3A_134, %dma_start3A_139] : memref<56x2x128xi32, #tpu.memory_space<vmem>> -> memref<1x1x128xi32, #tpu.memory_space<vmem>>
          %dma_start3A_141 = tpu.memref_squeeze %dma_start3A_140 : memref<1x1x128xi32, #tpu.memory_space<vmem>> -> memref<128xi32, #tpu.memory_space<vmem>>
          %dma_start3A_142 = arith.constant 0 : i32
          %dma_start3A_143 = arith.constant 0 : i32
          %dma_start3A_144 = tpu.memref_slice %arg8[%dma_start3A_142, %dma_start3A_143] : memref<10112x128xf32, #tpu.memory_space<vmem_shared>> -> memref<10112x128xf32, #tpu.memory_space<vmem_shared>>
          tpu.enqueue_indirect_dma source(%dma_start3A_138 : memref<128x128xf32, #tpu.memory_space<vmem>>) target(%dma_start3A_144 : memref<10112x128xf32, #tpu.memory_space<vmem_shared>>) offsets(%dma_start3A_141 : memref<128xi32, #tpu.memory_space<vmem>>) semaphore(%run_scoped3A_135 : memref<!tpu.dma_semaphore, #tpu.memory_space<semaphore_mem>>) {add = true}
          %dma_wait3A_145 = arith.constant 128 : i32
          %dma_wait3A_146 = arith.constant 0 : i32
          %dma_wait3A_147 = tpu.memref_slice %arg7[%dma_wait3A_145, %dma_wait3A_146] : memref<256x128xf32, #tpu.memory_space<vmem>> -> memref<128x128xf32, #tpu.memory_space<vmem>>
          %dma_wait3A_148 = arith.constant 0 : i32
          %dma_wait3A_149 = tpu.memref_slice %arg6[%add3A_106, %run_scoped3A_134, %dma_wait3A_148] : memref<56x2x128xi32, #tpu.memory_space<vmem>> -> memref<1x1x128xi32, #tpu.memory_space<vmem>>
          %dma_wait3A_150 = tpu.memref_squeeze %dma_wait3A_149 : memref<1x1x128xi32, #tpu.memory_space<vmem>> -> memref<128xi32, #tpu.memory_space<vmem>>
          %dma_wait3A_151 = arith.constant 0 : i32
          %dma_wait3A_152 = arith.constant 0 : i32
          %dma_wait3A_153 = tpu.memref_slice %arg8[%dma_wait3A_151, %dma_wait3A_152] : memref<10112x128xf32, #tpu.memory_space<vmem_shared>> -> memref<10112x128xf32, #tpu.memory_space<vmem_shared>>
          tpu.wait_indirect_dma semaphore(%run_scoped3A_135 : memref<!tpu.dma_semaphore, #tpu.memory_space<semaphore_mem>>) src(%dma_wait3A_147 : memref<128x128xf32, #tpu.memory_space<vmem>>) dst(%dma_wait3A_153 : memref<10112x128xf32, #tpu.memory_space<vmem_shared>>)
          tpu.yield
        }) : () -> ()
      }
      %scan3A_71 = arith.constant 28 : i32
    } else {
    }
    %ne3A = arith.constant 0 : i32
    %ne3A_4 = arith.cmpi ne, %arg0, %ne3A : i32
    %convert_element_type3A_5 = arith.extui %ne3A_4 : i1 to i32
    %cond3A_6 = arith.constant 0 : i32
    %cond3A_7 = arith.cmpi ne, %convert_element_type3A_5, %cond3A_6 : i32
    scf.if %cond3A_7 {
      %mul3A_12 = arith.constant 48 : i32
      %mul3A_13 = arith.muli %arg1, %mul3A_12 : i32
      %add3A = arith.constant 1792 : i32
      %add3A_14 = arith.addi %add3A, %mul3A_13 : i32
      %add3A_15 = arith.constant 0 : i32
      %add3A_16 = arith.addi %add3A_14, %add3A_15 : i32
      "tpu.region"() ({
        %run_scoped3A = tpu.sem_alloc : memref<!tpu.dma_semaphore, #tpu.memory_space<semaphore_mem>>
        %dma_start3A_74 = arith.constant 0 : i32
        %dma_start3A_75 = arith.constant 0 : i32
        %dma_start3A_76 = arith.constant 0 : i32
        %dma_start3A_77 = tpu.memref_slice %arg6[%dma_start3A_74, %dma_start3A_75, %dma_start3A_76] : memref<56x2x128xi32, #tpu.memory_space<vmem>> -> memref<24x2x128xi32, #tpu.memory_space<vmem>>
        %dma_start3A_78 = arith.constant 0 : i32
        %dma_start3A_79 = arith.constant 0 : i32
        %dma_start3A_80 = tpu.memref_slice %arg3[%add3A_16, %dma_start3A_78, %dma_start3A_79] : memref<2560x2x128xi32, #tpu.memory_space<hbm>> -> memref<24x2x128xi32, #tpu.memory_space<hbm>>
        %dma_start3A_81 = arith.constant 0 : i32
        %dma_start3A_82 = arith.constant 0 : i32
        %dma_start3A_83 = arith.constant 0 : i32
        %dma_start3A_84 = tpu.memref_slice %arg6[%dma_start3A_81, %dma_start3A_82, %dma_start3A_83] : memref<56x2x128xi32, #tpu.memory_space<vmem>> -> memref<24x2x128xi32, #tpu.memory_space<vmem>>
        %dma_start3A_85 = arith.constant 0 : i32
        %dma_start3A_86 = arith.constant 0 : i32
        %dma_start3A_87 = tpu.memref_slice %arg3[%add3A_16, %dma_start3A_85, %dma_start3A_86] : memref<2560x2x128xi32, #tpu.memory_space<hbm>> -> memref<24x2x128xi32, #tpu.memory_space<hbm>>
        tpu.enqueue_dma source(%dma_start3A_87 : memref<24x2x128xi32, #tpu.memory_space<hbm>>) target(%dma_start3A_84 : memref<24x2x128xi32, #tpu.memory_space<vmem>>) target_semaphore(%run_scoped3A : memref<!tpu.dma_semaphore, #tpu.memory_space<semaphore_mem>>)
        %dma_wait3A_88 = arith.constant 0 : i32
        %dma_wait3A_89 = arith.constant 0 : i32
        %dma_wait3A_90 = arith.constant 0 : i32
        %dma_wait3A_91 = tpu.memref_slice %arg6[%dma_wait3A_88, %dma_wait3A_89, %dma_wait3A_90] : memref<56x2x128xi32, #tpu.memory_space<vmem>> -> memref<24x2x128xi32, #tpu.memory_space<vmem>>
        %dma_wait3A_92 = arith.constant 0 : i32
        %dma_wait3A_93 = arith.constant 0 : i32
        %dma_wait3A_94 = tpu.memref_slice %arg3[%add3A_16, %dma_wait3A_92, %dma_wait3A_93] : memref<2560x2x128xi32, #tpu.memory_space<hbm>> -> memref<24x2x128xi32, #tpu.memory_space<hbm>>
        %dma_wait3A_95 = arith.constant 0 : i32
        %dma_wait3A_96 = arith.constant 0 : i32
        %dma_wait3A_97 = arith.constant 0 : i32
        %dma_wait3A_98 = tpu.memref_slice %arg6[%dma_wait3A_95, %dma_wait3A_96, %dma_wait3A_97] : memref<56x2x128xi32, #tpu.memory_space<vmem>> -> memref<24x2x128xi32, #tpu.memory_space<vmem>>
        %dma_wait3A_99 = arith.constant 0 : i32
        %dma_wait3A_100 = arith.constant 0 : i32
        %dma_wait3A_101 = tpu.memref_slice %arg3[%add3A_16, %dma_wait3A_99, %dma_wait3A_100] : memref<2560x2x128xi32, #tpu.memory_space<hbm>> -> memref<24x2x128xi32, #tpu.memory_space<hbm>>
        tpu.wait_dma2 semaphore(%run_scoped3A : memref<!tpu.dma_semaphore, #tpu.memory_space<semaphore_mem>>) src(%dma_wait3A_101 : memref<24x2x128xi32, #tpu.memory_space<hbm>>) dst(%dma_wait3A_98 : memref<24x2x128xi32, #tpu.memory_space<vmem>>)
        tpu.yield
      }) : () -> ()
      %dma_start3A_17 = arith.constant 0 : i32
      %dma_start3A_18 = arith.constant 1 : i32
      %dma_start3A_19 = arith.constant 0 : i32
      %dma_start3A_20 = arith.constant 0 : i32
      %dma_start3A_21 = tpu.memref_slice %arg7[%dma_start3A_19, %dma_start3A_20] : memref<256x128xf32, #tpu.memory_space<vmem>> -> memref<64x128xf32, #tpu.memory_space<vmem>>
      %dma_start3A_22 = arith.constant 0 : i32
      %dma_start3A_23 = tpu.memref_slice %arg6[%dma_start3A_17, %dma_start3A_18, %dma_start3A_22] : memref<56x2x128xi32, #tpu.memory_space<vmem>> -> memref<1x1x64xi32, #tpu.memory_space<vmem>>
      %dma_start3A_24 = tpu.memref_squeeze %dma_start3A_23 : memref<1x1x64xi32, #tpu.memory_space<vmem>> -> memref<64xi32, #tpu.memory_space<vmem>>
      %dma_start3A_25 = arith.constant 0 : i32
      %dma_start3A_26 = arith.constant 0 : i32
      %dma_start3A_27 = tpu.memref_slice %arg2[%dma_start3A_25, %dma_start3A_26] : memref<10112x128xf32, #tpu.memory_space<hbm>> -> memref<10112x128xf32, #tpu.memory_space<hbm>>
      tpu.enqueue_indirect_dma source(%dma_start3A_27 : memref<10112x128xf32, #tpu.memory_space<hbm>>) target(%dma_start3A_21 : memref<64x128xf32, #tpu.memory_space<vmem>>) offsets(%dma_start3A_24 : memref<64xi32, #tpu.memory_space<vmem>>) semaphore(%arg9 : memref<!tpu.dma_semaphore, #tpu.memory_space<semaphore_mem>>)
      %dma_start3A_28 = arith.constant 0 : i32
      %dma_start3A_29 = arith.constant 1 : i32
      %dma_start3A_30 = arith.constant 64 : i32
      %dma_start3A_31 = arith.constant 0 : i32
      %dma_start3A_32 = tpu.memref_slice %arg7[%dma_start3A_30, %dma_start3A_31] : memref<256x128xf32, #tpu.memory_space<vmem>> -> memref<64x128xf32, #tpu.memory_space<vmem>>
      %dma_start3A_33 = arith.constant 64 : i32
      %dma_start3A_34 = tpu.memref_slice %arg6[%dma_start3A_28, %dma_start3A_29, %dma_start3A_33] : memref<56x2x128xi32, #tpu.memory_space<vmem>> -> memref<1x1x64xi32, #tpu.memory_space<vmem>>
      %dma_start3A_35 = tpu.memref_squeeze %dma_start3A_34 : memref<1x1x64xi32, #tpu.memory_space<vmem>> -> memref<64xi32, #tpu.memory_space<vmem>>
      %dma_start3A_36 = arith.constant 0 : i32
      %dma_start3A_37 = arith.constant 0 : i32
      %dma_start3A_38 = tpu.memref_slice %arg2[%dma_start3A_36, %dma_start3A_37] : memref<10112x128xf32, #tpu.memory_space<hbm>> -> memref<10112x128xf32, #tpu.memory_space<hbm>>
      tpu.enqueue_indirect_dma source(%dma_start3A_38 : memref<10112x128xf32, #tpu.memory_space<hbm>>) target(%dma_start3A_32 : memref<64x128xf32, #tpu.memory_space<vmem>>) offsets(%dma_start3A_35 : memref<64xi32, #tpu.memory_space<vmem>>) semaphore(%arg10 : memref<!tpu.dma_semaphore, #tpu.memory_space<semaphore_mem>>)
      %dma_wait3A = arith.constant 0 : i32
      %dma_wait3A_39 = tpu.memref_slice %arg8[%mul3A_0, %dma_wait3A] : memref<10112x128xf32, #tpu.memory_space<vmem_shared>> -> memref<632x128xf32, #tpu.memory_space<vmem_shared>>
      tpu.wait_dma2 semaphore(%arg13 : memref<!tpu.dma_semaphore, #tpu.memory_space<semaphore_mem>>) src(%arg4 : memref<632x128xf32, #tpu.memory_space<hbm>>) dst(%dma_wait3A_39 : memref<632x128xf32, #tpu.memory_space<vmem_shared>>)
      %barrier3A_40 = arith.constant 0 : index
      tpu.barrier barrier_id(%barrier3A_40)
      %scan3A = arith.constant 0 : i32
      %scan3A_41 = arith.constant 12 : i32
      %scan3A_42 = arith.addi %scan3A, %scan3A_41 : i32
      %scan3A_43 = arith.constant 1 : i32
      scf.for %scan3A_74 = %scan3A to %scan3A_42 step %scan3A_43  : i32 {
        %mul3A_75 = arith.constant 2 : i32
        %mul3A_76 = arith.muli %scan3A_74, %mul3A_75 : i32
        %add3A_77 = arith.constant 0 : i32
        %add3A_78 = arith.addi %add3A_77, %mul3A_76 : i32
        %add3A_79 = arith.constant 0 : i32
        %add3A_80 = arith.addi %add3A_78, %add3A_79 : i32
        %add3A_81 = arith.constant 1 : i32
        %add3A_82 = arith.addi %add3A_80, %add3A_81 : i32
        %lt3A = arith.constant 24 : i32
        %lt3A_83 = arith.cmpi slt, %add3A_82, %lt3A : i32
        %convert_element_type3A_84 = arith.extui %lt3A_83 : i1 to i32
        %cond3A_85 = arith.constant 0 : i32
        %cond3A_86 = arith.cmpi ne, %convert_element_type3A_84, %cond3A_85 : i32
        scf.if %cond3A_86 {
          %add3A_137 = arith.constant 1 : i32
          %add3A_138 = arith.addi %add3A_80, %add3A_137 : i32
          %dma_start3A_139 = arith.constant 1 : i32
          %dma_start3A_140 = arith.constant 128 : i32
          %dma_start3A_141 = arith.constant 0 : i32
          %dma_start3A_142 = tpu.memref_slice %arg7[%dma_start3A_140, %dma_start3A_141] : memref<256x128xf32, #tpu.memory_space<vmem>> -> memref<64x128xf32, #tpu.memory_space<vmem>>
          %dma_start3A_143 = arith.constant 0 : i32
          %dma_start3A_144 = tpu.memref_slice %arg6[%add3A_138, %dma_start3A_139, %dma_start3A_143] : memref<56x2x128xi32, #tpu.memory_space<vmem>> -> memref<1x1x64xi32, #tpu.memory_space<vmem>>
          %dma_start3A_145 = tpu.memref_squeeze %dma_start3A_144 : memref<1x1x64xi32, #tpu.memory_space<vmem>> -> memref<64xi32, #tpu.memory_space<vmem>>
          %dma_start3A_146 = arith.constant 0 : i32
          %dma_start3A_147 = arith.constant 0 : i32
          %dma_start3A_148 = tpu.memref_slice %arg2[%dma_start3A_146, %dma_start3A_147] : memref<10112x128xf32, #tpu.memory_space<hbm>> -> memref<10112x128xf32, #tpu.memory_space<hbm>>
          tpu.enqueue_indirect_dma source(%dma_start3A_148 : memref<10112x128xf32, #tpu.memory_space<hbm>>) target(%dma_start3A_142 : memref<64x128xf32, #tpu.memory_space<vmem>>) offsets(%dma_start3A_145 : memref<64xi32, #tpu.memory_space<vmem>>) semaphore(%arg11 : memref<!tpu.dma_semaphore, #tpu.memory_space<semaphore_mem>>)
          %add3A_149 = arith.constant 1 : i32
          %add3A_150 = arith.addi %add3A_80, %add3A_149 : i32
          %dma_start3A_151 = arith.constant 1 : i32
          %dma_start3A_152 = arith.constant 192 : i32
          %dma_start3A_153 = arith.constant 0 : i32
          %dma_start3A_154 = tpu.memref_slice %arg7[%dma_start3A_152, %dma_start3A_153] : memref<256x128xf32, #tpu.memory_space<vmem>> -> memref<64x128xf32, #tpu.memory_space<vmem>>
          %dma_start3A_155 = arith.constant 64 : i32
          %dma_start3A_156 = tpu.memref_slice %arg6[%add3A_150, %dma_start3A_151, %dma_start3A_155] : memref<56x2x128xi32, #tpu.memory_space<vmem>> -> memref<1x1x64xi32, #tpu.memory_space<vmem>>
          %dma_start3A_157 = tpu.memref_squeeze %dma_start3A_156 : memref<1x1x64xi32, #tpu.memory_space<vmem>> -> memref<64xi32, #tpu.memory_space<vmem>>
          %dma_start3A_158 = arith.constant 0 : i32
          %dma_start3A_159 = arith.constant 0 : i32
          %dma_start3A_160 = tpu.memref_slice %arg2[%dma_start3A_158, %dma_start3A_159] : memref<10112x128xf32, #tpu.memory_space<hbm>> -> memref<10112x128xf32, #tpu.memory_space<hbm>>
          tpu.enqueue_indirect_dma source(%dma_start3A_160 : memref<10112x128xf32, #tpu.memory_space<hbm>>) target(%dma_start3A_154 : memref<64x128xf32, #tpu.memory_space<vmem>>) offsets(%dma_start3A_157 : memref<64xi32, #tpu.memory_space<vmem>>) semaphore(%arg12 : memref<!tpu.dma_semaphore, #tpu.memory_space<semaphore_mem>>)
        } else {
        }
        %dma_wait3A_87 = arith.constant 1 : i32
        %dma_wait3A_88 = arith.constant 0 : i32
        %dma_wait3A_89 = arith.constant 0 : i32
        %dma_wait3A_90 = tpu.memref_slice %arg7[%dma_wait3A_88, %dma_wait3A_89] : memref<256x128xf32, #tpu.memory_space<vmem>> -> memref<64x128xf32, #tpu.memory_space<vmem>>
        %dma_wait3A_91 = arith.constant 0 : i32
        %dma_wait3A_92 = tpu.memref_slice %arg6[%add3A_80, %dma_wait3A_87, %dma_wait3A_91] : memref<56x2x128xi32, #tpu.memory_space<vmem>> -> memref<1x1x64xi32, #tpu.memory_space<vmem>>
        %dma_wait3A_93 = tpu.memref_squeeze %dma_wait3A_92 : memref<1x1x64xi32, #tpu.memory_space<vmem>> -> memref<64xi32, #tpu.memory_space<vmem>>
        %dma_wait3A_94 = arith.constant 0 : i32
        %dma_wait3A_95 = arith.constant 0 : i32
        %dma_wait3A_96 = tpu.memref_slice %arg2[%dma_wait3A_94, %dma_wait3A_95] : memref<10112x128xf32, #tpu.memory_space<hbm>> -> memref<10112x128xf32, #tpu.memory_space<hbm>>
        tpu.wait_indirect_dma semaphore(%arg9 : memref<!tpu.dma_semaphore, #tpu.memory_space<semaphore_mem>>) src(%dma_wait3A_96 : memref<10112x128xf32, #tpu.memory_space<hbm>>) dst(%dma_wait3A_90 : memref<64x128xf32, #tpu.memory_space<vmem>>)
        %dma_wait3A_97 = arith.constant 1 : i32
        %dma_wait3A_98 = arith.constant 64 : i32
        %dma_wait3A_99 = arith.constant 0 : i32
        %dma_wait3A_100 = tpu.memref_slice %arg7[%dma_wait3A_98, %dma_wait3A_99] : memref<256x128xf32, #tpu.memory_space<vmem>> -> memref<64x128xf32, #tpu.memory_space<vmem>>
        %dma_wait3A_101 = arith.constant 64 : i32
        %dma_wait3A_102 = tpu.memref_slice %arg6[%add3A_80, %dma_wait3A_97, %dma_wait3A_101] : memref<56x2x128xi32, #tpu.memory_space<vmem>> -> memref<1x1x64xi32, #tpu.memory_space<vmem>>
        %dma_wait3A_103 = tpu.memref_squeeze %dma_wait3A_102 : memref<1x1x64xi32, #tpu.memory_space<vmem>> -> memref<64xi32, #tpu.memory_space<vmem>>
        %dma_wait3A_104 = arith.constant 0 : i32
        %dma_wait3A_105 = arith.constant 0 : i32
        %dma_wait3A_106 = tpu.memref_slice %arg2[%dma_wait3A_104, %dma_wait3A_105] : memref<10112x128xf32, #tpu.memory_space<hbm>> -> memref<10112x128xf32, #tpu.memory_space<hbm>>
        tpu.wait_indirect_dma semaphore(%arg10 : memref<!tpu.dma_semaphore, #tpu.memory_space<semaphore_mem>>) src(%dma_wait3A_106 : memref<10112x128xf32, #tpu.memory_space<hbm>>) dst(%dma_wait3A_100 : memref<64x128xf32, #tpu.memory_space<vmem>>)
        %run_scoped3A = arith.constant 0 : i32
        "tpu.region"() ({
          %run_scoped3A_137 = tpu.sem_alloc : memref<!tpu.dma_semaphore, #tpu.memory_space<semaphore_mem>>
          %dma_start3A_138 = arith.constant 0 : i32
          %dma_start3A_139 = arith.constant 0 : i32
          %dma_start3A_140 = tpu.memref_slice %arg7[%dma_start3A_138, %dma_start3A_139] : memref<256x128xf32, #tpu.memory_space<vmem>> -> memref<128x128xf32, #tpu.memory_space<vmem>>
          %dma_start3A_141 = arith.constant 0 : i32
          %dma_start3A_142 = tpu.memref_slice %arg6[%add3A_80, %run_scoped3A, %dma_start3A_141] : memref<56x2x128xi32, #tpu.memory_space<vmem>> -> memref<1x1x128xi32, #tpu.memory_space<vmem>>
          %dma_start3A_143 = tpu.memref_squeeze %dma_start3A_142 : memref<1x1x128xi32, #tpu.memory_space<vmem>> -> memref<128xi32, #tpu.memory_space<vmem>>
          %dma_start3A_144 = arith.constant 0 : i32
          %dma_start3A_145 = arith.constant 0 : i32
          %dma_start3A_146 = tpu.memref_slice %arg8[%dma_start3A_144, %dma_start3A_145] : memref<10112x128xf32, #tpu.memory_space<vmem_shared>> -> memref<10112x128xf32, #tpu.memory_space<vmem_shared>>
          tpu.enqueue_indirect_dma source(%dma_start3A_140 : memref<128x128xf32, #tpu.memory_space<vmem>>) target(%dma_start3A_146 : memref<10112x128xf32, #tpu.memory_space<vmem_shared>>) offsets(%dma_start3A_143 : memref<128xi32, #tpu.memory_space<vmem>>) semaphore(%run_scoped3A_137 : memref<!tpu.dma_semaphore, #tpu.memory_space<semaphore_mem>>) {add = true}
          %dma_wait3A_147 = arith.constant 0 : i32
          %dma_wait3A_148 = arith.constant 0 : i32
          %dma_wait3A_149 = tpu.memref_slice %arg7[%dma_wait3A_147, %dma_wait3A_148] : memref<256x128xf32, #tpu.memory_space<vmem>> -> memref<128x128xf32, #tpu.memory_space<vmem>>
          %dma_wait3A_150 = arith.constant 0 : i32
          %dma_wait3A_151 = tpu.memref_slice %arg6[%add3A_80, %run_scoped3A, %dma_wait3A_150] : memref<56x2x128xi32, #tpu.memory_space<vmem>> -> memref<1x1x128xi32, #tpu.memory_space<vmem>>
          %dma_wait3A_152 = tpu.memref_squeeze %dma_wait3A_151 : memref<1x1x128xi32, #tpu.memory_space<vmem>> -> memref<128xi32, #tpu.memory_space<vmem>>
          %dma_wait3A_153 = arith.constant 0 : i32
          %dma_wait3A_154 = arith.constant 0 : i32
          %dma_wait3A_155 = tpu.memref_slice %arg8[%dma_wait3A_153, %dma_wait3A_154] : memref<10112x128xf32, #tpu.memory_space<vmem_shared>> -> memref<10112x128xf32, #tpu.memory_space<vmem_shared>>
          tpu.wait_indirect_dma semaphore(%run_scoped3A_137 : memref<!tpu.dma_semaphore, #tpu.memory_space<semaphore_mem>>) src(%dma_wait3A_149 : memref<128x128xf32, #tpu.memory_space<vmem>>) dst(%dma_wait3A_155 : memref<10112x128xf32, #tpu.memory_space<vmem_shared>>)
          tpu.yield
        }) : () -> ()
        %add3A_107 = arith.constant 1 : i32
        %add3A_108 = arith.addi %add3A_78, %add3A_107 : i32
        %add3A_109 = arith.constant 1 : i32
        %add3A_110 = arith.addi %add3A_108, %add3A_109 : i32
        %lt3A_111 = arith.constant 24 : i32
        %lt3A_112 = arith.cmpi slt, %add3A_110, %lt3A_111 : i32
        %convert_element_type3A_113 = arith.extui %lt3A_112 : i1 to i32
        %cond3A_114 = arith.constant 0 : i32
        %cond3A_115 = arith.cmpi ne, %convert_element_type3A_113, %cond3A_114 : i32
        scf.if %cond3A_115 {
          %add3A_137 = arith.constant 1 : i32
          %add3A_138 = arith.addi %add3A_108, %add3A_137 : i32
          %dma_start3A_139 = arith.constant 1 : i32
          %dma_start3A_140 = arith.constant 0 : i32
          %dma_start3A_141 = arith.constant 0 : i32
          %dma_start3A_142 = tpu.memref_slice %arg7[%dma_start3A_140, %dma_start3A_141] : memref<256x128xf32, #tpu.memory_space<vmem>> -> memref<64x128xf32, #tpu.memory_space<vmem>>
          %dma_start3A_143 = arith.constant 0 : i32
          %dma_start3A_144 = tpu.memref_slice %arg6[%add3A_138, %dma_start3A_139, %dma_start3A_143] : memref<56x2x128xi32, #tpu.memory_space<vmem>> -> memref<1x1x64xi32, #tpu.memory_space<vmem>>
          %dma_start3A_145 = tpu.memref_squeeze %dma_start3A_144 : memref<1x1x64xi32, #tpu.memory_space<vmem>> -> memref<64xi32, #tpu.memory_space<vmem>>
          %dma_start3A_146 = arith.constant 0 : i32
          %dma_start3A_147 = arith.constant 0 : i32
          %dma_start3A_148 = tpu.memref_slice %arg2[%dma_start3A_146, %dma_start3A_147] : memref<10112x128xf32, #tpu.memory_space<hbm>> -> memref<10112x128xf32, #tpu.memory_space<hbm>>
          tpu.enqueue_indirect_dma source(%dma_start3A_148 : memref<10112x128xf32, #tpu.memory_space<hbm>>) target(%dma_start3A_142 : memref<64x128xf32, #tpu.memory_space<vmem>>) offsets(%dma_start3A_145 : memref<64xi32, #tpu.memory_space<vmem>>) semaphore(%arg9 : memref<!tpu.dma_semaphore, #tpu.memory_space<semaphore_mem>>)
          %add3A_149 = arith.constant 1 : i32
          %add3A_150 = arith.addi %add3A_108, %add3A_149 : i32
          %dma_start3A_151 = arith.constant 1 : i32
          %dma_start3A_152 = arith.constant 64 : i32
          %dma_start3A_153 = arith.constant 0 : i32
          %dma_start3A_154 = tpu.memref_slice %arg7[%dma_start3A_152, %dma_start3A_153] : memref<256x128xf32, #tpu.memory_space<vmem>> -> memref<64x128xf32, #tpu.memory_space<vmem>>
          %dma_start3A_155 = arith.constant 64 : i32
          %dma_start3A_156 = tpu.memref_slice %arg6[%add3A_150, %dma_start3A_151, %dma_start3A_155] : memref<56x2x128xi32, #tpu.memory_space<vmem>> -> memref<1x1x64xi32, #tpu.memory_space<vmem>>
          %dma_start3A_157 = tpu.memref_squeeze %dma_start3A_156 : memref<1x1x64xi32, #tpu.memory_space<vmem>> -> memref<64xi32, #tpu.memory_space<vmem>>
          %dma_start3A_158 = arith.constant 0 : i32
          %dma_start3A_159 = arith.constant 0 : i32
          %dma_start3A_160 = tpu.memref_slice %arg2[%dma_start3A_158, %dma_start3A_159] : memref<10112x128xf32, #tpu.memory_space<hbm>> -> memref<10112x128xf32, #tpu.memory_space<hbm>>
          tpu.enqueue_indirect_dma source(%dma_start3A_160 : memref<10112x128xf32, #tpu.memory_space<hbm>>) target(%dma_start3A_154 : memref<64x128xf32, #tpu.memory_space<vmem>>) offsets(%dma_start3A_157 : memref<64xi32, #tpu.memory_space<vmem>>) semaphore(%arg10 : memref<!tpu.dma_semaphore, #tpu.memory_space<semaphore_mem>>)
        } else {
        }
        %dma_wait3A_116 = arith.constant 1 : i32
        %dma_wait3A_117 = arith.constant 128 : i32
        %dma_wait3A_118 = arith.constant 0 : i32
        %dma_wait3A_119 = tpu.memref_slice %arg7[%dma_wait3A_117, %dma_wait3A_118] : memref<256x128xf32, #tpu.memory_space<vmem>> -> memref<64x128xf32, #tpu.memory_space<vmem>>
        %dma_wait3A_120 = arith.constant 0 : i32
        %dma_wait3A_121 = tpu.memref_slice %arg6[%add3A_108, %dma_wait3A_116, %dma_wait3A_120] : memref<56x2x128xi32, #tpu.memory_space<vmem>> -> memref<1x1x64xi32, #tpu.memory_space<vmem>>
        %dma_wait3A_122 = tpu.memref_squeeze %dma_wait3A_121 : memref<1x1x64xi32, #tpu.memory_space<vmem>> -> memref<64xi32, #tpu.memory_space<vmem>>
        %dma_wait3A_123 = arith.constant 0 : i32
        %dma_wait3A_124 = arith.constant 0 : i32
        %dma_wait3A_125 = tpu.memref_slice %arg2[%dma_wait3A_123, %dma_wait3A_124] : memref<10112x128xf32, #tpu.memory_space<hbm>> -> memref<10112x128xf32, #tpu.memory_space<hbm>>
        tpu.wait_indirect_dma semaphore(%arg11 : memref<!tpu.dma_semaphore, #tpu.memory_space<semaphore_mem>>) src(%dma_wait3A_125 : memref<10112x128xf32, #tpu.memory_space<hbm>>) dst(%dma_wait3A_119 : memref<64x128xf32, #tpu.memory_space<vmem>>)
        %dma_wait3A_126 = arith.constant 1 : i32
        %dma_wait3A_127 = arith.constant 192 : i32
        %dma_wait3A_128 = arith.constant 0 : i32
        %dma_wait3A_129 = tpu.memref_slice %arg7[%dma_wait3A_127, %dma_wait3A_128] : memref<256x128xf32, #tpu.memory_space<vmem>> -> memref<64x128xf32, #tpu.memory_space<vmem>>
        %dma_wait3A_130 = arith.constant 64 : i32
        %dma_wait3A_131 = tpu.memref_slice %arg6[%add3A_108, %dma_wait3A_126, %dma_wait3A_130] : memref<56x2x128xi32, #tpu.memory_space<vmem>> -> memref<1x1x64xi32, #tpu.memory_space<vmem>>
        %dma_wait3A_132 = tpu.memref_squeeze %dma_wait3A_131 : memref<1x1x64xi32, #tpu.memory_space<vmem>> -> memref<64xi32, #tpu.memory_space<vmem>>
        %dma_wait3A_133 = arith.constant 0 : i32
        %dma_wait3A_134 = arith.constant 0 : i32
        %dma_wait3A_135 = tpu.memref_slice %arg2[%dma_wait3A_133, %dma_wait3A_134] : memref<10112x128xf32, #tpu.memory_space<hbm>> -> memref<10112x128xf32, #tpu.memory_space<hbm>>
        tpu.wait_indirect_dma semaphore(%arg12 : memref<!tpu.dma_semaphore, #tpu.memory_space<semaphore_mem>>) src(%dma_wait3A_135 : memref<10112x128xf32, #tpu.memory_space<hbm>>) dst(%dma_wait3A_129 : memref<64x128xf32, #tpu.memory_space<vmem>>)
        %run_scoped3A_136 = arith.constant 0 : i32
        "tpu.region"() ({
          %run_scoped3A_137 = tpu.sem_alloc : memref<!tpu.dma_semaphore, #tpu.memory_space<semaphore_mem>>
          %dma_start3A_138 = arith.constant 128 : i32
          %dma_start3A_139 = arith.constant 0 : i32
          %dma_start3A_140 = tpu.memref_slice %arg7[%dma_start3A_138, %dma_start3A_139] : memref<256x128xf32, #tpu.memory_space<vmem>> -> memref<128x128xf32, #tpu.memory_space<vmem>>
          %dma_start3A_141 = arith.constant 0 : i32
          %dma_start3A_142 = tpu.memref_slice %arg6[%add3A_108, %run_scoped3A_136, %dma_start3A_141] : memref<56x2x128xi32, #tpu.memory_space<vmem>> -> memref<1x1x128xi32, #tpu.memory_space<vmem>>
          %dma_start3A_143 = tpu.memref_squeeze %dma_start3A_142 : memref<1x1x128xi32, #tpu.memory_space<vmem>> -> memref<128xi32, #tpu.memory_space<vmem>>
          %dma_start3A_144 = arith.constant 0 : i32
          %dma_start3A_145 = arith.constant 0 : i32
          %dma_start3A_146 = tpu.memref_slice %arg8[%dma_start3A_144, %dma_start3A_145] : memref<10112x128xf32, #tpu.memory_space<vmem_shared>> -> memref<10112x128xf32, #tpu.memory_space<vmem_shared>>
          tpu.enqueue_indirect_dma source(%dma_start3A_140 : memref<128x128xf32, #tpu.memory_space<vmem>>) target(%dma_start3A_146 : memref<10112x128xf32, #tpu.memory_space<vmem_shared>>) offsets(%dma_start3A_143 : memref<128xi32, #tpu.memory_space<vmem>>) semaphore(%run_scoped3A_137 : memref<!tpu.dma_semaphore, #tpu.memory_space<semaphore_mem>>) {add = true}
          %dma_wait3A_147 = arith.constant 128 : i32
          %dma_wait3A_148 = arith.constant 0 : i32
          %dma_wait3A_149 = tpu.memref_slice %arg7[%dma_wait3A_147, %dma_wait3A_148] : memref<256x128xf32, #tpu.memory_space<vmem>> -> memref<128x128xf32, #tpu.memory_space<vmem>>
          %dma_wait3A_150 = arith.constant 0 : i32
          %dma_wait3A_151 = tpu.memref_slice %arg6[%add3A_108, %run_scoped3A_136, %dma_wait3A_150] : memref<56x2x128xi32, #tpu.memory_space<vmem>> -> memref<1x1x128xi32, #tpu.memory_space<vmem>>
          %dma_wait3A_152 = tpu.memref_squeeze %dma_wait3A_151 : memref<1x1x128xi32, #tpu.memory_space<vmem>> -> memref<128xi32, #tpu.memory_space<vmem>>
          %dma_wait3A_153 = arith.constant 0 : i32
          %dma_wait3A_154 = arith.constant 0 : i32
          %dma_wait3A_155 = tpu.memref_slice %arg8[%dma_wait3A_153, %dma_wait3A_154] : memref<10112x128xf32, #tpu.memory_space<vmem_shared>> -> memref<10112x128xf32, #tpu.memory_space<vmem_shared>>
          tpu.wait_indirect_dma semaphore(%run_scoped3A_137 : memref<!tpu.dma_semaphore, #tpu.memory_space<semaphore_mem>>) src(%dma_wait3A_149 : memref<128x128xf32, #tpu.memory_space<vmem>>) dst(%dma_wait3A_155 : memref<10112x128xf32, #tpu.memory_space<vmem_shared>>)
          tpu.yield
        }) : () -> ()
      }
      %scan3A_44 = arith.constant 12 : i32
      %add3A_45 = arith.constant 24 : i32
      %add3A_46 = arith.addi %add3A_14, %add3A_45 : i32
      "tpu.region"() ({
        %run_scoped3A = tpu.sem_alloc : memref<!tpu.dma_semaphore, #tpu.memory_space<semaphore_mem>>
        %dma_start3A_74 = arith.constant 0 : i32
        %dma_start3A_75 = arith.constant 0 : i32
        %dma_start3A_76 = arith.constant 0 : i32
        %dma_start3A_77 = tpu.memref_slice %arg6[%dma_start3A_74, %dma_start3A_75, %dma_start3A_76] : memref<56x2x128xi32, #tpu.memory_space<vmem>> -> memref<24x2x128xi32, #tpu.memory_space<vmem>>
        %dma_start3A_78 = arith.constant 0 : i32
        %dma_start3A_79 = arith.constant 0 : i32
        %dma_start3A_80 = tpu.memref_slice %arg3[%add3A_46, %dma_start3A_78, %dma_start3A_79] : memref<2560x2x128xi32, #tpu.memory_space<hbm>> -> memref<24x2x128xi32, #tpu.memory_space<hbm>>
        %dma_start3A_81 = arith.constant 0 : i32
        %dma_start3A_82 = arith.constant 0 : i32
        %dma_start3A_83 = arith.constant 0 : i32
        %dma_start3A_84 = tpu.memref_slice %arg6[%dma_start3A_81, %dma_start3A_82, %dma_start3A_83] : memref<56x2x128xi32, #tpu.memory_space<vmem>> -> memref<24x2x128xi32, #tpu.memory_space<vmem>>
        %dma_start3A_85 = arith.constant 0 : i32
        %dma_start3A_86 = arith.constant 0 : i32
        %dma_start3A_87 = tpu.memref_slice %arg3[%add3A_46, %dma_start3A_85, %dma_start3A_86] : memref<2560x2x128xi32, #tpu.memory_space<hbm>> -> memref<24x2x128xi32, #tpu.memory_space<hbm>>
        tpu.enqueue_dma source(%dma_start3A_87 : memref<24x2x128xi32, #tpu.memory_space<hbm>>) target(%dma_start3A_84 : memref<24x2x128xi32, #tpu.memory_space<vmem>>) target_semaphore(%run_scoped3A : memref<!tpu.dma_semaphore, #tpu.memory_space<semaphore_mem>>)
        %dma_wait3A_88 = arith.constant 0 : i32
        %dma_wait3A_89 = arith.constant 0 : i32
        %dma_wait3A_90 = arith.constant 0 : i32
        %dma_wait3A_91 = tpu.memref_slice %arg6[%dma_wait3A_88, %dma_wait3A_89, %dma_wait3A_90] : memref<56x2x128xi32, #tpu.memory_space<vmem>> -> memref<24x2x128xi32, #tpu.memory_space<vmem>>
        %dma_wait3A_92 = arith.constant 0 : i32
        %dma_wait3A_93 = arith.constant 0 : i32
        %dma_wait3A_94 = tpu.memref_slice %arg3[%add3A_46, %dma_wait3A_92, %dma_wait3A_93] : memref<2560x2x128xi32, #tpu.memory_space<hbm>> -> memref<24x2x128xi32, #tpu.memory_space<hbm>>
        %dma_wait3A_95 = arith.constant 0 : i32
        %dma_wait3A_96 = arith.constant 0 : i32
        %dma_wait3A_97 = arith.constant 0 : i32
        %dma_wait3A_98 = tpu.memref_slice %arg6[%dma_wait3A_95, %dma_wait3A_96, %dma_wait3A_97] : memref<56x2x128xi32, #tpu.memory_space<vmem>> -> memref<24x2x128xi32, #tpu.memory_space<vmem>>
        %dma_wait3A_99 = arith.constant 0 : i32
        %dma_wait3A_100 = arith.constant 0 : i32
        %dma_wait3A_101 = tpu.memref_slice %arg3[%add3A_46, %dma_wait3A_99, %dma_wait3A_100] : memref<2560x2x128xi32, #tpu.memory_space<hbm>> -> memref<24x2x128xi32, #tpu.memory_space<hbm>>
        tpu.wait_dma2 semaphore(%run_scoped3A : memref<!tpu.dma_semaphore, #tpu.memory_space<semaphore_mem>>) src(%dma_wait3A_101 : memref<24x2x128xi32, #tpu.memory_space<hbm>>) dst(%dma_wait3A_98 : memref<24x2x128xi32, #tpu.memory_space<vmem>>)
        tpu.yield
      }) : () -> ()
      %dma_start3A_47 = arith.constant 0 : i32
      %dma_start3A_48 = arith.constant 1 : i32
      %dma_start3A_49 = arith.constant 0 : i32
      %dma_start3A_50 = arith.constant 0 : i32
      %dma_start3A_51 = tpu.memref_slice %arg7[%dma_start3A_49, %dma_start3A_50] : memref<256x128xf32, #tpu.memory_space<vmem>> -> memref<64x128xf32, #tpu.memory_space<vmem>>
      %dma_start3A_52 = arith.constant 0 : i32
      %dma_start3A_53 = tpu.memref_slice %arg6[%dma_start3A_47, %dma_start3A_48, %dma_start3A_52] : memref<56x2x128xi32, #tpu.memory_space<vmem>> -> memref<1x1x64xi32, #tpu.memory_space<vmem>>
      %dma_start3A_54 = tpu.memref_squeeze %dma_start3A_53 : memref<1x1x64xi32, #tpu.memory_space<vmem>> -> memref<64xi32, #tpu.memory_space<vmem>>
      %dma_start3A_55 = arith.constant 0 : i32
      %dma_start3A_56 = arith.constant 0 : i32
      %dma_start3A_57 = tpu.memref_slice %arg2[%dma_start3A_55, %dma_start3A_56] : memref<10112x128xf32, #tpu.memory_space<hbm>> -> memref<10112x128xf32, #tpu.memory_space<hbm>>
      tpu.enqueue_indirect_dma source(%dma_start3A_57 : memref<10112x128xf32, #tpu.memory_space<hbm>>) target(%dma_start3A_51 : memref<64x128xf32, #tpu.memory_space<vmem>>) offsets(%dma_start3A_54 : memref<64xi32, #tpu.memory_space<vmem>>) semaphore(%arg9 : memref<!tpu.dma_semaphore, #tpu.memory_space<semaphore_mem>>)
      %dma_start3A_58 = arith.constant 0 : i32
      %dma_start3A_59 = arith.constant 1 : i32
      %dma_start3A_60 = arith.constant 64 : i32
      %dma_start3A_61 = arith.constant 0 : i32
      %dma_start3A_62 = tpu.memref_slice %arg7[%dma_start3A_60, %dma_start3A_61] : memref<256x128xf32, #tpu.memory_space<vmem>> -> memref<64x128xf32, #tpu.memory_space<vmem>>
      %dma_start3A_63 = arith.constant 64 : i32
      %dma_start3A_64 = tpu.memref_slice %arg6[%dma_start3A_58, %dma_start3A_59, %dma_start3A_63] : memref<56x2x128xi32, #tpu.memory_space<vmem>> -> memref<1x1x64xi32, #tpu.memory_space<vmem>>
      %dma_start3A_65 = tpu.memref_squeeze %dma_start3A_64 : memref<1x1x64xi32, #tpu.memory_space<vmem>> -> memref<64xi32, #tpu.memory_space<vmem>>
      %dma_start3A_66 = arith.constant 0 : i32
      %dma_start3A_67 = arith.constant 0 : i32
      %dma_start3A_68 = tpu.memref_slice %arg2[%dma_start3A_66, %dma_start3A_67] : memref<10112x128xf32, #tpu.memory_space<hbm>> -> memref<10112x128xf32, #tpu.memory_space<hbm>>
      tpu.enqueue_indirect_dma source(%dma_start3A_68 : memref<10112x128xf32, #tpu.memory_space<hbm>>) target(%dma_start3A_62 : memref<64x128xf32, #tpu.memory_space<vmem>>) offsets(%dma_start3A_65 : memref<64xi32, #tpu.memory_space<vmem>>) semaphore(%arg10 : memref<!tpu.dma_semaphore, #tpu.memory_space<semaphore_mem>>)
      %scan3A_69 = arith.constant 0 : i32
      %scan3A_70 = arith.constant 12 : i32
      %scan3A_71 = arith.addi %scan3A_69, %scan3A_70 : i32
      %scan3A_72 = arith.constant 1 : i32
      scf.for %scan3A_74 = %scan3A_69 to %scan3A_71 step %scan3A_72  : i32 {
        %mul3A_75 = arith.constant 2 : i32
        %mul3A_76 = arith.muli %scan3A_74, %mul3A_75 : i32
        %add3A_77 = arith.constant 0 : i32
        %add3A_78 = arith.addi %add3A_77, %mul3A_76 : i32
        %add3A_79 = arith.constant 0 : i32
        %add3A_80 = arith.addi %add3A_78, %add3A_79 : i32
        %add3A_81 = arith.constant 1 : i32
        %add3A_82 = arith.addi %add3A_80, %add3A_81 : i32
        %lt3A = arith.constant 24 : i32
        %lt3A_83 = arith.cmpi slt, %add3A_82, %lt3A : i32
        %convert_element_type3A_84 = arith.extui %lt3A_83 : i1 to i32
        %cond3A_85 = arith.constant 0 : i32
        %cond3A_86 = arith.cmpi ne, %convert_element_type3A_84, %cond3A_85 : i32
        scf.if %cond3A_86 {
          %add3A_137 = arith.constant 1 : i32
          %add3A_138 = arith.addi %add3A_80, %add3A_137 : i32
          %dma_start3A_139 = arith.constant 1 : i32
          %dma_start3A_140 = arith.constant 128 : i32
          %dma_start3A_141 = arith.constant 0 : i32
          %dma_start3A_142 = tpu.memref_slice %arg7[%dma_start3A_140, %dma_start3A_141] : memref<256x128xf32, #tpu.memory_space<vmem>> -> memref<64x128xf32, #tpu.memory_space<vmem>>
          %dma_start3A_143 = arith.constant 0 : i32
          %dma_start3A_144 = tpu.memref_slice %arg6[%add3A_138, %dma_start3A_139, %dma_start3A_143] : memref<56x2x128xi32, #tpu.memory_space<vmem>> -> memref<1x1x64xi32, #tpu.memory_space<vmem>>
          %dma_start3A_145 = tpu.memref_squeeze %dma_start3A_144 : memref<1x1x64xi32, #tpu.memory_space<vmem>> -> memref<64xi32, #tpu.memory_space<vmem>>
          %dma_start3A_146 = arith.constant 0 : i32
          %dma_start3A_147 = arith.constant 0 : i32
          %dma_start3A_148 = tpu.memref_slice %arg2[%dma_start3A_146, %dma_start3A_147] : memref<10112x128xf32, #tpu.memory_space<hbm>> -> memref<10112x128xf32, #tpu.memory_space<hbm>>
          tpu.enqueue_indirect_dma source(%dma_start3A_148 : memref<10112x128xf32, #tpu.memory_space<hbm>>) target(%dma_start3A_142 : memref<64x128xf32, #tpu.memory_space<vmem>>) offsets(%dma_start3A_145 : memref<64xi32, #tpu.memory_space<vmem>>) semaphore(%arg11 : memref<!tpu.dma_semaphore, #tpu.memory_space<semaphore_mem>>)
          %add3A_149 = arith.constant 1 : i32
          %add3A_150 = arith.addi %add3A_80, %add3A_149 : i32
          %dma_start3A_151 = arith.constant 1 : i32
          %dma_start3A_152 = arith.constant 192 : i32
          %dma_start3A_153 = arith.constant 0 : i32
          %dma_start3A_154 = tpu.memref_slice %arg7[%dma_start3A_152, %dma_start3A_153] : memref<256x128xf32, #tpu.memory_space<vmem>> -> memref<64x128xf32, #tpu.memory_space<vmem>>
          %dma_start3A_155 = arith.constant 64 : i32
          %dma_start3A_156 = tpu.memref_slice %arg6[%add3A_150, %dma_start3A_151, %dma_start3A_155] : memref<56x2x128xi32, #tpu.memory_space<vmem>> -> memref<1x1x64xi32, #tpu.memory_space<vmem>>
          %dma_start3A_157 = tpu.memref_squeeze %dma_start3A_156 : memref<1x1x64xi32, #tpu.memory_space<vmem>> -> memref<64xi32, #tpu.memory_space<vmem>>
          %dma_start3A_158 = arith.constant 0 : i32
          %dma_start3A_159 = arith.constant 0 : i32
          %dma_start3A_160 = tpu.memref_slice %arg2[%dma_start3A_158, %dma_start3A_159] : memref<10112x128xf32, #tpu.memory_space<hbm>> -> memref<10112x128xf32, #tpu.memory_space<hbm>>
          tpu.enqueue_indirect_dma source(%dma_start3A_160 : memref<10112x128xf32, #tpu.memory_space<hbm>>) target(%dma_start3A_154 : memref<64x128xf32, #tpu.memory_space<vmem>>) offsets(%dma_start3A_157 : memref<64xi32, #tpu.memory_space<vmem>>) semaphore(%arg12 : memref<!tpu.dma_semaphore, #tpu.memory_space<semaphore_mem>>)
        } else {
        }
        %dma_wait3A_87 = arith.constant 1 : i32
        %dma_wait3A_88 = arith.constant 0 : i32
        %dma_wait3A_89 = arith.constant 0 : i32
        %dma_wait3A_90 = tpu.memref_slice %arg7[%dma_wait3A_88, %dma_wait3A_89] : memref<256x128xf32, #tpu.memory_space<vmem>> -> memref<64x128xf32, #tpu.memory_space<vmem>>
        %dma_wait3A_91 = arith.constant 0 : i32
        %dma_wait3A_92 = tpu.memref_slice %arg6[%add3A_80, %dma_wait3A_87, %dma_wait3A_91] : memref<56x2x128xi32, #tpu.memory_space<vmem>> -> memref<1x1x64xi32, #tpu.memory_space<vmem>>
        %dma_wait3A_93 = tpu.memref_squeeze %dma_wait3A_92 : memref<1x1x64xi32, #tpu.memory_space<vmem>> -> memref<64xi32, #tpu.memory_space<vmem>>
        %dma_wait3A_94 = arith.constant 0 : i32
        %dma_wait3A_95 = arith.constant 0 : i32
        %dma_wait3A_96 = tpu.memref_slice %arg2[%dma_wait3A_94, %dma_wait3A_95] : memref<10112x128xf32, #tpu.memory_space<hbm>> -> memref<10112x128xf32, #tpu.memory_space<hbm>>
        tpu.wait_indirect_dma semaphore(%arg9 : memref<!tpu.dma_semaphore, #tpu.memory_space<semaphore_mem>>) src(%dma_wait3A_96 : memref<10112x128xf32, #tpu.memory_space<hbm>>) dst(%dma_wait3A_90 : memref<64x128xf32, #tpu.memory_space<vmem>>)
        %dma_wait3A_97 = arith.constant 1 : i32
        %dma_wait3A_98 = arith.constant 64 : i32
        %dma_wait3A_99 = arith.constant 0 : i32
        %dma_wait3A_100 = tpu.memref_slice %arg7[%dma_wait3A_98, %dma_wait3A_99] : memref<256x128xf32, #tpu.memory_space<vmem>> -> memref<64x128xf32, #tpu.memory_space<vmem>>
        %dma_wait3A_101 = arith.constant 64 : i32
        %dma_wait3A_102 = tpu.memref_slice %arg6[%add3A_80, %dma_wait3A_97, %dma_wait3A_101] : memref<56x2x128xi32, #tpu.memory_space<vmem>> -> memref<1x1x64xi32, #tpu.memory_space<vmem>>
        %dma_wait3A_103 = tpu.memref_squeeze %dma_wait3A_102 : memref<1x1x64xi32, #tpu.memory_space<vmem>> -> memref<64xi32, #tpu.memory_space<vmem>>
        %dma_wait3A_104 = arith.constant 0 : i32
        %dma_wait3A_105 = arith.constant 0 : i32
        %dma_wait3A_106 = tpu.memref_slice %arg2[%dma_wait3A_104, %dma_wait3A_105] : memref<10112x128xf32, #tpu.memory_space<hbm>> -> memref<10112x128xf32, #tpu.memory_space<hbm>>
        tpu.wait_indirect_dma semaphore(%arg10 : memref<!tpu.dma_semaphore, #tpu.memory_space<semaphore_mem>>) src(%dma_wait3A_106 : memref<10112x128xf32, #tpu.memory_space<hbm>>) dst(%dma_wait3A_100 : memref<64x128xf32, #tpu.memory_space<vmem>>)
        %run_scoped3A = arith.constant 0 : i32
        "tpu.region"() ({
          %run_scoped3A_137 = tpu.sem_alloc : memref<!tpu.dma_semaphore, #tpu.memory_space<semaphore_mem>>
          %dma_start3A_138 = arith.constant 0 : i32
          %dma_start3A_139 = arith.constant 0 : i32
          %dma_start3A_140 = tpu.memref_slice %arg7[%dma_start3A_138, %dma_start3A_139] : memref<256x128xf32, #tpu.memory_space<vmem>> -> memref<128x128xf32, #tpu.memory_space<vmem>>
          %dma_start3A_141 = arith.constant 0 : i32
          %dma_start3A_142 = tpu.memref_slice %arg6[%add3A_80, %run_scoped3A, %dma_start3A_141] : memref<56x2x128xi32, #tpu.memory_space<vmem>> -> memref<1x1x128xi32, #tpu.memory_space<vmem>>
          %dma_start3A_143 = tpu.memref_squeeze %dma_start3A_142 : memref<1x1x128xi32, #tpu.memory_space<vmem>> -> memref<128xi32, #tpu.memory_space<vmem>>
          %dma_start3A_144 = arith.constant 0 : i32
          %dma_start3A_145 = arith.constant 0 : i32
          %dma_start3A_146 = tpu.memref_slice %arg8[%dma_start3A_144, %dma_start3A_145] : memref<10112x128xf32, #tpu.memory_space<vmem_shared>> -> memref<10112x128xf32, #tpu.memory_space<vmem_shared>>
          tpu.enqueue_indirect_dma source(%dma_start3A_140 : memref<128x128xf32, #tpu.memory_space<vmem>>) target(%dma_start3A_146 : memref<10112x128xf32, #tpu.memory_space<vmem_shared>>) offsets(%dma_start3A_143 : memref<128xi32, #tpu.memory_space<vmem>>) semaphore(%run_scoped3A_137 : memref<!tpu.dma_semaphore, #tpu.memory_space<semaphore_mem>>) {add = true}
          %dma_wait3A_147 = arith.constant 0 : i32
          %dma_wait3A_148 = arith.constant 0 : i32
          %dma_wait3A_149 = tpu.memref_slice %arg7[%dma_wait3A_147, %dma_wait3A_148] : memref<256x128xf32, #tpu.memory_space<vmem>> -> memref<128x128xf32, #tpu.memory_space<vmem>>
          %dma_wait3A_150 = arith.constant 0 : i32
          %dma_wait3A_151 = tpu.memref_slice %arg6[%add3A_80, %run_scoped3A, %dma_wait3A_150] : memref<56x2x128xi32, #tpu.memory_space<vmem>> -> memref<1x1x128xi32, #tpu.memory_space<vmem>>
          %dma_wait3A_152 = tpu.memref_squeeze %dma_wait3A_151 : memref<1x1x128xi32, #tpu.memory_space<vmem>> -> memref<128xi32, #tpu.memory_space<vmem>>
          %dma_wait3A_153 = arith.constant 0 : i32
          %dma_wait3A_154 = arith.constant 0 : i32
          %dma_wait3A_155 = tpu.memref_slice %arg8[%dma_wait3A_153, %dma_wait3A_154] : memref<10112x128xf32, #tpu.memory_space<vmem_shared>> -> memref<10112x128xf32, #tpu.memory_space<vmem_shared>>
          tpu.wait_indirect_dma semaphore(%run_scoped3A_137 : memref<!tpu.dma_semaphore, #tpu.memory_space<semaphore_mem>>) src(%dma_wait3A_149 : memref<128x128xf32, #tpu.memory_space<vmem>>) dst(%dma_wait3A_155 : memref<10112x128xf32, #tpu.memory_space<vmem_shared>>)
          tpu.yield
        }) : () -> ()
        %add3A_107 = arith.constant 1 : i32
        %add3A_108 = arith.addi %add3A_78, %add3A_107 : i32
        %add3A_109 = arith.constant 1 : i32
        %add3A_110 = arith.addi %add3A_108, %add3A_109 : i32
        %lt3A_111 = arith.constant 24 : i32
        %lt3A_112 = arith.cmpi slt, %add3A_110, %lt3A_111 : i32
        %convert_element_type3A_113 = arith.extui %lt3A_112 : i1 to i32
        %cond3A_114 = arith.constant 0 : i32
        %cond3A_115 = arith.cmpi ne, %convert_element_type3A_113, %cond3A_114 : i32
        scf.if %cond3A_115 {
          %add3A_137 = arith.constant 1 : i32
          %add3A_138 = arith.addi %add3A_108, %add3A_137 : i32
          %dma_start3A_139 = arith.constant 1 : i32
          %dma_start3A_140 = arith.constant 0 : i32
          %dma_start3A_141 = arith.constant 0 : i32
          %dma_start3A_142 = tpu.memref_slice %arg7[%dma_start3A_140, %dma_start3A_141] : memref<256x128xf32, #tpu.memory_space<vmem>> -> memref<64x128xf32, #tpu.memory_space<vmem>>
          %dma_start3A_143 = arith.constant 0 : i32
          %dma_start3A_144 = tpu.memref_slice %arg6[%add3A_138, %dma_start3A_139, %dma_start3A_143] : memref<56x2x128xi32, #tpu.memory_space<vmem>> -> memref<1x1x64xi32, #tpu.memory_space<vmem>>
          %dma_start3A_145 = tpu.memref_squeeze %dma_start3A_144 : memref<1x1x64xi32, #tpu.memory_space<vmem>> -> memref<64xi32, #tpu.memory_space<vmem>>
          %dma_start3A_146 = arith.constant 0 : i32
          %dma_start3A_147 = arith.constant 0 : i32
          %dma_start3A_148 = tpu.memref_slice %arg2[%dma_start3A_146, %dma_start3A_147] : memref<10112x128xf32, #tpu.memory_space<hbm>> -> memref<10112x128xf32, #tpu.memory_space<hbm>>
          tpu.enqueue_indirect_dma source(%dma_start3A_148 : memref<10112x128xf32, #tpu.memory_space<hbm>>) target(%dma_start3A_142 : memref<64x128xf32, #tpu.memory_space<vmem>>) offsets(%dma_start3A_145 : memref<64xi32, #tpu.memory_space<vmem>>) semaphore(%arg9 : memref<!tpu.dma_semaphore, #tpu.memory_space<semaphore_mem>>)
          %add3A_149 = arith.constant 1 : i32
          %add3A_150 = arith.addi %add3A_108, %add3A_149 : i32
          %dma_start3A_151 = arith.constant 1 : i32
          %dma_start3A_152 = arith.constant 64 : i32
          %dma_start3A_153 = arith.constant 0 : i32
          %dma_start3A_154 = tpu.memref_slice %arg7[%dma_start3A_152, %dma_start3A_153] : memref<256x128xf32, #tpu.memory_space<vmem>> -> memref<64x128xf32, #tpu.memory_space<vmem>>
          %dma_start3A_155 = arith.constant 64 : i32
          %dma_start3A_156 = tpu.memref_slice %arg6[%add3A_150, %dma_start3A_151, %dma_start3A_155] : memref<56x2x128xi32, #tpu.memory_space<vmem>> -> memref<1x1x64xi32, #tpu.memory_space<vmem>>
          %dma_start3A_157 = tpu.memref_squeeze %dma_start3A_156 : memref<1x1x64xi32, #tpu.memory_space<vmem>> -> memref<64xi32, #tpu.memory_space<vmem>>
          %dma_start3A_158 = arith.constant 0 : i32
          %dma_start3A_159 = arith.constant 0 : i32
          %dma_start3A_160 = tpu.memref_slice %arg2[%dma_start3A_158, %dma_start3A_159] : memref<10112x128xf32, #tpu.memory_space<hbm>> -> memref<10112x128xf32, #tpu.memory_space<hbm>>
          tpu.enqueue_indirect_dma source(%dma_start3A_160 : memref<10112x128xf32, #tpu.memory_space<hbm>>) target(%dma_start3A_154 : memref<64x128xf32, #tpu.memory_space<vmem>>) offsets(%dma_start3A_157 : memref<64xi32, #tpu.memory_space<vmem>>) semaphore(%arg10 : memref<!tpu.dma_semaphore, #tpu.memory_space<semaphore_mem>>)
        } else {
        }
        %dma_wait3A_116 = arith.constant 1 : i32
        %dma_wait3A_117 = arith.constant 128 : i32
        %dma_wait3A_118 = arith.constant 0 : i32
        %dma_wait3A_119 = tpu.memref_slice %arg7[%dma_wait3A_117, %dma_wait3A_118] : memref<256x128xf32, #tpu.memory_space<vmem>> -> memref<64x128xf32, #tpu.memory_space<vmem>>
        %dma_wait3A_120 = arith.constant 0 : i32
        %dma_wait3A_121 = tpu.memref_slice %arg6[%add3A_108, %dma_wait3A_116, %dma_wait3A_120] : memref<56x2x128xi32, #tpu.memory_space<vmem>> -> memref<1x1x64xi32, #tpu.memory_space<vmem>>
        %dma_wait3A_122 = tpu.memref_squeeze %dma_wait3A_121 : memref<1x1x64xi32, #tpu.memory_space<vmem>> -> memref<64xi32, #tpu.memory_space<vmem>>
        %dma_wait3A_123 = arith.constant 0 : i32
        %dma_wait3A_124 = arith.constant 0 : i32
        %dma_wait3A_125 = tpu.memref_slice %arg2[%dma_wait3A_123, %dma_wait3A_124] : memref<10112x128xf32, #tpu.memory_space<hbm>> -> memref<10112x128xf32, #tpu.memory_space<hbm>>
        tpu.wait_indirect_dma semaphore(%arg11 : memref<!tpu.dma_semaphore, #tpu.memory_space<semaphore_mem>>) src(%dma_wait3A_125 : memref<10112x128xf32, #tpu.memory_space<hbm>>) dst(%dma_wait3A_119 : memref<64x128xf32, #tpu.memory_space<vmem>>)
        %dma_wait3A_126 = arith.constant 1 : i32
        %dma_wait3A_127 = arith.constant 192 : i32
        %dma_wait3A_128 = arith.constant 0 : i32
        %dma_wait3A_129 = tpu.memref_slice %arg7[%dma_wait3A_127, %dma_wait3A_128] : memref<256x128xf32, #tpu.memory_space<vmem>> -> memref<64x128xf32, #tpu.memory_space<vmem>>
        %dma_wait3A_130 = arith.constant 64 : i32
        %dma_wait3A_131 = tpu.memref_slice %arg6[%add3A_108, %dma_wait3A_126, %dma_wait3A_130] : memref<56x2x128xi32, #tpu.memory_space<vmem>> -> memref<1x1x64xi32, #tpu.memory_space<vmem>>
        %dma_wait3A_132 = tpu.memref_squeeze %dma_wait3A_131 : memref<1x1x64xi32, #tpu.memory_space<vmem>> -> memref<64xi32, #tpu.memory_space<vmem>>
        %dma_wait3A_133 = arith.constant 0 : i32
        %dma_wait3A_134 = arith.constant 0 : i32
        %dma_wait3A_135 = tpu.memref_slice %arg2[%dma_wait3A_133, %dma_wait3A_134] : memref<10112x128xf32, #tpu.memory_space<hbm>> -> memref<10112x128xf32, #tpu.memory_space<hbm>>
        tpu.wait_indirect_dma semaphore(%arg12 : memref<!tpu.dma_semaphore, #tpu.memory_space<semaphore_mem>>) src(%dma_wait3A_135 : memref<10112x128xf32, #tpu.memory_space<hbm>>) dst(%dma_wait3A_129 : memref<64x128xf32, #tpu.memory_space<vmem>>)
        %run_scoped3A_136 = arith.constant 0 : i32
        "tpu.region"() ({
          %run_scoped3A_137 = tpu.sem_alloc : memref<!tpu.dma_semaphore, #tpu.memory_space<semaphore_mem>>
          %dma_start3A_138 = arith.constant 128 : i32
          %dma_start3A_139 = arith.constant 0 : i32
          %dma_start3A_140 = tpu.memref_slice %arg7[%dma_start3A_138, %dma_start3A_139] : memref<256x128xf32, #tpu.memory_space<vmem>> -> memref<128x128xf32, #tpu.memory_space<vmem>>
          %dma_start3A_141 = arith.constant 0 : i32
          %dma_start3A_142 = tpu.memref_slice %arg6[%add3A_108, %run_scoped3A_136, %dma_start3A_141] : memref<56x2x128xi32, #tpu.memory_space<vmem>> -> memref<1x1x128xi32, #tpu.memory_space<vmem>>
          %dma_start3A_143 = tpu.memref_squeeze %dma_start3A_142 : memref<1x1x128xi32, #tpu.memory_space<vmem>> -> memref<128xi32, #tpu.memory_space<vmem>>
          %dma_start3A_144 = arith.constant 0 : i32
          %dma_start3A_145 = arith.constant 0 : i32
          %dma_start3A_146 = tpu.memref_slice %arg8[%dma_start3A_144, %dma_start3A_145] : memref<10112x128xf32, #tpu.memory_space<vmem_shared>> -> memref<10112x128xf32, #tpu.memory_space<vmem_shared>>
          tpu.enqueue_indirect_dma source(%dma_start3A_140 : memref<128x128xf32, #tpu.memory_space<vmem>>) target(%dma_start3A_146 : memref<10112x128xf32, #tpu.memory_space<vmem_shared>>) offsets(%dma_start3A_143 : memref<128xi32, #tpu.memory_space<vmem>>) semaphore(%run_scoped3A_137 : memref<!tpu.dma_semaphore, #tpu.memory_space<semaphore_mem>>) {add = true}
          %dma_wait3A_147 = arith.constant 128 : i32
          %dma_wait3A_148 = arith.constant 0 : i32
          %dma_wait3A_149 = tpu.memref_slice %arg7[%dma_wait3A_147, %dma_wait3A_148] : memref<256x128xf32, #tpu.memory_space<vmem>> -> memref<128x128xf32, #tpu.memory_space<vmem>>
          %dma_wait3A_150 = arith.constant 0 : i32
          %dma_wait3A_151 = tpu.memref_slice %arg6[%add3A_108, %run_scoped3A_136, %dma_wait3A_150] : memref<56x2x128xi32, #tpu.memory_space<vmem>> -> memref<1x1x128xi32, #tpu.memory_space<vmem>>
          %dma_wait3A_152 = tpu.memref_squeeze %dma_wait3A_151 : memref<1x1x128xi32, #tpu.memory_space<vmem>> -> memref<128xi32, #tpu.memory_space<vmem>>
          %dma_wait3A_153 = arith.constant 0 : i32
          %dma_wait3A_154 = arith.constant 0 : i32
          %dma_wait3A_155 = tpu.memref_slice %arg8[%dma_wait3A_153, %dma_wait3A_154] : memref<10112x128xf32, #tpu.memory_space<vmem_shared>> -> memref<10112x128xf32, #tpu.memory_space<vmem_shared>>
          tpu.wait_indirect_dma semaphore(%run_scoped3A_137 : memref<!tpu.dma_semaphore, #tpu.memory_space<semaphore_mem>>) src(%dma_wait3A_149 : memref<128x128xf32, #tpu.memory_space<vmem>>) dst(%dma_wait3A_155 : memref<10112x128xf32, #tpu.memory_space<vmem_shared>>)
          tpu.yield
        }) : () -> ()
      }
      %scan3A_73 = arith.constant 12 : i32
    } else {
    }
    %barrier3A = arith.constant 0 : index
    tpu.barrier barrier_id(%barrier3A)
    %mul3A_8 = arith.constant 632 : i32
    %mul3A_9 = arith.muli %arg1, %mul3A_8 : i32
    %mul3A_10 = arith.constant 632 : i32
    %mul3A_11 = arith.muli %arg1, %mul3A_10 : i32
    "tpu.region"() ({
      %run_scoped3A = tpu.sem_alloc : memref<!tpu.dma_semaphore, #tpu.memory_space<semaphore_mem>>
      %dma_start3A_12 = arith.constant 0 : i32
      %dma_start3A_13 = tpu.memref_slice %arg5[%arg0, %mul3A_11, %dma_start3A_12] : memref<2x10112x128xf32, #tpu.memory_space<hbm>> -> memref<1x632x128xf32, #tpu.memory_space<hbm>>
      %dma_start3A_14 = tpu.memref_squeeze %dma_start3A_13 : memref<1x632x128xf32, #tpu.memory_space<hbm>> -> memref<632x128xf32, #tpu.memory_space<hbm>>
      %dma_start3A_15 = arith.constant 0 : i32
      %dma_start3A_16 = tpu.memref_slice %arg8[%mul3A_9, %dma_start3A_15] : memref<10112x128xf32, #tpu.memory_space<vmem_shared>> -> memref<632x128xf32, #tpu.memory_space<vmem_shared>>
      tpu.enqueue_dma source(%dma_start3A_16 : memref<632x128xf32, #tpu.memory_space<vmem_shared>>) target(%dma_start3A_14 : memref<632x128xf32, #tpu.memory_space<hbm>>) target_semaphore(%run_scoped3A : memref<!tpu.dma_semaphore, #tpu.memory_space<semaphore_mem>>)
      %dma_wait3A = arith.constant 0 : i32
      %dma_wait3A_17 = tpu.memref_slice %arg5[%arg0, %mul3A_11, %dma_wait3A] : memref<2x10112x128xf32, #tpu.memory_space<hbm>> -> memref<1x632x128xf32, #tpu.memory_space<hbm>>
      %dma_wait3A_18 = tpu.memref_squeeze %dma_wait3A_17 : memref<1x632x128xf32, #tpu.memory_space<hbm>> -> memref<632x128xf32, #tpu.memory_space<hbm>>
      %dma_wait3A_19 = arith.constant 0 : i32
      %dma_wait3A_20 = tpu.memref_slice %arg8[%mul3A_9, %dma_wait3A_19] : memref<10112x128xf32, #tpu.memory_space<vmem_shared>> -> memref<632x128xf32, #tpu.memory_space<vmem_shared>>
      tpu.wait_dma2 semaphore(%run_scoped3A : memref<!tpu.dma_semaphore, #tpu.memory_space<semaphore_mem>>) src(%dma_wait3A_20 : memref<632x128xf32, #tpu.memory_space<vmem_shared>>) dst(%dma_wait3A_18 : memref<632x128xf32, #tpu.memory_space<hbm>>)
      tpu.yield
    }) : () -> ()
    return
  }
}

module attributes {stable_mosaic.version = 14 : i64} {
  func.func @f(%arg0: memref<32x10112xf32, #tpu.memory_space<vmem>>, %arg1: memref<10112x128xf32, #tpu.memory_space<vmem>>, %arg2: memref<128x128xf32, #tpu.memory_space<vmem>>, %arg3: memref<10112x1xf32, #tpu.memory_space<vmem>>, %arg4: memref<10112x128xf32, #tpu.memory_space<vmem>>) attributes {dimension_semantics = [], scalar_prefetch = 0 : i64, scratch_operands = 0 : i64, tpu.core_type = #tpu.core_type<tc>} {
    %get3A = arith.constant 0 : index
    %get3A_0 = arith.constant 0 : index
    %get3A_1 = vector.load %arg0[%get3A, %get3A_0] : memref<32x10112xf32, #tpu.memory_space<vmem>>, vector<32x10112xf32>
    %reduce_sum3A = arith.constant dense<0.000000e+00> : vector<10112xf32>
    %reduce_sum3A_2 = vector.multi_reduction <add>, %get3A_1, %reduce_sum3A [0] : vector<32x10112xf32> to vector<10112xf32>
    %broadcast_in_dim3A = vector.shape_cast %reduce_sum3A_2 : vector<10112xf32> to vector<1x10112xf32>
    %add3A = arith.constant 1.000000e+00 : f32
    %add3A_3 = vector.broadcast %add3A : f32 to vector<1x10112xf32>
    %add3A_4 = arith.addf %broadcast_in_dim3A, %add3A_3 : vector<1x10112xf32>
    %rsqrt3A = math.rsqrt %add3A_4 : vector<1x10112xf32>
    %iota3A = tpu.iota {dimensions = array<i32: 1>} : vector<1x10112xi32>
    %lt3A = arith.constant 10000 : i32
    %lt3A_5 = vector.broadcast %lt3A : i32 to vector<1x10112xi32>
    %lt3A_6 = arith.cmpi slt, %iota3A, %lt3A_5 : vector<1x10112xi32>
    %jit3A = arith.constant 0.000000e+00 : f32
    %broadcast_in_dim3A_7 = vector.broadcast %jit3A : f32 to vector<1x10112xf32>
    %select_n3A = arith.select %lt3A_6, %rsqrt3A, %broadcast_in_dim3A_7 : vector<1x10112xi1>, vector<1x10112xf32>
    %reshape3A = vector.shape_cast %select_n3A : vector<1x10112xf32> to vector<10112x1xf32>
    %swap3A = arith.constant 0 : index
    %swap3A_8 = arith.constant 0 : index
    %swap3A_9 = vector.load %arg3[%swap3A, %swap3A_8] : memref<10112x1xf32, #tpu.memory_space<vmem>>, vector<10112x1xf32>
    tpu.vector_store %arg3[%swap3A, %swap3A_8], %reshape3A {strides = array<i32>} : memref<10112x1xf32, #tpu.memory_space<vmem>>, vector<10112x1xf32>,
    %get3A_10 = arith.constant 0 : index
    %get3A_11 = arith.constant 0 : index
    %get3A_12 = vector.load %arg1[%get3A_10, %get3A_11] : memref<10112x128xf32, #tpu.memory_space<vmem>>, vector<10112x128xf32>
    %get3A_13 = arith.constant 0 : index
    %get3A_14 = arith.constant 0 : index
    %get3A_15 = vector.load %arg2[%get3A_13, %get3A_14] : memref<128x128xf32, #tpu.memory_space<vmem>>, vector<128x128xf32>
    %dot_general3A = arith.constant dense<0.000000e+00> : vector<10112x128xf32>
    %dot_general3A_16 = tpu.matmul %get3A_12, %get3A_15, %dot_general3A {dimension_numbers = #tpu.dot_dimension_numbers<[1], [0], [0], [1], [0, 0, 1, 1], [], []>, transpose_lhs_hint = false} : vector<10112x128xf32>, vector<128x128xf32>, vector<10112x128xf32> -> vector<10112x128xf32>
    %mul3A = vector.broadcast %reshape3A : vector<10112x1xf32> to vector<10112x128xf32>
    %mul3A_17 = arith.mulf %dot_general3A_16, %mul3A : vector<10112x128xf32>
    %swap3A_18 = arith.constant 0 : index
    %swap3A_19 = arith.constant 0 : index
    %swap3A_20 = vector.load %arg4[%swap3A_18, %swap3A_19] : memref<10112x128xf32, #tpu.memory_space<vmem>>, vector<10112x128xf32>
    tpu.vector_store %arg4[%swap3A_18, %swap3A_19], %mul3A_17 {strides = array<i32>} : memref<10112x128xf32, #tpu.memory_space<vmem>>, vector<10112x128xf32>,
    return
  }
}

module attributes {stable_mosaic.version = 14 : i64} {
  func.func @f(%arg0: memref<2x10112x128xf32, #tpu.memory_space<vmem>>, %arg1: memref<10112x128xf32, #tpu.memory_space<vmem>>, %arg2: memref<10112x1xf32, #tpu.memory_space<vmem>>, %arg3: memref<1x128xf32, #tpu.memory_space<vmem>>, %arg4: memref<1x128xf32, #tpu.memory_space<vmem>>, %arg5: memref<1x128xf32, #tpu.memory_space<vmem>>, %arg6: memref<128x128xf32, #tpu.memory_space<vmem>>, %arg7: memref<10112x128xf32, #tpu.memory_space<vmem>>) attributes {dimension_semantics = [], scalar_prefetch = 0 : i64, scratch_operands = 0 : i64, tpu.core_type = #tpu.core_type<tc>} {
    %get3A = arith.constant 0 : index
    %get3A_0 = arith.constant 0 : index
    %get3A_1 = arith.constant 0 : index
    %get3A_2 = vector.load %arg0[%get3A, %get3A_0, %get3A_1] : memref<2x10112x128xf32, #tpu.memory_space<vmem>>, vector<1x10112x128xf32>
    %get3A_3 = vector.shape_cast %get3A_2 : vector<1x10112x128xf32> to vector<10112x128xf32>
    %get3A_4 = arith.constant 1 : index
    %get3A_5 = arith.constant 0 : index
    %get3A_6 = arith.constant 0 : index
    %get3A_7 = vector.load %arg0[%get3A_4, %get3A_5, %get3A_6] : memref<2x10112x128xf32, #tpu.memory_space<vmem>>, vector<1x10112x128xf32>
    %get3A_8 = vector.shape_cast %get3A_7 : vector<1x10112x128xf32> to vector<10112x128xf32>
    %add3A = arith.addf %get3A_3, %get3A_8 : vector<10112x128xf32>
    %get3A_9 = arith.constant 0 : index
    %get3A_10 = arith.constant 0 : index
    %get3A_11 = vector.load %arg1[%get3A_9, %get3A_10] : memref<10112x128xf32, #tpu.memory_space<vmem>>, vector<10112x128xf32>
    %add3A_12 = arith.addf %add3A, %get3A_11 : vector<10112x128xf32>
    %get3A_13 = arith.constant 0 : index
    %get3A_14 = arith.constant 0 : index
    %get3A_15 = vector.load %arg2[%get3A_13, %get3A_14] : memref<10112x1xf32, #tpu.memory_space<vmem>>, vector<10112x1xf32>
    %mul3A = vector.broadcast %get3A_15 : vector<10112x1xf32> to vector<10112x128xf32>
    %mul3A_16 = arith.mulf %add3A_12, %mul3A : vector<10112x128xf32>
    %get3A_17 = arith.constant 0 : index
    %get3A_18 = arith.constant 0 : index
    %get3A_19 = vector.load %arg3[%get3A_17, %get3A_18] : memref<1x128xf32, #tpu.memory_space<vmem>>, vector<1x128xf32>
    %add3A_20 = vector.broadcast %get3A_19 : vector<1x128xf32> to vector<10112x128xf32>
    %add3A_21 = arith.addf %mul3A_16, %add3A_20 : vector<10112x128xf32>
    %slice3A = vector.extract_strided_slice %add3A_21 {offsets = [0, 0], sizes = [10000, 128], strides = [1, 1]} : vector<10112x128xf32> to vector<10000x128xf32>
    %reduce_sum3A = arith.constant dense<0.000000e+00> : vector<128xf32>
    %reduce_sum3A_22 = vector.multi_reduction <add>, %slice3A, %reduce_sum3A [0] : vector<10000x128xf32> to vector<128xf32>
    %broadcast_in_dim3A = vector.shape_cast %reduce_sum3A_22 : vector<128xf32> to vector<1x128xf32>
    %div3A = arith.constant 1.000000e+04 : f32
    %div3A_23 = vector.broadcast %div3A : f32 to vector<1x128xf32>
    %div3A_24 = arith.divf %broadcast_in_dim3A, %div3A_23 : vector<1x128xf32>
    %sub3A = vector.broadcast %div3A_24 : vector<1x128xf32> to vector<10000x128xf32>
    %sub3A_25 = arith.subf %slice3A, %sub3A : vector<10000x128xf32>
    %square3A = arith.mulf %sub3A_25, %sub3A_25 : vector<10000x128xf32>
    %reduce_sum3A_26 = arith.constant dense<0.000000e+00> : vector<128xf32>
    %reduce_sum3A_27 = vector.multi_reduction <add>, %square3A, %reduce_sum3A_26 [0] : vector<10000x128xf32> to vector<128xf32>
    %broadcast_in_dim3A_28 = vector.shape_cast %reduce_sum3A_27 : vector<128xf32> to vector<1x128xf32>
    %div3A_29 = arith.constant 1.000000e+04 : f32
    %div3A_30 = vector.broadcast %div3A_29 : f32 to vector<1x128xf32>
    %div3A_31 = arith.divf %broadcast_in_dim3A_28, %div3A_30 : vector<1x128xf32>
    %get3A_32 = arith.constant 0 : index
    %get3A_33 = arith.constant 0 : index
    %get3A_34 = vector.load %arg4[%get3A_32, %get3A_33] : memref<1x128xf32, #tpu.memory_space<vmem>>, vector<1x128xf32>
    %sub3A_35 = vector.broadcast %div3A_24 : vector<1x128xf32> to vector<10112x128xf32>
    %sub3A_36 = arith.subf %add3A_21, %sub3A_35 : vector<10112x128xf32>
    %mul3A_37 = vector.broadcast %get3A_34 : vector<1x128xf32> to vector<10112x128xf32>
    %mul3A_38 = arith.mulf %mul3A_37, %sub3A_36 : vector<10112x128xf32>
    %add3A_39 = arith.constant 9.99999974E-6 : f32
    %add3A_40 = vector.broadcast %add3A_39 : f32 to vector<1x128xf32>
    %add3A_41 = arith.addf %div3A_31, %add3A_40 : vector<1x128xf32>
    %rsqrt3A = math.rsqrt %add3A_41 : vector<1x128xf32>
    %mul3A_42 = vector.broadcast %rsqrt3A : vector<1x128xf32> to vector<10112x128xf32>
    %mul3A_43 = arith.mulf %mul3A_38, %mul3A_42 : vector<10112x128xf32>
    %get3A_44 = arith.constant 0 : index
    %get3A_45 = arith.constant 0 : index
    %get3A_46 = vector.load %arg5[%get3A_44, %get3A_45] : memref<1x128xf32, #tpu.memory_space<vmem>>, vector<1x128xf32>
    %add3A_47 = vector.broadcast %get3A_46 : vector<1x128xf32> to vector<10112x128xf32>
    %add3A_48 = arith.addf %mul3A_43, %add3A_47 : vector<10112x128xf32>
    %mul3A_49 = arith.constant 5.000000e-01 : f32
    %mul3A_50 = vector.broadcast %mul3A_49 : f32 to vector<10112x128xf32>
    %mul3A_51 = arith.mulf %mul3A_50, %add3A_48 : vector<10112x128xf32>
    %mul3A_52 = arith.constant 0.707106769 : f32
    %mul3A_53 = vector.broadcast %mul3A_52 : f32 to vector<10112x128xf32>
    %mul3A_54 = arith.mulf %add3A_48, %mul3A_53 : vector<10112x128xf32>
    %erf3A = math.erf %mul3A_54 : vector<10112x128xf32>
    %add3A_55 = arith.constant 1.000000e+00 : f32
    %add3A_56 = vector.broadcast %add3A_55 : f32 to vector<10112x128xf32>
    %add3A_57 = arith.addf %add3A_56, %erf3A : vector<10112x128xf32>
    %mul3A_58 = arith.mulf %mul3A_51, %add3A_57 : vector<10112x128xf32>
    %get3A_59 = arith.constant 0 : index
    %get3A_60 = arith.constant 0 : index
    %get3A_61 = vector.load %arg6[%get3A_59, %get3A_60] : memref<128x128xf32, #tpu.memory_space<vmem>>, vector<128x128xf32>
    %dot_general3A = arith.constant dense<0.000000e+00> : vector<10112x128xf32>
    %dot_general3A_62 = tpu.matmul %mul3A_58, %get3A_61, %dot_general3A {dimension_numbers = #tpu.dot_dimension_numbers<[1], [0], [0], [1], [0, 0, 1, 1], [], []>, transpose_lhs_hint = false} : vector<10112x128xf32>, vector<128x128xf32>, vector<10112x128xf32> -> vector<10112x128xf32>
    %get3A_63 = arith.constant 0 : index
    %get3A_64 = arith.constant 0 : index
    %get3A_65 = vector.load %arg2[%get3A_63, %get3A_64] : memref<10112x1xf32, #tpu.memory_space<vmem>>, vector<10112x1xf32>
    %mul3A_66 = vector.broadcast %get3A_65 : vector<10112x1xf32> to vector<10112x128xf32>
    %mul3A_67 = arith.mulf %dot_general3A_62, %mul3A_66 : vector<10112x128xf32>
    %swap3A = arith.constant 0 : index
    %swap3A_68 = arith.constant 0 : index
    %swap3A_69 = vector.load %arg7[%swap3A, %swap3A_68] : memref<10112x128xf32, #tpu.memory_space<vmem>>, vector<10112x128xf32>
    tpu.vector_store %arg7[%swap3A, %swap3A_68], %mul3A_67 {strides = array<i32>} : memref<10112x128xf32, #tpu.memory_space<vmem>>, vector<10112x128xf32>,
    return
  }
}

module attributes {stable_mosaic.version = 14 : i64} {
  func.func @f(%arg0: memref<2x10112x128xf32, #tpu.memory_space<vmem>>, %arg1: memref<10112x128xf32, #tpu.memory_space<vmem>>, %arg2: memref<10112x1xf32, #tpu.memory_space<vmem>>, %arg3: memref<1x128xf32, #tpu.memory_space<vmem>>, %arg4: memref<1x128xf32, #tpu.memory_space<vmem>>, %arg5: memref<1x128xf32, #tpu.memory_space<vmem>>, %arg6: memref<128x128xf32, #tpu.memory_space<vmem>>, %arg7: memref<1x128xf32, #tpu.memory_space<vmem>>, %arg8: memref<10112x128xf32, #tpu.memory_space<vmem>>) attributes {dimension_semantics = [], scalar_prefetch = 0 : i64, scratch_operands = 0 : i64, tpu.core_type = #tpu.core_type<tc>} {
    %get3A = arith.constant 0 : index
    %get3A_0 = arith.constant 0 : index
    %get3A_1 = arith.constant 0 : index
    %get3A_2 = vector.load %arg0[%get3A, %get3A_0, %get3A_1] : memref<2x10112x128xf32, #tpu.memory_space<vmem>>, vector<1x10112x128xf32>
    %get3A_3 = vector.shape_cast %get3A_2 : vector<1x10112x128xf32> to vector<10112x128xf32>
    %get3A_4 = arith.constant 1 : index
    %get3A_5 = arith.constant 0 : index
    %get3A_6 = arith.constant 0 : index
    %get3A_7 = vector.load %arg0[%get3A_4, %get3A_5, %get3A_6] : memref<2x10112x128xf32, #tpu.memory_space<vmem>>, vector<1x10112x128xf32>
    %get3A_8 = vector.shape_cast %get3A_7 : vector<1x10112x128xf32> to vector<10112x128xf32>
    %add3A = arith.addf %get3A_3, %get3A_8 : vector<10112x128xf32>
    %get3A_9 = arith.constant 0 : index
    %get3A_10 = arith.constant 0 : index
    %get3A_11 = vector.load %arg1[%get3A_9, %get3A_10] : memref<10112x128xf32, #tpu.memory_space<vmem>>, vector<10112x128xf32>
    %add3A_12 = arith.addf %add3A, %get3A_11 : vector<10112x128xf32>
    %get3A_13 = arith.constant 0 : index
    %get3A_14 = arith.constant 0 : index
    %get3A_15 = vector.load %arg2[%get3A_13, %get3A_14] : memref<10112x1xf32, #tpu.memory_space<vmem>>, vector<10112x1xf32>
    %mul3A = vector.broadcast %get3A_15 : vector<10112x1xf32> to vector<10112x128xf32>
    %mul3A_16 = arith.mulf %add3A_12, %mul3A : vector<10112x128xf32>
    %get3A_17 = arith.constant 0 : index
    %get3A_18 = arith.constant 0 : index
    %get3A_19 = vector.load %arg3[%get3A_17, %get3A_18] : memref<1x128xf32, #tpu.memory_space<vmem>>, vector<1x128xf32>
    %add3A_20 = vector.broadcast %get3A_19 : vector<1x128xf32> to vector<10112x128xf32>
    %add3A_21 = arith.addf %mul3A_16, %add3A_20 : vector<10112x128xf32>
    %slice3A = vector.extract_strided_slice %add3A_21 {offsets = [0, 0], sizes = [10000, 128], strides = [1, 1]} : vector<10112x128xf32> to vector<10000x128xf32>
    %reduce_sum3A = arith.constant dense<0.000000e+00> : vector<128xf32>
    %reduce_sum3A_22 = vector.multi_reduction <add>, %slice3A, %reduce_sum3A [0] : vector<10000x128xf32> to vector<128xf32>
    %broadcast_in_dim3A = vector.shape_cast %reduce_sum3A_22 : vector<128xf32> to vector<1x128xf32>
    %div3A = arith.constant 1.000000e+04 : f32
    %div3A_23 = vector.broadcast %div3A : f32 to vector<1x128xf32>
    %div3A_24 = arith.divf %broadcast_in_dim3A, %div3A_23 : vector<1x128xf32>
    %sub3A = vector.broadcast %div3A_24 : vector<1x128xf32> to vector<10000x128xf32>
    %sub3A_25 = arith.subf %slice3A, %sub3A : vector<10000x128xf32>
    %square3A = arith.mulf %sub3A_25, %sub3A_25 : vector<10000x128xf32>
    %reduce_sum3A_26 = arith.constant dense<0.000000e+00> : vector<128xf32>
    %reduce_sum3A_27 = vector.multi_reduction <add>, %square3A, %reduce_sum3A_26 [0] : vector<10000x128xf32> to vector<128xf32>
    %broadcast_in_dim3A_28 = vector.shape_cast %reduce_sum3A_27 : vector<128xf32> to vector<1x128xf32>
    %div3A_29 = arith.constant 1.000000e+04 : f32
    %div3A_30 = vector.broadcast %div3A_29 : f32 to vector<1x128xf32>
    %div3A_31 = arith.divf %broadcast_in_dim3A_28, %div3A_30 : vector<1x128xf32>
    %get3A_32 = arith.constant 0 : index
    %get3A_33 = arith.constant 0 : index
    %get3A_34 = vector.load %arg4[%get3A_32, %get3A_33] : memref<1x128xf32, #tpu.memory_space<vmem>>, vector<1x128xf32>
    %sub3A_35 = vector.broadcast %div3A_24 : vector<1x128xf32> to vector<10112x128xf32>
    %sub3A_36 = arith.subf %add3A_21, %sub3A_35 : vector<10112x128xf32>
    %mul3A_37 = vector.broadcast %get3A_34 : vector<1x128xf32> to vector<10112x128xf32>
    %mul3A_38 = arith.mulf %mul3A_37, %sub3A_36 : vector<10112x128xf32>
    %add3A_39 = arith.constant 9.99999974E-6 : f32
    %add3A_40 = vector.broadcast %add3A_39 : f32 to vector<1x128xf32>
    %add3A_41 = arith.addf %div3A_31, %add3A_40 : vector<1x128xf32>
    %rsqrt3A = math.rsqrt %add3A_41 : vector<1x128xf32>
    %mul3A_42 = vector.broadcast %rsqrt3A : vector<1x128xf32> to vector<10112x128xf32>
    %mul3A_43 = arith.mulf %mul3A_38, %mul3A_42 : vector<10112x128xf32>
    %get3A_44 = arith.constant 0 : index
    %get3A_45 = arith.constant 0 : index
    %get3A_46 = vector.load %arg5[%get3A_44, %get3A_45] : memref<1x128xf32, #tpu.memory_space<vmem>>, vector<1x128xf32>
    %add3A_47 = vector.broadcast %get3A_46 : vector<1x128xf32> to vector<10112x128xf32>
    %add3A_48 = arith.addf %mul3A_43, %add3A_47 : vector<10112x128xf32>
    %mul3A_49 = arith.constant 5.000000e-01 : f32
    %mul3A_50 = vector.broadcast %mul3A_49 : f32 to vector<10112x128xf32>
    %mul3A_51 = arith.mulf %mul3A_50, %add3A_48 : vector<10112x128xf32>
    %mul3A_52 = arith.constant 0.707106769 : f32
    %mul3A_53 = vector.broadcast %mul3A_52 : f32 to vector<10112x128xf32>
    %mul3A_54 = arith.mulf %add3A_48, %mul3A_53 : vector<10112x128xf32>
    %erf3A = math.erf %mul3A_54 : vector<10112x128xf32>
    %add3A_55 = arith.constant 1.000000e+00 : f32
    %add3A_56 = vector.broadcast %add3A_55 : f32 to vector<10112x128xf32>
    %add3A_57 = arith.addf %add3A_56, %erf3A : vector<10112x128xf32>
    %mul3A_58 = arith.mulf %mul3A_51, %add3A_57 : vector<10112x128xf32>
    %get3A_59 = arith.constant 0 : index
    %get3A_60 = arith.constant 0 : index
    %get3A_61 = vector.load %arg6[%get3A_59, %get3A_60] : memref<128x128xf32, #tpu.memory_space<vmem>>, vector<128x128xf32>
    %dot_general3A = arith.constant dense<0.000000e+00> : vector<10112x128xf32>
    %dot_general3A_62 = tpu.matmul %mul3A_58, %get3A_61, %dot_general3A {dimension_numbers = #tpu.dot_dimension_numbers<[1], [0], [0], [1], [0, 0, 1, 1], [], []>, transpose_lhs_hint = false} : vector<10112x128xf32>, vector<128x128xf32>, vector<10112x128xf32> -> vector<10112x128xf32>
    %get3A_63 = arith.constant 0 : index
    %get3A_64 = arith.constant 0 : index
    %get3A_65 = vector.load %arg7[%get3A_63, %get3A_64] : memref<1x128xf32, #tpu.memory_space<vmem>>, vector<1x128xf32>
    %add3A_66 = vector.broadcast %get3A_65 : vector<1x128xf32> to vector<10112x128xf32>
    %add3A_67 = arith.addf %dot_general3A_62, %add3A_66 : vector<10112x128xf32>
    %swap3A = arith.constant 0 : index
    %swap3A_68 = arith.constant 0 : index
    %swap3A_69 = vector.load %arg8[%swap3A, %swap3A_68] : memref<10112x128xf32, #tpu.memory_space<vmem>>, vector<10112x128xf32>
    tpu.vector_store %arg8[%swap3A, %swap3A_68], %add3A_67 {strides = array<i32>} : memref<10112x128xf32, #tpu.memory_space<vmem>>, vector<10112x128xf32>,
    return
  }
}

</mosaic_0001>

<sc_bundles>
// kernel: kernel.10.cloned.1.call-start
scs
__scs_entry_jumppad:
0x0: {  	(pc) =	sbr.rel $0x88, $3  }
0x1: {  	(tag) =	ssettag $0x0;
	lr =	simm.s32 $0x1  }
0x2: {  	[smem:$0x3F91] =	sst lr;
	_ =	strace $0xD0000000  }
0x3: {  	_ = 	snop  }
0x4: {  	_ = 	snop  }
0x5: {  	_ = 	snop  }
0x6: {  	_ = 	snop  }
0x7: {  	_ = 	snop  }
__scs_overlays_trampoline_lowered:
0x8: {  	[smem:$0x3FA0] =	sst s0  }
0x9: {  	[smem:$0x3FA1] =	sst s1  }
0xa: {  	[smem:$0x3FA2] =	sst s2  }
0xb: {  	[smem:$0x3FA3] =	sst s3  }
0xc: {  	[smem:$0x3FA4] =	sst s4  }
0xd: {  	[smem:$0x3FA5] =	sst s5  }
0xe: {  	[smem:$0x3FA6] =	sst s6  }
0xf: {  	[smem:$0x3FA7] =	sst s7  }
0x10: {  	[smem:$0x3FA8] =	sst s8  }
0x11: {  	[smem:$0x3FA9] =	sst s9;
	s0 =	simm.s32 @!p0 $0x0  }
0x12: {  	s1 =	sld [smem:$0x3F8F];
	s0 =	simm.s32 @p0 $0x1  }
0x13: {  	[smem:$0x3FAA] =	sst s0;
	s0 =	simm.s32 @!p1 $0x0  }
0x14: {  	s2 =	sld [smem:$0x3F8E];
	s0 =	simm.s32 @p1 $0x1  }
0x15: {  	[smem:$0x3FAB] =	sst s0;
	s0 =	simm.s32 @!p2 $0x0  }
0x16: {  	s3 =	sld [smem:$0x3FDB];
	s0 =	simm.s32 @p2 $0x1  }
0x17: {  	s4 =	simm.s32 $0x1BF5;
	[smem:$0x3FAD] =	sst s0  }
0x18: {  	s0 =	sld [smem:$0x3F90];
	_ =	swait.ge [sflag:s4], $0x0  }
0x19: {  	s7 =	sld [smem:$0x3F91]  }
0x1a: {  	s8 =	sadd.s32 $0xFFFFE003, lr  }
0x1b: {  	s9 =	sadd.s32 $0xFFFFFEF7, lr;
	s5 =	simm.s32 $0xFFFFFFFF;
	p2 =	slt.u32 s8, $0xFFFFF086  }
0x1c: {  	p1 =	slt.u32 s9, $0xF7A;
	s5 =	simm.s32 @!p2 $0x0  }
0x1d: {  	s5 =	simm.s32 @p1 $0x1;
	p0 =	seq.s32 s7, s2  }
0x1e: {  	s7 =	smul.u32 @!p0 $0xF7A, s2;
	p2 =	seq.s32 @!p0 s5, $0x0  }
0x1f: {  	s9 =	smul.u32 $0xF7A, s1;
	s8 =	simm.s32 @!p0 $0x1BF5;
	p2 =	por !p2, p0  }
0x20: {  	[sflag:s8] =	ssyncset.s32 @!p0 $0xFFFFF086;
	s6 =	sadd.s32 @!p0 s3, s7;
	s7 =	simm.s32 @!p0 $0x108  }
0x21: {  	s3 =	sadd.s32 s3, s9;
	s6 =	sadd.s32 @!p0 $0x88, s6;
	s7 =	simm.s32 @p2 $0x1082  }
0x22: {  	[simem:s7], [sflag:s8] =	dma.local @!p0 [hbm:s6], $0xF7A  }
0x23: {  	s9 =	sor.u32 $0xD0000000, s2;
	s6 =	simm.s32 $0x108;
	_ =	swait.ge @!p0 [sflag:s8], $0x0  }
0x24: {  	s3 =	sadd.s32 $0x88, s3;
	s6 =	simm.s32 @!p1 $0x1082;
	[sflag:s4] =	ssyncset.s32 $0xFFFFF086  }
0x25: {  	[simem:s6], [sflag:s4] =	dma.local [hbm:s3], $0xF7A  }
0x26: {  	[smem:$0x3F91] =	sst s1;
	(tag) =	ssettag s2;
	_ =	strace s9  }
0x27: {  	s1 =	sld [smem:$0x3FA1]  }
0x28: {  	s2 =	sld [smem:$0x3FA2]  }
0x29: {  	s4 =	sld [smem:$0x3FA4]  }
0x2a: {  	p0 =	seq.s32 s5, $0x0;
	s5 =	sld [smem:$0x3FA5]  }
0x2b: {  	s6 =	sld [smem:$0x3FA6]  }
0x2c: {  	s7 =	sld [smem:$0x3FA7]  }
0x2d: {  	s3 =	simm.s32 $0x108;
	s8 =	sld [smem:$0x3FA8]  }
0x2e: {  	s3 =	simm.s32 @!p0 $0x1082;
	s9 =	sld [smem:$0x3FA9]  }
0x2f: {  	lr =	sadd.s32 s0, s3;
	s0 =	sld [smem:$0x3FA0]  }
0x30: {  	s3 =	sld [smem:$0x3FA3]  }
0x31: {  	[smem:$0x3FAC] =	sst s10  }
0x32: {  	s10 =	sld [smem:$0x3FAA];
	_ =	sdelay $0x3  }
0x33: {  	p0 =	seq.s32 s10, $0x1;
	s10 =	sld [smem:$0x3FAC];
	_ =	sdelay $0x3  }
0x34: {  	[smem:$0x3FAC] =	sst s10  }
0x35: {  	s10 =	sld [smem:$0x3FAB];
	_ =	sdelay $0x3  }
0x36: {  	p1 =	seq.s32 s10, $0x1;
	s10 =	sld [smem:$0x3FAC];
	_ =	sdelay $0x3  }
0x37: {  	[smem:$0x3FAC] =	sst s10  }
0x38: {  	s10 =	sld [smem:$0x3FAD]  }
0x39: {  	_ = 	snop;
	(pc) =	sbr.ind lr, $3  }
0x3a: {  	_ = 	snop  }
0x3b: {  	_ = 	snop  }
0x3c: {  	p2 =	seq.s32 s10, $0x1;
	s10 =	sld [smem:$0x3FAC]  }
0x3d: {  	_ =	shalt  }
0x3e: {  	_ =	shalt  }
0x3f: {  	_ =	shalt  }
0x40: {  	_ =	shalt  }
0x41: {  	_ =	shalt  }
0x42: {  	_ =	shalt  }
0x43: {  	_ =	shalt  }
0x44: {  	_ =	shalt  }
0x45: {  	_ =	shalt  }
0x46: {  	_ =	shalt  }
0x47: {  	_ =	shalt  }
0x48: {  	_ =	shalt  }
0x49: {  	_ =	shalt  }
0x4a: {  	_ =	shalt  }
0x4b: {  	_ =	shalt  }
0x4c: {  	_ =	shalt  }
0x4d: {  	_ =	shalt  }
0x4e: {  	_ =	shalt  }
0x4f: {  	_ =	shalt  }
0x50: {  	_ =	shalt  }
0x51: {  	_ =	shalt  }
0x52: {  	_ =	shalt  }
0x53: {  	_ =	shalt  }
0x54: {  	_ =	shalt  }
0x55: {  	_ =	shalt  }
0x56: {  	_ =	shalt  }
0x57: {  	_ =	shalt  }
0x58: {  	_ =	shalt  }
0x59: {  	_ =	shalt  }
0x5a: {  	_ =	shalt  }
0x5b: {  	_ =	shalt  }
0x5c: {  	_ =	shalt  }
0x5d: {  	_ =	shalt  }
0x5e: {  	_ =	shalt  }
0x5f: {  	_ =	shalt  }
0x60: {  	_ =	shalt  }
0x61: {  	_ =	shalt  }
0x62: {  	_ =	shalt  }
0x63: {  	_ =	shalt  }
0x64: {  	_ =	shalt  }
0x65: {  	_ =	shalt  }
0x66: {  	_ =	shalt  }
0x67: {  	_ =	shalt  }
0x68: {  	_ =	shalt  }
0x69: {  	_ =	shalt  }
0x6a: {  	_ =	shalt  }
0x6b: {  	_ =	shalt  }
0x6c: {  	_ =	shalt  }
0x6d: {  	_ =	shalt  }
0x6e: {  	_ =	shalt  }
0x6f: {  	_ =	shalt  }
0x70: {  	_ =	shalt  }
0x71: {  	_ =	shalt  }
0x72: {  	_ =	shalt  }
0x73: {  	_ =	shalt  }
0x74: {  	_ =	shalt  }
0x75: {  	_ =	shalt  }
0x76: {  	_ =	shalt  }
0x77: {  	_ =	shalt  }
0x78: {  	_ =	shalt  }
0x79: {  	_ =	shalt  }
0x7a: {  	_ =	shalt  }
0x7b: {  	_ =	shalt  }
0x7c: {  	_ =	shalt  }
0x7d: {  	_ =	shalt  }
0x7e: {  	_ =	shalt  }
0x7f: {  	_ =	shalt  }
0x80: {  	_ =	shalt  }
0x81: {  	_ =	shalt  }
0x82: {  	_ =	shalt  }
0x83: {  	_ =	shalt  }
0x84: {  	_ =	shalt  }
0x85: {  	_ =	shalt  }
0x86: {  	_ =	shalt  }
0x87: {  	_ =	shalt  }
.Lfunc_end0:
.L_simem_size_0:
called_computation_lowered:
.L_overlay_start_0:
0x88: {  	s2 =	sld [smem:$0x3FD9]  }
0x89: {  	s3 =	sld [smem:$0x3FFE];
	_ =	sdelay $0x1  }
0x8a: {  	s1 =	srdreg.scid  }
0x8b: {  	s0 =	sand.u32 $0x1, s1  }
0x8c: {  	s17 =	sshll.u32 s0, $0xA;
	s2 =	sadd.s32 s3, s2  }
0x8d: {  	s2 =	sadd.s32 s2, s17  }
0x8e: {  	[smem:$0x3FB8] =	sst s2  }
0x8f: {  	_ = 	snop  }
0x90: {  	s2 =	sld [smem:$0x3FD0];
	(tm) =	ssettm $0x1  }
0x91: {  	s18 =	sld [smem:$0x3FFB];
	_ =	sdelay $0x3  }
0x92: {  	_ =	strace s18  }
0x93: {  	s3 =	sld [smem:$0x3FFC];
	_ =	sdelay $0x3  }
0x94: {  	_ =	strace s3  }
0x95: {  	s3 =	sld [smem:$0x3FFD];
	_ =	sdelay $0x3  }
0x96: {  	_ =	strace s3  }
0x97: {  	_ =	strace $0x8FFFFFFF  }
0x98: {  	s19 =	sld [smem:$0x3FDB];
	_ =	sdelay $0x1  }
0x99: {  	s4 =	simm.s32 $_scs_section_size  }
0x9a: {  	s5 =	simm.s32 $_size__tile_overlayer_lowered;
	s6 =	simm.s32 $_tile_overlayer_lowered  }
0x9b: {  	s22 =	simm.s32 $0x1BFF;
	s21 =	sshll.u32 s6, $0x1;
	s3 =	sadd.s32 s4, s19  }
0x9c: {  	s7 =	simm.s32 $0x0;
	s20 =	sshll.u32 s5, $0x1;
	s5 =	sadd.s32 s21, s3  }
0x9d: {  	[timem:s7], [sflag:s22] =	dma.local [hbm:s5], s20  }
0x9e: {  	_ =	swait.ge [sflag:s22], s20  }
0x9f: {  	s4 =	ssub.s32 $0x0, s20;
	[sflag:s22] =	ssyncset.done $0x0  }
0xa0: {  	[sflag:s22] =	ssyncadd.s32 s4;
	_ =	sdelay $0x1  }
0xa1: {  	s23 =	simm.s32 $0x1B8B  }
0xa2: {  	_ =	swait.ge [sflag:s23], $0x1  }
0xa3: {  	[sflag:s23] =	ssyncset.done $0x0  }
0xa4: {  	s25 =	simm.s32 $0x1B8E;
	s24 =	sld [smem:$0x3FFE];
	[sflag:s23] =	ssyncadd.s32 $0xFFFFFFFF  }
0xa5: {  	s26 =	simm.s32 $execute0_lowered;
	[smem:$0x3FD2] =	sst s25  }
0xa6: {  	s5 =	sshll.u32 s26, $0x1;
	_ =	strace $0x80000046;
	[dreg:$0x1] =	wrdreg $0xFFFFFFFF  }
0xa7: {  	s28 =	simm.s32 $_size_execute0_lowered;
	s3 =	sadd.s32 s3, s5;
	[dreg:$0x0] =	wrdreg $0x0  }
0xa8: {  	s5 =	sshll.u32 s28, $0x1;
	[dreg:$0x2] =	wrdreg s3  }
0xa9: {  	[dreg:$0x3] =	wrdreg s5  }
0xaa: {  	[dreg:$0x4] =	wrdreg $0xC0  }
0xab: {  	_ =	task [dreg:s7], $0x5FFFF  }
0xac: {  	[dreg:$0x1] =	wrdreg $0xFFFFFFFF  }
0xad: {  	[dreg:$0x0] =	wrdreg $0x60  }
0xae: {  	[dreg:$0x2] =	wrdreg s2  }
0xaf: {  	[dreg:$0x3] =	wrdreg s24  }
0xb0: {  	[dreg:$0x4] =	wrdreg $0x9  }
0xb1: {  	_ =	task.clear_ibuf [dreg:s7], $0x5FFFF;
	_ =	strace $0x90000046  }
0xb2: {  	s29 =	simm.s32 $0x9;
	_ =	strace $0x80000048  }
0xb3: {  	_ =	swait.ge [sflag:s29], $0x1  }
0xb4: {  	[sflag:s29] =	ssyncadd.s32 $0xFFFFFFFF  }
0xb5: {  	_ =	strace $0x90000048  }
0xb6: {  	_ =	sfence  }
0xb7: {  	s30 =	sld [smem:$0x0];
	_ =	sdelay $0x2  }
0xb8: {  	s31 =	sshll.u32 s1, $0xD;
	s1 =	sshrl.u32 s1, $0x2  }
0xb9: {  	s3 =	sand.u32 $0x4000, s31;
	s1 =	sadd.s32 s1, s30  }
0xba: {  	s0 =	sor.u32 s3, s0;
	s1 =	sshll.u32 s1, $0x11  }
0xbb: {  	s0 =	sor.u32 s1, s0  }
0xbc: {  	s0 =	sadd.s32 $0x8F2B, s0  }
0xbd: {  	[sflag:s0] =	ssyncadd.remote.s32 $0x1  }
0xbe: {  	_ =	sfence.sel $0xFFFF  }
0xbf: {  	[dreg:$0x0] =	wrdreg $0xFFFFFFFF;
	(pc) =	sbr.abs _section_cstart, $3  }
0xc0: {  	[dreg:$0x1] =	wrdreg $0xFFFFFFFF  }
0xc1: {  	_ =	task.clear_ibuf [dreg:s7], $0x2FFFF;
	_ =	strace $0x9FFFFFFF  }
0xc2: {  	(tm) =	ssettm $0x7FFFFFFF  }
0xc3: {  	_ =	shalt  }
tec
execute0_lowered:
.L_overlay_start_1:
0x0: {  	(tag) =	ssettag $0x1  }
0x1: {  	s0 =	srdreg.scid  }
0x2: {  	s3 =	sand.u32 $0x1, s0  }
0x3: {  	s4 =	rddreg [dreg:$0x0];
	s0 =	stileid.u32;
	s1 =	sshll.u32 s3, $0x4  }
0x4: {  	s5 =	rddreg [dreg:$0x1];
	s9 =	simm.s32 $0x2800;
	s2 =	sor.u32 s0, s1  }
0x5: {  	s10 =	simm.s32 $0x0;
	s7 =	sshll.u32 s0, $0x7;
	s6 =	sshrl.u32 s2, $0x3  }
0x6: {  	s3 =	ssub.s32 $0x2, s3;
	s1 =	rddreg [dreg:$0x2];
	s8 =	smul.u32 $0x13C00, s6  }
0x7: {  	s7 =	sand.u32 $0x380, s7;
	s2 =	simm.s32 $0x0;
	s6 =	smul.u32 $0x14000, s6  }
0x8: {  	s31 =	sshrl.u32 s3, $0x1;
	[smem:$0x7FF] =	sst s2;
	s8 =	sor.u32 s7, s8  }
0x9: {  	_ =	strace $0x80000047;
	s6 =	sor.u32 s7, s6;
	s8 =	sshrl.u32 s8, $0x3  }
0xa: {  	s7 =	ssub.s32 s3, s31;
	s6 =	sshrl.u32 s6, $0x3;
	s5 =	sadd.s32 s8, s5  }
0xb: {  	s3 =	sadd.s32 s4, s6;
	s6 =	simm.s32 $0x80;
	s8 =	simm.s32 $0x1  }
0xc: {  	v0 =	vimm.f32 $0.0e+00;
	v1 =	vimm.f32 $1.000000000e+00;
	s4 =	sadd.s32 $0x4200, s5;
	s5 =	smax.u32 s7, $0x1;
	s7 =	simm.s32 $0x400  }
.LBB2_1:
0xd: {  	[tilespmem:s2], [sflag:$0x1] =	stream.strided.gather [hbm4b:s3+s6], $0x2800, s7, s6, $0x38;
	[tilespmem:$0x4F80] =	vst v63  }
0xe: {  	_ =	swait.ge [sflag:s8], $0x2800  }
0xf: {  	[sflag:s8] =	ssyncset.done $0x0  }
0x10: {  	s11 =	simm.s32 $0x0;
	[sflag:s8] =	ssyncadd.s32 $0xFFFFD800  }
.LBB2_2:
0x11: {  	p0 =	sne.s32 s11, $0x9DC0  }
.Ltmp0:
0x12: {  	_ = 	snop;
	(pc) =	sbr.rel @p0 .LBB2_2-.Ltmp0, $3  }
0x13: {  	_ =	sdelay $0x1  }
0x14: {  	s12 =	sshra.s32 s11, $0x2  }
0x15: {  	s11 =	sadd.s32 $0x40, s11;
	[tilespmem:s12+$0x2800] =	vst v0  }
0x16: {  	s12 =	simm.s32 $0x0;
	s11 =	simm.s32 $0x40  }
.LBB2_4:
0x17: {  	p0 =	sne.s32 s11, $0x9FC0;
	v2 =	vld [tilespmem:s12+$0x0];
	_ =	sdelay $0x3  }
.Ltmp1:
0x18: {  	(pc) =	sbr.rel @p0 .LBB2_4-.Ltmp1, $2  }
0x19: {  	_ =	sdelay $0x2  }
0x1a: {  	s12 =	sshra.s32 s11, $0x2;
	s11 =	sadd.s32 $0x40, s11;
	[tilespmem:v2+s9+$0x0] =	vst.idx.add.f32.msk $0xffff, v1  }
0x1b: {  	v2 =	vld [tilespmem:s12+$0x0];
	_ =	sdelay $0x5  }
0x1c: {  	s10 =	sadd.s32 $0x1, s10  }
0x1d: {  	p0 =	sne.s32 s10, s5  }
.Ltmp2:
0x1e: {  	[tilespmem:v2+s9+$0x0] =	vst.idx.add.f32.msk $0xffff, v1;
	(pc) =	sbr.rel @p0 .LBB2_1-.Ltmp2, $4  }
0x1f: {  	[hbm4b:s4+s6] =	stream.strided.scatter [tilespmem:s9], [sflag:$0x1], $0x2780, s7, s6, $0x38;
	[tilespmem:$0x4F80] =	vst v63  }
0x20: {  	_ =	swait.ge [sflag:s8], $0x2780  }
0x21: {  	[sflag:s8] =	ssyncset.done $0x0  }
0x22: {  	[sflag:s8] =	ssyncadd.s32 $0xFFFFD880  }
0x23: {  	_ =	sfence.sel $0x180000  }
0x24: {  	[bflag:$0x0] =	sbarrier.arrive $0xFFFF  }
0x25: {  	p0 =	sne.s32 s0, $0x0;
	_ =	strace $0x90000047  }
0x26: {  	s0 =	sadd.s32 @!p0 $0x100000, s1;
	[bflag:$0x2] =	sbarrier.arrive $0xFFFF  }
0x27: {  	[sflag:s0] =	ssyncadd.tile.s32 @!p0 $0x1;
	_ =	shalt  }
.Lfunc_end2:
_tile_overlayer_lowered:
.L_overlay_start_2:
0x28: {  	(tag) =	ssettag $0x2  }
0x29: {  	s0 =	rddreg [dreg:$0x0];
	s2 =	stileid.u32  }
0x2a: {  	s1 =	rddreg [dreg:$0x1];
	p0 =	sne.s32 s2, $0x0  }
0x2b: {  	s3 =	rddreg [dreg:$0x2];
	[bflag:$0x3] =	sbarrier.arrive $0xFFFF;
	s2 =	simm.s32 @!p0 $0x1C01  }
0x2c: {  	[timem:s3], [sflag:s2] =	dma.local @!p0 [hbm:s0], s1  }
0x2d: {  	s0 =	simm.s32 @!p0 $0x1  }
0x2e: {  	_ =	swait.ge @!p0 [sflag:s0], s1  }
0x2f: {  	s1 =	ssub.s32 @!p0 $0x0, s1;
	[sflag:s0] =	ssyncset.done @!p0 $0x0  }
0x30: {  	[sflag:s0] =	ssyncadd.s32 @!p0 s1  }
0x31: {  	[bflag:$0x3] =	sbarrier.arrive $0xFFFF  }
0x32: {  	_ =	shalt  }

// kernel: kernel.13.cloned.1.call-start
scs
__scs_entry_jumppad:
0x0: {  	(pc) =	sbr.rel $0x88, $3  }
0x1: {  	(tag) =	ssettag $0x0;
	lr =	simm.s32 $0x1  }
0x2: {  	[smem:$0x3F91] =	sst lr;
	_ =	strace $0xD0000000  }
0x3: {  	_ = 	snop  }
0x4: {  	_ = 	snop  }
0x5: {  	_ = 	snop  }
0x6: {  	_ = 	snop  }
0x7: {  	_ = 	snop  }
__scs_overlays_trampoline_lowered:
0x8: {  	[smem:$0x3FA0] =	sst s0  }
0x9: {  	[smem:$0x3FA1] =	sst s1  }
0xa: {  	[smem:$0x3FA2] =	sst s2  }
0xb: {  	[smem:$0x3FA3] =	sst s3  }
0xc: {  	[smem:$0x3FA4] =	sst s4  }
0xd: {  	[smem:$0x3FA5] =	sst s5  }
0xe: {  	[smem:$0x3FA6] =	sst s6  }
0xf: {  	[smem:$0x3FA7] =	sst s7  }
0x10: {  	[smem:$0x3FA8] =	sst s8  }
0x11: {  	[smem:$0x3FA9] =	sst s9;
	s0 =	simm.s32 @!p0 $0x0  }
0x12: {  	s1 =	sld [smem:$0x3F8F];
	s0 =	simm.s32 @p0 $0x1  }
0x13: {  	[smem:$0x3FAA] =	sst s0;
	s0 =	simm.s32 @!p1 $0x0  }
0x14: {  	s2 =	sld [smem:$0x3F8E];
	s0 =	simm.s32 @p1 $0x1  }
0x15: {  	[smem:$0x3FAB] =	sst s0;
	s0 =	simm.s32 @!p2 $0x0  }
0x16: {  	s3 =	sld [smem:$0x3FDB];
	s0 =	simm.s32 @p2 $0x1  }
0x17: {  	s4 =	simm.s32 $0x1BF5;
	[smem:$0x3FAD] =	sst s0  }
0x18: {  	s0 =	sld [smem:$0x3F90];
	_ =	swait.ge [sflag:s4], $0x0  }
0x19: {  	s7 =	sld [smem:$0x3F91]  }
0x1a: {  	s8 =	sadd.s32 $0xFFFFE003, lr  }
0x1b: {  	s9 =	sadd.s32 $0xFFFFFEF7, lr;
	s5 =	simm.s32 $0xFFFFFFFF;
	p2 =	slt.u32 s8, $0xFFFFF086  }
0x1c: {  	p1 =	slt.u32 s9, $0xF7A;
	s5 =	simm.s32 @!p2 $0x0  }
0x1d: {  	s5 =	simm.s32 @p1 $0x1;
	p0 =	seq.s32 s7, s2  }
0x1e: {  	s7 =	smul.u32 @!p0 $0xF7A, s2;
	p2 =	seq.s32 @!p0 s5, $0x0  }
0x1f: {  	s9 =	smul.u32 $0xF7A, s1;
	s8 =	simm.s32 @!p0 $0x1BF5;
	p2 =	por !p2, p0  }
0x20: {  	[sflag:s8] =	ssyncset.s32 @!p0 $0xFFFFF086;
	s6 =	sadd.s32 @!p0 s3, s7;
	s7 =	simm.s32 @!p0 $0x108  }
0x21: {  	s3 =	sadd.s32 s3, s9;
	s6 =	sadd.s32 @!p0 $0x88, s6;
	s7 =	simm.s32 @p2 $0x1082  }
0x22: {  	[simem:s7], [sflag:s8] =	dma.local @!p0 [hbm:s6], $0xF7A  }
0x23: {  	s9 =	sor.u32 $0xD0000000, s2;
	s6 =	simm.s32 $0x108;
	_ =	swait.ge @!p0 [sflag:s8], $0x0  }
0x24: {  	s3 =	sadd.s32 $0x88, s3;
	s6 =	simm.s32 @!p1 $0x1082;
	[sflag:s4] =	ssyncset.s32 $0xFFFFF086  }
0x25: {  	[simem:s6], [sflag:s4] =	dma.local [hbm:s3], $0xF7A  }
0x26: {  	[smem:$0x3F91] =	sst s1;
	(tag) =	ssettag s2;
	_ =	strace s9  }
0x27: {  	s1 =	sld [smem:$0x3FA1]  }
0x28: {  	s2 =	sld [smem:$0x3FA2]  }
0x29: {  	s4 =	sld [smem:$0x3FA4]  }
0x2a: {  	p0 =	seq.s32 s5, $0x0;
	s5 =	sld [smem:$0x3FA5]  }
0x2b: {  	s6 =	sld [smem:$0x3FA6]  }
0x2c: {  	s7 =	sld [smem:$0x3FA7]  }
0x2d: {  	s3 =	simm.s32 $0x108;
	s8 =	sld [smem:$0x3FA8]  }
0x2e: {  	s3 =	simm.s32 @!p0 $0x1082;
	s9 =	sld [smem:$0x3FA9]  }
0x2f: {  	lr =	sadd.s32 s0, s3;
	s0 =	sld [smem:$0x3FA0]  }
0x30: {  	s3 =	sld [smem:$0x3FA3]  }
0x31: {  	[smem:$0x3FAC] =	sst s10  }
0x32: {  	s10 =	sld [smem:$0x3FAA];
	_ =	sdelay $0x3  }
0x33: {  	p0 =	seq.s32 s10, $0x1;
	s10 =	sld [smem:$0x3FAC];
	_ =	sdelay $0x3  }
0x34: {  	[smem:$0x3FAC] =	sst s10  }
0x35: {  	s10 =	sld [smem:$0x3FAB];
	_ =	sdelay $0x3  }
0x36: {  	p1 =	seq.s32 s10, $0x1;
	s10 =	sld [smem:$0x3FAC];
	_ =	sdelay $0x3  }
0x37: {  	[smem:$0x3FAC] =	sst s10  }
0x38: {  	s10 =	sld [smem:$0x3FAD]  }
0x39: {  	_ = 	snop;
	(pc) =	sbr.ind lr, $3  }
0x3a: {  	_ = 	snop  }
0x3b: {  	_ = 	snop  }
0x3c: {  	p2 =	seq.s32 s10, $0x1;
	s10 =	sld [smem:$0x3FAC]  }
0x3d: {  	_ =	shalt  }
0x3e: {  	_ =	shalt  }
0x3f: {  	_ =	shalt  }
0x40: {  	_ =	shalt  }
0x41: {  	_ =	shalt  }
0x42: {  	_ =	shalt  }
0x43: {  	_ =	shalt  }
0x44: {  	_ =	shalt  }
0x45: {  	_ =	shalt  }
0x46: {  	_ =	shalt  }
0x47: {  	_ =	shalt  }
0x48: {  	_ =	shalt  }
0x49: {  	_ =	shalt  }
0x4a: {  	_ =	shalt  }
0x4b: {  	_ =	shalt  }
0x4c: {  	_ =	shalt  }
0x4d: {  	_ =	shalt  }
0x4e: {  	_ =	shalt  }
0x4f: {  	_ =	shalt  }
0x50: {  	_ =	shalt  }
0x51: {  	_ =	shalt  }
0x52: {  	_ =	shalt  }
0x53: {  	_ =	shalt  }
0x54: {  	_ =	shalt  }
0x55: {  	_ =	shalt  }
0x56: {  	_ =	shalt  }
0x57: {  	_ =	shalt  }
0x58: {  	_ =	shalt  }
0x59: {  	_ =	shalt  }
0x5a: {  	_ =	shalt  }
0x5b: {  	_ =	shalt  }
0x5c: {  	_ =	shalt  }
0x5d: {  	_ =	shalt  }
0x5e: {  	_ =	shalt  }
0x5f: {  	_ =	shalt  }
0x60: {  	_ =	shalt  }
0x61: {  	_ =	shalt  }
0x62: {  	_ =	shalt  }
0x63: {  	_ =	shalt  }
0x64: {  	_ =	shalt  }
0x65: {  	_ =	shalt  }
0x66: {  	_ =	shalt  }
0x67: {  	_ =	shalt  }
0x68: {  	_ =	shalt  }
0x69: {  	_ =	shalt  }
0x6a: {  	_ =	shalt  }
0x6b: {  	_ =	shalt  }
0x6c: {  	_ =	shalt  }
0x6d: {  	_ =	shalt  }
0x6e: {  	_ =	shalt  }
0x6f: {  	_ =	shalt  }
0x70: {  	_ =	shalt  }
0x71: {  	_ =	shalt  }
0x72: {  	_ =	shalt  }
0x73: {  	_ =	shalt  }
0x74: {  	_ =	shalt  }
0x75: {  	_ =	shalt  }
0x76: {  	_ =	shalt  }
0x77: {  	_ =	shalt  }
0x78: {  	_ =	shalt  }
0x79: {  	_ =	shalt  }
0x7a: {  	_ =	shalt  }
0x7b: {  	_ =	shalt  }
0x7c: {  	_ =	shalt  }
0x7d: {  	_ =	shalt  }
0x7e: {  	_ =	shalt  }
0x7f: {  	_ =	shalt  }
0x80: {  	_ =	shalt  }
0x81: {  	_ =	shalt  }
0x82: {  	_ =	shalt  }
0x83: {  	_ =	shalt  }
0x84: {  	_ =	shalt  }
0x85: {  	_ =	shalt  }
0x86: {  	_ =	shalt  }
0x87: {  	_ =	shalt  }
.Lfunc_end0:
.L_simem_size_0:
called_computation.1_lowered:
.L_overlay_start_0:
0x88: {  	s2 =	sld [smem:$0x3FD9]  }
0x89: {  	s3 =	sld [smem:$0x3FFE];
	_ =	sdelay $0x1  }
0x8a: {  	s1 =	srdreg.scid  }
0x8b: {  	s0 =	sand.u32 $0x1, s1  }
0x8c: {  	s17 =	sshll.u32 s0, $0xA;
	s2 =	sadd.s32 s3, s2  }
0x8d: {  	s2 =	sadd.s32 s2, s17  }
0x8e: {  	[smem:$0x3FB8] =	sst s2  }
0x8f: {  	_ = 	snop  }
0x90: {  	s2 =	sld [smem:$0x3FD0];
	(tm) =	ssettm $0x1  }
0x91: {  	s18 =	sld [smem:$0x3FFB];
	_ =	sdelay $0x3  }
0x92: {  	_ =	strace s18  }
0x93: {  	s3 =	sld [smem:$0x3FFC];
	_ =	sdelay $0x3  }
0x94: {  	_ =	strace s3  }
0x95: {  	s3 =	sld [smem:$0x3FFD];
	_ =	sdelay $0x3  }
0x96: {  	_ =	strace s3  }
0x97: {  	_ =	strace $0x8FFFFFFF  }
0x98: {  	s19 =	sld [smem:$0x3FDB];
	_ =	sdelay $0x1  }
0x99: {  	s4 =	simm.s32 $_scs_section_size  }
0x9a: {  	s5 =	simm.s32 $_size__tile_overlayer_lowered;
	s6 =	simm.s32 $_tile_overlayer_lowered  }
0x9b: {  	s22 =	simm.s32 $0x1BFF;
	s21 =	sshll.u32 s6, $0x1;
	s3 =	sadd.s32 s4, s19  }
0x9c: {  	s7 =	simm.s32 $0x0;
	s20 =	sshll.u32 s5, $0x1;
	s5 =	sadd.s32 s21, s3  }
0x9d: {  	[timem:s7], [sflag:s22] =	dma.local [hbm:s5], s20  }
0x9e: {  	_ =	swait.ge [sflag:s22], s20  }
0x9f: {  	s4 =	ssub.s32 $0x0, s20;
	[sflag:s22] =	ssyncset.done $0x0  }
0xa0: {  	[sflag:s22] =	ssyncadd.s32 s4;
	_ =	sdelay $0x1  }
0xa1: {  	s23 =	simm.s32 $0x1B8B  }
0xa2: {  	_ =	swait.ge [sflag:s23], $0x1  }
0xa3: {  	[sflag:s23] =	ssyncset.done $0x0  }
0xa4: {  	s25 =	simm.s32 $0x1B8E;
	s24 =	sld [smem:$0x3FFE];
	[sflag:s23] =	ssyncadd.s32 $0xFFFFFFFF  }
0xa5: {  	s26 =	simm.s32 $execute0_lowered;
	[smem:$0x3FD2] =	sst s25  }
0xa6: {  	s5 =	sshll.u32 s26, $0x1;
	_ =	strace $0x80000049;
	[dreg:$0x1] =	wrdreg $0xFFFFFFFF  }
0xa7: {  	s28 =	simm.s32 $_size_execute0_lowered;
	s3 =	sadd.s32 s3, s5;
	[dreg:$0x0] =	wrdreg $0x0  }
0xa8: {  	s5 =	sshll.u32 s28, $0x1;
	[dreg:$0x2] =	wrdreg s3  }
0xa9: {  	[dreg:$0x3] =	wrdreg s5  }
0xaa: {  	[dreg:$0x4] =	wrdreg $0xC0  }
0xab: {  	_ =	task [dreg:s7], $0x5FFFF  }
0xac: {  	[dreg:$0x1] =	wrdreg $0xFFFFFFFF  }
0xad: {  	[dreg:$0x0] =	wrdreg $0x60  }
0xae: {  	[dreg:$0x2] =	wrdreg s24  }
0xaf: {  	[dreg:$0x3] =	wrdreg s2  }
0xb0: {  	[dreg:$0x4] =	wrdreg $0xB8000  }
0xb1: {  	[dreg:$0x5] =	wrdreg $0x9  }
0xb2: {  	_ =	task.clear_ibuf [dreg:s7], $0x6FFFF;
	_ =	strace $0x90000049  }
0xb3: {  	s29 =	simm.s32 $0x9;
	_ =	strace $0x8000004B  }
0xb4: {  	_ =	swait.ge [sflag:s29], $0x1  }
0xb5: {  	[sflag:s29] =	ssyncadd.s32 $0xFFFFFFFF  }
0xb6: {  	_ =	strace $0x9000004B  }
0xb7: {  	_ =	sfence  }
0xb8: {  	s30 =	sld [smem:$0x0];
	_ =	sdelay $0x2  }
0xb9: {  	s31 =	sshll.u32 s1, $0xD;
	s1 =	sshrl.u32 s1, $0x2  }
0xba: {  	s3 =	sand.u32 $0x4000, s31;
	s1 =	sadd.s32 s1, s30  }
0xbb: {  	s0 =	sor.u32 s3, s0;
	s1 =	sshll.u32 s1, $0x11  }
0xbc: {  	s0 =	sor.u32 s1, s0  }
0xbd: {  	s0 =	sadd.s32 $0x8F2B, s0  }
0xbe: {  	[sflag:s0] =	ssyncadd.remote.s32 $0x1  }
0xbf: {  	_ =	sfence.sel $0xFFFF  }
0xc0: {  	[dreg:$0x0] =	wrdreg $0xFFFFFFFF;
	(pc) =	sbr.abs _section_cstart, $3  }
0xc1: {  	[dreg:$0x1] =	wrdreg $0xFFFFFFFF  }
0xc2: {  	_ =	task.clear_ibuf [dreg:s7], $0x2FFFF;
	_ =	strace $0x9FFFFFFF  }
0xc3: {  	(tm) =	ssettm $0x7FFFFFFF  }
tec
execute0_lowered:
.L_overlay_start_1:
0x0: {  	(tag) =	ssettag $0x1  }
0x1: {  	s0 =	rddreg [dreg:$0x0]  }
0x2: {  	s1 =	rddreg [dreg:$0x1]  }
0x3: {  	s2 =	rddreg [dreg:$0x2];
	s3 =	srdreg.scid;
	s4 =	simm.s32 $0x0  }
0x4: {  	s12 =	stileid.u32;
	s16 =	simm.s32 $0x40;
	s17 =	simm.s32 $0x80  }
0x5: {  	s18 =	simm.s32 $0x3800;
	s19 =	simm.s32 $0xC0;
	s20 =	simm.s32 $0x5800  }
0x6: {  	s21 =	simm.s32 $0x5;
	s22 =	simm.s32 $0x7800;
	s7 =	smul.u32 $0x13C00, s12  }
0x7: {  	s23 =	simm.s32 $0x9800;
	s24 =	simm.s32 $0x1;
	s9 =	smul.u32 $0x4F000, s12  }
0x8: {  	s28 =	simm.s32 $0x4;
	s3 =	sand.u32 $0x1, s3;
	s26 =	smul.u32 $0x3000, s12  }
0x9: {  	[smem:$0x7FF] =	sst s4;
	s5 =	sadd.s32 $0x22000, s0;
	s30 =	smul.u32 $0x7000, s12  }
0xa: {  	s10 =	sadd.s32 $0xE000, s0;
	s6 =	smul.u32 $0x13C000, s3;
	s25 =	ssub.s32 $0x2, s3  }
0xb: {  	_ =	strace $0x8000004A;
	p0 =	sne.s32 s3, $0x0;
	s8 =	sshrl.u32 s25, $0x1  }
0xc: {  	s29 =	sshrl.u32 s9, $0x2;
	s15 =	sshrl.u32 s30, $0x3;
	s6 =	sadd.s32 s7, s6  }
0xd: {  	s13 =	ssub.s32 s25, s8;
	s14 =	sadd.s32 s29, s2;
	s8 =	sshrl.u32 s26, $0x3  }
0xe: {  	s31 =	sadd.s32 s10, s15;
	s15 =	simm.s32 $0x6;
	s25 =	simm.s32 $0x2  }
.Ltmp0:
0xf: {  	s26 =	simm.s32 $0x3;
	s6 =	sshrl.u32 s6, $0x3;
	(pc) =	sbr.rel .LBB2_1-.Ltmp0, $4  }
0x10: {  	s11 =	sadd.s32 s10, s8;
	s13 =	smax.u32 s13, $0x1;
	s14 =	sshrl.u32 s14, $0x3  }
0x11: {  	s0 =	sadd.s32 s6, s0;
	s6 =	sshll.u32 s12, $0x6;
	s12 =	smul.u32 $0xE00, s12  }
0x12: {  	s8 =	sadd.s32 $0xE000, s11;
	s9 =	sadd.s32 $0xE300, s11;
	s11 =	sadd.s32 $0x700, s31  }
0x13: {  	s7 =	sor.u32 $0x1C05, s6;
	s10 =	sadd.s32 s10, s12;
	s12 =	sadd.s32 $0x49800, s0  }
.LBB2_7:
0x14: {  	s3 =	sadd.s32 $0x180, s0;
	[sflag:s15] =	ssyncadd.s32 @p1 $0xFFFFC000  }
0x15: {  	[tilespmem:s22], [sflag:$0x3] =	stream.indirect.gather [hbm4b:s5+s16], $0x80, s3, s16, $0xb8;
	[tilespmem:$0x1F400] =	vst v63  }
0x16: {  	s31 =	sadd.s32 $0x1C0, s0  }
0x17: {  	[tilespmem:s23], [sflag:$0x4] =	stream.indirect.gather [hbm4b:s5+s16], $0x80, s31, s16, $0xb8;
	[tilespmem:$0x1F400] =	vst v63  }
0x18: {  	_ =	swait.ge [sflag:s24], $0x2000  }
0x19: {  	[sflag:s24] =	ssyncset.done $0x0  }
0x1a: {  	[sflag:s24] =	ssyncadd.s32 $0xFFFFE000  }
0x1b: {  	_ =	swait.ge [sflag:s25], $0x2000  }
0x1c: {  	[sflag:s25] =	ssyncset.done $0x0  }
0x1d: {  	[sflag:s25] =	ssyncadd.s32 $0xFFFFE000  }
0x1e: {  	[spmem:s2] =	stream.indirect.scatter.add.f32 [tilespmem:s18], [sflag:$0x6], $0x80, s0, s17, $0xb8;
	[tilespmem:$0x1F400] =	vst v63  }
0x1f: {  	_ =	swait.ge [sflag:s15], $0x4000  }
0x20: {  	[sflag:s15] =	ssyncset.done $0x0  }
0x21: {  	s31 =	sadd.s32 $0x280, s0;
	[sflag:s15] =	ssyncadd.s32 $0xFFFFC000  }
0x22: {  	[tilespmem:s18], [sflag:$0x1] =	stream.indirect.gather [hbm4b:s5+s16], $0x80, s31, s16, $0xb8;
	[tilespmem:$0x1F400] =	vst v63  }
0x23: {  	s31 =	sadd.s32 $0x2C0, s0  }
0x24: {  	[tilespmem:s20], [sflag:$0x2] =	stream.indirect.gather [hbm4b:s5+s16], $0x80, s31, s16, $0xb8;
	[tilespmem:$0x1F400] =	vst v63  }
0x25: {  	_ =	swait.ge [sflag:s26], $0x2000  }
0x26: {  	[sflag:s26] =	ssyncset.done $0x0  }
0x27: {  	[sflag:s26] =	ssyncadd.s32 $0xFFFFE000  }
0x28: {  	_ =	swait.ge [sflag:s28], $0x2000  }
0x29: {  	[sflag:s28] =	ssyncset.done $0x0  }
0x2a: {  	s31 =	sadd.s32 $0x100, s0;
	[sflag:s28] =	ssyncadd.s32 $0xFFFFE000  }
0x2b: {  	[spmem:s2] =	stream.indirect.scatter.add.f32 [tilespmem:s22], [sflag:$0x6], $0x80, s31, s17, $0xb8;
	[tilespmem:$0x1F400] =	vst v63  }
0x2c: {  	_ =	swait.ge [sflag:s15], $0x4000  }
0x2d: {  	s29 =	simm.s32 $0x37C0;
	s30 =	simm.s32 $0x3780;
	[sflag:s15] =	ssyncset.done $0x0  }
0x2e: {  	s3 =	simm.s32 $0x3600;
	s0 =	simm.s32 $0x3700;
	[sflag:s15] =	ssyncadd.s32 $0xFFFFC000  }
.LBB2_13:
0x2f: {  	[tilespmem:s22], [sflag:$0x3] =	stream.indirect.gather [hbm4b:s5+s16], $0x80, s30, s16, $0xb8;
	[tilespmem:$0x1F400] =	vst v63  }
0x30: {  	_ = 	snop  }
0x31: {  	[tilespmem:s23], [sflag:$0x4] =	stream.indirect.gather [hbm4b:s5+s16], $0x80, s29, s16, $0xb8;
	[tilespmem:$0x1F400] =	vst v63  }
0x32: {  	_ =	swait.ge [sflag:s24], $0x2000  }
0x33: {  	[sflag:s24] =	ssyncset.done $0x0  }
0x34: {  	[sflag:s24] =	ssyncadd.s32 $0xFFFFE000  }
0x35: {  	_ =	swait.ge [sflag:s25], $0x2000  }
0x36: {  	[sflag:s25] =	ssyncset.done $0x0  }
0x37: {  	[sflag:s25] =	ssyncadd.s32 $0xFFFFE000  }
0x38: {  	[spmem:s2] =	stream.indirect.scatter.add.f32 [tilespmem:s18], [sflag:$0x6], $0x80, s3, s17, $0xb8;
	[tilespmem:$0x1F400] =	vst v63  }
0x39: {  	_ =	swait.ge [sflag:s15], $0x4000  }
0x3a: {  	[sflag:s15] =	ssyncset.done $0x0  }
0x3b: {  	[sflag:s15] =	ssyncadd.s32 $0xFFFFC000  }
0x3c: {  	_ =	swait.ge [sflag:s26], $0x2000  }
0x3d: {  	[sflag:s26] =	ssyncset.done $0x0  }
0x3e: {  	[sflag:s26] =	ssyncadd.s32 $0xFFFFE000  }
0x3f: {  	_ =	swait.ge [sflag:s28], $0x2000  }
0x40: {  	[sflag:s28] =	ssyncset.done $0x0  }
0x41: {  	[sflag:s28] =	ssyncadd.s32 $0xFFFFE000  }
0x42: {  	[spmem:s2] =	stream.indirect.scatter.add.f32 [tilespmem:s22], [sflag:$0x6], $0x80, s0, s17, $0xb8;
	[tilespmem:$0x1F400] =	vst v63  }
0x43: {  	_ =	swait.ge [sflag:s15], $0x4000  }
0x44: {  	s4 =	sadd.s32 $0x1, s4;
	[sflag:s15] =	ssyncset.done $0x0  }
0x45: {  	p1 =	sne.s32 s4, s13;
	[sflag:s15] =	ssyncadd.s32 $0xFFFFC000  }
.Ltmp1:
0x46: {  	s31 =	sor.u32 $0x1C06, s6;
	[bflag:$0x0] =	sbarrier.arrive $0xFFFF;
	(pc) =	sbr.rel @!p1 .LBB2_14-.Ltmp1, $4  }
0x47: {  	[hbm:s12], [sflag:s31] =	dma.local [spmem:s14], $0x2780  }
0x48: {  	_ =	swait.ge [sflag:s15], $0x2780  }
0x49: {  	[sflag:s15] =	ssyncset.done $0x0  }
0x4a: {  	[sflag:s15] =	ssyncadd.s32 $0xFFFFD880  }
.LBB2_1:
.Ltmp2:
0x4b: {  	(pc) =	sbr.rel @p0 .LBB2_8-.Ltmp2, $3  }
0x4c: {  	_ =	sdelay $0x1  }
0x4d: {  	[spmem:s14], [sflag:s7] =	dma.local [hbm:s1], $0x2780  }
0x4e: {  	s0 =	simm.s32 $0x0  }
0x4f: {  	[tilespmem:s0], [sflag:$0x6] =	stream.linear.gather [hbm4b:s10+s0], $0x3800, $0x38;
	[tilespmem:$0x1F400] =	vst v63  }
0x50: {  	_ =	swait.ge [sflag:s15], $0x3800  }
0x51: {  	[sflag:s15] =	ssyncset.done $0x0  }
0x52: {  	[sflag:s15] =	ssyncadd.s32 $0xFFFFC800  }
0x53: {  	[tilespmem:s18], [sflag:$0x1] =	stream.indirect.gather [hbm4b:s5+s16], $0x80, s17, s16, $0xb8;
	[tilespmem:$0x1F400] =	vst v63  }
0x54: {  	_ = 	snop  }
0x55: {  	[tilespmem:s20], [sflag:$0x2] =	stream.indirect.gather [hbm4b:s5+s16], $0x80, s19, s16, $0xb8;
	[tilespmem:$0x1F400] =	vst v63  }
0x56: {  	_ =	swait.ge [sflag:s21], $0x2780  }
0x57: {  	[sflag:s21] =	ssyncset.done $0x0  }
0x58: {  	[sflag:s21] =	ssyncadd.s32 $0xFFFFD880  }
0x59: {  	s30 =	simm.s32 $0x180;
	[bflag:$0x0] =	sbarrier.arrive $0xFFFF  }
0x5a: {  	[tilespmem:s22], [sflag:$0x3] =	stream.indirect.gather [hbm4b:s5+s16], $0x80, s30, s16, $0xb8;
	[tilespmem:$0x1F400] =	vst v63  }
0x5b: {  	s31 =	simm.s32 $0x1C0  }
0x5c: {  	[tilespmem:s23], [sflag:$0x4] =	stream.indirect.gather [hbm4b:s5+s16], $0x80, s31, s16, $0xb8;
	[tilespmem:$0x1F400] =	vst v63  }
0x5d: {  	_ =	swait.ge [sflag:s24], $0x2000  }
0x5e: {  	[sflag:s24] =	ssyncset.done $0x0  }
0x5f: {  	[sflag:s24] =	ssyncadd.s32 $0xFFFFE000  }
0x60: {  	_ =	swait.ge [sflag:s25], $0x2000  }
0x61: {  	[sflag:s25] =	ssyncset.done $0x0  }
0x62: {  	s3 =	simm.s32 $0x0;
	[sflag:s25] =	ssyncadd.s32 $0xFFFFE000  }
0x63: {  	[spmem:s2] =	stream.indirect.scatter.add.f32 [tilespmem:s18], [sflag:$0x6], $0x80, s3, s17, $0xb8;
	[tilespmem:$0x1F400] =	vst v63  }
0x64: {  	_ =	swait.ge [sflag:s15], $0x4000  }
0x65: {  	[sflag:s15] =	ssyncset.done $0x0  }
0x66: {  	s29 =	simm.s32 $0x280;
	[sflag:s15] =	ssyncadd.s32 $0xFFFFC000  }
0x67: {  	[tilespmem:s18], [sflag:$0x1] =	stream.indirect.gather [hbm4b:s5+s16], $0x80, s29, s16, $0xb8;
	[tilespmem:$0x1F400] =	vst v63  }
0x68: {  	s30 =	simm.s32 $0x2C0  }
0x69: {  	[tilespmem:s20], [sflag:$0x2] =	stream.indirect.gather [hbm4b:s5+s16], $0x80, s30, s16, $0xb8;
	[tilespmem:$0x1F400] =	vst v63  }
0x6a: {  	_ =	swait.ge [sflag:s26], $0x2000  }
0x6b: {  	[sflag:s26] =	ssyncset.done $0x0  }
0x6c: {  	[sflag:s26] =	ssyncadd.s32 $0xFFFFE000  }
0x6d: {  	_ =	swait.ge [sflag:s28], $0x2000  }
0x6e: {  	[sflag:s28] =	ssyncset.done $0x0  }
0x6f: {  	s31 =	simm.s32 $0x100;
	[sflag:s28] =	ssyncadd.s32 $0xFFFFE000  }
0x70: {  	[spmem:s2] =	stream.indirect.scatter.add.f32 [tilespmem:s22], [sflag:$0x6], $0x80, s31, s17, $0xb8;
	[tilespmem:$0x1F400] =	vst v63  }
0x71: {  	_ =	swait.ge [sflag:s15], $0x4000  }
0x72: {  	s0 =	simm.s32 $0x200;
	s3 =	simm.s32 $0x1000;
	[sflag:s15] =	ssyncset.done $0x0  }
.LBB2_3:
0x73: {  	s29 =	sadd.s32 $0x180, s0  }
0x74: {  	[sflag:s15] =	ssyncadd.s32 $0xFFFFC000;
	s30 =	smov.u32 s3;
	s31 =	sadd.s32 $0x800, s3  }
0x75: {  	[tilespmem:s22], [sflag:$0x3] =	stream.indirect.gather [hbm4b:s5+s16], $0x80, s29, s16, $0xb8;
	[tilespmem:$0x1F400] =	vst v63  }
0x76: {  	p1 =	sne.s32 s3, $0xD000;
	s3 =	sadd.s32 $0x1C0, s0  }
0x77: {  	[tilespmem:s23], [sflag:$0x4] =	stream.indirect.gather [hbm4b:s5+s16], $0x80, s3, s16, $0xb8;
	[tilespmem:$0x1F400] =	vst v63  }
0x78: {  	_ =	swait.ge [sflag:s24], $0x2000  }
0x79: {  	[sflag:s24] =	ssyncset.done $0x0  }
0x7a: {  	[sflag:s24] =	ssyncadd.s32 $0xFFFFE000  }
0x7b: {  	_ =	swait.ge [sflag:s25], $0x2000  }
0x7c: {  	[sflag:s25] =	ssyncset.done $0x0  }
0x7d: {  	[sflag:s25] =	ssyncadd.s32 $0xFFFFE000  }
0x7e: {  	[spmem:s2] =	stream.indirect.scatter.add.f32 [tilespmem:s18], [sflag:$0x6], $0x80, s0, s17, $0xb8;
	[tilespmem:$0x1F400] =	vst v63  }
0x7f: {  	_ =	swait.ge [sflag:s15], $0x4000  }
0x80: {  	[sflag:s15] =	ssyncset.done $0x0  }
0x81: {  	s3 =	sadd.s32 $0x280, s0;
	[sflag:s15] =	ssyncadd.s32 $0xFFFFC000  }
0x82: {  	[tilespmem:s18], [sflag:$0x1] =	stream.indirect.gather [hbm4b:s5+s16], $0x80, s3, s16, $0xb8;
	[tilespmem:$0x1F400] =	vst v63  }
0x83: {  	s3 =	sadd.s32 $0x2C0, s0  }
0x84: {  	[tilespmem:s20], [sflag:$0x2] =	stream.indirect.gather [hbm4b:s5+s16], $0x80, s3, s16, $0xb8;
	[tilespmem:$0x1F400] =	vst v63  }
0x85: {  	_ =	swait.ge [sflag:s26], $0x2000  }
0x86: {  	[sflag:s26] =	ssyncset.done $0x0  }
0x87: {  	[sflag:s26] =	ssyncadd.s32 $0xFFFFE000  }
0x88: {  	_ =	swait.ge [sflag:s28], $0x2000  }
.Ltmp3:
0x89: {  	[sflag:s28] =	ssyncset.done $0x0;
	(pc) =	sbr.rel @p1 .LBB2_3-.Ltmp3, $4  }
0x8a: {  	s0 =	sadd.s32 $0x100, s0;
	[sflag:s28] =	ssyncadd.s32 $0xFFFFE000  }
0x8b: {  	[spmem:s2] =	stream.indirect.scatter.add.f32 [tilespmem:s22], [sflag:$0x6], $0x80, s0, s17, $0xb8;
	[tilespmem:$0x1F400] =	vst v63  }
0x8c: {  	_ =	swait.ge [sflag:s15], $0x4000  }
0x8d: {  	s3 =	smov.u32 s31;
	s0 =	sshra.s32 s30, $0x2;
	[sflag:s15] =	ssyncset.done $0x0  }
0x8e: {  	s3 =	sadd.s32 $0x180, s0;
	[sflag:s15] =	ssyncadd.s32 $0xFFFFC000  }
0x8f: {  	[tilespmem:s22], [sflag:$0x3] =	stream.indirect.gather [hbm4b:s5+s16], $0x80, s3, s16, $0xb8;
	[tilespmem:$0x1F400] =	vst v63  }
0x90: {  	s30 =	sadd.s32 $0x1C0, s0  }
0x91: {  	[tilespmem:s23], [sflag:$0x4] =	stream.indirect.gather [hbm4b:s5+s16], $0x80, s30, s16, $0xb8;
	[tilespmem:$0x1F400] =	vst v63  }
0x92: {  	_ =	swait.ge [sflag:s24], $0x2000  }
0x93: {  	[sflag:s24] =	ssyncset.done $0x0  }
0x94: {  	[sflag:s24] =	ssyncadd.s32 $0xFFFFE000  }
0x95: {  	_ =	swait.ge [sflag:s25], $0x2000  }
0x96: {  	[sflag:s25] =	ssyncset.done $0x0  }
0x97: {  	[sflag:s25] =	ssyncadd.s32 $0xFFFFE000  }
0x98: {  	[spmem:s2] =	stream.indirect.scatter.add.f32 [tilespmem:s18], [sflag:$0x6], $0x80, s0, s17, $0xb8;
	[tilespmem:$0x1F400] =	vst v63  }
0x99: {  	_ =	swait.ge [sflag:s15], $0x4000  }
0x9a: {  	[sflag:s15] =	ssyncset.done $0x0  }
0x9b: {  	s31 =	sadd.s32 $0x280, s0;
	[sflag:s15] =	ssyncadd.s32 $0xFFFFC000  }
0x9c: {  	[tilespmem:s18], [sflag:$0x1] =	stream.indirect.gather [hbm4b:s5+s16], $0x80, s31, s16, $0xb8;
	[tilespmem:$0x1F400] =	vst v63  }
0x9d: {  	s29 =	sadd.s32 $0x2C0, s0  }
0x9e: {  	[tilespmem:s20], [sflag:$0x2] =	stream.indirect.gather [hbm4b:s5+s16], $0x80, s29, s16, $0xb8;
	[tilespmem:$0x1F400] =	vst v63  }
0x9f: {  	_ =	swait.ge [sflag:s26], $0x2000  }
0xa0: {  	[sflag:s26] =	ssyncset.done $0x0  }
0xa1: {  	[sflag:s26] =	ssyncadd.s32 $0xFFFFE000  }
0xa2: {  	_ =	swait.ge [sflag:s28], $0x2000  }
0xa3: {  	[sflag:s28] =	ssyncset.done $0x0  }
0xa4: {  	s30 =	sadd.s32 $0x100, s0;
	[sflag:s28] =	ssyncadd.s32 $0xFFFFE000  }
0xa5: {  	[spmem:s2] =	stream.indirect.scatter.add.f32 [tilespmem:s22], [sflag:$0x6], $0x80, s30, s17, $0xb8;
	[tilespmem:$0x1F400] =	vst v63  }
0xa6: {  	_ =	swait.ge [sflag:s15], $0x4000  }
0xa7: {  	[sflag:s15] =	ssyncset.done $0x0  }
0xa8: {  	s31 =	simm.s32 $0x3780;
	[sflag:s15] =	ssyncadd.s32 $0xFFFFC000  }
0xa9: {  	[tilespmem:s22], [sflag:$0x3] =	stream.indirect.gather [hbm4b:s5+s16], $0x80, s31, s16, $0xb8;
	[tilespmem:$0x1F400] =	vst v63  }
0xaa: {  	s3 =	simm.s32 $0x37C0  }
0xab: {  	[tilespmem:s23], [sflag:$0x4] =	stream.indirect.gather [hbm4b:s5+s16], $0x80, s3, s16, $0xb8;
	[tilespmem:$0x1F400] =	vst v63  }
0xac: {  	_ =	swait.ge [sflag:s24], $0x2000  }
0xad: {  	[sflag:s24] =	ssyncset.done $0x0  }
0xae: {  	[sflag:s24] =	ssyncadd.s32 $0xFFFFE000  }
0xaf: {  	_ =	swait.ge [sflag:s25], $0x2000  }
0xb0: {  	[sflag:s25] =	ssyncset.done $0x0  }
0xb1: {  	s29 =	simm.s32 $0x3600;
	[sflag:s25] =	ssyncadd.s32 $0xFFFFE000  }
0xb2: {  	[spmem:s2] =	stream.indirect.scatter.add.f32 [tilespmem:s18], [sflag:$0x6], $0x80, s29, s17, $0xb8;
	[tilespmem:$0x1F400] =	vst v63  }
0xb3: {  	_ =	swait.ge [sflag:s15], $0x4000  }
0xb4: {  	[sflag:s15] =	ssyncset.done $0x0  }
0xb5: {  	[sflag:s15] =	ssyncadd.s32 $0xFFFFC000  }
0xb6: {  	_ =	swait.ge [sflag:s26], $0x2000  }
0xb7: {  	[sflag:s26] =	ssyncset.done $0x0  }
0xb8: {  	[sflag:s26] =	ssyncadd.s32 $0xFFFFE000  }
0xb9: {  	_ =	swait.ge [sflag:s28], $0x2000  }
0xba: {  	[sflag:s28] =	ssyncset.done $0x0  }
0xbb: {  	s30 =	simm.s32 $0x3700;
	[sflag:s28] =	ssyncadd.s32 $0xFFFFE000  }
0xbc: {  	[spmem:s2] =	stream.indirect.scatter.add.f32 [tilespmem:s22], [sflag:$0x6], $0x80, s30, s17, $0xb8;
	[tilespmem:$0x1F400] =	vst v63  }
0xbd: {  	_ =	swait.ge [sflag:s15], $0x4000  }
0xbe: {  	[sflag:s15] =	ssyncset.done $0x0  }
0xbf: {  	s31 =	simm.s32 $0x0;
	[sflag:s15] =	ssyncadd.s32 $0xFFFFC000  }
0xc0: {  	[tilespmem:s31], [sflag:$0x6] =	stream.linear.gather [hbm4b:s11+s31], $0x3800, $0x38;
	[tilespmem:$0x1F400] =	vst v63  }
0xc1: {  	p2 =	por $0x0, $0x0;
	_ =	swait.ge [sflag:s15], $0x3800  }
.Ltmp4:
0xc2: {  	[sflag:s15] =	ssyncset.done $0x0;
	(pc) =	sbr.rel @p2 .LBB2_7-.Ltmp4, $4  }
0xc3: {  	[sflag:s15] =	ssyncadd.s32 $0xFFFFC800  }
0xc4: {  	[tilespmem:s18], [sflag:$0x1] =	stream.indirect.gather [hbm4b:s5+s16], $0x80, s17, s16, $0xb8;
	[tilespmem:$0x1F400] =	vst v63  }
0xc5: {  	p1 =	por $0x0, $0x0;
	s0 =	simm.s32 $0x0  }
0xc6: {  	[tilespmem:s20], [sflag:$0x2] =	stream.indirect.gather [hbm4b:s5+s16], $0x80, s19, s16, $0xb8;
	[tilespmem:$0x1F400] =	vst v63  }
0xc7: {  	s3 =	simm.s32 $0x180  }
0xc8: {  	[tilespmem:s22], [sflag:$0x3] =	stream.indirect.gather [hbm4b:s5+s16], $0x80, s3, s16, $0xb8;
	[tilespmem:$0x1F400] =	vst v63  }
0xc9: {  	s31 =	simm.s32 $0x1C0  }
0xca: {  	[tilespmem:s23], [sflag:$0x4] =	stream.indirect.gather [hbm4b:s5+s16], $0x80, s31, s16, $0xb8;
	[tilespmem:$0x1F400] =	vst v63  }
0xcb: {  	_ =	swait.ge [sflag:s24], $0x2000  }
0xcc: {  	[sflag:s24] =	ssyncset.done $0x0  }
0xcd: {  	[sflag:s24] =	ssyncadd.s32 $0xFFFFE000  }
0xce: {  	_ =	swait.ge [sflag:s25], $0x2000  }
0xcf: {  	[sflag:s25] =	ssyncset.done $0x0  }
0xd0: {  	[sflag:s25] =	ssyncadd.s32 $0xFFFFE000  }
0xd1: {  	[spmem:s2] =	stream.indirect.scatter.add.f32 [tilespmem:s18], [sflag:$0x6], $0x80, s0, s17, $0xb8;
	[tilespmem:$0x1F400] =	vst v63  }
0xd2: {  	_ =	swait.ge [sflag:s15], $0x4000  }
0xd3: {  	[sflag:s15] =	ssyncset.done $0x0  }
0xd4: {  	s29 =	simm.s32 $0x280;
	[sflag:s15] =	ssyncadd.s32 $0xFFFFC000  }
0xd5: {  	[tilespmem:s18], [sflag:$0x1] =	stream.indirect.gather [hbm4b:s5+s16], $0x80, s29, s16, $0xb8;
	[tilespmem:$0x1F400] =	vst v63  }
0xd6: {  	s30 =	simm.s32 $0x2C0  }
0xd7: {  	[tilespmem:s20], [sflag:$0x2] =	stream.indirect.gather [hbm4b:s5+s16], $0x80, s30, s16, $0xb8;
	[tilespmem:$0x1F400] =	vst v63  }
0xd8: {  	_ =	swait.ge [sflag:s26], $0x2000  }
0xd9: {  	[sflag:s26] =	ssyncset.done $0x0  }
0xda: {  	[sflag:s26] =	ssyncadd.s32 $0xFFFFE000  }
0xdb: {  	p2 =	por $0x0, $0x0;
	_ =	swait.ge [sflag:s28], $0x2000  }
.Ltmp5:
0xdc: {  	[sflag:s28] =	ssyncset.done $0x0;
	(pc) =	sbr.rel @p2 .LBB2_7-.Ltmp5, $4  }
0xdd: {  	s31 =	simm.s32 $0x100;
	[sflag:s28] =	ssyncadd.s32 $0xFFFFE000  }
0xde: {  	[spmem:s2] =	stream.indirect.scatter.add.f32 [tilespmem:s22], [sflag:$0x6], $0x80, s31, s17, $0xb8;
	[tilespmem:$0x1F400] =	vst v63  }
0xdf: {  	p1 =	por $0x1, $0x1;
	_ =	swait.ge [sflag:s15], $0x4000  }
0xe0: {  	s3 =	simm.s32 $0x1000;
	s0 =	simm.s32 $0x200;
	[sflag:s15] =	ssyncset.done $0x0  }
.LBB2_6:
0xe1: {  	s29 =	sadd.s32 $0x180, s0  }
0xe2: {  	[sflag:s15] =	ssyncadd.s32 $0xFFFFC000;
	s30 =	smov.u32 s3;
	s31 =	sadd.s32 $0x800, s3  }
0xe3: {  	[tilespmem:s22], [sflag:$0x3] =	stream.indirect.gather [hbm4b:s5+s16], $0x80, s29, s16, $0xb8;
	[tilespmem:$0x1F400] =	vst v63  }
0xe4: {  	p2 =	seq.s32 s3, $0xD000;
	s3 =	sadd.s32 $0x1C0, s0  }
0xe5: {  	[tilespmem:s23], [sflag:$0x4] =	stream.indirect.gather [hbm4b:s5+s16], $0x80, s3, s16, $0xb8;
	[tilespmem:$0x1F400] =	vst v63  }
0xe6: {  	_ =	swait.ge [sflag:s24], $0x2000  }
0xe7: {  	[sflag:s24] =	ssyncset.done $0x0  }
0xe8: {  	[sflag:s24] =	ssyncadd.s32 $0xFFFFE000  }
0xe9: {  	_ =	swait.ge [sflag:s25], $0x2000  }
0xea: {  	[sflag:s25] =	ssyncset.done $0x0  }
0xeb: {  	[sflag:s25] =	ssyncadd.s32 $0xFFFFE000  }
0xec: {  	[spmem:s2] =	stream.indirect.scatter.add.f32 [tilespmem:s18], [sflag:$0x6], $0x80, s0, s17, $0xb8;
	[tilespmem:$0x1F400] =	vst v63  }
0xed: {  	_ =	swait.ge [sflag:s15], $0x4000  }
0xee: {  	[sflag:s15] =	ssyncset.done $0x0  }
0xef: {  	s3 =	sadd.s32 $0x280, s0;
	[sflag:s15] =	ssyncadd.s32 $0xFFFFC000  }
0xf0: {  	[tilespmem:s18], [sflag:$0x1] =	stream.indirect.gather [hbm4b:s5+s16], $0x80, s3, s16, $0xb8;
	[tilespmem:$0x1F400] =	vst v63  }
0xf1: {  	s3 =	sadd.s32 $0x2C0, s0  }
0xf2: {  	[tilespmem:s20], [sflag:$0x2] =	stream.indirect.gather [hbm4b:s5+s16], $0x80, s3, s16, $0xb8;
	[tilespmem:$0x1F400] =	vst v63  }
0xf3: {  	_ =	swait.ge [sflag:s26], $0x2000  }
0xf4: {  	[sflag:s26] =	ssyncset.done $0x0  }
0xf5: {  	[sflag:s26] =	ssyncadd.s32 $0xFFFFE000  }
0xf6: {  	_ =	swait.ge [sflag:s28], $0x2000  }
.Ltmp6:
0xf7: {  	[sflag:s28] =	ssyncset.done $0x0;
	(pc) =	sbr.rel @!p2 .LBB2_6-.Ltmp6, $4  }
0xf8: {  	s0 =	sadd.s32 $0x100, s0;
	[sflag:s28] =	ssyncadd.s32 $0xFFFFE000  }
0xf9: {  	[spmem:s2] =	stream.indirect.scatter.add.f32 [tilespmem:s22], [sflag:$0x6], $0x80, s0, s17, $0xb8;
	[tilespmem:$0x1F400] =	vst v63  }
0xfa: {  	_ =	swait.ge [sflag:s15], $0x4000  }
0xfb: {  	s3 =	smov.u32 s31;
	s0 =	sshra.s32 s30, $0x2;
	[sflag:s15] =	ssyncset.done $0x0  }
.Ltmp7:
0xfc: {  	_ = 	snop;
	(pc) =	sbr.rel .LBB2_7-.Ltmp7, $1  }
0xfd: {  	_ =	sdelay $0x3  }
.LBB2_8:
0xfe: {  	[tilespmem:s0], [sflag:$0x6] =	stream.linear.gather [hbm4b:s8+s0], $0x1800, $0x38;
	[tilespmem:$0x1F400] =	vst v63  }
0xff: {  	_ =	swait.ge [sflag:s15], $0x1800  }
0x100: {  	[sflag:s15] =	ssyncset.done $0x0  }
0x101: {  	[sflag:s15] =	ssyncadd.s32 $0xFFFFE800  }
0x102: {  	[tilespmem:s18], [sflag:$0x1] =	stream.indirect.gather [hbm4b:s5+s16], $0x80, s17, s16, $0xb8;
	[tilespmem:$0x1F400] =	vst v63  }
0x103: {  	_ = 	snop  }
0x104: {  	[tilespmem:s20], [sflag:$0x2] =	stream.indirect.gather [hbm4b:s5+s16], $0x80, s19, s16, $0xb8;
	[tilespmem:$0x1F400] =	vst v63  }
0x105: {  	_ =	swait.ge [sflag:s21], $0x2780  }
0x106: {  	[sflag:s21] =	ssyncset.done $0x0  }
0x107: {  	[sflag:s21] =	ssyncadd.s32 $0xFFFFD880  }
0x108: {  	s30 =	simm.s32 $0x180;
	[bflag:$0x0] =	sbarrier.arrive $0xFFFF  }
0x109: {  	[tilespmem:s22], [sflag:$0x3] =	stream.indirect.gather [hbm4b:s5+s16], $0x80, s30, s16, $0xb8;
	[tilespmem:$0x1F400] =	vst v63  }
0x10a: {  	s31 =	simm.s32 $0x1C0  }
0x10b: {  	[tilespmem:s23], [sflag:$0x4] =	stream.indirect.gather [hbm4b:s5+s16], $0x80, s31, s16, $0xb8;
	[tilespmem:$0x1F400] =	vst v63  }
0x10c: {  	_ =	swait.ge [sflag:s24], $0x2000  }
0x10d: {  	[sflag:s24] =	ssyncset.done $0x0  }
0x10e: {  	[sflag:s24] =	ssyncadd.s32 $0xFFFFE000  }
0x10f: {  	_ =	swait.ge [sflag:s25], $0x2000  }
0x110: {  	[sflag:s25] =	ssyncset.done $0x0  }
0x111: {  	s3 =	simm.s32 $0x0;
	[sflag:s25] =	ssyncadd.s32 $0xFFFFE000  }
0x112: {  	[spmem:s2] =	stream.indirect.scatter.add.f32 [tilespmem:s18], [sflag:$0x6], $0x80, s3, s17, $0xb8;
	[tilespmem:$0x1F400] =	vst v63  }
0x113: {  	_ =	swait.ge [sflag:s15], $0x4000  }
0x114: {  	[sflag:s15] =	ssyncset.done $0x0  }
0x115: {  	s29 =	simm.s32 $0x280;
	[sflag:s15] =	ssyncadd.s32 $0xFFFFC000  }
0x116: {  	[tilespmem:s18], [sflag:$0x1] =	stream.indirect.gather [hbm4b:s5+s16], $0x80, s29, s16, $0xb8;
	[tilespmem:$0x1F400] =	vst v63  }
0x117: {  	s30 =	simm.s32 $0x2C0  }
0x118: {  	[tilespmem:s20], [sflag:$0x2] =	stream.indirect.gather [hbm4b:s5+s16], $0x80, s30, s16, $0xb8;
	[tilespmem:$0x1F400] =	vst v63  }
0x119: {  	_ =	swait.ge [sflag:s26], $0x2000  }
0x11a: {  	[sflag:s26] =	ssyncset.done $0x0  }
0x11b: {  	[sflag:s26] =	ssyncadd.s32 $0xFFFFE000  }
0x11c: {  	_ =	swait.ge [sflag:s28], $0x2000  }
0x11d: {  	[sflag:s28] =	ssyncset.done $0x0  }
0x11e: {  	s31 =	simm.s32 $0x100;
	[sflag:s28] =	ssyncadd.s32 $0xFFFFE000  }
0x11f: {  	[spmem:s2] =	stream.indirect.scatter.add.f32 [tilespmem:s22], [sflag:$0x6], $0x80, s31, s17, $0xb8;
	[tilespmem:$0x1F400] =	vst v63  }
0x120: {  	_ =	swait.ge [sflag:s15], $0x4000  }
0x121: {  	s0 =	simm.s32 $0x200;
	s3 =	simm.s32 $0x1000;
	[sflag:s15] =	ssyncset.done $0x0  }
.LBB2_9:
0x122: {  	s29 =	sadd.s32 $0x180, s0  }
0x123: {  	[sflag:s15] =	ssyncadd.s32 $0xFFFFC000;
	s30 =	smov.u32 s3;
	s31 =	sadd.s32 $0x800, s3  }
0x124: {  	[tilespmem:s22], [sflag:$0x3] =	stream.indirect.gather [hbm4b:s5+s16], $0x80, s29, s16, $0xb8;
	[tilespmem:$0x1F400] =	vst v63  }
0x125: {  	p1 =	sne.s32 s3, $0x5000;
	s3 =	sadd.s32 $0x1C0, s0  }
0x126: {  	[tilespmem:s23], [sflag:$0x4] =	stream.indirect.gather [hbm4b:s5+s16], $0x80, s3, s16, $0xb8;
	[tilespmem:$0x1F400] =	vst v63  }
0x127: {  	_ =	swait.ge [sflag:s24], $0x2000  }
0x128: {  	[sflag:s24] =	ssyncset.done $0x0  }
0x129: {  	[sflag:s24] =	ssyncadd.s32 $0xFFFFE000  }
0x12a: {  	_ =	swait.ge [sflag:s25], $0x2000  }
0x12b: {  	[sflag:s25] =	ssyncset.done $0x0  }
0x12c: {  	[sflag:s25] =	ssyncadd.s32 $0xFFFFE000  }
0x12d: {  	[spmem:s2] =	stream.indirect.scatter.add.f32 [tilespmem:s18], [sflag:$0x6], $0x80, s0, s17, $0xb8;
	[tilespmem:$0x1F400] =	vst v63  }
0x12e: {  	_ =	swait.ge [sflag:s15], $0x4000  }
0x12f: {  	[sflag:s15] =	ssyncset.done $0x0  }
0x130: {  	s3 =	sadd.s32 $0x280, s0;
	[sflag:s15] =	ssyncadd.s32 $0xFFFFC000  }
0x131: {  	[tilespmem:s18], [sflag:$0x1] =	stream.indirect.gather [hbm4b:s5+s16], $0x80, s3, s16, $0xb8;
	[tilespmem:$0x1F400] =	vst v63  }
0x132: {  	s3 =	sadd.s32 $0x2C0, s0  }
0x133: {  	[tilespmem:s20], [sflag:$0x2] =	stream.indirect.gather [hbm4b:s5+s16], $0x80, s3, s16, $0xb8;
	[tilespmem:$0x1F400] =	vst v63  }
0x134: {  	_ =	swait.ge [sflag:s26], $0x2000  }
0x135: {  	[sflag:s26] =	ssyncset.done $0x0  }
0x136: {  	[sflag:s26] =	ssyncadd.s32 $0xFFFFE000  }
0x137: {  	_ =	swait.ge [sflag:s28], $0x2000  }
.Ltmp8:
0x138: {  	[sflag:s28] =	ssyncset.done $0x0;
	(pc) =	sbr.rel @p1 .LBB2_9-.Ltmp8, $4  }
0x139: {  	s0 =	sadd.s32 $0x100, s0;
	[sflag:s28] =	ssyncadd.s32 $0xFFFFE000  }
0x13a: {  	[spmem:s2] =	stream.indirect.scatter.add.f32 [tilespmem:s22], [sflag:$0x6], $0x80, s0, s17, $0xb8;
	[tilespmem:$0x1F400] =	vst v63  }
0x13b: {  	_ =	swait.ge [sflag:s15], $0x4000  }
0x13c: {  	s3 =	smov.u32 s31;
	s0 =	sshra.s32 s30, $0x2;
	[sflag:s15] =	ssyncset.done $0x0  }
0x13d: {  	s3 =	sadd.s32 $0x180, s0;
	[sflag:s15] =	ssyncadd.s32 $0xFFFFC000  }
0x13e: {  	[tilespmem:s22], [sflag:$0x3] =	stream.indirect.gather [hbm4b:s5+s16], $0x80, s3, s16, $0xb8;
	[tilespmem:$0x1F400] =	vst v63  }
0x13f: {  	s29 =	sadd.s32 $0x1C0, s0  }
0x140: {  	[tilespmem:s23], [sflag:$0x4] =	stream.indirect.gather [hbm4b:s5+s16], $0x80, s29, s16, $0xb8;
	[tilespmem:$0x1F400] =	vst v63  }
0x141: {  	_ =	swait.ge [sflag:s24], $0x2000  }
0x142: {  	[sflag:s24] =	ssyncset.done $0x0  }
0x143: {  	[sflag:s24] =	ssyncadd.s32 $0xFFFFE000  }
0x144: {  	_ =	swait.ge [sflag:s25], $0x2000  }
0x145: {  	[sflag:s25] =	ssyncset.done $0x0  }
0x146: {  	[sflag:s25] =	ssyncadd.s32 $0xFFFFE000  }
0x147: {  	[spmem:s2] =	stream.indirect.scatter.add.f32 [tilespmem:s18], [sflag:$0x6], $0x80, s0, s17, $0xb8;
	[tilespmem:$0x1F400] =	vst v63  }
0x148: {  	_ =	swait.ge [sflag:s15], $0x4000  }
0x149: {  	[sflag:s15] =	ssyncset.done $0x0  }
0x14a: {  	s30 =	sadd.s32 $0x280, s0;
	[sflag:s15] =	ssyncadd.s32 $0xFFFFC000  }
0x14b: {  	[tilespmem:s18], [sflag:$0x1] =	stream.indirect.gather [hbm4b:s5+s16], $0x80, s30, s16, $0xb8;
	[tilespmem:$0x1F400] =	vst v63  }
0x14c: {  	s31 =	sadd.s32 $0x2C0, s0  }
0x14d: {  	[tilespmem:s20], [sflag:$0x2] =	stream.indirect.gather [hbm4b:s5+s16], $0x80, s31, s16, $0xb8;
	[tilespmem:$0x1F400] =	vst v63  }
0x14e: {  	_ =	swait.ge [sflag:s26], $0x2000  }
0x14f: {  	[sflag:s26] =	ssyncset.done $0x0  }
0x150: {  	[sflag:s26] =	ssyncadd.s32 $0xFFFFE000  }
0x151: {  	_ =	swait.ge [sflag:s28], $0x2000  }
0x152: {  	[sflag:s28] =	ssyncset.done $0x0  }
0x153: {  	s3 =	sadd.s32 $0x100, s0;
	[sflag:s28] =	ssyncadd.s32 $0xFFFFE000  }
0x154: {  	[spmem:s2] =	stream.indirect.scatter.add.f32 [tilespmem:s22], [sflag:$0x6], $0x80, s3, s17, $0xb8;
	[tilespmem:$0x1F400] =	vst v63  }
0x155: {  	_ =	swait.ge [sflag:s15], $0x4000  }
0x156: {  	[sflag:s15] =	ssyncset.done $0x0  }
0x157: {  	s29 =	simm.s32 $0x1780;
	[sflag:s15] =	ssyncadd.s32 $0xFFFFC000  }
0x158: {  	[tilespmem:s22], [sflag:$0x3] =	stream.indirect.gather [hbm4b:s5+s16], $0x80, s29, s16, $0xb8;
	[tilespmem:$0x1F400] =	vst v63  }
0x159: {  	s30 =	simm.s32 $0x17C0  }
0x15a: {  	[tilespmem:s23], [sflag:$0x4] =	stream.indirect.gather [hbm4b:s5+s16], $0x80, s30, s16, $0xb8;
	[tilespmem:$0x1F400] =	vst v63  }
0x15b: {  	_ =	swait.ge [sflag:s24], $0x2000  }
0x15c: {  	[sflag:s24] =	ssyncset.done $0x0  }
0x15d: {  	[sflag:s24] =	ssyncadd.s32 $0xFFFFE000  }
0x15e: {  	_ =	swait.ge [sflag:s25], $0x2000  }
0x15f: {  	[sflag:s25] =	ssyncset.done $0x0  }
0x160: {  	s31 =	simm.s32 $0x1600;
	[sflag:s25] =	ssyncadd.s32 $0xFFFFE000  }
0x161: {  	[spmem:s2] =	stream.indirect.scatter.add.f32 [tilespmem:s18], [sflag:$0x6], $0x80, s31, s17, $0xb8;
	[tilespmem:$0x1F400] =	vst v63  }
0x162: {  	_ =	swait.ge [sflag:s15], $0x4000  }
0x163: {  	[sflag:s15] =	ssyncset.done $0x0  }
0x164: {  	[sflag:s15] =	ssyncadd.s32 $0xFFFFC000  }
0x165: {  	_ =	swait.ge [sflag:s26], $0x2000  }
0x166: {  	[sflag:s26] =	ssyncset.done $0x0  }
0x167: {  	[sflag:s26] =	ssyncadd.s32 $0xFFFFE000  }
0x168: {  	_ =	swait.ge [sflag:s28], $0x2000  }
0x169: {  	[sflag:s28] =	ssyncset.done $0x0  }
0x16a: {  	s3 =	simm.s32 $0x1700;
	[sflag:s28] =	ssyncadd.s32 $0xFFFFE000  }
0x16b: {  	[spmem:s2] =	stream.indirect.scatter.add.f32 [tilespmem:s22], [sflag:$0x6], $0x80, s3, s17, $0xb8;
	[tilespmem:$0x1F400] =	vst v63  }
0x16c: {  	_ =	swait.ge [sflag:s15], $0x4000  }
0x16d: {  	[sflag:s15] =	ssyncset.done $0x0  }
0x16e: {  	s29 =	simm.s32 $0x0;
	[sflag:s15] =	ssyncadd.s32 $0xFFFFC000  }
0x16f: {  	[tilespmem:s29], [sflag:$0x6] =	stream.linear.gather [hbm4b:s9+s29], $0x1800, $0x38;
	[tilespmem:$0x1F400] =	vst v63  }
0x170: {  	_ =	swait.ge [sflag:s15], $0x1800  }
0x171: {  	[sflag:s15] =	ssyncset.done $0x0  }
0x172: {  	[sflag:s15] =	ssyncadd.s32 $0xFFFFE800  }
0x173: {  	[tilespmem:s18], [sflag:$0x1] =	stream.indirect.gather [hbm4b:s5+s16], $0x80, s17, s16, $0xb8;
	[tilespmem:$0x1F400] =	vst v63  }
0x174: {  	_ = 	snop  }
0x175: {  	[tilespmem:s20], [sflag:$0x2] =	stream.indirect.gather [hbm4b:s5+s16], $0x80, s19, s16, $0xb8;
	[tilespmem:$0x1F400] =	vst v63  }
0x176: {  	s30 =	simm.s32 $0x180  }
0x177: {  	[tilespmem:s22], [sflag:$0x3] =	stream.indirect.gather [hbm4b:s5+s16], $0x80, s30, s16, $0xb8;
	[tilespmem:$0x1F400] =	vst v63  }
0x178: {  	s31 =	simm.s32 $0x1C0  }
0x179: {  	[tilespmem:s23], [sflag:$0x4] =	stream.indirect.gather [hbm4b:s5+s16], $0x80, s31, s16, $0xb8;
	[tilespmem:$0x1F400] =	vst v63  }
0x17a: {  	_ =	swait.ge [sflag:s24], $0x2000  }
0x17b: {  	[sflag:s24] =	ssyncset.done $0x0  }
0x17c: {  	[sflag:s24] =	ssyncadd.s32 $0xFFFFE000  }
0x17d: {  	_ =	swait.ge [sflag:s25], $0x2000  }
0x17e: {  	[sflag:s25] =	ssyncset.done $0x0  }
0x17f: {  	s3 =	simm.s32 $0x0;
	[sflag:s25] =	ssyncadd.s32 $0xFFFFE000  }
0x180: {  	[spmem:s2] =	stream.indirect.scatter.add.f32 [tilespmem:s18], [sflag:$0x6], $0x80, s3, s17, $0xb8;
	[tilespmem:$0x1F400] =	vst v63  }
0x181: {  	_ =	swait.ge [sflag:s15], $0x4000  }
0x182: {  	[sflag:s15] =	ssyncset.done $0x0  }
0x183: {  	s29 =	simm.s32 $0x280;
	[sflag:s15] =	ssyncadd.s32 $0xFFFFC000  }
0x184: {  	[tilespmem:s18], [sflag:$0x1] =	stream.indirect.gather [hbm4b:s5+s16], $0x80, s29, s16, $0xb8;
	[tilespmem:$0x1F400] =	vst v63  }
0x185: {  	s30 =	simm.s32 $0x2C0  }
0x186: {  	[tilespmem:s20], [sflag:$0x2] =	stream.indirect.gather [hbm4b:s5+s16], $0x80, s30, s16, $0xb8;
	[tilespmem:$0x1F400] =	vst v63  }
0x187: {  	_ =	swait.ge [sflag:s26], $0x2000  }
0x188: {  	[sflag:s26] =	ssyncset.done $0x0  }
0x189: {  	[sflag:s26] =	ssyncadd.s32 $0xFFFFE000  }
0x18a: {  	_ =	swait.ge [sflag:s28], $0x2000  }
0x18b: {  	[sflag:s28] =	ssyncset.done $0x0  }
0x18c: {  	s31 =	simm.s32 $0x100;
	[sflag:s28] =	ssyncadd.s32 $0xFFFFE000  }
0x18d: {  	[spmem:s2] =	stream.indirect.scatter.add.f32 [tilespmem:s22], [sflag:$0x6], $0x80, s31, s17, $0xb8;
	[tilespmem:$0x1F400] =	vst v63  }
0x18e: {  	_ =	swait.ge [sflag:s15], $0x4000  }
0x18f: {  	s0 =	simm.s32 $0x200;
	s3 =	simm.s32 $0x1000;
	[sflag:s15] =	ssyncset.done $0x0  }
.LBB2_11:
0x190: {  	s29 =	sadd.s32 $0x180, s0  }
0x191: {  	[sflag:s15] =	ssyncadd.s32 $0xFFFFC000;
	s30 =	smov.u32 s3;
	s31 =	sadd.s32 $0x800, s3  }
0x192: {  	[tilespmem:s22], [sflag:$0x3] =	stream.indirect.gather [hbm4b:s5+s16], $0x80, s29, s16, $0xb8;
	[tilespmem:$0x1F400] =	vst v63  }
0x193: {  	p1 =	sne.s32 s3, $0x5000;
	s3 =	sadd.s32 $0x1C0, s0  }
0x194: {  	[tilespmem:s23], [sflag:$0x4] =	stream.indirect.gather [hbm4b:s5+s16], $0x80, s3, s16, $0xb8;
	[tilespmem:$0x1F400] =	vst v63  }
0x195: {  	_ =	swait.ge [sflag:s24], $0x2000  }
0x196: {  	[sflag:s24] =	ssyncset.done $0x0  }
0x197: {  	[sflag:s24] =	ssyncadd.s32 $0xFFFFE000  }
0x198: {  	_ =	swait.ge [sflag:s25], $0x2000  }
0x199: {  	[sflag:s25] =	ssyncset.done $0x0  }
0x19a: {  	[sflag:s25] =	ssyncadd.s32 $0xFFFFE000  }
0x19b: {  	[spmem:s2] =	stream.indirect.scatter.add.f32 [tilespmem:s18], [sflag:$0x6], $0x80, s0, s17, $0xb8;
	[tilespmem:$0x1F400] =	vst v63  }
0x19c: {  	_ =	swait.ge [sflag:s15], $0x4000  }
0x19d: {  	[sflag:s15] =	ssyncset.done $0x0  }
0x19e: {  	s3 =	sadd.s32 $0x280, s0;
	[sflag:s15] =	ssyncadd.s32 $0xFFFFC000  }
0x19f: {  	[tilespmem:s18], [sflag:$0x1] =	stream.indirect.gather [hbm4b:s5+s16], $0x80, s3, s16, $0xb8;
	[tilespmem:$0x1F400] =	vst v63  }
0x1a0: {  	s3 =	sadd.s32 $0x2C0, s0  }
0x1a1: {  	[tilespmem:s20], [sflag:$0x2] =	stream.indirect.gather [hbm4b:s5+s16], $0x80, s3, s16, $0xb8;
	[tilespmem:$0x1F400] =	vst v63  }
0x1a2: {  	_ =	swait.ge [sflag:s26], $0x2000  }
0x1a3: {  	[sflag:s26] =	ssyncset.done $0x0  }
0x1a4: {  	[sflag:s26] =	ssyncadd.s32 $0xFFFFE000  }
0x1a5: {  	_ =	swait.ge [sflag:s28], $0x2000  }
.Ltmp9:
0x1a6: {  	[sflag:s28] =	ssyncset.done $0x0;
	(pc) =	sbr.rel @p1 .LBB2_11-.Ltmp9, $4  }
0x1a7: {  	s0 =	sadd.s32 $0x100, s0;
	[sflag:s28] =	ssyncadd.s32 $0xFFFFE000  }
0x1a8: {  	[spmem:s2] =	stream.indirect.scatter.add.f32 [tilespmem:s22], [sflag:$0x6], $0x80, s0, s17, $0xb8;
	[tilespmem:$0x1F400] =	vst v63  }
0x1a9: {  	_ =	swait.ge [sflag:s15], $0x4000  }
0x1aa: {  	s3 =	smov.u32 s31;
	s0 =	sshra.s32 s30, $0x2;
	[sflag:s15] =	ssyncset.done $0x0  }
0x1ab: {  	s3 =	sadd.s32 $0x180, s0;
	[sflag:s15] =	ssyncadd.s32 $0xFFFFC000  }
0x1ac: {  	[tilespmem:s22], [sflag:$0x3] =	stream.indirect.gather [hbm4b:s5+s16], $0x80, s3, s16, $0xb8;
	[tilespmem:$0x1F400] =	vst v63  }
0x1ad: {  	s31 =	sadd.s32 $0x1C0, s0  }
0x1ae: {  	[tilespmem:s23], [sflag:$0x4] =	stream.indirect.gather [hbm4b:s5+s16], $0x80, s31, s16, $0xb8;
	[tilespmem:$0x1F400] =	vst v63  }
0x1af: {  	_ =	swait.ge [sflag:s24], $0x2000  }
0x1b0: {  	[sflag:s24] =	ssyncset.done $0x0  }
0x1b1: {  	[sflag:s24] =	ssyncadd.s32 $0xFFFFE000  }
0x1b2: {  	_ =	swait.ge [sflag:s25], $0x2000  }
0x1b3: {  	[sflag:s25] =	ssyncset.done $0x0  }
0x1b4: {  	[sflag:s25] =	ssyncadd.s32 $0xFFFFE000  }
0x1b5: {  	[spmem:s2] =	stream.indirect.scatter.add.f32 [tilespmem:s18], [sflag:$0x6], $0x80, s0, s17, $0xb8;
	[tilespmem:$0x1F400] =	vst v63  }
0x1b6: {  	_ =	swait.ge [sflag:s15], $0x4000  }
0x1b7: {  	[sflag:s15] =	ssyncset.done $0x0  }
0x1b8: {  	s31 =	sadd.s32 $0x280, s0;
	[sflag:s15] =	ssyncadd.s32 $0xFFFFC000  }
0x1b9: {  	[tilespmem:s18], [sflag:$0x1] =	stream.indirect.gather [hbm4b:s5+s16], $0x80, s31, s16, $0xb8;
	[tilespmem:$0x1F400] =	vst v63  }
0x1ba: {  	s31 =	sadd.s32 $0x2C0, s0  }
0x1bb: {  	[tilespmem:s20], [sflag:$0x2] =	stream.indirect.gather [hbm4b:s5+s16], $0x80, s31, s16, $0xb8;
	[tilespmem:$0x1F400] =	vst v63  }
0x1bc: {  	_ =	swait.ge [sflag:s26], $0x2000  }
0x1bd: {  	[sflag:s26] =	ssyncset.done $0x0  }
0x1be: {  	[sflag:s26] =	ssyncadd.s32 $0xFFFFE000  }
0x1bf: {  	_ =	swait.ge [sflag:s28], $0x2000  }
0x1c0: {  	[sflag:s28] =	ssyncset.done $0x0  }
.Ltmp10:
0x1c1: {  	s31 =	sadd.s32 $0x100, s0;
	[sflag:s28] =	ssyncadd.s32 $0xFFFFE000;
	(pc) =	sbr.rel .LBB2_13-.Ltmp10, $4  }
0x1c2: {  	[spmem:s2] =	stream.indirect.scatter.add.f32 [tilespmem:s22], [sflag:$0x6], $0x80, s31, s17, $0xb8;
	[tilespmem:$0x1F400] =	vst v63  }
0x1c3: {  	_ =	swait.ge [sflag:s15], $0x4000  }
0x1c4: {  	s29 =	simm.s32 $0x17C0;
	s30 =	simm.s32 $0x1780;
	[sflag:s15] =	ssyncset.done $0x0  }
0x1c5: {  	s3 =	simm.s32 $0x1600;
	s0 =	simm.s32 $0x1700;
	[sflag:s15] =	ssyncadd.s32 $0xFFFFC000  }
.LBB2_14:
0x1c6: {  	_ =	sfence.sel $0x180000  }
0x1c7: {  	[bflag:$0x0] =	sbarrier.arrive $0xFFFF  }
0x1c8: {  	_ =	strace $0x9000004A  }
0x1c9: {  	s0 =	stileid.u32;
	[bflag:$0x2] =	sbarrier.arrive $0xFFFF  }
0x1ca: {  	p0 =	sne.s32 s0, $0x0;
	s0 =	rddreg [dreg:$0x3]  }
0x1cb: {  	s0 =	sadd.s32 @!p0 $0x100000, s0  }
0x1cc: {  	[sflag:s0] =	ssyncadd.tile.s32 @!p0 $0x1;
	_ =	shalt  }
.Lfunc_end2:
_tile_overlayer_lowered:
.L_overlay_start_2:
0x1cd: {  	(tag) =	ssettag $0x2  }
0x1ce: {  	s0 =	rddreg [dreg:$0x0];
	s2 =	stileid.u32  }
0x1cf: {  	s1 =	rddreg [dreg:$0x1];
	p0 =	sne.s32 s2, $0x0  }
0x1d0: {  	s3 =	rddreg [dreg:$0x2];
	[bflag:$0x3] =	sbarrier.arrive $0xFFFF;
	s2 =	simm.s32 @!p0 $0x1C06  }
0x1d1: {  	[timem:s3], [sflag:s2] =	dma.local @!p0 [hbm:s0], s1  }
0x1d2: {  	s0 =	simm.s32 @!p0 $0x6  }
0x1d3: {  	_ =	swait.ge @!p0 [sflag:s0], s1  }
0x1d4: {  	s1 =	ssub.s32 @!p0 $0x0, s1;
	[sflag:s0] =	ssyncset.done @!p0 $0x0  }
0x1d5: {  	[sflag:s0] =	ssyncadd.s32 @!p0 s1  }
0x1d6: {  	[bflag:$0x3] =	sbarrier.arrive $0xFFFF  }
0x1d7: {  	_ =	shalt  }

// kernel: kernel.16.cloned.1.call-start
scs
__scs_entry_jumppad:
0x0: {  	(pc) =	sbr.rel $0x88, $3  }
0x1: {  	(tag) =	ssettag $0x0;
	lr =	simm.s32 $0x1  }
0x2: {  	[smem:$0x3F91] =	sst lr;
	_ =	strace $0xD0000000  }
0x3: {  	_ = 	snop  }
0x4: {  	_ = 	snop  }
0x5: {  	_ = 	snop  }
0x6: {  	_ = 	snop  }
0x7: {  	_ = 	snop  }
__scs_overlays_trampoline_lowered:
0x8: {  	[smem:$0x3FA0] =	sst s0  }
0x9: {  	[smem:$0x3FA1] =	sst s1  }
0xa: {  	[smem:$0x3FA2] =	sst s2  }
0xb: {  	[smem:$0x3FA3] =	sst s3  }
0xc: {  	[smem:$0x3FA4] =	sst s4  }
0xd: {  	[smem:$0x3FA5] =	sst s5  }
0xe: {  	[smem:$0x3FA6] =	sst s6  }
0xf: {  	[smem:$0x3FA7] =	sst s7  }
0x10: {  	[smem:$0x3FA8] =	sst s8  }
0x11: {  	[smem:$0x3FA9] =	sst s9;
	s0 =	simm.s32 @!p0 $0x0  }
0x12: {  	s1 =	sld [smem:$0x3F8F];
	s0 =	simm.s32 @p0 $0x1  }
0x13: {  	[smem:$0x3FAA] =	sst s0;
	s0 =	simm.s32 @!p1 $0x0  }
0x14: {  	s2 =	sld [smem:$0x3F8E];
	s0 =	simm.s32 @p1 $0x1  }
0x15: {  	[smem:$0x3FAB] =	sst s0;
	s0 =	simm.s32 @!p2 $0x0  }
0x16: {  	s3 =	sld [smem:$0x3FDB];
	s0 =	simm.s32 @p2 $0x1  }
0x17: {  	s4 =	simm.s32 $0x1BF5;
	[smem:$0x3FAD] =	sst s0  }
0x18: {  	s0 =	sld [smem:$0x3F90];
	_ =	swait.ge [sflag:s4], $0x0  }
0x19: {  	s7 =	sld [smem:$0x3F91]  }
0x1a: {  	s8 =	sadd.s32 $0xFFFFE003, lr  }
0x1b: {  	s9 =	sadd.s32 $0xFFFFFEF7, lr;
	s5 =	simm.s32 $0xFFFFFFFF;
	p2 =	slt.u32 s8, $0xFFFFF086  }
0x1c: {  	p1 =	slt.u32 s9, $0xF7A;
	s5 =	simm.s32 @!p2 $0x0  }
0x1d: {  	s5 =	simm.s32 @p1 $0x1;
	p0 =	seq.s32 s7, s2  }
0x1e: {  	s7 =	smul.u32 @!p0 $0xF7A, s2;
	p2 =	seq.s32 @!p0 s5, $0x0  }
0x1f: {  	s9 =	smul.u32 $0xF7A, s1;
	s8 =	simm.s32 @!p0 $0x1BF5;
	p2 =	por !p2, p0  }
0x20: {  	[sflag:s8] =	ssyncset.s32 @!p0 $0xFFFFF086;
	s6 =	sadd.s32 @!p0 s3, s7;
	s7 =	simm.s32 @!p0 $0x108  }
0x21: {  	s3 =	sadd.s32 s3, s9;
	s6 =	sadd.s32 @!p0 $0x88, s6;
	s7 =	simm.s32 @p2 $0x1082  }
0x22: {  	[simem:s7], [sflag:s8] =	dma.local @!p0 [hbm:s6], $0xF7A  }
0x23: {  	s9 =	sor.u32 $0xD0000000, s2;
	s6 =	simm.s32 $0x108;
	_ =	swait.ge @!p0 [sflag:s8], $0x0  }
0x24: {  	s3 =	sadd.s32 $0x88, s3;
	s6 =	simm.s32 @!p1 $0x1082;
	[sflag:s4] =	ssyncset.s32 $0xFFFFF086  }
0x25: {  	[simem:s6], [sflag:s4] =	dma.local [hbm:s3], $0xF7A  }
0x26: {  	[smem:$0x3F91] =	sst s1;
	(tag) =	ssettag s2;
	_ =	strace s9  }
0x27: {  	s1 =	sld [smem:$0x3FA1]  }
0x28: {  	s2 =	sld [smem:$0x3FA2]  }
0x29: {  	s4 =	sld [smem:$0x3FA4]  }
0x2a: {  	p0 =	seq.s32 s5, $0x0;
	s5 =	sld [smem:$0x3FA5]  }
0x2b: {  	s6 =	sld [smem:$0x3FA6]  }
0x2c: {  	s7 =	sld [smem:$0x3FA7]  }
0x2d: {  	s3 =	simm.s32 $0x108;
	s8 =	sld [smem:$0x3FA8]  }
0x2e: {  	s3 =	simm.s32 @!p0 $0x1082;
	s9 =	sld [smem:$0x3FA9]  }
0x2f: {  	lr =	sadd.s32 s0, s3;
	s0 =	sld [smem:$0x3FA0]  }
0x30: {  	s3 =	sld [smem:$0x3FA3]  }
0x31: {  	[smem:$0x3FAC] =	sst s10  }
0x32: {  	s10 =	sld [smem:$0x3FAA];
	_ =	sdelay $0x3  }
0x33: {  	p0 =	seq.s32 s10, $0x1;
	s10 =	sld [smem:$0x3FAC];
	_ =	sdelay $0x3  }
0x34: {  	[smem:$0x3FAC] =	sst s10  }
0x35: {  	s10 =	sld [smem:$0x3FAB];
	_ =	sdelay $0x3  }
0x36: {  	p1 =	seq.s32 s10, $0x1;
	s10 =	sld [smem:$0x3FAC];
	_ =	sdelay $0x3  }
0x37: {  	[smem:$0x3FAC] =	sst s10  }
0x38: {  	s10 =	sld [smem:$0x3FAD]  }
0x39: {  	_ = 	snop;
	(pc) =	sbr.ind lr, $3  }
0x3a: {  	_ = 	snop  }
0x3b: {  	_ = 	snop  }
0x3c: {  	p2 =	seq.s32 s10, $0x1;
	s10 =	sld [smem:$0x3FAC]  }
0x3d: {  	_ =	shalt  }
0x3e: {  	_ =	shalt  }
0x3f: {  	_ =	shalt  }
0x40: {  	_ =	shalt  }
0x41: {  	_ =	shalt  }
0x42: {  	_ =	shalt  }
0x43: {  	_ =	shalt  }
0x44: {  	_ =	shalt  }
0x45: {  	_ =	shalt  }
0x46: {  	_ =	shalt  }
0x47: {  	_ =	shalt  }
0x48: {  	_ =	shalt  }
0x49: {  	_ =	shalt  }
0x4a: {  	_ =	shalt  }
0x4b: {  	_ =	shalt  }
0x4c: {  	_ =	shalt  }
0x4d: {  	_ =	shalt  }
0x4e: {  	_ =	shalt  }
0x4f: {  	_ =	shalt  }
0x50: {  	_ =	shalt  }
0x51: {  	_ =	shalt  }
0x52: {  	_ =	shalt  }
0x53: {  	_ =	shalt  }
0x54: {  	_ =	shalt  }
0x55: {  	_ =	shalt  }
0x56: {  	_ =	shalt  }
0x57: {  	_ =	shalt  }
0x58: {  	_ =	shalt  }
0x59: {  	_ =	shalt  }
0x5a: {  	_ =	shalt  }
0x5b: {  	_ =	shalt  }
0x5c: {  	_ =	shalt  }
0x5d: {  	_ =	shalt  }
0x5e: {  	_ =	shalt  }
0x5f: {  	_ =	shalt  }
0x60: {  	_ =	shalt  }
0x61: {  	_ =	shalt  }
0x62: {  	_ =	shalt  }
0x63: {  	_ =	shalt  }
0x64: {  	_ =	shalt  }
0x65: {  	_ =	shalt  }
0x66: {  	_ =	shalt  }
0x67: {  	_ =	shalt  }
0x68: {  	_ =	shalt  }
0x69: {  	_ =	shalt  }
0x6a: {  	_ =	shalt  }
0x6b: {  	_ =	shalt  }
0x6c: {  	_ =	shalt  }
0x6d: {  	_ =	shalt  }
0x6e: {  	_ =	shalt  }
0x6f: {  	_ =	shalt  }
0x70: {  	_ =	shalt  }
0x71: {  	_ =	shalt  }
0x72: {  	_ =	shalt  }
0x73: {  	_ =	shalt  }
0x74: {  	_ =	shalt  }
0x75: {  	_ =	shalt  }
0x76: {  	_ =	shalt  }
0x77: {  	_ =	shalt  }
0x78: {  	_ =	shalt  }
0x79: {  	_ =	shalt  }
0x7a: {  	_ =	shalt  }
0x7b: {  	_ =	shalt  }
0x7c: {  	_ =	shalt  }
0x7d: {  	_ =	shalt  }
0x7e: {  	_ =	shalt  }
0x7f: {  	_ =	shalt  }
0x80: {  	_ =	shalt  }
0x81: {  	_ =	shalt  }
0x82: {  	_ =	shalt  }
0x83: {  	_ =	shalt  }
0x84: {  	_ =	shalt  }
0x85: {  	_ =	shalt  }
0x86: {  	_ =	shalt  }
0x87: {  	_ =	shalt  }
.Lfunc_end0:
.L_simem_size_0:
called_computation.2_lowered:
.L_overlay_start_0:
0x88: {  	s2 =	sld [smem:$0x3FD9]  }
0x89: {  	s3 =	sld [smem:$0x3FFE];
	_ =	sdelay $0x1  }
0x8a: {  	s1 =	srdreg.scid  }
0x8b: {  	s0 =	sand.u32 $0x1, s1  }
0x8c: {  	s17 =	sshll.u32 s0, $0xA;
	s2 =	sadd.s32 s3, s2  }
0x8d: {  	s2 =	sadd.s32 s2, s17  }
0x8e: {  	[smem:$0x3FB8] =	sst s2  }
0x8f: {  	_ = 	snop  }
0x90: {  	s2 =	sld [smem:$0x3FD0];
	(tm) =	ssettm $0x1  }
0x91: {  	s18 =	sld [smem:$0x3FFB];
	_ =	sdelay $0x3  }
0x92: {  	_ =	strace s18  }
0x93: {  	s3 =	sld [smem:$0x3FFC];
	_ =	sdelay $0x3  }
0x94: {  	_ =	strace s3  }
0x95: {  	s3 =	sld [smem:$0x3FFD];
	_ =	sdelay $0x3  }
0x96: {  	_ =	strace s3  }
0x97: {  	_ =	strace $0x8FFFFFFF  }
0x98: {  	s19 =	sld [smem:$0x3FDB];
	_ =	sdelay $0x1  }
0x99: {  	s4 =	simm.s32 $_scs_section_size  }
0x9a: {  	s5 =	simm.s32 $_size__tile_overlayer_lowered;
	s6 =	simm.s32 $_tile_overlayer_lowered  }
0x9b: {  	s22 =	simm.s32 $0x1BFF;
	s21 =	sshll.u32 s6, $0x1;
	s3 =	sadd.s32 s4, s19  }
0x9c: {  	s7 =	simm.s32 $0x0;
	s20 =	sshll.u32 s5, $0x1;
	s5 =	sadd.s32 s21, s3  }
0x9d: {  	[timem:s7], [sflag:s22] =	dma.local [hbm:s5], s20  }
0x9e: {  	_ =	swait.ge [sflag:s22], s20  }
0x9f: {  	s4 =	ssub.s32 $0x0, s20;
	[sflag:s22] =	ssyncset.done $0x0  }
0xa0: {  	[sflag:s22] =	ssyncadd.s32 s4;
	_ =	sdelay $0x1  }
0xa1: {  	s23 =	simm.s32 $0x1B8B  }
0xa2: {  	_ =	swait.ge [sflag:s23], $0x1  }
0xa3: {  	[sflag:s23] =	ssyncset.done $0x0  }
0xa4: {  	s25 =	simm.s32 $0x1B8E;
	s24 =	sld [smem:$0x3FFE];
	[sflag:s23] =	ssyncadd.s32 $0xFFFFFFFF  }
0xa5: {  	s26 =	simm.s32 $execute0_lowered;
	[smem:$0x3FD2] =	sst s25  }
0xa6: {  	s5 =	sshll.u32 s26, $0x1;
	_ =	strace $0x8000004C;
	[dreg:$0x1] =	wrdreg $0xFFFFFFFF  }
0xa7: {  	s28 =	simm.s32 $_size_execute0_lowered;
	s3 =	sadd.s32 s3, s5;
	[dreg:$0x0] =	wrdreg $0x0  }
0xa8: {  	s5 =	sshll.u32 s28, $0x1;
	[dreg:$0x2] =	wrdreg s3  }
0xa9: {  	[dreg:$0x3] =	wrdreg s5  }
0xaa: {  	[dreg:$0x4] =	wrdreg $0xC0  }
0xab: {  	_ =	task [dreg:s7], $0x5FFFF  }
0xac: {  	[dreg:$0x1] =	wrdreg $0xFFFFFFFF  }
0xad: {  	[dreg:$0x0] =	wrdreg $0x60  }
0xae: {  	[dreg:$0x2] =	wrdreg s24  }
0xaf: {  	[dreg:$0x3] =	wrdreg s2  }
0xb0: {  	[dreg:$0x4] =	wrdreg $0xB8000  }
0xb1: {  	[dreg:$0x5] =	wrdreg $0x9  }
0xb2: {  	_ =	task.clear_ibuf [dreg:s7], $0x6FFFF;
	_ =	strace $0x9000004C  }
0xb3: {  	s29 =	simm.s32 $0x9;
	_ =	strace $0x8000004E  }
0xb4: {  	_ =	swait.ge [sflag:s29], $0x1  }
0xb5: {  	[sflag:s29] =	ssyncadd.s32 $0xFFFFFFFF  }
0xb6: {  	_ =	strace $0x9000004E  }
0xb7: {  	_ =	sfence  }
0xb8: {  	s30 =	sld [smem:$0x0];
	_ =	sdelay $0x2  }
0xb9: {  	s31 =	sshll.u32 s1, $0xD;
	s1 =	sshrl.u32 s1, $0x2  }
0xba: {  	s3 =	sand.u32 $0x4000, s31;
	s1 =	sadd.s32 s1, s30  }
0xbb: {  	s0 =	sor.u32 s3, s0;
	s1 =	sshll.u32 s1, $0x11  }
0xbc: {  	s0 =	sor.u32 s1, s0  }
0xbd: {  	s0 =	sadd.s32 $0x8F2B, s0  }
0xbe: {  	[sflag:s0] =	ssyncadd.remote.s32 $0x1  }
0xbf: {  	_ =	sfence.sel $0xFFFF  }
0xc0: {  	[dreg:$0x0] =	wrdreg $0xFFFFFFFF;
	(pc) =	sbr.abs _section_cstart, $3  }
0xc1: {  	[dreg:$0x1] =	wrdreg $0xFFFFFFFF  }
0xc2: {  	_ =	task.clear_ibuf [dreg:s7], $0x2FFFF;
	_ =	strace $0x9FFFFFFF  }
0xc3: {  	(tm) =	ssettm $0x7FFFFFFF  }
tec
execute0_lowered:
.L_overlay_start_1:
0x0: {  	(tag) =	ssettag $0x1  }
0x1: {  	s0 =	rddreg [dreg:$0x0]  }
0x2: {  	s1 =	rddreg [dreg:$0x1]  }
0x3: {  	s2 =	rddreg [dreg:$0x2];
	s3 =	srdreg.scid;
	s4 =	simm.s32 $0x0  }
0x4: {  	s12 =	stileid.u32;
	s16 =	simm.s32 $0x40;
	s17 =	simm.s32 $0x80  }
0x5: {  	s18 =	simm.s32 $0x3800;
	s19 =	simm.s32 $0xC0;
	s20 =	simm.s32 $0x5800  }
0x6: {  	s21 =	simm.s32 $0x5;
	s22 =	simm.s32 $0x7800;
	s7 =	smul.u32 $0x13C00, s12  }
0x7: {  	s23 =	simm.s32 $0x9800;
	s24 =	simm.s32 $0x1;
	s9 =	smul.u32 $0x4F000, s12  }
0x8: {  	s28 =	simm.s32 $0x4;
	s3 =	sand.u32 $0x1, s3;
	s26 =	smul.u32 $0x3000, s12  }
0x9: {  	[smem:$0x7FF] =	sst s4;
	s5 =	sadd.s32 $0x22000, s0;
	s30 =	smul.u32 $0x7000, s12  }
0xa: {  	s10 =	sadd.s32 $0xE000, s0;
	s6 =	smul.u32 $0x13C000, s3;
	s25 =	ssub.s32 $0x2, s3  }
0xb: {  	_ =	strace $0x8000004D;
	p0 =	sne.s32 s3, $0x0;
	s8 =	sshrl.u32 s25, $0x1  }
0xc: {  	s29 =	sshrl.u32 s9, $0x2;
	s15 =	sshrl.u32 s30, $0x3;
	s6 =	sadd.s32 s7, s6  }
0xd: {  	s13 =	ssub.s32 s25, s8;
	s14 =	sadd.s32 s29, s2;
	s8 =	sshrl.u32 s26, $0x3  }
0xe: {  	s31 =	sadd.s32 s10, s15;
	s15 =	simm.s32 $0x6;
	s25 =	simm.s32 $0x2  }
.Ltmp0:
0xf: {  	s26 =	simm.s32 $0x3;
	s6 =	sshrl.u32 s6, $0x3;
	(pc) =	sbr.rel .LBB2_1-.Ltmp0, $4  }
0x10: {  	s11 =	sadd.s32 s10, s8;
	s13 =	smax.u32 s13, $0x1;
	s14 =	sshrl.u32 s14, $0x3  }
0x11: {  	s0 =	sadd.s32 s6, s0;
	s6 =	sshll.u32 s12, $0x6;
	s12 =	smul.u32 $0xE00, s12  }
0x12: {  	s8 =	sadd.s32 $0xE000, s11;
	s9 =	sadd.s32 $0xE300, s11;
	s11 =	sadd.s32 $0x700, s31  }
0x13: {  	s7 =	sor.u32 $0x1C05, s6;
	s10 =	sadd.s32 s10, s12;
	s12 =	sadd.s32 $0x49800, s0  }
.LBB2_7:
0x14: {  	s3 =	sadd.s32 $0x180, s0;
	[sflag:s15] =	ssyncadd.s32 @p1 $0xFFFFC000  }
0x15: {  	[tilespmem:s22], [sflag:$0x3] =	stream.indirect.gather [hbm4b:s5+s16], $0x80, s3, s16, $0xb8;
	[tilespmem:$0x1F400] =	vst v63  }
0x16: {  	s31 =	sadd.s32 $0x1C0, s0  }
0x17: {  	[tilespmem:s23], [sflag:$0x4] =	stream.indirect.gather [hbm4b:s5+s16], $0x80, s31, s16, $0xb8;
	[tilespmem:$0x1F400] =	vst v63  }
0x18: {  	_ =	swait.ge [sflag:s24], $0x2000  }
0x19: {  	[sflag:s24] =	ssyncset.done $0x0  }
0x1a: {  	[sflag:s24] =	ssyncadd.s32 $0xFFFFE000  }
0x1b: {  	_ =	swait.ge [sflag:s25], $0x2000  }
0x1c: {  	[sflag:s25] =	ssyncset.done $0x0  }
0x1d: {  	[sflag:s25] =	ssyncadd.s32 $0xFFFFE000  }
0x1e: {  	[spmem:s2] =	stream.indirect.scatter.add.f32 [tilespmem:s18], [sflag:$0x6], $0x80, s0, s17, $0xb8;
	[tilespmem:$0x1F400] =	vst v63  }
0x1f: {  	_ =	swait.ge [sflag:s15], $0x4000  }
0x20: {  	[sflag:s15] =	ssyncset.done $0x0  }
0x21: {  	s31 =	sadd.s32 $0x280, s0;
	[sflag:s15] =	ssyncadd.s32 $0xFFFFC000  }
0x22: {  	[tilespmem:s18], [sflag:$0x1] =	stream.indirect.gather [hbm4b:s5+s16], $0x80, s31, s16, $0xb8;
	[tilespmem:$0x1F400] =	vst v63  }
0x23: {  	s31 =	sadd.s32 $0x2C0, s0  }
0x24: {  	[tilespmem:s20], [sflag:$0x2] =	stream.indirect.gather [hbm4b:s5+s16], $0x80, s31, s16, $0xb8;
	[tilespmem:$0x1F400] =	vst v63  }
0x25: {  	_ =	swait.ge [sflag:s26], $0x2000  }
0x26: {  	[sflag:s26] =	ssyncset.done $0x0  }
0x27: {  	[sflag:s26] =	ssyncadd.s32 $0xFFFFE000  }
0x28: {  	_ =	swait.ge [sflag:s28], $0x2000  }
0x29: {  	[sflag:s28] =	ssyncset.done $0x0  }
0x2a: {  	s31 =	sadd.s32 $0x100, s0;
	[sflag:s28] =	ssyncadd.s32 $0xFFFFE000  }
0x2b: {  	[spmem:s2] =	stream.indirect.scatter.add.f32 [tilespmem:s22], [sflag:$0x6], $0x80, s31, s17, $0xb8;
	[tilespmem:$0x1F400] =	vst v63  }
0x2c: {  	_ =	swait.ge [sflag:s15], $0x4000  }
0x2d: {  	s29 =	simm.s32 $0x37C0;
	s30 =	simm.s32 $0x3780;
	[sflag:s15] =	ssyncset.done $0x0  }
0x2e: {  	s3 =	simm.s32 $0x3600;
	s0 =	simm.s32 $0x3700;
	[sflag:s15] =	ssyncadd.s32 $0xFFFFC000  }
.LBB2_13:
0x2f: {  	[tilespmem:s22], [sflag:$0x3] =	stream.indirect.gather [hbm4b:s5+s16], $0x80, s30, s16, $0xb8;
	[tilespmem:$0x1F400] =	vst v63  }
0x30: {  	_ = 	snop  }
0x31: {  	[tilespmem:s23], [sflag:$0x4] =	stream.indirect.gather [hbm4b:s5+s16], $0x80, s29, s16, $0xb8;
	[tilespmem:$0x1F400] =	vst v63  }
0x32: {  	_ =	swait.ge [sflag:s24], $0x2000  }
0x33: {  	[sflag:s24] =	ssyncset.done $0x0  }
0x34: {  	[sflag:s24] =	ssyncadd.s32 $0xFFFFE000  }
0x35: {  	_ =	swait.ge [sflag:s25], $0x2000  }
0x36: {  	[sflag:s25] =	ssyncset.done $0x0  }
0x37: {  	[sflag:s25] =	ssyncadd.s32 $0xFFFFE000  }
0x38: {  	[spmem:s2] =	stream.indirect.scatter.add.f32 [tilespmem:s18], [sflag:$0x6], $0x80, s3, s17, $0xb8;
	[tilespmem:$0x1F400] =	vst v63  }
0x39: {  	_ =	swait.ge [sflag:s15], $0x4000  }
0x3a: {  	[sflag:s15] =	ssyncset.done $0x0  }
0x3b: {  	[sflag:s15] =	ssyncadd.s32 $0xFFFFC000  }
0x3c: {  	_ =	swait.ge [sflag:s26], $0x2000  }
0x3d: {  	[sflag:s26] =	ssyncset.done $0x0  }
0x3e: {  	[sflag:s26] =	ssyncadd.s32 $0xFFFFE000  }
0x3f: {  	_ =	swait.ge [sflag:s28], $0x2000  }
0x40: {  	[sflag:s28] =	ssyncset.done $0x0  }
0x41: {  	[sflag:s28] =	ssyncadd.s32 $0xFFFFE000  }
0x42: {  	[spmem:s2] =	stream.indirect.scatter.add.f32 [tilespmem:s22], [sflag:$0x6], $0x80, s0, s17, $0xb8;
	[tilespmem:$0x1F400] =	vst v63  }
0x43: {  	_ =	swait.ge [sflag:s15], $0x4000  }
0x44: {  	s4 =	sadd.s32 $0x1, s4;
	[sflag:s15] =	ssyncset.done $0x0  }
0x45: {  	p1 =	sne.s32 s4, s13;
	[sflag:s15] =	ssyncadd.s32 $0xFFFFC000  }
.Ltmp1:
0x46: {  	s31 =	sor.u32 $0x1C06, s6;
	[bflag:$0x0] =	sbarrier.arrive $0xFFFF;
	(pc) =	sbr.rel @!p1 .LBB2_14-.Ltmp1, $4  }
0x47: {  	[hbm:s12], [sflag:s31] =	dma.local [spmem:s14], $0x2780  }
0x48: {  	_ =	swait.ge [sflag:s15], $0x2780  }
0x49: {  	[sflag:s15] =	ssyncset.done $0x0  }
0x4a: {  	[sflag:s15] =	ssyncadd.s32 $0xFFFFD880  }
.LBB2_1:
.Ltmp2:
0x4b: {  	(pc) =	sbr.rel @p0 .LBB2_8-.Ltmp2, $3  }
0x4c: {  	_ =	sdelay $0x1  }
0x4d: {  	[spmem:s14], [sflag:s7] =	dma.local [hbm:s1], $0x2780  }
0x4e: {  	s0 =	simm.s32 $0x0  }
0x4f: {  	[tilespmem:s0], [sflag:$0x6] =	stream.linear.gather [hbm4b:s10+s0], $0x3800, $0x38;
	[tilespmem:$0x1F400] =	vst v63  }
0x50: {  	_ =	swait.ge [sflag:s15], $0x3800  }
0x51: {  	[sflag:s15] =	ssyncset.done $0x0  }
0x52: {  	[sflag:s15] =	ssyncadd.s32 $0xFFFFC800  }
0x53: {  	[tilespmem:s18], [sflag:$0x1] =	stream.indirect.gather [hbm4b:s5+s16], $0x80, s17, s16, $0xb8;
	[tilespmem:$0x1F400] =	vst v63  }
0x54: {  	_ = 	snop  }
0x55: {  	[tilespmem:s20], [sflag:$0x2] =	stream.indirect.gather [hbm4b:s5+s16], $0x80, s19, s16, $0xb8;
	[tilespmem:$0x1F400] =	vst v63  }
0x56: {  	_ =	swait.ge [sflag:s21], $0x2780  }
0x57: {  	[sflag:s21] =	ssyncset.done $0x0  }
0x58: {  	[sflag:s21] =	ssyncadd.s32 $0xFFFFD880  }
0x59: {  	s30 =	simm.s32 $0x180;
	[bflag:$0x0] =	sbarrier.arrive $0xFFFF  }
0x5a: {  	[tilespmem:s22], [sflag:$0x3] =	stream.indirect.gather [hbm4b:s5+s16], $0x80, s30, s16, $0xb8;
	[tilespmem:$0x1F400] =	vst v63  }
0x5b: {  	s31 =	simm.s32 $0x1C0  }
0x5c: {  	[tilespmem:s23], [sflag:$0x4] =	stream.indirect.gather [hbm4b:s5+s16], $0x80, s31, s16, $0xb8;
	[tilespmem:$0x1F400] =	vst v63  }
0x5d: {  	_ =	swait.ge [sflag:s24], $0x2000  }
0x5e: {  	[sflag:s24] =	ssyncset.done $0x0  }
0x5f: {  	[sflag:s24] =	ssyncadd.s32 $0xFFFFE000  }
0x60: {  	_ =	swait.ge [sflag:s25], $0x2000  }
0x61: {  	[sflag:s25] =	ssyncset.done $0x0  }
0x62: {  	s3 =	simm.s32 $0x0;
	[sflag:s25] =	ssyncadd.s32 $0xFFFFE000  }
0x63: {  	[spmem:s2] =	stream.indirect.scatter.add.f32 [tilespmem:s18], [sflag:$0x6], $0x80, s3, s17, $0xb8;
	[tilespmem:$0x1F400] =	vst v63  }
0x64: {  	_ =	swait.ge [sflag:s15], $0x4000  }
0x65: {  	[sflag:s15] =	ssyncset.done $0x0  }
0x66: {  	s29 =	simm.s32 $0x280;
	[sflag:s15] =	ssyncadd.s32 $0xFFFFC000  }
0x67: {  	[tilespmem:s18], [sflag:$0x1] =	stream.indirect.gather [hbm4b:s5+s16], $0x80, s29, s16, $0xb8;
	[tilespmem:$0x1F400] =	vst v63  }
0x68: {  	s30 =	simm.s32 $0x2C0  }
0x69: {  	[tilespmem:s20], [sflag:$0x2] =	stream.indirect.gather [hbm4b:s5+s16], $0x80, s30, s16, $0xb8;
	[tilespmem:$0x1F400] =	vst v63  }
0x6a: {  	_ =	swait.ge [sflag:s26], $0x2000  }
0x6b: {  	[sflag:s26] =	ssyncset.done $0x0  }
0x6c: {  	[sflag:s26] =	ssyncadd.s32 $0xFFFFE000  }
0x6d: {  	_ =	swait.ge [sflag:s28], $0x2000  }
0x6e: {  	[sflag:s28] =	ssyncset.done $0x0  }
0x6f: {  	s31 =	simm.s32 $0x100;
	[sflag:s28] =	ssyncadd.s32 $0xFFFFE000  }
0x70: {  	[spmem:s2] =	stream.indirect.scatter.add.f32 [tilespmem:s22], [sflag:$0x6], $0x80, s31, s17, $0xb8;
	[tilespmem:$0x1F400] =	vst v63  }
0x71: {  	_ =	swait.ge [sflag:s15], $0x4000  }
0x72: {  	s0 =	simm.s32 $0x200;
	s3 =	simm.s32 $0x1000;
	[sflag:s15] =	ssyncset.done $0x0  }
.LBB2_3:
0x73: {  	s29 =	sadd.s32 $0x180, s0  }
0x74: {  	[sflag:s15] =	ssyncadd.s32 $0xFFFFC000;
	s30 =	smov.u32 s3;
	s31 =	sadd.s32 $0x800, s3  }
0x75: {  	[tilespmem:s22], [sflag:$0x3] =	stream.indirect.gather [hbm4b:s5+s16], $0x80, s29, s16, $0xb8;
	[tilespmem:$0x1F400] =	vst v63  }
0x76: {  	p1 =	sne.s32 s3, $0xD000;
	s3 =	sadd.s32 $0x1C0, s0  }
0x77: {  	[tilespmem:s23], [sflag:$0x4] =	stream.indirect.gather [hbm4b:s5+s16], $0x80, s3, s16, $0xb8;
	[tilespmem:$0x1F400] =	vst v63  }
0x78: {  	_ =	swait.ge [sflag:s24], $0x2000  }
0x79: {  	[sflag:s24] =	ssyncset.done $0x0  }
0x7a: {  	[sflag:s24] =	ssyncadd.s32 $0xFFFFE000  }
0x7b: {  	_ =	swait.ge [sflag:s25], $0x2000  }
0x7c: {  	[sflag:s25] =	ssyncset.done $0x0  }
0x7d: {  	[sflag:s25] =	ssyncadd.s32 $0xFFFFE000  }
0x7e: {  	[spmem:s2] =	stream.indirect.scatter.add.f32 [tilespmem:s18], [sflag:$0x6], $0x80, s0, s17, $0xb8;
	[tilespmem:$0x1F400] =	vst v63  }
0x7f: {  	_ =	swait.ge [sflag:s15], $0x4000  }
0x80: {  	[sflag:s15] =	ssyncset.done $0x0  }
0x81: {  	s3 =	sadd.s32 $0x280, s0;
	[sflag:s15] =	ssyncadd.s32 $0xFFFFC000  }
0x82: {  	[tilespmem:s18], [sflag:$0x1] =	stream.indirect.gather [hbm4b:s5+s16], $0x80, s3, s16, $0xb8;
	[tilespmem:$0x1F400] =	vst v63  }
0x83: {  	s3 =	sadd.s32 $0x2C0, s0  }
0x84: {  	[tilespmem:s20], [sflag:$0x2] =	stream.indirect.gather [hbm4b:s5+s16], $0x80, s3, s16, $0xb8;
	[tilespmem:$0x1F400] =	vst v63  }
0x85: {  	_ =	swait.ge [sflag:s26], $0x2000  }
0x86: {  	[sflag:s26] =	ssyncset.done $0x0  }
0x87: {  	[sflag:s26] =	ssyncadd.s32 $0xFFFFE000  }
0x88: {  	_ =	swait.ge [sflag:s28], $0x2000  }
.Ltmp3:
0x89: {  	[sflag:s28] =	ssyncset.done $0x0;
	(pc) =	sbr.rel @p1 .LBB2_3-.Ltmp3, $4  }
0x8a: {  	s0 =	sadd.s32 $0x100, s0;
	[sflag:s28] =	ssyncadd.s32 $0xFFFFE000  }
0x8b: {  	[spmem:s2] =	stream.indirect.scatter.add.f32 [tilespmem:s22], [sflag:$0x6], $0x80, s0, s17, $0xb8;
	[tilespmem:$0x1F400] =	vst v63  }
0x8c: {  	_ =	swait.ge [sflag:s15], $0x4000  }
0x8d: {  	s3 =	smov.u32 s31;
	s0 =	sshra.s32 s30, $0x2;
	[sflag:s15] =	ssyncset.done $0x0  }
0x8e: {  	s3 =	sadd.s32 $0x180, s0;
	[sflag:s15] =	ssyncadd.s32 $0xFFFFC000  }
0x8f: {  	[tilespmem:s22], [sflag:$0x3] =	stream.indirect.gather [hbm4b:s5+s16], $0x80, s3, s16, $0xb8;
	[tilespmem:$0x1F400] =	vst v63  }
0x90: {  	s30 =	sadd.s32 $0x1C0, s0  }
0x91: {  	[tilespmem:s23], [sflag:$0x4] =	stream.indirect.gather [hbm4b:s5+s16], $0x80, s30, s16, $0xb8;
	[tilespmem:$0x1F400] =	vst v63  }
0x92: {  	_ =	swait.ge [sflag:s24], $0x2000  }
0x93: {  	[sflag:s24] =	ssyncset.done $0x0  }
0x94: {  	[sflag:s24] =	ssyncadd.s32 $0xFFFFE000  }
0x95: {  	_ =	swait.ge [sflag:s25], $0x2000  }
0x96: {  	[sflag:s25] =	ssyncset.done $0x0  }
0x97: {  	[sflag:s25] =	ssyncadd.s32 $0xFFFFE000  }
0x98: {  	[spmem:s2] =	stream.indirect.scatter.add.f32 [tilespmem:s18], [sflag:$0x6], $0x80, s0, s17, $0xb8;
	[tilespmem:$0x1F400] =	vst v63  }
0x99: {  	_ =	swait.ge [sflag:s15], $0x4000  }
0x9a: {  	[sflag:s15] =	ssyncset.done $0x0  }
0x9b: {  	s31 =	sadd.s32 $0x280, s0;
	[sflag:s15] =	ssyncadd.s32 $0xFFFFC000  }
0x9c: {  	[tilespmem:s18], [sflag:$0x1] =	stream.indirect.gather [hbm4b:s5+s16], $0x80, s31, s16, $0xb8;
	[tilespmem:$0x1F400] =	vst v63  }
0x9d: {  	s29 =	sadd.s32 $0x2C0, s0  }
0x9e: {  	[tilespmem:s20], [sflag:$0x2] =	stream.indirect.gather [hbm4b:s5+s16], $0x80, s29, s16, $0xb8;
	[tilespmem:$0x1F400] =	vst v63  }
0x9f: {  	_ =	swait.ge [sflag:s26], $0x2000  }
0xa0: {  	[sflag:s26] =	ssyncset.done $0x0  }
0xa1: {  	[sflag:s26] =	ssyncadd.s32 $0xFFFFE000  }
0xa2: {  	_ =	swait.ge [sflag:s28], $0x2000  }
0xa3: {  	[sflag:s28] =	ssyncset.done $0x0  }
0xa4: {  	s30 =	sadd.s32 $0x100, s0;
	[sflag:s28] =	ssyncadd.s32 $0xFFFFE000  }
0xa5: {  	[spmem:s2] =	stream.indirect.scatter.add.f32 [tilespmem:s22], [sflag:$0x6], $0x80, s30, s17, $0xb8;
	[tilespmem:$0x1F400] =	vst v63  }
0xa6: {  	_ =	swait.ge [sflag:s15], $0x4000  }
0xa7: {  	[sflag:s15] =	ssyncset.done $0x0  }
0xa8: {  	s31 =	simm.s32 $0x3780;
	[sflag:s15] =	ssyncadd.s32 $0xFFFFC000  }
0xa9: {  	[tilespmem:s22], [sflag:$0x3] =	stream.indirect.gather [hbm4b:s5+s16], $0x80, s31, s16, $0xb8;
	[tilespmem:$0x1F400] =	vst v63  }
0xaa: {  	s3 =	simm.s32 $0x37C0  }
0xab: {  	[tilespmem:s23], [sflag:$0x4] =	stream.indirect.gather [hbm4b:s5+s16], $0x80, s3, s16, $0xb8;
	[tilespmem:$0x1F400] =	vst v63  }
0xac: {  	_ =	swait.ge [sflag:s24], $0x2000  }
0xad: {  	[sflag:s24] =	ssyncset.done $0x0  }
0xae: {  	[sflag:s24] =	ssyncadd.s32 $0xFFFFE000  }
0xaf: {  	_ =	swait.ge [sflag:s25], $0x2000  }
0xb0: {  	[sflag:s25] =	ssyncset.done $0x0  }
0xb1: {  	s29 =	simm.s32 $0x3600;
	[sflag:s25] =	ssyncadd.s32 $0xFFFFE000  }
0xb2: {  	[spmem:s2] =	stream.indirect.scatter.add.f32 [tilespmem:s18], [sflag:$0x6], $0x80, s29, s17, $0xb8;
	[tilespmem:$0x1F400] =	vst v63  }
0xb3: {  	_ =	swait.ge [sflag:s15], $0x4000  }
0xb4: {  	[sflag:s15] =	ssyncset.done $0x0  }
0xb5: {  	[sflag:s15] =	ssyncadd.s32 $0xFFFFC000  }
0xb6: {  	_ =	swait.ge [sflag:s26], $0x2000  }
0xb7: {  	[sflag:s26] =	ssyncset.done $0x0  }
0xb8: {  	[sflag:s26] =	ssyncadd.s32 $0xFFFFE000  }
0xb9: {  	_ =	swait.ge [sflag:s28], $0x2000  }
0xba: {  	[sflag:s28] =	ssyncset.done $0x0  }
0xbb: {  	s30 =	simm.s32 $0x3700;
	[sflag:s28] =	ssyncadd.s32 $0xFFFFE000  }
0xbc: {  	[spmem:s2] =	stream.indirect.scatter.add.f32 [tilespmem:s22], [sflag:$0x6], $0x80, s30, s17, $0xb8;
	[tilespmem:$0x1F400] =	vst v63  }
0xbd: {  	_ =	swait.ge [sflag:s15], $0x4000  }
0xbe: {  	[sflag:s15] =	ssyncset.done $0x0  }
0xbf: {  	s31 =	simm.s32 $0x0;
	[sflag:s15] =	ssyncadd.s32 $0xFFFFC000  }
0xc0: {  	[tilespmem:s31], [sflag:$0x6] =	stream.linear.gather [hbm4b:s11+s31], $0x3800, $0x38;
	[tilespmem:$0x1F400] =	vst v63  }
0xc1: {  	p2 =	por $0x0, $0x0;
	_ =	swait.ge [sflag:s15], $0x3800  }
.Ltmp4:
0xc2: {  	[sflag:s15] =	ssyncset.done $0x0;
	(pc) =	sbr.rel @p2 .LBB2_7-.Ltmp4, $4  }
0xc3: {  	[sflag:s15] =	ssyncadd.s32 $0xFFFFC800  }
0xc4: {  	[tilespmem:s18], [sflag:$0x1] =	stream.indirect.gather [hbm4b:s5+s16], $0x80, s17, s16, $0xb8;
	[tilespmem:$0x1F400] =	vst v63  }
0xc5: {  	p1 =	por $0x0, $0x0;
	s0 =	simm.s32 $0x0  }
0xc6: {  	[tilespmem:s20], [sflag:$0x2] =	stream.indirect.gather [hbm4b:s5+s16], $0x80, s19, s16, $0xb8;
	[tilespmem:$0x1F400] =	vst v63  }
0xc7: {  	s3 =	simm.s32 $0x180  }
0xc8: {  	[tilespmem:s22], [sflag:$0x3] =	stream.indirect.gather [hbm4b:s5+s16], $0x80, s3, s16, $0xb8;
	[tilespmem:$0x1F400] =	vst v63  }
0xc9: {  	s31 =	simm.s32 $0x1C0  }
0xca: {  	[tilespmem:s23], [sflag:$0x4] =	stream.indirect.gather [hbm4b:s5+s16], $0x80, s31, s16, $0xb8;
	[tilespmem:$0x1F400] =	vst v63  }
0xcb: {  	_ =	swait.ge [sflag:s24], $0x2000  }
0xcc: {  	[sflag:s24] =	ssyncset.done $0x0  }
0xcd: {  	[sflag:s24] =	ssyncadd.s32 $0xFFFFE000  }
0xce: {  	_ =	swait.ge [sflag:s25], $0x2000  }
0xcf: {  	[sflag:s25] =	ssyncset.done $0x0  }
0xd0: {  	[sflag:s25] =	ssyncadd.s32 $0xFFFFE000  }
0xd1: {  	[spmem:s2] =	stream.indirect.scatter.add.f32 [tilespmem:s18], [sflag:$0x6], $0x80, s0, s17, $0xb8;
	[tilespmem:$0x1F400] =	vst v63  }
0xd2: {  	_ =	swait.ge [sflag:s15], $0x4000  }
0xd3: {  	[sflag:s15] =	ssyncset.done $0x0  }
0xd4: {  	s29 =	simm.s32 $0x280;
	[sflag:s15] =	ssyncadd.s32 $0xFFFFC000  }
0xd5: {  	[tilespmem:s18], [sflag:$0x1] =	stream.indirect.gather [hbm4b:s5+s16], $0x80, s29, s16, $0xb8;
	[tilespmem:$0x1F400] =	vst v63  }
0xd6: {  	s30 =	simm.s32 $0x2C0  }
0xd7: {  	[tilespmem:s20], [sflag:$0x2] =	stream.indirect.gather [hbm4b:s5+s16], $0x80, s30, s16, $0xb8;
	[tilespmem:$0x1F400] =	vst v63  }
0xd8: {  	_ =	swait.ge [sflag:s26], $0x2000  }
0xd9: {  	[sflag:s26] =	ssyncset.done $0x0  }
0xda: {  	[sflag:s26] =	ssyncadd.s32 $0xFFFFE000  }
0xdb: {  	p2 =	por $0x0, $0x0;
	_ =	swait.ge [sflag:s28], $0x2000  }
.Ltmp5:
0xdc: {  	[sflag:s28] =	ssyncset.done $0x0;
	(pc) =	sbr.rel @p2 .LBB2_7-.Ltmp5, $4  }
0xdd: {  	s31 =	simm.s32 $0x100;
	[sflag:s28] =	ssyncadd.s32 $0xFFFFE000  }
0xde: {  	[spmem:s2] =	stream.indirect.scatter.add.f32 [tilespmem:s22], [sflag:$0x6], $0x80, s31, s17, $0xb8;
	[tilespmem:$0x1F400] =	vst v63  }
0xdf: {  	p1 =	por $0x1, $0x1;
	_ =	swait.ge [sflag:s15], $0x4000  }
0xe0: {  	s3 =	simm.s32 $0x1000;
	s0 =	simm.s32 $0x200;
	[sflag:s15] =	ssyncset.done $0x0  }
.LBB2_6:
0xe1: {  	s29 =	sadd.s32 $0x180, s0  }
0xe2: {  	[sflag:s15] =	ssyncadd.s32 $0xFFFFC000;
	s30 =	smov.u32 s3;
	s31 =	sadd.s32 $0x800, s3  }
0xe3: {  	[tilespmem:s22], [sflag:$0x3] =	stream.indirect.gather [hbm4b:s5+s16], $0x80, s29, s16, $0xb8;
	[tilespmem:$0x1F400] =	vst v63  }
0xe4: {  	p2 =	seq.s32 s3, $0xD000;
	s3 =	sadd.s32 $0x1C0, s0  }
0xe5: {  	[tilespmem:s23], [sflag:$0x4] =	stream.indirect.gather [hbm4b:s5+s16], $0x80, s3, s16, $0xb8;
	[tilespmem:$0x1F400] =	vst v63  }
0xe6: {  	_ =	swait.ge [sflag:s24], $0x2000  }
0xe7: {  	[sflag:s24] =	ssyncset.done $0x0  }
0xe8: {  	[sflag:s24] =	ssyncadd.s32 $0xFFFFE000  }
0xe9: {  	_ =	swait.ge [sflag:s25], $0x2000  }
0xea: {  	[sflag:s25] =	ssyncset.done $0x0  }
0xeb: {  	[sflag:s25] =	ssyncadd.s32 $0xFFFFE000  }
0xec: {  	[spmem:s2] =	stream.indirect.scatter.add.f32 [tilespmem:s18], [sflag:$0x6], $0x80, s0, s17, $0xb8;
	[tilespmem:$0x1F400] =	vst v63  }
0xed: {  	_ =	swait.ge [sflag:s15], $0x4000  }
0xee: {  	[sflag:s15] =	ssyncset.done $0x0  }
0xef: {  	s3 =	sadd.s32 $0x280, s0;
	[sflag:s15] =	ssyncadd.s32 $0xFFFFC000  }
0xf0: {  	[tilespmem:s18], [sflag:$0x1] =	stream.indirect.gather [hbm4b:s5+s16], $0x80, s3, s16, $0xb8;
	[tilespmem:$0x1F400] =	vst v63  }
0xf1: {  	s3 =	sadd.s32 $0x2C0, s0  }
0xf2: {  	[tilespmem:s20], [sflag:$0x2] =	stream.indirect.gather [hbm4b:s5+s16], $0x80, s3, s16, $0xb8;
	[tilespmem:$0x1F400] =	vst v63  }
0xf3: {  	_ =	swait.ge [sflag:s26], $0x2000  }
0xf4: {  	[sflag:s26] =	ssyncset.done $0x0  }
0xf5: {  	[sflag:s26] =	ssyncadd.s32 $0xFFFFE000  }
0xf6: {  	_ =	swait.ge [sflag:s28], $0x2000  }
.Ltmp6:
0xf7: {  	[sflag:s28] =	ssyncset.done $0x0;
	(pc) =	sbr.rel @!p2 .LBB2_6-.Ltmp6, $4  }
0xf8: {  	s0 =	sadd.s32 $0x100, s0;
	[sflag:s28] =	ssyncadd.s32 $0xFFFFE000  }
0xf9: {  	[spmem:s2] =	stream.indirect.scatter.add.f32 [tilespmem:s22], [sflag:$0x6], $0x80, s0, s17, $0xb8;
	[tilespmem:$0x1F400] =	vst v63  }
0xfa: {  	_ =	swait.ge [sflag:s15], $0x4000  }
0xfb: {  	s3 =	smov.u32 s31;
	s0 =	sshra.s32 s30, $0x2;
	[sflag:s15] =	ssyncset.done $0x0  }
.Ltmp7:
0xfc: {  	_ = 	snop;
	(pc) =	sbr.rel .LBB2_7-.Ltmp7, $1  }
0xfd: {  	_ =	sdelay $0x3  }
.LBB2_8:
0xfe: {  	[tilespmem:s0], [sflag:$0x6] =	stream.linear.gather [hbm4b:s8+s0], $0x1800, $0x38;
	[tilespmem:$0x1F400] =	vst v63  }
0xff: {  	_ =	swait.ge [sflag:s15], $0x1800  }
0x100: {  	[sflag:s15] =	ssyncset.done $0x0  }
0x101: {  	[sflag:s15] =	ssyncadd.s32 $0xFFFFE800  }
0x102: {  	[tilespmem:s18], [sflag:$0x1] =	stream.indirect.gather [hbm4b:s5+s16], $0x80, s17, s16, $0xb8;
	[tilespmem:$0x1F400] =	vst v63  }
0x103: {  	_ = 	snop  }
0x104: {  	[tilespmem:s20], [sflag:$0x2] =	stream.indirect.gather [hbm4b:s5+s16], $0x80, s19, s16, $0xb8;
	[tilespmem:$0x1F400] =	vst v63  }
0x105: {  	_ =	swait.ge [sflag:s21], $0x2780  }
0x106: {  	[sflag:s21] =	ssyncset.done $0x0  }
0x107: {  	[sflag:s21] =	ssyncadd.s32 $0xFFFFD880  }
0x108: {  	s30 =	simm.s32 $0x180;
	[bflag:$0x0] =	sbarrier.arrive $0xFFFF  }
0x109: {  	[tilespmem:s22], [sflag:$0x3] =	stream.indirect.gather [hbm4b:s5+s16], $0x80, s30, s16, $0xb8;
	[tilespmem:$0x1F400] =	vst v63  }
0x10a: {  	s31 =	simm.s32 $0x1C0  }
0x10b: {  	[tilespmem:s23], [sflag:$0x4] =	stream.indirect.gather [hbm4b:s5+s16], $0x80, s31, s16, $0xb8;
	[tilespmem:$0x1F400] =	vst v63  }
0x10c: {  	_ =	swait.ge [sflag:s24], $0x2000  }
0x10d: {  	[sflag:s24] =	ssyncset.done $0x0  }
0x10e: {  	[sflag:s24] =	ssyncadd.s32 $0xFFFFE000  }
0x10f: {  	_ =	swait.ge [sflag:s25], $0x2000  }
0x110: {  	[sflag:s25] =	ssyncset.done $0x0  }
0x111: {  	s3 =	simm.s32 $0x0;
	[sflag:s25] =	ssyncadd.s32 $0xFFFFE000  }
0x112: {  	[spmem:s2] =	stream.indirect.scatter.add.f32 [tilespmem:s18], [sflag:$0x6], $0x80, s3, s17, $0xb8;
	[tilespmem:$0x1F400] =	vst v63  }
0x113: {  	_ =	swait.ge [sflag:s15], $0x4000  }
0x114: {  	[sflag:s15] =	ssyncset.done $0x0  }
0x115: {  	s29 =	simm.s32 $0x280;
	[sflag:s15] =	ssyncadd.s32 $0xFFFFC000  }
0x116: {  	[tilespmem:s18], [sflag:$0x1] =	stream.indirect.gather [hbm4b:s5+s16], $0x80, s29, s16, $0xb8;
	[tilespmem:$0x1F400] =	vst v63  }
0x117: {  	s30 =	simm.s32 $0x2C0  }
0x118: {  	[tilespmem:s20], [sflag:$0x2] =	stream.indirect.gather [hbm4b:s5+s16], $0x80, s30, s16, $0xb8;
	[tilespmem:$0x1F400] =	vst v63  }
0x119: {  	_ =	swait.ge [sflag:s26], $0x2000  }
0x11a: {  	[sflag:s26] =	ssyncset.done $0x0  }
0x11b: {  	[sflag:s26] =	ssyncadd.s32 $0xFFFFE000  }
0x11c: {  	_ =	swait.ge [sflag:s28], $0x2000  }
0x11d: {  	[sflag:s28] =	ssyncset.done $0x0  }
0x11e: {  	s31 =	simm.s32 $0x100;
	[sflag:s28] =	ssyncadd.s32 $0xFFFFE000  }
0x11f: {  	[spmem:s2] =	stream.indirect.scatter.add.f32 [tilespmem:s22], [sflag:$0x6], $0x80, s31, s17, $0xb8;
	[tilespmem:$0x1F400] =	vst v63  }
0x120: {  	_ =	swait.ge [sflag:s15], $0x4000  }
0x121: {  	s0 =	simm.s32 $0x200;
	s3 =	simm.s32 $0x1000;
	[sflag:s15] =	ssyncset.done $0x0  }
.LBB2_9:
0x122: {  	s29 =	sadd.s32 $0x180, s0  }
0x123: {  	[sflag:s15] =	ssyncadd.s32 $0xFFFFC000;
	s30 =	smov.u32 s3;
	s31 =	sadd.s32 $0x800, s3  }
0x124: {  	[tilespmem:s22], [sflag:$0x3] =	stream.indirect.gather [hbm4b:s5+s16], $0x80, s29, s16, $0xb8;
	[tilespmem:$0x1F400] =	vst v63  }
0x125: {  	p1 =	sne.s32 s3, $0x5000;
	s3 =	sadd.s32 $0x1C0, s0  }
0x126: {  	[tilespmem:s23], [sflag:$0x4] =	stream.indirect.gather [hbm4b:s5+s16], $0x80, s3, s16, $0xb8;
	[tilespmem:$0x1F400] =	vst v63  }
0x127: {  	_ =	swait.ge [sflag:s24], $0x2000  }
0x128: {  	[sflag:s24] =	ssyncset.done $0x0  }
0x129: {  	[sflag:s24] =	ssyncadd.s32 $0xFFFFE000  }
0x12a: {  	_ =	swait.ge [sflag:s25], $0x2000  }
0x12b: {  	[sflag:s25] =	ssyncset.done $0x0  }
0x12c: {  	[sflag:s25] =	ssyncadd.s32 $0xFFFFE000  }
0x12d: {  	[spmem:s2] =	stream.indirect.scatter.add.f32 [tilespmem:s18], [sflag:$0x6], $0x80, s0, s17, $0xb8;
	[tilespmem:$0x1F400] =	vst v63  }
0x12e: {  	_ =	swait.ge [sflag:s15], $0x4000  }
0x12f: {  	[sflag:s15] =	ssyncset.done $0x0  }
0x130: {  	s3 =	sadd.s32 $0x280, s0;
	[sflag:s15] =	ssyncadd.s32 $0xFFFFC000  }
0x131: {  	[tilespmem:s18], [sflag:$0x1] =	stream.indirect.gather [hbm4b:s5+s16], $0x80, s3, s16, $0xb8;
	[tilespmem:$0x1F400] =	vst v63  }
0x132: {  	s3 =	sadd.s32 $0x2C0, s0  }
0x133: {  	[tilespmem:s20], [sflag:$0x2] =	stream.indirect.gather [hbm4b:s5+s16], $0x80, s3, s16, $0xb8;
	[tilespmem:$0x1F400] =	vst v63  }
0x134: {  	_ =	swait.ge [sflag:s26], $0x2000  }
0x135: {  	[sflag:s26] =	ssyncset.done $0x0  }
0x136: {  	[sflag:s26] =	ssyncadd.s32 $0xFFFFE000  }
0x137: {  	_ =	swait.ge [sflag:s28], $0x2000  }
.Ltmp8:
0x138: {  	[sflag:s28] =	ssyncset.done $0x0;
	(pc) =	sbr.rel @p1 .LBB2_9-.Ltmp8, $4  }
0x139: {  	s0 =	sadd.s32 $0x100, s0;
	[sflag:s28] =	ssyncadd.s32 $0xFFFFE000  }
0x13a: {  	[spmem:s2] =	stream.indirect.scatter.add.f32 [tilespmem:s22], [sflag:$0x6], $0x80, s0, s17, $0xb8;
	[tilespmem:$0x1F400] =	vst v63  }
0x13b: {  	_ =	swait.ge [sflag:s15], $0x4000  }
0x13c: {  	s3 =	smov.u32 s31;
	s0 =	sshra.s32 s30, $0x2;
	[sflag:s15] =	ssyncset.done $0x0  }
0x13d: {  	s3 =	sadd.s32 $0x180, s0;
	[sflag:s15] =	ssyncadd.s32 $0xFFFFC000  }
0x13e: {  	[tilespmem:s22], [sflag:$0x3] =	stream.indirect.gather [hbm4b:s5+s16], $0x80, s3, s16, $0xb8;
	[tilespmem:$0x1F400] =	vst v63  }
0x13f: {  	s29 =	sadd.s32 $0x1C0, s0  }
0x140: {  	[tilespmem:s23], [sflag:$0x4] =	stream.indirect.gather [hbm4b:s5+s16], $0x80, s29, s16, $0xb8;
	[tilespmem:$0x1F400] =	vst v63  }
0x141: {  	_ =	swait.ge [sflag:s24], $0x2000  }
0x142: {  	[sflag:s24] =	ssyncset.done $0x0  }
0x143: {  	[sflag:s24] =	ssyncadd.s32 $0xFFFFE000  }
0x144: {  	_ =	swait.ge [sflag:s25], $0x2000  }
0x145: {  	[sflag:s25] =	ssyncset.done $0x0  }
0x146: {  	[sflag:s25] =	ssyncadd.s32 $0xFFFFE000  }
0x147: {  	[spmem:s2] =	stream.indirect.scatter.add.f32 [tilespmem:s18], [sflag:$0x6], $0x80, s0, s17, $0xb8;
	[tilespmem:$0x1F400] =	vst v63  }
0x148: {  	_ =	swait.ge [sflag:s15], $0x4000  }
0x149: {  	[sflag:s15] =	ssyncset.done $0x0  }
0x14a: {  	s30 =	sadd.s32 $0x280, s0;
	[sflag:s15] =	ssyncadd.s32 $0xFFFFC000  }
0x14b: {  	[tilespmem:s18], [sflag:$0x1] =	stream.indirect.gather [hbm4b:s5+s16], $0x80, s30, s16, $0xb8;
	[tilespmem:$0x1F400] =	vst v63  }
0x14c: {  	s31 =	sadd.s32 $0x2C0, s0  }
0x14d: {  	[tilespmem:s20], [sflag:$0x2] =	stream.indirect.gather [hbm4b:s5+s16], $0x80, s31, s16, $0xb8;
	[tilespmem:$0x1F400] =	vst v63  }
0x14e: {  	_ =	swait.ge [sflag:s26], $0x2000  }
0x14f: {  	[sflag:s26] =	ssyncset.done $0x0  }
0x150: {  	[sflag:s26] =	ssyncadd.s32 $0xFFFFE000  }
0x151: {  	_ =	swait.ge [sflag:s28], $0x2000  }
0x152: {  	[sflag:s28] =	ssyncset.done $0x0  }
0x153: {  	s3 =	sadd.s32 $0x100, s0;
	[sflag:s28] =	ssyncadd.s32 $0xFFFFE000  }
0x154: {  	[spmem:s2] =	stream.indirect.scatter.add.f32 [tilespmem:s22], [sflag:$0x6], $0x80, s3, s17, $0xb8;
	[tilespmem:$0x1F400] =	vst v63  }
0x155: {  	_ =	swait.ge [sflag:s15], $0x4000  }
0x156: {  	[sflag:s15] =	ssyncset.done $0x0  }
0x157: {  	s29 =	simm.s32 $0x1780;
	[sflag:s15] =	ssyncadd.s32 $0xFFFFC000  }
0x158: {  	[tilespmem:s22], [sflag:$0x3] =	stream.indirect.gather [hbm4b:s5+s16], $0x80, s29, s16, $0xb8;
	[tilespmem:$0x1F400] =	vst v63  }
0x159: {  	s30 =	simm.s32 $0x17C0  }
0x15a: {  	[tilespmem:s23], [sflag:$0x4] =	stream.indirect.gather [hbm4b:s5+s16], $0x80, s30, s16, $0xb8;
	[tilespmem:$0x1F400] =	vst v63  }
0x15b: {  	_ =	swait.ge [sflag:s24], $0x2000  }
0x15c: {  	[sflag:s24] =	ssyncset.done $0x0  }
0x15d: {  	[sflag:s24] =	ssyncadd.s32 $0xFFFFE000  }
0x15e: {  	_ =	swait.ge [sflag:s25], $0x2000  }
0x15f: {  	[sflag:s25] =	ssyncset.done $0x0  }
0x160: {  	s31 =	simm.s32 $0x1600;
	[sflag:s25] =	ssyncadd.s32 $0xFFFFE000  }
0x161: {  	[spmem:s2] =	stream.indirect.scatter.add.f32 [tilespmem:s18], [sflag:$0x6], $0x80, s31, s17, $0xb8;
	[tilespmem:$0x1F400] =	vst v63  }
0x162: {  	_ =	swait.ge [sflag:s15], $0x4000  }
0x163: {  	[sflag:s15] =	ssyncset.done $0x0  }
0x164: {  	[sflag:s15] =	ssyncadd.s32 $0xFFFFC000  }
0x165: {  	_ =	swait.ge [sflag:s26], $0x2000  }
0x166: {  	[sflag:s26] =	ssyncset.done $0x0  }
0x167: {  	[sflag:s26] =	ssyncadd.s32 $0xFFFFE000  }
0x168: {  	_ =	swait.ge [sflag:s28], $0x2000  }
0x169: {  	[sflag:s28] =	ssyncset.done $0x0  }
0x16a: {  	s3 =	simm.s32 $0x1700;
	[sflag:s28] =	ssyncadd.s32 $0xFFFFE000  }
0x16b: {  	[spmem:s2] =	stream.indirect.scatter.add.f32 [tilespmem:s22], [sflag:$0x6], $0x80, s3, s17, $0xb8;
	[tilespmem:$0x1F400] =	vst v63  }
0x16c: {  	_ =	swait.ge [sflag:s15], $0x4000  }
0x16d: {  	[sflag:s15] =	ssyncset.done $0x0  }
0x16e: {  	s29 =	simm.s32 $0x0;
	[sflag:s15] =	ssyncadd.s32 $0xFFFFC000  }
0x16f: {  	[tilespmem:s29], [sflag:$0x6] =	stream.linear.gather [hbm4b:s9+s29], $0x1800, $0x38;
	[tilespmem:$0x1F400] =	vst v63  }
0x170: {  	_ =	swait.ge [sflag:s15], $0x1800  }
0x171: {  	[sflag:s15] =	ssyncset.done $0x0  }
0x172: {  	[sflag:s15] =	ssyncadd.s32 $0xFFFFE800  }
0x173: {  	[tilespmem:s18], [sflag:$0x1] =	stream.indirect.gather [hbm4b:s5+s16], $0x80, s17, s16, $0xb8;
	[tilespmem:$0x1F400] =	vst v63  }
0x174: {  	_ = 	snop  }
0x175: {  	[tilespmem:s20], [sflag:$0x2] =	stream.indirect.gather [hbm4b:s5+s16], $0x80, s19, s16, $0xb8;
	[tilespmem:$0x1F400] =	vst v63  }
0x176: {  	s30 =	simm.s32 $0x180  }
0x177: {  	[tilespmem:s22], [sflag:$0x3] =	stream.indirect.gather [hbm4b:s5+s16], $0x80, s30, s16, $0xb8;
	[tilespmem:$0x1F400] =	vst v63  }
0x178: {  	s31 =	simm.s32 $0x1C0  }
0x179: {  	[tilespmem:s23], [sflag:$0x4] =	stream.indirect.gather [hbm4b:s5+s16], $0x80, s31, s16, $0xb8;
	[tilespmem:$0x1F400] =	vst v63  }
0x17a: {  	_ =	swait.ge [sflag:s24], $0x2000  }
0x17b: {  	[sflag:s24] =	ssyncset.done $0x0  }
0x17c: {  	[sflag:s24] =	ssyncadd.s32 $0xFFFFE000  }
0x17d: {  	_ =	swait.ge [sflag:s25], $0x2000  }
0x17e: {  	[sflag:s25] =	ssyncset.done $0x0  }
0x17f: {  	s3 =	simm.s32 $0x0;
	[sflag:s25] =	ssyncadd.s32 $0xFFFFE000  }
0x180: {  	[spmem:s2] =	stream.indirect.scatter.add.f32 [tilespmem:s18], [sflag:$0x6], $0x80, s3, s17, $0xb8;
	[tilespmem:$0x1F400] =	vst v63  }
0x181: {  	_ =	swait.ge [sflag:s15], $0x4000  }
0x182: {  	[sflag:s15] =	ssyncset.done $0x0  }
0x183: {  	s29 =	simm.s32 $0x280;
	[sflag:s15] =	ssyncadd.s32 $0xFFFFC000  }
0x184: {  	[tilespmem:s18], [sflag:$0x1] =	stream.indirect.gather [hbm4b:s5+s16], $0x80, s29, s16, $0xb8;
	[tilespmem:$0x1F400] =	vst v63  }
0x185: {  	s30 =	simm.s32 $0x2C0  }
0x186: {  	[tilespmem:s20], [sflag:$0x2] =	stream.indirect.gather [hbm4b:s5+s16], $0x80, s30, s16, $0xb8;
	[tilespmem:$0x1F400] =	vst v63  }
0x187: {  	_ =	swait.ge [sflag:s26], $0x2000  }
0x188: {  	[sflag:s26] =	ssyncset.done $0x0  }
0x189: {  	[sflag:s26] =	ssyncadd.s32 $0xFFFFE000  }
0x18a: {  	_ =	swait.ge [sflag:s28], $0x2000  }
0x18b: {  	[sflag:s28] =	ssyncset.done $0x0  }
0x18c: {  	s31 =	simm.s32 $0x100;
	[sflag:s28] =	ssyncadd.s32 $0xFFFFE000  }
0x18d: {  	[spmem:s2] =	stream.indirect.scatter.add.f32 [tilespmem:s22], [sflag:$0x6], $0x80, s31, s17, $0xb8;
	[tilespmem:$0x1F400] =	vst v63  }
0x18e: {  	_ =	swait.ge [sflag:s15], $0x4000  }
0x18f: {  	s0 =	simm.s32 $0x200;
	s3 =	simm.s32 $0x1000;
	[sflag:s15] =	ssyncset.done $0x0  }
.LBB2_11:
0x190: {  	s29 =	sadd.s32 $0x180, s0  }
0x191: {  	[sflag:s15] =	ssyncadd.s32 $0xFFFFC000;
	s30 =	smov.u32 s3;
	s31 =	sadd.s32 $0x800, s3  }
0x192: {  	[tilespmem:s22], [sflag:$0x3] =	stream.indirect.gather [hbm4b:s5+s16], $0x80, s29, s16, $0xb8;
	[tilespmem:$0x1F400] =	vst v63  }
0x193: {  	p1 =	sne.s32 s3, $0x5000;
	s3 =	sadd.s32 $0x1C0, s0  }
0x194: {  	[tilespmem:s23], [sflag:$0x4] =	stream.indirect.gather [hbm4b:s5+s16], $0x80, s3, s16, $0xb8;
	[tilespmem:$0x1F400] =	vst v63  }
0x195: {  	_ =	swait.ge [sflag:s24], $0x2000  }
0x196: {  	[sflag:s24] =	ssyncset.done $0x0  }
0x197: {  	[sflag:s24] =	ssyncadd.s32 $0xFFFFE000  }
0x198: {  	_ =	swait.ge [sflag:s25], $0x2000  }
0x199: {  	[sflag:s25] =	ssyncset.done $0x0  }
0x19a: {  	[sflag:s25] =	ssyncadd.s32 $0xFFFFE000  }
0x19b: {  	[spmem:s2] =	stream.indirect.scatter.add.f32 [tilespmem:s18], [sflag:$0x6], $0x80, s0, s17, $0xb8;
	[tilespmem:$0x1F400] =	vst v63  }
0x19c: {  	_ =	swait.ge [sflag:s15], $0x4000  }
0x19d: {  	[sflag:s15] =	ssyncset.done $0x0  }
0x19e: {  	s3 =	sadd.s32 $0x280, s0;
	[sflag:s15] =	ssyncadd.s32 $0xFFFFC000  }
0x19f: {  	[tilespmem:s18], [sflag:$0x1] =	stream.indirect.gather [hbm4b:s5+s16], $0x80, s3, s16, $0xb8;
	[tilespmem:$0x1F400] =	vst v63  }
0x1a0: {  	s3 =	sadd.s32 $0x2C0, s0  }
0x1a1: {  	[tilespmem:s20], [sflag:$0x2] =	stream.indirect.gather [hbm4b:s5+s16], $0x80, s3, s16, $0xb8;
	[tilespmem:$0x1F400] =	vst v63  }
0x1a2: {  	_ =	swait.ge [sflag:s26], $0x2000  }
0x1a3: {  	[sflag:s26] =	ssyncset.done $0x0  }
0x1a4: {  	[sflag:s26] =	ssyncadd.s32 $0xFFFFE000  }
0x1a5: {  	_ =	swait.ge [sflag:s28], $0x2000  }
.Ltmp9:
0x1a6: {  	[sflag:s28] =	ssyncset.done $0x0;
	(pc) =	sbr.rel @p1 .LBB2_11-.Ltmp9, $4  }
0x1a7: {  	s0 =	sadd.s32 $0x100, s0;
	[sflag:s28] =	ssyncadd.s32 $0xFFFFE000  }
0x1a8: {  	[spmem:s2] =	stream.indirect.scatter.add.f32 [tilespmem:s22], [sflag:$0x6], $0x80, s0, s17, $0xb8;
	[tilespmem:$0x1F400] =	vst v63  }
0x1a9: {  	_ =	swait.ge [sflag:s15], $0x4000  }
0x1aa: {  	s3 =	smov.u32 s31;
	s0 =	sshra.s32 s30, $0x2;
	[sflag:s15] =	ssyncset.done $0x0  }
0x1ab: {  	s3 =	sadd.s32 $0x180, s0;
	[sflag:s15] =	ssyncadd.s32 $0xFFFFC000  }
0x1ac: {  	[tilespmem:s22], [sflag:$0x3] =	stream.indirect.gather [hbm4b:s5+s16], $0x80, s3, s16, $0xb8;
	[tilespmem:$0x1F400] =	vst v63  }
0x1ad: {  	s31 =	sadd.s32 $0x1C0, s0  }
0x1ae: {  	[tilespmem:s23], [sflag:$0x4] =	stream.indirect.gather [hbm4b:s5+s16], $0x80, s31, s16, $0xb8;
	[tilespmem:$0x1F400] =	vst v63  }
0x1af: {  	_ =	swait.ge [sflag:s24], $0x2000  }
0x1b0: {  	[sflag:s24] =	ssyncset.done $0x0  }
0x1b1: {  	[sflag:s24] =	ssyncadd.s32 $0xFFFFE000  }
0x1b2: {  	_ =	swait.ge [sflag:s25], $0x2000  }
0x1b3: {  	[sflag:s25] =	ssyncset.done $0x0  }
0x1b4: {  	[sflag:s25] =	ssyncadd.s32 $0xFFFFE000  }
0x1b5: {  	[spmem:s2] =	stream.indirect.scatter.add.f32 [tilespmem:s18], [sflag:$0x6], $0x80, s0, s17, $0xb8;
	[tilespmem:$0x1F400] =	vst v63  }
0x1b6: {  	_ =	swait.ge [sflag:s15], $0x4000  }
0x1b7: {  	[sflag:s15] =	ssyncset.done $0x0  }
0x1b8: {  	s31 =	sadd.s32 $0x280, s0;
	[sflag:s15] =	ssyncadd.s32 $0xFFFFC000  }
0x1b9: {  	[tilespmem:s18], [sflag:$0x1] =	stream.indirect.gather [hbm4b:s5+s16], $0x80, s31, s16, $0xb8;
	[tilespmem:$0x1F400] =	vst v63  }
0x1ba: {  	s31 =	sadd.s32 $0x2C0, s0  }
0x1bb: {  	[tilespmem:s20], [sflag:$0x2] =	stream.indirect.gather [hbm4b:s5+s16], $0x80, s31, s16, $0xb8;
	[tilespmem:$0x1F400] =	vst v63  }
0x1bc: {  	_ =	swait.ge [sflag:s26], $0x2000  }
0x1bd: {  	[sflag:s26] =	ssyncset.done $0x0  }
0x1be: {  	[sflag:s26] =	ssyncadd.s32 $0xFFFFE000  }
0x1bf: {  	_ =	swait.ge [sflag:s28], $0x2000  }
0x1c0: {  	[sflag:s28] =	ssyncset.done $0x0  }
.Ltmp10:
0x1c1: {  	s31 =	sadd.s32 $0x100, s0;
	[sflag:s28] =	ssyncadd.s32 $0xFFFFE000;
	(pc) =	sbr.rel .LBB2_13-.Ltmp10, $4  }
0x1c2: {  	[spmem:s2] =	stream.indirect.scatter.add.f32 [tilespmem:s22], [sflag:$0x6], $0x80, s31, s17, $0xb8;
	[tilespmem:$0x1F400] =	vst v63  }
0x1c3: {  	_ =	swait.ge [sflag:s15], $0x4000  }
0x1c4: {  	s29 =	simm.s32 $0x17C0;
	s30 =	simm.s32 $0x1780;
	[sflag:s15] =	ssyncset.done $0x0  }
0x1c5: {  	s3 =	simm.s32 $0x1600;
	s0 =	simm.s32 $0x1700;
	[sflag:s15] =	ssyncadd.s32 $0xFFFFC000  }
.LBB2_14:
0x1c6: {  	_ =	sfence.sel $0x180000  }
0x1c7: {  	[bflag:$0x0] =	sbarrier.arrive $0xFFFF  }
0x1c8: {  	_ =	strace $0x9000004D  }
0x1c9: {  	s0 =	stileid.u32;
	[bflag:$0x2] =	sbarrier.arrive $0xFFFF  }
0x1ca: {  	p0 =	sne.s32 s0, $0x0;
	s0 =	rddreg [dreg:$0x3]  }
0x1cb: {  	s0 =	sadd.s32 @!p0 $0x100000, s0  }
0x1cc: {  	[sflag:s0] =	ssyncadd.tile.s32 @!p0 $0x1;
	_ =	shalt  }
.Lfunc_end2:
_tile_overlayer_lowered:
.L_overlay_start_2:
0x1cd: {  	(tag) =	ssettag $0x2  }
0x1ce: {  	s0 =	rddreg [dreg:$0x0];
	s2 =	stileid.u32  }
0x1cf: {  	s1 =	rddreg [dreg:$0x1];
	p0 =	sne.s32 s2, $0x0  }
0x1d0: {  	s3 =	rddreg [dreg:$0x2];
	[bflag:$0x3] =	sbarrier.arrive $0xFFFF;
	s2 =	simm.s32 @!p0 $0x1C06  }
0x1d1: {  	[timem:s3], [sflag:s2] =	dma.local @!p0 [hbm:s0], s1  }
0x1d2: {  	s0 =	simm.s32 @!p0 $0x6  }
0x1d3: {  	_ =	swait.ge @!p0 [sflag:s0], s1  }
0x1d4: {  	s1 =	ssub.s32 @!p0 $0x0, s1;
	[sflag:s0] =	ssyncset.done @!p0 $0x0  }
0x1d5: {  	[sflag:s0] =	ssyncadd.s32 @!p0 s1  }
0x1d6: {  	[bflag:$0x3] =	sbarrier.arrive $0xFFFF  }
0x1d7: {  	_ =	shalt  }

// kernel: kernel.19.cloned.1.call-start
scs
__scs_entry_jumppad:
0x0: {  	(pc) =	sbr.rel $0x88, $3  }
0x1: {  	(tag) =	ssettag $0x0;
	lr =	simm.s32 $0x1  }
0x2: {  	[smem:$0x3F91] =	sst lr;
	_ =	strace $0xD0000000  }
0x3: {  	_ = 	snop  }
0x4: {  	_ = 	snop  }
0x5: {  	_ = 	snop  }
0x6: {  	_ = 	snop  }
0x7: {  	_ = 	snop  }
__scs_overlays_trampoline_lowered:
0x8: {  	[smem:$0x3FA0] =	sst s0  }
0x9: {  	[smem:$0x3FA1] =	sst s1  }
0xa: {  	[smem:$0x3FA2] =	sst s2  }
0xb: {  	[smem:$0x3FA3] =	sst s3  }
0xc: {  	[smem:$0x3FA4] =	sst s4  }
0xd: {  	[smem:$0x3FA5] =	sst s5  }
0xe: {  	[smem:$0x3FA6] =	sst s6  }
0xf: {  	[smem:$0x3FA7] =	sst s7  }
0x10: {  	[smem:$0x3FA8] =	sst s8  }
0x11: {  	[smem:$0x3FA9] =	sst s9;
	s0 =	simm.s32 @!p0 $0x0  }
0x12: {  	s1 =	sld [smem:$0x3F8F];
	s0 =	simm.s32 @p0 $0x1  }
0x13: {  	[smem:$0x3FAA] =	sst s0;
	s0 =	simm.s32 @!p1 $0x0  }
0x14: {  	s2 =	sld [smem:$0x3F8E];
	s0 =	simm.s32 @p1 $0x1  }
0x15: {  	[smem:$0x3FAB] =	sst s0;
	s0 =	simm.s32 @!p2 $0x0  }
0x16: {  	s3 =	sld [smem:$0x3FDB];
	s0 =	simm.s32 @p2 $0x1  }
0x17: {  	s4 =	simm.s32 $0x1BF5;
	[smem:$0x3FAD] =	sst s0  }
0x18: {  	s0 =	sld [smem:$0x3F90];
	_ =	swait.ge [sflag:s4], $0x0  }
0x19: {  	s7 =	sld [smem:$0x3F91]  }
0x1a: {  	s8 =	sadd.s32 $0xFFFFE003, lr  }
0x1b: {  	s9 =	sadd.s32 $0xFFFFFEF7, lr;
	s5 =	simm.s32 $0xFFFFFFFF;
	p2 =	slt.u32 s8, $0xFFFFF086  }
0x1c: {  	p1 =	slt.u32 s9, $0xF7A;
	s5 =	simm.s32 @!p2 $0x0  }
0x1d: {  	s5 =	simm.s32 @p1 $0x1;
	p0 =	seq.s32 s7, s2  }
0x1e: {  	s7 =	smul.u32 @!p0 $0xF7A, s2;
	p2 =	seq.s32 @!p0 s5, $0x0  }
0x1f: {  	s9 =	smul.u32 $0xF7A, s1;
	s8 =	simm.s32 @!p0 $0x1BF5;
	p2 =	por !p2, p0  }
0x20: {  	[sflag:s8] =	ssyncset.s32 @!p0 $0xFFFFF086;
	s6 =	sadd.s32 @!p0 s3, s7;
	s7 =	simm.s32 @!p0 $0x108  }
0x21: {  	s3 =	sadd.s32 s3, s9;
	s6 =	sadd.s32 @!p0 $0x88, s6;
	s7 =	simm.s32 @p2 $0x1082  }
0x22: {  	[simem:s7], [sflag:s8] =	dma.local @!p0 [hbm:s6], $0xF7A  }
0x23: {  	s9 =	sor.u32 $0xD0000000, s2;
	s6 =	simm.s32 $0x108;
	_ =	swait.ge @!p0 [sflag:s8], $0x0  }
0x24: {  	s3 =	sadd.s32 $0x88, s3;
	s6 =	simm.s32 @!p1 $0x1082;
	[sflag:s4] =	ssyncset.s32 $0xFFFFF086  }
0x25: {  	[simem:s6], [sflag:s4] =	dma.local [hbm:s3], $0xF7A  }
0x26: {  	[smem:$0x3F91] =	sst s1;
	(tag) =	ssettag s2;
	_ =	strace s9  }
0x27: {  	s1 =	sld [smem:$0x3FA1]  }
0x28: {  	s2 =	sld [smem:$0x3FA2]  }
0x29: {  	s4 =	sld [smem:$0x3FA4]  }
0x2a: {  	p0 =	seq.s32 s5, $0x0;
	s5 =	sld [smem:$0x3FA5]  }
0x2b: {  	s6 =	sld [smem:$0x3FA6]  }
0x2c: {  	s7 =	sld [smem:$0x3FA7]  }
0x2d: {  	s3 =	simm.s32 $0x108;
	s8 =	sld [smem:$0x3FA8]  }
0x2e: {  	s3 =	simm.s32 @!p0 $0x1082;
	s9 =	sld [smem:$0x3FA9]  }
0x2f: {  	lr =	sadd.s32 s0, s3;
	s0 =	sld [smem:$0x3FA0]  }
0x30: {  	s3 =	sld [smem:$0x3FA3]  }
0x31: {  	[smem:$0x3FAC] =	sst s10  }
0x32: {  	s10 =	sld [smem:$0x3FAA];
	_ =	sdelay $0x3  }
0x33: {  	p0 =	seq.s32 s10, $0x1;
	s10 =	sld [smem:$0x3FAC];
	_ =	sdelay $0x3  }
0x34: {  	[smem:$0x3FAC] =	sst s10  }
0x35: {  	s10 =	sld [smem:$0x3FAB];
	_ =	sdelay $0x3  }
0x36: {  	p1 =	seq.s32 s10, $0x1;
	s10 =	sld [smem:$0x3FAC];
	_ =	sdelay $0x3  }
0x37: {  	[smem:$0x3FAC] =	sst s10  }
0x38: {  	s10 =	sld [smem:$0x3FAD]  }
0x39: {  	_ = 	snop;
	(pc) =	sbr.ind lr, $3  }
0x3a: {  	_ = 	snop  }
0x3b: {  	_ = 	snop  }
0x3c: {  	p2 =	seq.s32 s10, $0x1;
	s10 =	sld [smem:$0x3FAC]  }
0x3d: {  	_ =	shalt  }
0x3e: {  	_ =	shalt  }
0x3f: {  	_ =	shalt  }
0x40: {  	_ =	shalt  }
0x41: {  	_ =	shalt  }
0x42: {  	_ =	shalt  }
0x43: {  	_ =	shalt  }
0x44: {  	_ =	shalt  }
0x45: {  	_ =	shalt  }
0x46: {  	_ =	shalt  }
0x47: {  	_ =	shalt  }
0x48: {  	_ =	shalt  }
0x49: {  	_ =	shalt  }
0x4a: {  	_ =	shalt  }
0x4b: {  	_ =	shalt  }
0x4c: {  	_ =	shalt  }
0x4d: {  	_ =	shalt  }
0x4e: {  	_ =	shalt  }
0x4f: {  	_ =	shalt  }
0x50: {  	_ =	shalt  }
0x51: {  	_ =	shalt  }
0x52: {  	_ =	shalt  }
0x53: {  	_ =	shalt  }
0x54: {  	_ =	shalt  }
0x55: {  	_ =	shalt  }
0x56: {  	_ =	shalt  }
0x57: {  	_ =	shalt  }
0x58: {  	_ =	shalt  }
0x59: {  	_ =	shalt  }
0x5a: {  	_ =	shalt  }
0x5b: {  	_ =	shalt  }
0x5c: {  	_ =	shalt  }
0x5d: {  	_ =	shalt  }
0x5e: {  	_ =	shalt  }
0x5f: {  	_ =	shalt  }
0x60: {  	_ =	shalt  }
0x61: {  	_ =	shalt  }
0x62: {  	_ =	shalt  }
0x63: {  	_ =	shalt  }
0x64: {  	_ =	shalt  }
0x65: {  	_ =	shalt  }
0x66: {  	_ =	shalt  }
0x67: {  	_ =	shalt  }
0x68: {  	_ =	shalt  }
0x69: {  	_ =	shalt  }
0x6a: {  	_ =	shalt  }
0x6b: {  	_ =	shalt  }
0x6c: {  	_ =	shalt  }
0x6d: {  	_ =	shalt  }
0x6e: {  	_ =	shalt  }
0x6f: {  	_ =	shalt  }
0x70: {  	_ =	shalt  }
0x71: {  	_ =	shalt  }
0x72: {  	_ =	shalt  }
0x73: {  	_ =	shalt  }
0x74: {  	_ =	shalt  }
0x75: {  	_ =	shalt  }
0x76: {  	_ =	shalt  }
0x77: {  	_ =	shalt  }
0x78: {  	_ =	shalt  }
0x79: {  	_ =	shalt  }
0x7a: {  	_ =	shalt  }
0x7b: {  	_ =	shalt  }
0x7c: {  	_ =	shalt  }
0x7d: {  	_ =	shalt  }
0x7e: {  	_ =	shalt  }
0x7f: {  	_ =	shalt  }
0x80: {  	_ =	shalt  }
0x81: {  	_ =	shalt  }
0x82: {  	_ =	shalt  }
0x83: {  	_ =	shalt  }
0x84: {  	_ =	shalt  }
0x85: {  	_ =	shalt  }
0x86: {  	_ =	shalt  }
0x87: {  	_ =	shalt  }
.Lfunc_end0:
.L_simem_size_0:
called_computation.3_lowered:
.L_overlay_start_0:
0x88: {  	s2 =	sld [smem:$0x3FD9]  }
0x89: {  	s3 =	sld [smem:$0x3FFE];
	_ =	sdelay $0x1  }
0x8a: {  	s1 =	srdreg.scid  }
0x8b: {  	s0 =	sand.u32 $0x1, s1  }
0x8c: {  	s17 =	sshll.u32 s0, $0xA;
	s2 =	sadd.s32 s3, s2  }
0x8d: {  	s2 =	sadd.s32 s2, s17  }
0x8e: {  	[smem:$0x3FB8] =	sst s2  }
0x8f: {  	_ = 	snop  }
0x90: {  	s2 =	sld [smem:$0x3FD0];
	(tm) =	ssettm $0x1  }
0x91: {  	s18 =	sld [smem:$0x3FFB];
	_ =	sdelay $0x3  }
0x92: {  	_ =	strace s18  }
0x93: {  	s3 =	sld [smem:$0x3FFC];
	_ =	sdelay $0x3  }
0x94: {  	_ =	strace s3  }
0x95: {  	s3 =	sld [smem:$0x3FFD];
	_ =	sdelay $0x3  }
0x96: {  	_ =	strace s3  }
0x97: {  	_ =	strace $0x8FFFFFFF  }
0x98: {  	s19 =	sld [smem:$0x3FDB];
	_ =	sdelay $0x1  }
0x99: {  	s4 =	simm.s32 $_scs_section_size  }
0x9a: {  	s5 =	simm.s32 $_size__tile_overlayer_lowered;
	s6 =	simm.s32 $_tile_overlayer_lowered  }
0x9b: {  	s22 =	simm.s32 $0x1BFF;
	s21 =	sshll.u32 s6, $0x1;
	s3 =	sadd.s32 s4, s19  }
0x9c: {  	s7 =	simm.s32 $0x0;
	s20 =	sshll.u32 s5, $0x1;
	s5 =	sadd.s32 s21, s3  }
0x9d: {  	[timem:s7], [sflag:s22] =	dma.local [hbm:s5], s20  }
0x9e: {  	_ =	swait.ge [sflag:s22], s20  }
0x9f: {  	s4 =	ssub.s32 $0x0, s20;
	[sflag:s22] =	ssyncset.done $0x0  }
0xa0: {  	[sflag:s22] =	ssyncadd.s32 s4;
	_ =	sdelay $0x1  }
0xa1: {  	s23 =	simm.s32 $0x1B8B  }
0xa2: {  	_ =	swait.ge [sflag:s23], $0x1  }
0xa3: {  	[sflag:s23] =	ssyncset.done $0x0  }
0xa4: {  	s25 =	simm.s32 $0x1B8E;
	s24 =	sld [smem:$0x3FFE];
	[sflag:s23] =	ssyncadd.s32 $0xFFFFFFFF  }
0xa5: {  	s26 =	simm.s32 $execute0_lowered;
	[smem:$0x3FD2] =	sst s25  }
0xa6: {  	s5 =	sshll.u32 s26, $0x1;
	_ =	strace $0x8000004F;
	[dreg:$0x1] =	wrdreg $0xFFFFFFFF  }
0xa7: {  	s28 =	simm.s32 $_size_execute0_lowered;
	s3 =	sadd.s32 s3, s5;
	[dreg:$0x0] =	wrdreg $0x0  }
0xa8: {  	s5 =	sshll.u32 s28, $0x1;
	[dreg:$0x2] =	wrdreg s3  }
0xa9: {  	[dreg:$0x3] =	wrdreg s5  }
0xaa: {  	[dreg:$0x4] =	wrdreg $0xC0  }
0xab: {  	_ =	task [dreg:s7], $0x5FFFF  }
0xac: {  	[dreg:$0x1] =	wrdreg $0xFFFFFFFF  }
0xad: {  	[dreg:$0x0] =	wrdreg $0x60  }
0xae: {  	[dreg:$0x2] =	wrdreg s24  }
0xaf: {  	[dreg:$0x3] =	wrdreg s2  }
0xb0: {  	[dreg:$0x4] =	wrdreg $0xB8000  }
0xb1: {  	[dreg:$0x5] =	wrdreg $0x9  }
0xb2: {  	_ =	task.clear_ibuf [dreg:s7], $0x6FFFF;
	_ =	strace $0x9000004F  }
0xb3: {  	s29 =	simm.s32 $0x9;
	_ =	strace $0x80000051  }
0xb4: {  	_ =	swait.ge [sflag:s29], $0x1  }
0xb5: {  	[sflag:s29] =	ssyncadd.s32 $0xFFFFFFFF  }
0xb6: {  	_ =	strace $0x90000051  }
0xb7: {  	_ =	sfence  }
0xb8: {  	s30 =	sld [smem:$0x0];
	_ =	sdelay $0x2  }
0xb9: {  	s31 =	sshll.u32 s1, $0xD;
	s1 =	sshrl.u32 s1, $0x2  }
0xba: {  	s3 =	sand.u32 $0x4000, s31;
	s1 =	sadd.s32 s1, s30  }
0xbb: {  	s0 =	sor.u32 s3, s0;
	s1 =	sshll.u32 s1, $0x11  }
0xbc: {  	s0 =	sor.u32 s1, s0  }
0xbd: {  	s0 =	sadd.s32 $0x8F2B, s0  }
0xbe: {  	[sflag:s0] =	ssyncadd.remote.s32 $0x1  }
0xbf: {  	_ =	sfence.sel $0xFFFF  }
0xc0: {  	[dreg:$0x0] =	wrdreg $0xFFFFFFFF;
	(pc) =	sbr.abs _section_cstart, $3  }
0xc1: {  	[dreg:$0x1] =	wrdreg $0xFFFFFFFF  }
0xc2: {  	_ =	task.clear_ibuf [dreg:s7], $0x2FFFF;
	_ =	strace $0x9FFFFFFF  }
0xc3: {  	(tm) =	ssettm $0x7FFFFFFF  }
tec
execute0_lowered:
.L_overlay_start_1:
0x0: {  	(tag) =	ssettag $0x1  }
0x1: {  	s0 =	rddreg [dreg:$0x0]  }
0x2: {  	s1 =	rddreg [dreg:$0x1]  }
0x3: {  	s2 =	rddreg [dreg:$0x2];
	s3 =	srdreg.scid;
	s4 =	simm.s32 $0x0  }
0x4: {  	s12 =	stileid.u32;
	s16 =	simm.s32 $0x40;
	s17 =	simm.s32 $0x80  }
0x5: {  	s18 =	simm.s32 $0x3800;
	s19 =	simm.s32 $0xC0;
	s20 =	simm.s32 $0x5800  }
0x6: {  	s21 =	simm.s32 $0x5;
	s22 =	simm.s32 $0x7800;
	s7 =	smul.u32 $0x13C00, s12  }
0x7: {  	s23 =	simm.s32 $0x9800;
	s24 =	simm.s32 $0x1;
	s9 =	smul.u32 $0x4F000, s12  }
0x8: {  	s28 =	simm.s32 $0x4;
	s3 =	sand.u32 $0x1, s3;
	s26 =	smul.u32 $0x3000, s12  }
0x9: {  	[smem:$0x7FF] =	sst s4;
	s5 =	sadd.s32 $0x22000, s0;
	s30 =	smul.u32 $0x7000, s12  }
0xa: {  	s10 =	sadd.s32 $0xE000, s0;
	s6 =	smul.u32 $0x13C000, s3;
	s25 =	ssub.s32 $0x2, s3  }
0xb: {  	_ =	strace $0x80000050;
	p0 =	sne.s32 s3, $0x0;
	s8 =	sshrl.u32 s25, $0x1  }
0xc: {  	s29 =	sshrl.u32 s9, $0x2;
	s15 =	sshrl.u32 s30, $0x3;
	s6 =	sadd.s32 s7, s6  }
0xd: {  	s13 =	ssub.s32 s25, s8;
	s14 =	sadd.s32 s29, s2;
	s8 =	sshrl.u32 s26, $0x3  }
0xe: {  	s31 =	sadd.s32 s10, s15;
	s15 =	simm.s32 $0x6;
	s25 =	simm.s32 $0x2  }
.Ltmp0:
0xf: {  	s26 =	simm.s32 $0x3;
	s6 =	sshrl.u32 s6, $0x3;
	(pc) =	sbr.rel .LBB2_1-.Ltmp0, $4  }
0x10: {  	s11 =	sadd.s32 s10, s8;
	s13 =	smax.u32 s13, $0x1;
	s14 =	sshrl.u32 s14, $0x3  }
0x11: {  	s0 =	sadd.s32 s6, s0;
	s6 =	sshll.u32 s12, $0x6;
	s12 =	smul.u32 $0xE00, s12  }
0x12: {  	s8 =	sadd.s32 $0xE000, s11;
	s9 =	sadd.s32 $0xE300, s11;
	s11 =	sadd.s32 $0x700, s31  }
0x13: {  	s7 =	sor.u32 $0x1C05, s6;
	s10 =	sadd.s32 s10, s12;
	s12 =	sadd.s32 $0x49800, s0  }
.LBB2_7:
0x14: {  	s3 =	sadd.s32 $0x180, s0;
	[sflag:s15] =	ssyncadd.s32 @p1 $0xFFFFC000  }
0x15: {  	[tilespmem:s22], [sflag:$0x3] =	stream.indirect.gather [hbm4b:s5+s16], $0x80, s3, s16, $0xb8;
	[tilespmem:$0x1F400] =	vst v63  }
0x16: {  	s31 =	sadd.s32 $0x1C0, s0  }
0x17: {  	[tilespmem:s23], [sflag:$0x4] =	stream.indirect.gather [hbm4b:s5+s16], $0x80, s31, s16, $0xb8;
	[tilespmem:$0x1F400] =	vst v63  }
0x18: {  	_ =	swait.ge [sflag:s24], $0x2000  }
0x19: {  	[sflag:s24] =	ssyncset.done $0x0  }
0x1a: {  	[sflag:s24] =	ssyncadd.s32 $0xFFFFE000  }
0x1b: {  	_ =	swait.ge [sflag:s25], $0x2000  }
0x1c: {  	[sflag:s25] =	ssyncset.done $0x0  }
0x1d: {  	[sflag:s25] =	ssyncadd.s32 $0xFFFFE000  }
0x1e: {  	[spmem:s2] =	stream.indirect.scatter.add.f32 [tilespmem:s18], [sflag:$0x6], $0x80, s0, s17, $0xb8;
	[tilespmem:$0x1F400] =	vst v63  }
0x1f: {  	_ =	swait.ge [sflag:s15], $0x4000  }
0x20: {  	[sflag:s15] =	ssyncset.done $0x0  }
0x21: {  	s31 =	sadd.s32 $0x280, s0;
	[sflag:s15] =	ssyncadd.s32 $0xFFFFC000  }
0x22: {  	[tilespmem:s18], [sflag:$0x1] =	stream.indirect.gather [hbm4b:s5+s16], $0x80, s31, s16, $0xb8;
	[tilespmem:$0x1F400] =	vst v63  }
0x23: {  	s31 =	sadd.s32 $0x2C0, s0  }
0x24: {  	[tilespmem:s20], [sflag:$0x2] =	stream.indirect.gather [hbm4b:s5+s16], $0x80, s31, s16, $0xb8;
	[tilespmem:$0x1F400] =	vst v63  }
0x25: {  	_ =	swait.ge [sflag:s26], $0x2000  }
0x26: {  	[sflag:s26] =	ssyncset.done $0x0  }
0x27: {  	[sflag:s26] =	ssyncadd.s32 $0xFFFFE000  }
0x28: {  	_ =	swait.ge [sflag:s28], $0x2000  }
0x29: {  	[sflag:s28] =	ssyncset.done $0x0  }
0x2a: {  	s31 =	sadd.s32 $0x100, s0;
	[sflag:s28] =	ssyncadd.s32 $0xFFFFE000  }
0x2b: {  	[spmem:s2] =	stream.indirect.scatter.add.f32 [tilespmem:s22], [sflag:$0x6], $0x80, s31, s17, $0xb8;
	[tilespmem:$0x1F400] =	vst v63  }
0x2c: {  	_ =	swait.ge [sflag:s15], $0x4000  }
0x2d: {  	s29 =	simm.s32 $0x37C0;
	s30 =	simm.s32 $0x3780;
	[sflag:s15] =	ssyncset.done $0x0  }
0x2e: {  	s3 =	simm.s32 $0x3600;
	s0 =	simm.s32 $0x3700;
	[sflag:s15] =	ssyncadd.s32 $0xFFFFC000  }
.LBB2_13:
0x2f: {  	[tilespmem:s22], [sflag:$0x3] =	stream.indirect.gather [hbm4b:s5+s16], $0x80, s30, s16, $0xb8;
	[tilespmem:$0x1F400] =	vst v63  }
0x30: {  	_ = 	snop  }
0x31: {  	[tilespmem:s23], [sflag:$0x4] =	stream.indirect.gather [hbm4b:s5+s16], $0x80, s29, s16, $0xb8;
	[tilespmem:$0x1F400] =	vst v63  }
0x32: {  	_ =	swait.ge [sflag:s24], $0x2000  }
0x33: {  	[sflag:s24] =	ssyncset.done $0x0  }
0x34: {  	[sflag:s24] =	ssyncadd.s32 $0xFFFFE000  }
0x35: {  	_ =	swait.ge [sflag:s25], $0x2000  }
0x36: {  	[sflag:s25] =	ssyncset.done $0x0  }
0x37: {  	[sflag:s25] =	ssyncadd.s32 $0xFFFFE000  }
0x38: {  	[spmem:s2] =	stream.indirect.scatter.add.f32 [tilespmem:s18], [sflag:$0x6], $0x80, s3, s17, $0xb8;
	[tilespmem:$0x1F400] =	vst v63  }
0x39: {  	_ =	swait.ge [sflag:s15], $0x4000  }
0x3a: {  	[sflag:s15] =	ssyncset.done $0x0  }
0x3b: {  	[sflag:s15] =	ssyncadd.s32 $0xFFFFC000  }
0x3c: {  	_ =	swait.ge [sflag:s26], $0x2000  }
0x3d: {  	[sflag:s26] =	ssyncset.done $0x0  }
0x3e: {  	[sflag:s26] =	ssyncadd.s32 $0xFFFFE000  }
0x3f: {  	_ =	swait.ge [sflag:s28], $0x2000  }
0x40: {  	[sflag:s28] =	ssyncset.done $0x0  }
0x41: {  	[sflag:s28] =	ssyncadd.s32 $0xFFFFE000  }
0x42: {  	[spmem:s2] =	stream.indirect.scatter.add.f32 [tilespmem:s22], [sflag:$0x6], $0x80, s0, s17, $0xb8;
	[tilespmem:$0x1F400] =	vst v63  }
0x43: {  	_ =	swait.ge [sflag:s15], $0x4000  }
0x44: {  	s4 =	sadd.s32 $0x1, s4;
	[sflag:s15] =	ssyncset.done $0x0  }
0x45: {  	p1 =	sne.s32 s4, s13;
	[sflag:s15] =	ssyncadd.s32 $0xFFFFC000  }
.Ltmp1:
0x46: {  	s31 =	sor.u32 $0x1C06, s6;
	[bflag:$0x0] =	sbarrier.arrive $0xFFFF;
	(pc) =	sbr.rel @!p1 .LBB2_14-.Ltmp1, $4  }
0x47: {  	[hbm:s12], [sflag:s31] =	dma.local [spmem:s14], $0x2780  }
0x48: {  	_ =	swait.ge [sflag:s15], $0x2780  }
0x49: {  	[sflag:s15] =	ssyncset.done $0x0  }
0x4a: {  	[sflag:s15] =	ssyncadd.s32 $0xFFFFD880  }
.LBB2_1:
.Ltmp2:
0x4b: {  	(pc) =	sbr.rel @p0 .LBB2_8-.Ltmp2, $3  }
0x4c: {  	_ =	sdelay $0x1  }
0x4d: {  	[spmem:s14], [sflag:s7] =	dma.local [hbm:s1], $0x2780  }
0x4e: {  	s0 =	simm.s32 $0x0  }
0x4f: {  	[tilespmem:s0], [sflag:$0x6] =	stream.linear.gather [hbm4b:s10+s0], $0x3800, $0x38;
	[tilespmem:$0x1F400] =	vst v63  }
0x50: {  	_ =	swait.ge [sflag:s15], $0x3800  }
0x51: {  	[sflag:s15] =	ssyncset.done $0x0  }
0x52: {  	[sflag:s15] =	ssyncadd.s32 $0xFFFFC800  }
0x53: {  	[tilespmem:s18], [sflag:$0x1] =	stream.indirect.gather [hbm4b:s5+s16], $0x80, s17, s16, $0xb8;
	[tilespmem:$0x1F400] =	vst v63  }
0x54: {  	_ = 	snop  }
0x55: {  	[tilespmem:s20], [sflag:$0x2] =	stream.indirect.gather [hbm4b:s5+s16], $0x80, s19, s16, $0xb8;
	[tilespmem:$0x1F400] =	vst v63  }
0x56: {  	_ =	swait.ge [sflag:s21], $0x2780  }
0x57: {  	[sflag:s21] =	ssyncset.done $0x0  }
0x58: {  	[sflag:s21] =	ssyncadd.s32 $0xFFFFD880  }
0x59: {  	s30 =	simm.s32 $0x180;
	[bflag:$0x0] =	sbarrier.arrive $0xFFFF  }
0x5a: {  	[tilespmem:s22], [sflag:$0x3] =	stream.indirect.gather [hbm4b:s5+s16], $0x80, s30, s16, $0xb8;
	[tilespmem:$0x1F400] =	vst v63  }
0x5b: {  	s31 =	simm.s32 $0x1C0  }
0x5c: {  	[tilespmem:s23], [sflag:$0x4] =	stream.indirect.gather [hbm4b:s5+s16], $0x80, s31, s16, $0xb8;
	[tilespmem:$0x1F400] =	vst v63  }
0x5d: {  	_ =	swait.ge [sflag:s24], $0x2000  }
0x5e: {  	[sflag:s24] =	ssyncset.done $0x0  }
0x5f: {  	[sflag:s24] =	ssyncadd.s32 $0xFFFFE000  }
0x60: {  	_ =	swait.ge [sflag:s25], $0x2000  }
0x61: {  	[sflag:s25] =	ssyncset.done $0x0  }
0x62: {  	s3 =	simm.s32 $0x0;
	[sflag:s25] =	ssyncadd.s32 $0xFFFFE000  }
0x63: {  	[spmem:s2] =	stream.indirect.scatter.add.f32 [tilespmem:s18], [sflag:$0x6], $0x80, s3, s17, $0xb8;
	[tilespmem:$0x1F400] =	vst v63  }
0x64: {  	_ =	swait.ge [sflag:s15], $0x4000  }
0x65: {  	[sflag:s15] =	ssyncset.done $0x0  }
0x66: {  	s29 =	simm.s32 $0x280;
	[sflag:s15] =	ssyncadd.s32 $0xFFFFC000  }
0x67: {  	[tilespmem:s18], [sflag:$0x1] =	stream.indirect.gather [hbm4b:s5+s16], $0x80, s29, s16, $0xb8;
	[tilespmem:$0x1F400] =	vst v63  }
0x68: {  	s30 =	simm.s32 $0x2C0  }
0x69: {  	[tilespmem:s20], [sflag:$0x2] =	stream.indirect.gather [hbm4b:s5+s16], $0x80, s30, s16, $0xb8;
	[tilespmem:$0x1F400] =	vst v63  }
0x6a: {  	_ =	swait.ge [sflag:s26], $0x2000  }
0x6b: {  	[sflag:s26] =	ssyncset.done $0x0  }
0x6c: {  	[sflag:s26] =	ssyncadd.s32 $0xFFFFE000  }
0x6d: {  	_ =	swait.ge [sflag:s28], $0x2000  }
0x6e: {  	[sflag:s28] =	ssyncset.done $0x0  }
0x6f: {  	s31 =	simm.s32 $0x100;
	[sflag:s28] =	ssyncadd.s32 $0xFFFFE000  }
0x70: {  	[spmem:s2] =	stream.indirect.scatter.add.f32 [tilespmem:s22], [sflag:$0x6], $0x80, s31, s17, $0xb8;
	[tilespmem:$0x1F400] =	vst v63  }
0x71: {  	_ =	swait.ge [sflag:s15], $0x4000  }
0x72: {  	s0 =	simm.s32 $0x200;
	s3 =	simm.s32 $0x1000;
	[sflag:s15] =	ssyncset.done $0x0  }
.LBB2_3:
0x73: {  	s29 =	sadd.s32 $0x180, s0  }
0x74: {  	[sflag:s15] =	ssyncadd.s32 $0xFFFFC000;
	s30 =	smov.u32 s3;
	s31 =	sadd.s32 $0x800, s3  }
0x75: {  	[tilespmem:s22], [sflag:$0x3] =	stream.indirect.gather [hbm4b:s5+s16], $0x80, s29, s16, $0xb8;
	[tilespmem:$0x1F400] =	vst v63  }
0x76: {  	p1 =	sne.s32 s3, $0xD000;
	s3 =	sadd.s32 $0x1C0, s0  }
0x77: {  	[tilespmem:s23], [sflag:$0x4] =	stream.indirect.gather [hbm4b:s5+s16], $0x80, s3, s16, $0xb8;
	[tilespmem:$0x1F400] =	vst v63  }
0x78: {  	_ =	swait.ge [sflag:s24], $0x2000  }
0x79: {  	[sflag:s24] =	ssyncset.done $0x0  }
0x7a: {  	[sflag:s24] =	ssyncadd.s32 $0xFFFFE000  }
0x7b: {  	_ =	swait.ge [sflag:s25], $0x2000  }
0x7c: {  	[sflag:s25] =	ssyncset.done $0x0  }
0x7d: {  	[sflag:s25] =	ssyncadd.s32 $0xFFFFE000  }
0x7e: {  	[spmem:s2] =	stream.indirect.scatter.add.f32 [tilespmem:s18], [sflag:$0x6], $0x80, s0, s17, $0xb8;
	[tilespmem:$0x1F400] =	vst v63  }
0x7f: {  	_ =	swait.ge [sflag:s15], $0x4000  }
0x80: {  	[sflag:s15] =	ssyncset.done $0x0  }
0x81: {  	s3 =	sadd.s32 $0x280, s0;
	[sflag:s15] =	ssyncadd.s32 $0xFFFFC000  }
0x82: {  	[tilespmem:s18], [sflag:$0x1] =	stream.indirect.gather [hbm4b:s5+s16], $0x80, s3, s16, $0xb8;
	[tilespmem:$0x1F400] =	vst v63  }
0x83: {  	s3 =	sadd.s32 $0x2C0, s0  }
0x84: {  	[tilespmem:s20], [sflag:$0x2] =	stream.indirect.gather [hbm4b:s5+s16], $0x80, s3, s16, $0xb8;
	[tilespmem:$0x1F400] =	vst v63  }
0x85: {  	_ =	swait.ge [sflag:s26], $0x2000  }
0x86: {  	[sflag:s26] =	ssyncset.done $0x0  }
0x87: {  	[sflag:s26] =	ssyncadd.s32 $0xFFFFE000  }
0x88: {  	_ =	swait.ge [sflag:s28], $0x2000  }
.Ltmp3:
0x89: {  	[sflag:s28] =	ssyncset.done $0x0;
	(pc) =	sbr.rel @p1 .LBB2_3-.Ltmp3, $4  }
0x8a: {  	s0 =	sadd.s32 $0x100, s0;
	[sflag:s28] =	ssyncadd.s32 $0xFFFFE000  }
0x8b: {  	[spmem:s2] =	stream.indirect.scatter.add.f32 [tilespmem:s22], [sflag:$0x6], $0x80, s0, s17, $0xb8;
	[tilespmem:$0x1F400] =	vst v63  }
0x8c: {  	_ =	swait.ge [sflag:s15], $0x4000  }
0x8d: {  	s3 =	smov.u32 s31;
	s0 =	sshra.s32 s30, $0x2;
	[sflag:s15] =	ssyncset.done $0x0  }
0x8e: {  	s3 =	sadd.s32 $0x180, s0;
	[sflag:s15] =	ssyncadd.s32 $0xFFFFC000  }
0x8f: {  	[tilespmem:s22], [sflag:$0x3] =	stream.indirect.gather [hbm4b:s5+s16], $0x80, s3, s16, $0xb8;
	[tilespmem:$0x1F400] =	vst v63  }
0x90: {  	s30 =	sadd.s32 $0x1C0, s0  }
0x91: {  	[tilespmem:s23], [sflag:$0x4] =	stream.indirect.gather [hbm4b:s5+s16], $0x80, s30, s16, $0xb8;
	[tilespmem:$0x1F400] =	vst v63  }
0x92: {  	_ =	swait.ge [sflag:s24], $0x2000  }
0x93: {  	[sflag:s24] =	ssyncset.done $0x0  }
0x94: {  	[sflag:s24] =	ssyncadd.s32 $0xFFFFE000  }
0x95: {  	_ =	swait.ge [sflag:s25], $0x2000  }
0x96: {  	[sflag:s25] =	ssyncset.done $0x0  }
0x97: {  	[sflag:s25] =	ssyncadd.s32 $0xFFFFE000  }
0x98: {  	[spmem:s2] =	stream.indirect.scatter.add.f32 [tilespmem:s18], [sflag:$0x6], $0x80, s0, s17, $0xb8;
	[tilespmem:$0x1F400] =	vst v63  }
0x99: {  	_ =	swait.ge [sflag:s15], $0x4000  }
0x9a: {  	[sflag:s15] =	ssyncset.done $0x0  }
0x9b: {  	s31 =	sadd.s32 $0x280, s0;
	[sflag:s15] =	ssyncadd.s32 $0xFFFFC000  }
0x9c: {  	[tilespmem:s18], [sflag:$0x1] =	stream.indirect.gather [hbm4b:s5+s16], $0x80, s31, s16, $0xb8;
	[tilespmem:$0x1F400] =	vst v63  }
0x9d: {  	s29 =	sadd.s32 $0x2C0, s0  }
0x9e: {  	[tilespmem:s20], [sflag:$0x2] =	stream.indirect.gather [hbm4b:s5+s16], $0x80, s29, s16, $0xb8;
	[tilespmem:$0x1F400] =	vst v63  }
0x9f: {  	_ =	swait.ge [sflag:s26], $0x2000  }
0xa0: {  	[sflag:s26] =	ssyncset.done $0x0  }
0xa1: {  	[sflag:s26] =	ssyncadd.s32 $0xFFFFE000  }
0xa2: {  	_ =	swait.ge [sflag:s28], $0x2000  }
0xa3: {  	[sflag:s28] =	ssyncset.done $0x0  }
0xa4: {  	s30 =	sadd.s32 $0x100, s0;
	[sflag:s28] =	ssyncadd.s32 $0xFFFFE000  }
0xa5: {  	[spmem:s2] =	stream.indirect.scatter.add.f32 [tilespmem:s22], [sflag:$0x6], $0x80, s30, s17, $0xb8;
	[tilespmem:$0x1F400] =	vst v63  }
0xa6: {  	_ =	swait.ge [sflag:s15], $0x4000  }
0xa7: {  	[sflag:s15] =	ssyncset.done $0x0  }
0xa8: {  	s31 =	simm.s32 $0x3780;
	[sflag:s15] =	ssyncadd.s32 $0xFFFFC000  }
0xa9: {  	[tilespmem:s22], [sflag:$0x3] =	stream.indirect.gather [hbm4b:s5+s16], $0x80, s31, s16, $0xb8;
	[tilespmem:$0x1F400] =	vst v63  }
0xaa: {  	s3 =	simm.s32 $0x37C0  }
0xab: {  	[tilespmem:s23], [sflag:$0x4] =	stream.indirect.gather [hbm4b:s5+s16], $0x80, s3, s16, $0xb8;
	[tilespmem:$0x1F400] =	vst v63  }
0xac: {  	_ =	swait.ge [sflag:s24], $0x2000  }
0xad: {  	[sflag:s24] =	ssyncset.done $0x0  }
0xae: {  	[sflag:s24] =	ssyncadd.s32 $0xFFFFE000  }
0xaf: {  	_ =	swait.ge [sflag:s25], $0x2000  }
0xb0: {  	[sflag:s25] =	ssyncset.done $0x0  }
0xb1: {  	s29 =	simm.s32 $0x3600;
	[sflag:s25] =	ssyncadd.s32 $0xFFFFE000  }
0xb2: {  	[spmem:s2] =	stream.indirect.scatter.add.f32 [tilespmem:s18], [sflag:$0x6], $0x80, s29, s17, $0xb8;
	[tilespmem:$0x1F400] =	vst v63  }
0xb3: {  	_ =	swait.ge [sflag:s15], $0x4000  }
0xb4: {  	[sflag:s15] =	ssyncset.done $0x0  }
0xb5: {  	[sflag:s15] =	ssyncadd.s32 $0xFFFFC000  }
0xb6: {  	_ =	swait.ge [sflag:s26], $0x2000  }
0xb7: {  	[sflag:s26] =	ssyncset.done $0x0  }
0xb8: {  	[sflag:s26] =	ssyncadd.s32 $0xFFFFE000  }
0xb9: {  	_ =	swait.ge [sflag:s28], $0x2000  }
0xba: {  	[sflag:s28] =	ssyncset.done $0x0  }
0xbb: {  	s30 =	simm.s32 $0x3700;
	[sflag:s28] =	ssyncadd.s32 $0xFFFFE000  }
0xbc: {  	[spmem:s2] =	stream.indirect.scatter.add.f32 [tilespmem:s22], [sflag:$0x6], $0x80, s30, s17, $0xb8;
	[tilespmem:$0x1F400] =	vst v63  }
0xbd: {  	_ =	swait.ge [sflag:s15], $0x4000  }
0xbe: {  	[sflag:s15] =	ssyncset.done $0x0  }
0xbf: {  	s31 =	simm.s32 $0x0;
	[sflag:s15] =	ssyncadd.s32 $0xFFFFC000  }
0xc0: {  	[tilespmem:s31], [sflag:$0x6] =	stream.linear.gather [hbm4b:s11+s31], $0x3800, $0x38;
	[tilespmem:$0x1F400] =	vst v63  }
0xc1: {  	p2 =	por $0x0, $0x0;
	_ =	swait.ge [sflag:s15], $0x3800  }
.Ltmp4:
0xc2: {  	[sflag:s15] =	ssyncset.done $0x0;
	(pc) =	sbr.rel @p2 .LBB2_7-.Ltmp4, $4  }
0xc3: {  	[sflag:s15] =	ssyncadd.s32 $0xFFFFC800  }
0xc4: {  	[tilespmem:s18], [sflag:$0x1] =	stream.indirect.gather [hbm4b:s5+s16], $0x80, s17, s16, $0xb8;
	[tilespmem:$0x1F400] =	vst v63  }
0xc5: {  	p1 =	por $0x0, $0x0;
	s0 =	simm.s32 $0x0  }
0xc6: {  	[tilespmem:s20], [sflag:$0x2] =	stream.indirect.gather [hbm4b:s5+s16], $0x80, s19, s16, $0xb8;
	[tilespmem:$0x1F400] =	vst v63  }
0xc7: {  	s3 =	simm.s32 $0x180  }
0xc8: {  	[tilespmem:s22], [sflag:$0x3] =	stream.indirect.gather [hbm4b:s5+s16], $0x80, s3, s16, $0xb8;
	[tilespmem:$0x1F400] =	vst v63  }
0xc9: {  	s31 =	simm.s32 $0x1C0  }
0xca: {  	[tilespmem:s23], [sflag:$0x4] =	stream.indirect.gather [hbm4b:s5+s16], $0x80, s31, s16, $0xb8;
	[tilespmem:$0x1F400] =	vst v63  }
0xcb: {  	_ =	swait.ge [sflag:s24], $0x2000  }
0xcc: {  	[sflag:s24] =	ssyncset.done $0x0  }
0xcd: {  	[sflag:s24] =	ssyncadd.s32 $0xFFFFE000  }
0xce: {  	_ =	swait.ge [sflag:s25], $0x2000  }
0xcf: {  	[sflag:s25] =	ssyncset.done $0x0  }
0xd0: {  	[sflag:s25] =	ssyncadd.s32 $0xFFFFE000  }
0xd1: {  	[spmem:s2] =	stream.indirect.scatter.add.f32 [tilespmem:s18], [sflag:$0x6], $0x80, s0, s17, $0xb8;
	[tilespmem:$0x1F400] =	vst v63  }
0xd2: {  	_ =	swait.ge [sflag:s15], $0x4000  }
0xd3: {  	[sflag:s15] =	ssyncset.done $0x0  }
0xd4: {  	s29 =	simm.s32 $0x280;
	[sflag:s15] =	ssyncadd.s32 $0xFFFFC000  }
0xd5: {  	[tilespmem:s18], [sflag:$0x1] =	stream.indirect.gather [hbm4b:s5+s16], $0x80, s29, s16, $0xb8;
	[tilespmem:$0x1F400] =	vst v63  }
0xd6: {  	s30 =	simm.s32 $0x2C0  }
0xd7: {  	[tilespmem:s20], [sflag:$0x2] =	stream.indirect.gather [hbm4b:s5+s16], $0x80, s30, s16, $0xb8;
	[tilespmem:$0x1F400] =	vst v63  }
0xd8: {  	_ =	swait.ge [sflag:s26], $0x2000  }
0xd9: {  	[sflag:s26] =	ssyncset.done $0x0  }
0xda: {  	[sflag:s26] =	ssyncadd.s32 $0xFFFFE000  }
0xdb: {  	p2 =	por $0x0, $0x0;
	_ =	swait.ge [sflag:s28], $0x2000  }
.Ltmp5:
0xdc: {  	[sflag:s28] =	ssyncset.done $0x0;
	(pc) =	sbr.rel @p2 .LBB2_7-.Ltmp5, $4  }
0xdd: {  	s31 =	simm.s32 $0x100;
	[sflag:s28] =	ssyncadd.s32 $0xFFFFE000  }
0xde: {  	[spmem:s2] =	stream.indirect.scatter.add.f32 [tilespmem:s22], [sflag:$0x6], $0x80, s31, s17, $0xb8;
	[tilespmem:$0x1F400] =	vst v63  }
0xdf: {  	p1 =	por $0x1, $0x1;
	_ =	swait.ge [sflag:s15], $0x4000  }
0xe0: {  	s3 =	simm.s32 $0x1000;
	s0 =	simm.s32 $0x200;
	[sflag:s15] =	ssyncset.done $0x0  }
.LBB2_6:
0xe1: {  	s29 =	sadd.s32 $0x180, s0  }
0xe2: {  	[sflag:s15] =	ssyncadd.s32 $0xFFFFC000;
	s30 =	smov.u32 s3;
	s31 =	sadd.s32 $0x800, s3  }
0xe3: {  	[tilespmem:s22], [sflag:$0x3] =	stream.indirect.gather [hbm4b:s5+s16], $0x80, s29, s16, $0xb8;
	[tilespmem:$0x1F400] =	vst v63  }
0xe4: {  	p2 =	seq.s32 s3, $0xD000;
	s3 =	sadd.s32 $0x1C0, s0  }
0xe5: {  	[tilespmem:s23], [sflag:$0x4] =	stream.indirect.gather [hbm4b:s5+s16], $0x80, s3, s16, $0xb8;
	[tilespmem:$0x1F400] =	vst v63  }
0xe6: {  	_ =	swait.ge [sflag:s24], $0x2000  }
0xe7: {  	[sflag:s24] =	ssyncset.done $0x0  }
0xe8: {  	[sflag:s24] =	ssyncadd.s32 $0xFFFFE000  }
0xe9: {  	_ =	swait.ge [sflag:s25], $0x2000  }
0xea: {  	[sflag:s25] =	ssyncset.done $0x0  }
0xeb: {  	[sflag:s25] =	ssyncadd.s32 $0xFFFFE000  }
0xec: {  	[spmem:s2] =	stream.indirect.scatter.add.f32 [tilespmem:s18], [sflag:$0x6], $0x80, s0, s17, $0xb8;
	[tilespmem:$0x1F400] =	vst v63  }
0xed: {  	_ =	swait.ge [sflag:s15], $0x4000  }
0xee: {  	[sflag:s15] =	ssyncset.done $0x0  }
0xef: {  	s3 =	sadd.s32 $0x280, s0;
	[sflag:s15] =	ssyncadd.s32 $0xFFFFC000  }
0xf0: {  	[tilespmem:s18], [sflag:$0x1] =	stream.indirect.gather [hbm4b:s5+s16], $0x80, s3, s16, $0xb8;
	[tilespmem:$0x1F400] =	vst v63  }
0xf1: {  	s3 =	sadd.s32 $0x2C0, s0  }
0xf2: {  	[tilespmem:s20], [sflag:$0x2] =	stream.indirect.gather [hbm4b:s5+s16], $0x80, s3, s16, $0xb8;
	[tilespmem:$0x1F400] =	vst v63  }
0xf3: {  	_ =	swait.ge [sflag:s26], $0x2000  }
0xf4: {  	[sflag:s26] =	ssyncset.done $0x0  }
0xf5: {  	[sflag:s26] =	ssyncadd.s32 $0xFFFFE000  }
0xf6: {  	_ =	swait.ge [sflag:s28], $0x2000  }
.Ltmp6:
0xf7: {  	[sflag:s28] =	ssyncset.done $0x0;
	(pc) =	sbr.rel @!p2 .LBB2_6-.Ltmp6, $4  }
0xf8: {  	s0 =	sadd.s32 $0x100, s0;
	[sflag:s28] =	ssyncadd.s32 $0xFFFFE000  }
0xf9: {  	[spmem:s2] =	stream.indirect.scatter.add.f32 [tilespmem:s22], [sflag:$0x6], $0x80, s0, s17, $0xb8;
	[tilespmem:$0x1F400] =	vst v63  }
0xfa: {  	_ =	swait.ge [sflag:s15], $0x4000  }
0xfb: {  	s3 =	smov.u32 s31;
	s0 =	sshra.s32 s30, $0x2;
	[sflag:s15] =	ssyncset.done $0x0  }
.Ltmp7:
0xfc: {  	_ = 	snop;
	(pc) =	sbr.rel .LBB2_7-.Ltmp7, $1  }
0xfd: {  	_ =	sdelay $0x3  }
.LBB2_8:
0xfe: {  	[tilespmem:s0], [sflag:$0x6] =	stream.linear.gather [hbm4b:s8+s0], $0x1800, $0x38;
	[tilespmem:$0x1F400] =	vst v63  }
0xff: {  	_ =	swait.ge [sflag:s15], $0x1800  }
0x100: {  	[sflag:s15] =	ssyncset.done $0x0  }
0x101: {  	[sflag:s15] =	ssyncadd.s32 $0xFFFFE800  }
0x102: {  	[tilespmem:s18], [sflag:$0x1] =	stream.indirect.gather [hbm4b:s5+s16], $0x80, s17, s16, $0xb8;
	[tilespmem:$0x1F400] =	vst v63  }
0x103: {  	_ = 	snop  }
0x104: {  	[tilespmem:s20], [sflag:$0x2] =	stream.indirect.gather [hbm4b:s5+s16], $0x80, s19, s16, $0xb8;
	[tilespmem:$0x1F400] =	vst v63  }
0x105: {  	_ =	swait.ge [sflag:s21], $0x2780  }
0x106: {  	[sflag:s21] =	ssyncset.done $0x0  }
0x107: {  	[sflag:s21] =	ssyncadd.s32 $0xFFFFD880  }
0x108: {  	s30 =	simm.s32 $0x180;
	[bflag:$0x0] =	sbarrier.arrive $0xFFFF  }
0x109: {  	[tilespmem:s22], [sflag:$0x3] =	stream.indirect.gather [hbm4b:s5+s16], $0x80, s30, s16, $0xb8;
	[tilespmem:$0x1F400] =	vst v63  }
0x10a: {  	s31 =	simm.s32 $0x1C0  }
0x10b: {  	[tilespmem:s23], [sflag:$0x4] =	stream.indirect.gather [hbm4b:s5+s16], $0x80, s31, s16, $0xb8;
	[tilespmem:$0x1F400] =	vst v63  }
0x10c: {  	_ =	swait.ge [sflag:s24], $0x2000  }
0x10d: {  	[sflag:s24] =	ssyncset.done $0x0  }
0x10e: {  	[sflag:s24] =	ssyncadd.s32 $0xFFFFE000  }
0x10f: {  	_ =	swait.ge [sflag:s25], $0x2000  }
0x110: {  	[sflag:s25] =	ssyncset.done $0x0  }
0x111: {  	s3 =	simm.s32 $0x0;
	[sflag:s25] =	ssyncadd.s32 $0xFFFFE000  }
0x112: {  	[spmem:s2] =	stream.indirect.scatter.add.f32 [tilespmem:s18], [sflag:$0x6], $0x80, s3, s17, $0xb8;
	[tilespmem:$0x1F400] =	vst v63  }
0x113: {  	_ =	swait.ge [sflag:s15], $0x4000  }
0x114: {  	[sflag:s15] =	ssyncset.done $0x0  }
0x115: {  	s29 =	simm.s32 $0x280;
	[sflag:s15] =	ssyncadd.s32 $0xFFFFC000  }
0x116: {  	[tilespmem:s18], [sflag:$0x1] =	stream.indirect.gather [hbm4b:s5+s16], $0x80, s29, s16, $0xb8;
	[tilespmem:$0x1F400] =	vst v63  }
0x117: {  	s30 =	simm.s32 $0x2C0  }
0x118: {  	[tilespmem:s20], [sflag:$0x2] =	stream.indirect.gather [hbm4b:s5+s16], $0x80, s30, s16, $0xb8;
	[tilespmem:$0x1F400] =	vst v63  }
0x119: {  	_ =	swait.ge [sflag:s26], $0x2000  }
0x11a: {  	[sflag:s26] =	ssyncset.done $0x0  }
0x11b: {  	[sflag:s26] =	ssyncadd.s32 $0xFFFFE000  }
0x11c: {  	_ =	swait.ge [sflag:s28], $0x2000  }
0x11d: {  	[sflag:s28] =	ssyncset.done $0x0  }
0x11e: {  	s31 =	simm.s32 $0x100;
	[sflag:s28] =	ssyncadd.s32 $0xFFFFE000  }
0x11f: {  	[spmem:s2] =	stream.indirect.scatter.add.f32 [tilespmem:s22], [sflag:$0x6], $0x80, s31, s17, $0xb8;
	[tilespmem:$0x1F400] =	vst v63  }
0x120: {  	_ =	swait.ge [sflag:s15], $0x4000  }
0x121: {  	s0 =	simm.s32 $0x200;
	s3 =	simm.s32 $0x1000;
	[sflag:s15] =	ssyncset.done $0x0  }
.LBB2_9:
0x122: {  	s29 =	sadd.s32 $0x180, s0  }
0x123: {  	[sflag:s15] =	ssyncadd.s32 $0xFFFFC000;
	s30 =	smov.u32 s3;
	s31 =	sadd.s32 $0x800, s3  }
0x124: {  	[tilespmem:s22], [sflag:$0x3] =	stream.indirect.gather [hbm4b:s5+s16], $0x80, s29, s16, $0xb8;
	[tilespmem:$0x1F400] =	vst v63  }
0x125: {  	p1 =	sne.s32 s3, $0x5000;
	s3 =	sadd.s32 $0x1C0, s0  }
0x126: {  	[tilespmem:s23], [sflag:$0x4] =	stream.indirect.gather [hbm4b:s5+s16], $0x80, s3, s16, $0xb8;
	[tilespmem:$0x1F400] =	vst v63  }
0x127: {  	_ =	swait.ge [sflag:s24], $0x2000  }
0x128: {  	[sflag:s24] =	ssyncset.done $0x0  }
0x129: {  	[sflag:s24] =	ssyncadd.s32 $0xFFFFE000  }
0x12a: {  	_ =	swait.ge [sflag:s25], $0x2000  }
0x12b: {  	[sflag:s25] =	ssyncset.done $0x0  }
0x12c: {  	[sflag:s25] =	ssyncadd.s32 $0xFFFFE000  }
0x12d: {  	[spmem:s2] =	stream.indirect.scatter.add.f32 [tilespmem:s18], [sflag:$0x6], $0x80, s0, s17, $0xb8;
	[tilespmem:$0x1F400] =	vst v63  }
0x12e: {  	_ =	swait.ge [sflag:s15], $0x4000  }
0x12f: {  	[sflag:s15] =	ssyncset.done $0x0  }
0x130: {  	s3 =	sadd.s32 $0x280, s0;
	[sflag:s15] =	ssyncadd.s32 $0xFFFFC000  }
0x131: {  	[tilespmem:s18], [sflag:$0x1] =	stream.indirect.gather [hbm4b:s5+s16], $0x80, s3, s16, $0xb8;
	[tilespmem:$0x1F400] =	vst v63  }
0x132: {  	s3 =	sadd.s32 $0x2C0, s0  }
0x133: {  	[tilespmem:s20], [sflag:$0x2] =	stream.indirect.gather [hbm4b:s5+s16], $0x80, s3, s16, $0xb8;
	[tilespmem:$0x1F400] =	vst v63  }
0x134: {  	_ =	swait.ge [sflag:s26], $0x2000  }
0x135: {  	[sflag:s26] =	ssyncset.done $0x0  }
0x136: {  	[sflag:s26] =	ssyncadd.s32 $0xFFFFE000  }
0x137: {  	_ =	swait.ge [sflag:s28], $0x2000  }
.Ltmp8:
0x138: {  	[sflag:s28] =	ssyncset.done $0x0;
	(pc) =	sbr.rel @p1 .LBB2_9-.Ltmp8, $4  }
0x139: {  	s0 =	sadd.s32 $0x100, s0;
	[sflag:s28] =	ssyncadd.s32 $0xFFFFE000  }
0x13a: {  	[spmem:s2] =	stream.indirect.scatter.add.f32 [tilespmem:s22], [sflag:$0x6], $0x80, s0, s17, $0xb8;
	[tilespmem:$0x1F400] =	vst v63  }
0x13b: {  	_ =	swait.ge [sflag:s15], $0x4000  }
0x13c: {  	s3 =	smov.u32 s31;
	s0 =	sshra.s32 s30, $0x2;
	[sflag:s15] =	ssyncset.done $0x0  }
0x13d: {  	s3 =	sadd.s32 $0x180, s0;
	[sflag:s15] =	ssyncadd.s32 $0xFFFFC000  }
0x13e: {  	[tilespmem:s22], [sflag:$0x3] =	stream.indirect.gather [hbm4b:s5+s16], $0x80, s3, s16, $0xb8;
	[tilespmem:$0x1F400] =	vst v63  }
0x13f: {  	s29 =	sadd.s32 $0x1C0, s0  }
0x140: {  	[tilespmem:s23], [sflag:$0x4] =	stream.indirect.gather [hbm4b:s5+s16], $0x80, s29, s16, $0xb8;
	[tilespmem:$0x1F400] =	vst v63  }
0x141: {  	_ =	swait.ge [sflag:s24], $0x2000  }
0x142: {  	[sflag:s24] =	ssyncset.done $0x0  }
0x143: {  	[sflag:s24] =	ssyncadd.s32 $0xFFFFE000  }
0x144: {  	_ =	swait.ge [sflag:s25], $0x2000  }
0x145: {  	[sflag:s25] =	ssyncset.done $0x0  }
0x146: {  	[sflag:s25] =	ssyncadd.s32 $0xFFFFE000  }
0x147: {  	[spmem:s2] =	stream.indirect.scatter.add.f32 [tilespmem:s18], [sflag:$0x6], $0x80, s0, s17, $0xb8;
	[tilespmem:$0x1F400] =	vst v63  }
0x148: {  	_ =	swait.ge [sflag:s15], $0x4000  }
0x149: {  	[sflag:s15] =	ssyncset.done $0x0  }
0x14a: {  	s30 =	sadd.s32 $0x280, s0;
	[sflag:s15] =	ssyncadd.s32 $0xFFFFC000  }
0x14b: {  	[tilespmem:s18], [sflag:$0x1] =	stream.indirect.gather [hbm4b:s5+s16], $0x80, s30, s16, $0xb8;
	[tilespmem:$0x1F400] =	vst v63  }
0x14c: {  	s31 =	sadd.s32 $0x2C0, s0  }
0x14d: {  	[tilespmem:s20], [sflag:$0x2] =	stream.indirect.gather [hbm4b:s5+s16], $0x80, s31, s16, $0xb8;
	[tilespmem:$0x1F400] =	vst v63  }
0x14e: {  	_ =	swait.ge [sflag:s26], $0x2000  }
0x14f: {  	[sflag:s26] =	ssyncset.done $0x0  }
0x150: {  	[sflag:s26] =	ssyncadd.s32 $0xFFFFE000  }
0x151: {  	_ =	swait.ge [sflag:s28], $0x2000  }
0x152: {  	[sflag:s28] =	ssyncset.done $0x0  }
0x153: {  	s3 =	sadd.s32 $0x100, s0;
	[sflag:s28] =	ssyncadd.s32 $0xFFFFE000  }
0x154: {  	[spmem:s2] =	stream.indirect.scatter.add.f32 [tilespmem:s22], [sflag:$0x6], $0x80, s3, s17, $0xb8;
	[tilespmem:$0x1F400] =	vst v63  }
0x155: {  	_ =	swait.ge [sflag:s15], $0x4000  }
0x156: {  	[sflag:s15] =	ssyncset.done $0x0  }
0x157: {  	s29 =	simm.s32 $0x1780;
	[sflag:s15] =	ssyncadd.s32 $0xFFFFC000  }
0x158: {  	[tilespmem:s22], [sflag:$0x3] =	stream.indirect.gather [hbm4b:s5+s16], $0x80, s29, s16, $0xb8;
	[tilespmem:$0x1F400] =	vst v63  }
0x159: {  	s30 =	simm.s32 $0x17C0  }
0x15a: {  	[tilespmem:s23], [sflag:$0x4] =	stream.indirect.gather [hbm4b:s5+s16], $0x80, s30, s16, $0xb8;
	[tilespmem:$0x1F400] =	vst v63  }
0x15b: {  	_ =	swait.ge [sflag:s24], $0x2000  }
0x15c: {  	[sflag:s24] =	ssyncset.done $0x0  }
0x15d: {  	[sflag:s24] =	ssyncadd.s32 $0xFFFFE000  }
0x15e: {  	_ =	swait.ge [sflag:s25], $0x2000  }
0x15f: {  	[sflag:s25] =	ssyncset.done $0x0  }
0x160: {  	s31 =	simm.s32 $0x1600;
	[sflag:s25] =	ssyncadd.s32 $0xFFFFE000  }
0x161: {  	[spmem:s2] =	stream.indirect.scatter.add.f32 [tilespmem:s18], [sflag:$0x6], $0x80, s31, s17, $0xb8;
	[tilespmem:$0x1F400] =	vst v63  }
0x162: {  	_ =	swait.ge [sflag:s15], $0x4000  }
0x163: {  	[sflag:s15] =	ssyncset.done $0x0  }
0x164: {  	[sflag:s15] =	ssyncadd.s32 $0xFFFFC000  }
0x165: {  	_ =	swait.ge [sflag:s26], $0x2000  }
0x166: {  	[sflag:s26] =	ssyncset.done $0x0  }
0x167: {  	[sflag:s26] =	ssyncadd.s32 $0xFFFFE000  }
0x168: {  	_ =	swait.ge [sflag:s28], $0x2000  }
0x169: {  	[sflag:s28] =	ssyncset.done $0x0  }
0x16a: {  	s3 =	simm.s32 $0x1700;
	[sflag:s28] =	ssyncadd.s32 $0xFFFFE000  }
0x16b: {  	[spmem:s2] =	stream.indirect.scatter.add.f32 [tilespmem:s22], [sflag:$0x6], $0x80, s3, s17, $0xb8;
	[tilespmem:$0x1F400] =	vst v63  }
0x16c: {  	_ =	swait.ge [sflag:s15], $0x4000  }
0x16d: {  	[sflag:s15] =	ssyncset.done $0x0  }
0x16e: {  	s29 =	simm.s32 $0x0;
	[sflag:s15] =	ssyncadd.s32 $0xFFFFC000  }
0x16f: {  	[tilespmem:s29], [sflag:$0x6] =	stream.linear.gather [hbm4b:s9+s29], $0x1800, $0x38;
	[tilespmem:$0x1F400] =	vst v63  }
0x170: {  	_ =	swait.ge [sflag:s15], $0x1800  }
0x171: {  	[sflag:s15] =	ssyncset.done $0x0  }
0x172: {  	[sflag:s15] =	ssyncadd.s32 $0xFFFFE800  }
0x173: {  	[tilespmem:s18], [sflag:$0x1] =	stream.indirect.gather [hbm4b:s5+s16], $0x80, s17, s16, $0xb8;
	[tilespmem:$0x1F400] =	vst v63  }
0x174: {  	_ = 	snop  }
0x175: {  	[tilespmem:s20], [sflag:$0x2] =	stream.indirect.gather [hbm4b:s5+s16], $0x80, s19, s16, $0xb8;
	[tilespmem:$0x1F400] =	vst v63  }
0x176: {  	s30 =	simm.s32 $0x180  }
0x177: {  	[tilespmem:s22], [sflag:$0x3] =	stream.indirect.gather [hbm4b:s5+s16], $0x80, s30, s16, $0xb8;
	[tilespmem:$0x1F400] =	vst v63  }
0x178: {  	s31 =	simm.s32 $0x1C0  }
0x179: {  	[tilespmem:s23], [sflag:$0x4] =	stream.indirect.gather [hbm4b:s5+s16], $0x80, s31, s16, $0xb8;
	[tilespmem:$0x1F400] =	vst v63  }
0x17a: {  	_ =	swait.ge [sflag:s24], $0x2000  }
0x17b: {  	[sflag:s24] =	ssyncset.done $0x0  }
0x17c: {  	[sflag:s24] =	ssyncadd.s32 $0xFFFFE000  }
0x17d: {  	_ =	swait.ge [sflag:s25], $0x2000  }
0x17e: {  	[sflag:s25] =	ssyncset.done $0x0  }
0x17f: {  	s3 =	simm.s32 $0x0;
	[sflag:s25] =	ssyncadd.s32 $0xFFFFE000  }
0x180: {  	[spmem:s2] =	stream.indirect.scatter.add.f32 [tilespmem:s18], [sflag:$0x6], $0x80, s3, s17, $0xb8;
	[tilespmem:$0x1F400] =	vst v63  }
0x181: {  	_ =	swait.ge [sflag:s15], $0x4000  }
0x182: {  	[sflag:s15] =	ssyncset.done $0x0  }
0x183: {  	s29 =	simm.s32 $0x280;
	[sflag:s15] =	ssyncadd.s32 $0xFFFFC000  }
0x184: {  	[tilespmem:s18], [sflag:$0x1] =	stream.indirect.gather [hbm4b:s5+s16], $0x80, s29, s16, $0xb8;
	[tilespmem:$0x1F400] =	vst v63  }
0x185: {  	s30 =	simm.s32 $0x2C0  }
0x186: {  	[tilespmem:s20], [sflag:$0x2] =	stream.indirect.gather [hbm4b:s5+s16], $0x80, s30, s16, $0xb8;
	[tilespmem:$0x1F400] =	vst v63  }
0x187: {  	_ =	swait.ge [sflag:s26], $0x2000  }
0x188: {  	[sflag:s26] =	ssyncset.done $0x0  }
0x189: {  	[sflag:s26] =	ssyncadd.s32 $0xFFFFE000  }
0x18a: {  	_ =	swait.ge [sflag:s28], $0x2000  }
0x18b: {  	[sflag:s28] =	ssyncset.done $0x0  }
0x18c: {  	s31 =	simm.s32 $0x100;
	[sflag:s28] =	ssyncadd.s32 $0xFFFFE000  }
0x18d: {  	[spmem:s2] =	stream.indirect.scatter.add.f32 [tilespmem:s22], [sflag:$0x6], $0x80, s31, s17, $0xb8;
	[tilespmem:$0x1F400] =	vst v63  }
0x18e: {  	_ =	swait.ge [sflag:s15], $0x4000  }
0x18f: {  	s0 =	simm.s32 $0x200;
	s3 =	simm.s32 $0x1000;
	[sflag:s15] =	ssyncset.done $0x0  }
.LBB2_11:
0x190: {  	s29 =	sadd.s32 $0x180, s0  }
0x191: {  	[sflag:s15] =	ssyncadd.s32 $0xFFFFC000;
	s30 =	smov.u32 s3;
	s31 =	sadd.s32 $0x800, s3  }
0x192: {  	[tilespmem:s22], [sflag:$0x3] =	stream.indirect.gather [hbm4b:s5+s16], $0x80, s29, s16, $0xb8;
	[tilespmem:$0x1F400] =	vst v63  }
0x193: {  	p1 =	sne.s32 s3, $0x5000;
	s3 =	sadd.s32 $0x1C0, s0  }
0x194: {  	[tilespmem:s23], [sflag:$0x4] =	stream.indirect.gather [hbm4b:s5+s16], $0x80, s3, s16, $0xb8;
	[tilespmem:$0x1F400] =	vst v63  }
0x195: {  	_ =	swait.ge [sflag:s24], $0x2000  }
0x196: {  	[sflag:s24] =	ssyncset.done $0x0  }
0x197: {  	[sflag:s24] =	ssyncadd.s32 $0xFFFFE000  }
0x198: {  	_ =	swait.ge [sflag:s25], $0x2000  }
0x199: {  	[sflag:s25] =	ssyncset.done $0x0  }
0x19a: {  	[sflag:s25] =	ssyncadd.s32 $0xFFFFE000  }
0x19b: {  	[spmem:s2] =	stream.indirect.scatter.add.f32 [tilespmem:s18], [sflag:$0x6], $0x80, s0, s17, $0xb8;
	[tilespmem:$0x1F400] =	vst v63  }
0x19c: {  	_ =	swait.ge [sflag:s15], $0x4000  }
0x19d: {  	[sflag:s15] =	ssyncset.done $0x0  }
0x19e: {  	s3 =	sadd.s32 $0x280, s0;
	[sflag:s15] =	ssyncadd.s32 $0xFFFFC000  }
0x19f: {  	[tilespmem:s18], [sflag:$0x1] =	stream.indirect.gather [hbm4b:s5+s16], $0x80, s3, s16, $0xb8;
	[tilespmem:$0x1F400] =	vst v63  }
0x1a0: {  	s3 =	sadd.s32 $0x2C0, s0  }
0x1a1: {  	[tilespmem:s20], [sflag:$0x2] =	stream.indirect.gather [hbm4b:s5+s16], $0x80, s3, s16, $0xb8;
	[tilespmem:$0x1F400] =	vst v63  }
0x1a2: {  	_ =	swait.ge [sflag:s26], $0x2000  }
0x1a3: {  	[sflag:s26] =	ssyncset.done $0x0  }
0x1a4: {  	[sflag:s26] =	ssyncadd.s32 $0xFFFFE000  }
0x1a5: {  	_ =	swait.ge [sflag:s28], $0x2000  }
.Ltmp9:
0x1a6: {  	[sflag:s28] =	ssyncset.done $0x0;
	(pc) =	sbr.rel @p1 .LBB2_11-.Ltmp9, $4  }
0x1a7: {  	s0 =	sadd.s32 $0x100, s0;
	[sflag:s28] =	ssyncadd.s32 $0xFFFFE000  }
0x1a8: {  	[spmem:s2] =	stream.indirect.scatter.add.f32 [tilespmem:s22], [sflag:$0x6], $0x80, s0, s17, $0xb8;
	[tilespmem:$0x1F400] =	vst v63  }
0x1a9: {  	_ =	swait.ge [sflag:s15], $0x4000  }
0x1aa: {  	s3 =	smov.u32 s31;
	s0 =	sshra.s32 s30, $0x2;
	[sflag:s15] =	ssyncset.done $0x0  }
0x1ab: {  	s3 =	sadd.s32 $0x180, s0;
	[sflag:s15] =	ssyncadd.s32 $0xFFFFC000  }
0x1ac: {  	[tilespmem:s22], [sflag:$0x3] =	stream.indirect.gather [hbm4b:s5+s16], $0x80, s3, s16, $0xb8;
	[tilespmem:$0x1F400] =	vst v63  }
0x1ad: {  	s31 =	sadd.s32 $0x1C0, s0  }
0x1ae: {  	[tilespmem:s23], [sflag:$0x4] =	stream.indirect.gather [hbm4b:s5+s16], $0x80, s31, s16, $0xb8;
	[tilespmem:$0x1F400] =	vst v63  }
0x1af: {  	_ =	swait.ge [sflag:s24], $0x2000  }
0x1b0: {  	[sflag:s24] =	ssyncset.done $0x0  }
0x1b1: {  	[sflag:s24] =	ssyncadd.s32 $0xFFFFE000  }
0x1b2: {  	_ =	swait.ge [sflag:s25], $0x2000  }
0x1b3: {  	[sflag:s25] =	ssyncset.done $0x0  }
0x1b4: {  	[sflag:s25] =	ssyncadd.s32 $0xFFFFE000  }
0x1b5: {  	[spmem:s2] =	stream.indirect.scatter.add.f32 [tilespmem:s18], [sflag:$0x6], $0x80, s0, s17, $0xb8;
	[tilespmem:$0x1F400] =	vst v63  }
0x1b6: {  	_ =	swait.ge [sflag:s15], $0x4000  }
0x1b7: {  	[sflag:s15] =	ssyncset.done $0x0  }
0x1b8: {  	s31 =	sadd.s32 $0x280, s0;
	[sflag:s15] =	ssyncadd.s32 $0xFFFFC000  }
0x1b9: {  	[tilespmem:s18], [sflag:$0x1] =	stream.indirect.gather [hbm4b:s5+s16], $0x80, s31, s16, $0xb8;
	[tilespmem:$0x1F400] =	vst v63  }
0x1ba: {  	s31 =	sadd.s32 $0x2C0, s0  }
0x1bb: {  	[tilespmem:s20], [sflag:$0x2] =	stream.indirect.gather [hbm4b:s5+s16], $0x80, s31, s16, $0xb8;
	[tilespmem:$0x1F400] =	vst v63  }
0x1bc: {  	_ =	swait.ge [sflag:s26], $0x2000  }
0x1bd: {  	[sflag:s26] =	ssyncset.done $0x0  }
0x1be: {  	[sflag:s26] =	ssyncadd.s32 $0xFFFFE000  }
0x1bf: {  	_ =	swait.ge [sflag:s28], $0x2000  }
0x1c0: {  	[sflag:s28] =	ssyncset.done $0x0  }
.Ltmp10:
0x1c1: {  	s31 =	sadd.s32 $0x100, s0;
	[sflag:s28] =	ssyncadd.s32 $0xFFFFE000;
	(pc) =	sbr.rel .LBB2_13-.Ltmp10, $4  }
0x1c2: {  	[spmem:s2] =	stream.indirect.scatter.add.f32 [tilespmem:s22], [sflag:$0x6], $0x80, s31, s17, $0xb8;
	[tilespmem:$0x1F400] =	vst v63  }
0x1c3: {  	_ =	swait.ge [sflag:s15], $0x4000  }
0x1c4: {  	s29 =	simm.s32 $0x17C0;
	s30 =	simm.s32 $0x1780;
	[sflag:s15] =	ssyncset.done $0x0  }
0x1c5: {  	s3 =	simm.s32 $0x1600;
	s0 =	simm.s32 $0x1700;
	[sflag:s15] =	ssyncadd.s32 $0xFFFFC000  }
.LBB2_14:
0x1c6: {  	_ =	sfence.sel $0x180000  }
0x1c7: {  	[bflag:$0x0] =	sbarrier.arrive $0xFFFF  }
0x1c8: {  	_ =	strace $0x90000050  }
0x1c9: {  	s0 =	stileid.u32;
	[bflag:$0x2] =	sbarrier.arrive $0xFFFF  }
0x1ca: {  	p0 =	sne.s32 s0, $0x0;
	s0 =	rddreg [dreg:$0x3]  }
0x1cb: {  	s0 =	sadd.s32 @!p0 $0x100000, s0  }
0x1cc: {  	[sflag:s0] =	ssyncadd.tile.s32 @!p0 $0x1;
	_ =	shalt  }
.Lfunc_end2:
_tile_overlayer_lowered:
.L_overlay_start_2:
0x1cd: {  	(tag) =	ssettag $0x2  }
0x1ce: {  	s0 =	rddreg [dreg:$0x0];
	s2 =	stileid.u32  }
0x1cf: {  	s1 =	rddreg [dreg:$0x1];
	p0 =	sne.s32 s2, $0x0  }
0x1d0: {  	s3 =	rddreg [dreg:$0x2];
	[bflag:$0x3] =	sbarrier.arrive $0xFFFF;
	s2 =	simm.s32 @!p0 $0x1C06  }
0x1d1: {  	[timem:s3], [sflag:s2] =	dma.local @!p0 [hbm:s0], s1  }
0x1d2: {  	s0 =	simm.s32 @!p0 $0x6  }
0x1d3: {  	_ =	swait.ge @!p0 [sflag:s0], s1  }
0x1d4: {  	s1 =	ssub.s32 @!p0 $0x0, s1;
	[sflag:s0] =	ssyncset.done @!p0 $0x0  }
0x1d5: {  	[sflag:s0] =	ssyncadd.s32 @!p0 s1  }
0x1d6: {  	[bflag:$0x3] =	sbarrier.arrive $0xFFFF  }
0x1d7: {  	_ =	shalt  }

</sc_bundles>
